<compile_context>
chip_gen: v7x
topology: tpu7x:2x2x1
jax: 0.10.2.dev20260603
libtpu: 0.0.44.dev20260713+nightly
codegen_flags: <defaults>
</compile_context>

<pallas_src>
import functools

import jax
import jax.numpy as jnp
from jax import lax
from jax.experimental import pallas as pl
from jax.experimental.pallas import tpu as pltpu
from jax.experimental.pallas import tpu_sc as plsc

N = 10000
NP = 10240
E = 320000
B = 16
IN_C = 128
HID = 256
HH = 128
OUT_C = 128
EPS = 1e-5
NEG = -3.0e38

TILE = 1024
GRID = NP // TILE

EK = 128
NPASS = 4
ECH = 40
ECHB = 42
EPT = E // 16
EPP = EPT // NPASS
DCH = 80
DPT = E // 32
DUMMY = N
RPT = NP // 16

_sc_mesh = plsc.VectorSubcoreMesh(core_axis_name="c", subcore_axis_name="s",
                                  num_cores=2, num_subcores=16)



@functools.partial(
    pl.kernel,
    mesh=_sc_mesh,
    out_type=jax.ShapeDtypeStruct((32, RPT, HH), jnp.float32),
    scratch_types=[
        pltpu.VMEM((DCH, EK), jnp.int32),
        pltpu.VMEM((EK, HH), jnp.float32),
        pltpu.VMEM_SHARED((NP, HH), jnp.float32),
    ],
)
def _deg_sc(dstw, ones_h, zeros_h, out, dst_v, ones_v, acc):
    c = lax.axis_index("c")
    s = lax.axis_index("s")
    w = c * 16 + s
    pltpu.sync_copy(dstw.at[w], dst_v)
    pltpu.sync_copy(ones_h, ones_v)
    pltpu.sync_copy(zeros_h, acc.at[pl.ds(s * RPT, RPT)])
    plsc.subcore_barrier()

    def body(ch, carry):
        pltpu.sync_copy(ones_v, acc.at[dst_v.at[ch]], add=True)
        return carry

    lax.fori_loop(0, DCH, body, 0)
    plsc.subcore_barrier()
    pltpu.sync_copy(acc.at[pl.ds(s * RPT, RPT)], out.at[w])


@functools.partial(
    pl.kernel,
    mesh=_sc_mesh,
    out_type=jax.ShapeDtypeStruct((32, RPT, HH), jnp.float32),
    scratch_types=[
        pltpu.VMEM((ECHB, EK), jnp.int32),
        pltpu.VMEM((ECHB, EK), jnp.int32),
        pltpu.VMEM((2, EK, HH), jnp.float32),
        pltpu.VMEM_SHARED((NP, HH), jnp.float32),
        pltpu.SemaphoreType.DMA,
        pltpu.SemaphoreType.DMA,
    ],
)
def _scatter_sc(mt2, srcw, dstw, zeros_h, out, src_v, dst_v, rows_v, acc,
                sem0, sem1):
    c = lax.axis_index("c")
    s = lax.axis_index("s")
    w = c * 16 + s
    pltpu.sync_copy(zeros_h, acc.at[pl.ds(s * RPT, RPT)])
    plsc.subcore_barrier()
    sems = (sem0, sem1)

    for p in range(NPASS):
        pltpu.sync_copy(srcw.at[w * NPASS + p], src_v)
        pltpu.sync_copy(dstw.at[s * NPASS + p], dst_v)
        for b in range(2):
            pltpu.async_copy(mt2.at[src_v.at[b]], rows_v.at[b], sems[b])

        def body(i, carry):
            for b in range(2):
                ch = i * 2 + b
                pltpu.make_async_copy(mt2.at[src_v.at[ch]], rows_v.at[b],
                                      sems[b]).wait()
                pltpu.sync_copy(rows_v.at[b], acc.at[dst_v.at[ch]], add=True)
                pltpu.async_copy(mt2.at[src_v.at[ch + 2]], rows_v.at[b],
                                 sems[b])
            return carry

        lax.fori_loop(0, ECH // 2, body, 0)
        for b in range(2):
            pltpu.make_async_copy(mt2.at[src_v.at[ECH + b]], rows_v.at[b],
                                  sems[b]).wait()
    plsc.subcore_barrier()
    pltpu.sync_copy(acc.at[pl.ds(s * RPT, RPT)], out.at[w])



def _onehot(bvec):
    ids = lax.broadcasted_iota(jnp.int32, (bvec.shape[0], B), 1)
    return (bvec[:, None] == ids).astype(jnp.float32)


def _dot(a, b):
    return lax.dot_general(a, b, (((1,), (0,)), ((), ())),
                           preferred_element_type=jnp.float32)


def _dot_t(a, b):
    return lax.dot_general(a, b, (((1,), (1,)), ((), ())),
                           preferred_element_type=jnp.float32)


def _dot_cn(a, b):
    return lax.dot_general(a, b, (((0,), (0,)), ((), ())),
                           preferred_element_type=jnp.float32)


def _pre_body(x_ref, win_ref, bin_ref, wc0_ref, da_ref, db_ref, bat_ref,
              h0_ref, dinv_ref, mt_ref, cnt_ref):
    i = pl.program_id(0)
    cnt = da_ref[:, :1] + db_ref[:, :1]
    dinv = lax.rsqrt(cnt + 1.0)
    h = jnp.maximum(_dot_t(x_ref[...], win_ref[...]) + bin_ref[...], 0.0)
    h0_ref[...] = h
    dinv_ref[...] = jnp.broadcast_to(dinv, (TILE, 16))
    mt = _dot_t(h, wc0_ref[...]) * dinv
    mt_ref[...] = jnp.stack([mt[:, :HH], mt[:, HH:]], axis=0)
    oh = _onehot(bat_ref[0, 0, :])
    csum = jnp.sum(oh, axis=0)

    @pl.when(i == 0)
    def _():
        cnt_ref[...] = jnp.zeros_like(cnt_ref)

    cnt_ref[...] += jnp.broadcast_to(csum[:, None], (B, HH))


def _agg_body(s2_ref, mt2_ref, dinv_ref, bc_ref, bat_ref, agg_ref, gsum_ref):
    i = pl.program_id(0)
    S = jnp.concatenate([s2_ref[0] + mt2_ref[0], s2_ref[1] + mt2_ref[1]],
                        axis=1)
    agg = dinv_ref[:, :1] * S + bc_ref[...]
    agg_ref[...] = agg
    oh = _onehot(bat_ref[0, 0, :])

    @pl.when(i == 0)
    def _():
        gsum_ref[...] = jnp.zeros_like(gsum_ref)

    gsum_ref[...] += _dot_cn(oh, agg)


def _sub_body(agg_ref, gsum_ref, cnt_ref, ga_ref, bat_ref, sub_ref, vsum_ref):
    i = pl.program_id(0)
    cnt = jnp.maximum(cnt_ref[:, :1], 1.0)
    mean = gsum_ref[...] / cnt
    oh = _onehot(bat_ref[0, 0, :])
    sub = agg_ref[...] - ga_ref[...] * _dot(oh, mean)
    sub_ref[...] = sub

    @pl.when(i == 0)
    def _():
        vsum_ref[...] = jnp.zeros_like(vsum_ref)

    vsum_ref[...] += _dot_cn(oh, sub * sub)


def _next_body(sub_ref, vsum_ref, cnt_ref, gw_ref, gb_ref, hres_ref, dinv_ref,
               wc_ref, bat_ref, h_ref, mt_ref):
    cnt = jnp.maximum(cnt_ref[:, :1], 1.0)
    rstd = lax.rsqrt(vsum_ref[...] / cnt + EPS)
    oh = _onehot(bat_ref[0, 0, :])
    hn = gw_ref[...] * sub_ref[...] * _dot(oh, rstd) + gb_ref[...]
    h = jnp.maximum(hn, 0.0) + hres_ref[...]
    h_ref[...] = h
    mt = _dot_t(h, wc_ref[...]) * dinv_ref[:, :1]
    mt_ref[...] = jnp.stack([mt[:, :HH], mt[:, HH:]], axis=0)


def _pool_body(sub_ref, vsum_ref, cnt_ref, gw_ref, gb_ref, hres_ref, bat_ref,
               zsum_ref, zmax_ref):
    i = pl.program_id(0)
    cnt = jnp.maximum(cnt_ref[:, :1], 1.0)
    rstd = lax.rsqrt(vsum_ref[...] / cnt + EPS)
    oh = _onehot(bat_ref[0, 0, :])
    hn = gw_ref[...] * sub_ref[...] * _dot(oh, rstd) + gb_ref[...]
    h = jnp.maximum(hn, 0.0) + hres_ref[...]

    @pl.when(i == 0)
    def _():
        zsum_ref[...] = jnp.zeros_like(zsum_ref)
        zmax_ref[...] = jnp.full_like(zmax_ref, NEG)

    zsum_ref[...] += _dot_cn(oh, h)
    rows = []
    for g in range(B):
        mask = oh[:, g:g + 1] > 0.5
        rows.append(jnp.max(jnp.where(mask, h, NEG), axis=0, keepdims=True))
    zmax_ref[...] = jnp.maximum(zmax_ref[...], jnp.concatenate(rows, axis=0))


def _out_body(zsum_ref, zmax_ref, cnt_ref, wout_ref, bout_ref, out_ref):
    cnt = jnp.maximum(cnt_ref[:, :1], 1.0)
    zmean = zsum_ref[...] / cnt
    zmx = zmax_ref[...]
    zmx = jnp.where(zmx <= -1e38, 0.0, zmx)
    z = jnp.concatenate([zmean, zmx], axis=1)
    out_ref[...] = _dot_t(z, wout_ref[...]) + bout_ref[...]


def _full(shape):
    nd = len(shape)
    return pl.BlockSpec(shape, lambda i: (0,) * nd)


_row = pl.BlockSpec((TILE, HID), lambda i: (i, 0))
_rowh = pl.BlockSpec((TILE, 16), lambda i: (i, 0))
_rowx = pl.BlockSpec((TILE, IN_C), lambda i: (i, 0))
_half2 = pl.BlockSpec((2, TILE, HH), lambda i: (0, i, 0))
_bat = pl.BlockSpec((1, 1, TILE), lambda i: (i, 0, 0))
_acc16 = pl.BlockSpec((B, HID), lambda i: (0, 0))
_cnt16 = pl.BlockSpec((B, HH), lambda i: (0, 0))

_f32 = jnp.float32

_pre = pl.pallas_call(
    _pre_body, grid=(GRID,),
    in_specs=[_rowx, _full((HID, IN_C)), _full((1, HID)), _full((HID, HID)),
              _rowx, _rowx, _bat],
    out_specs=[_row, _rowh, _half2, _cnt16],
    out_shape=[jax.ShapeDtypeStruct((NP, HID), _f32),
               jax.ShapeDtypeStruct((NP, 16), _f32),
               jax.ShapeDtypeStruct((2, NP, HH), _f32),
               jax.ShapeDtypeStruct((B, HH), _f32)],
)

_agg = pl.pallas_call(
    _agg_body, grid=(GRID,),
    in_specs=[_half2, _half2, _rowh, _full((1, HID)), _bat],
    out_specs=[_row, _acc16],
    out_shape=[jax.ShapeDtypeStruct((NP, HID), _f32),
               jax.ShapeDtypeStruct((B, HID), _f32)],
)

_sub = pl.pallas_call(
    _sub_body, grid=(GRID,),
    in_specs=[_row, _acc16, _cnt16, _full((1, HID)), _bat],
    out_specs=[_row, _acc16],
    out_shape=[jax.ShapeDtypeStruct((NP, HID), _f32),
               jax.ShapeDtypeStruct((B, HID), _f32)],
)

_next = pl.pallas_call(
    _next_body, grid=(GRID,),
    in_specs=[_row, _acc16, _cnt16, _full((1, HID)), _full((1, HID)), _row,
              _rowh, _full((HID, HID)), _bat],
    out_specs=[_row, _half2],
    out_shape=[jax.ShapeDtypeStruct((NP, HID), _f32),
               jax.ShapeDtypeStruct((2, NP, HH), _f32)],
)

_pool = pl.pallas_call(
    _pool_body, grid=(GRID,),
    in_specs=[_row, _acc16, _cnt16, _full((1, HID)), _full((1, HID)), _row,
              _bat],
    out_specs=[_acc16, _acc16],
    out_shape=[jax.ShapeDtypeStruct((B, HID), _f32),
               jax.ShapeDtypeStruct((B, HID), _f32)],
)

_outk = pl.pallas_call(
    _out_body, grid=(1,),
    in_specs=[_acc16, _acc16, _cnt16, _full((OUT_C, 2 * HID)),
              _full((1, OUT_C))],
    out_specs=_full((B, OUT_C)),
    out_shape=jax.ShapeDtypeStruct((B, OUT_C), _f32),
)



def kernel(x, edge_index, batch, W_in, b_in, W_conv, b_conv, gn_w, gn_b, gn_a,
           W_out, b_out):
    src = edge_index[0].astype(jnp.int32)
    dst = edge_index[1].astype(jnp.int32)
    batch = batch.astype(jnp.int32)

    dd = jnp.concatenate(
        [dst.reshape(32, DPT), jnp.full((32, DCH * EK - DPT), DUMMY,
                                        jnp.int32)], axis=1).reshape(32, DCH, EK)
    ones_h = jnp.ones((EK, HH), _f32)
    zeros128 = jnp.zeros((RPT, HH), _f32)
    deg2 = _deg_sc(dd, ones_h, zeros128).reshape(2, NP, HH)

    x_pad = jnp.concatenate([x, jnp.zeros((NP - N, IN_C), _f32)], axis=0)
    batp = jnp.concatenate([batch, jnp.full((NP - N,), B, jnp.int32)])
    bat3 = batp.reshape(GRID, 1, TILE)
    h0, dinv2d, mt0, counts2d = _pre(x_pad, W_in, b_in.reshape(1, HID),
                                     W_conv[0], deg2[0], deg2[1], bat3)

    padw = ECHB * EK - EPP
    s16 = jnp.concatenate(
        [src.reshape(16, NPASS, EPP),
         jnp.zeros((16, NPASS, padw), jnp.int32)], axis=2).reshape(
             16 * NPASS, ECHB, EK)
    d16 = jnp.concatenate(
        [dst.reshape(16, NPASS, EPP),
         jnp.full((16, NPASS, padw), DUMMY, jnp.int32)], axis=2).reshape(
             16 * NPASS, ECHB, EK)
    srcw = jnp.concatenate([s16, s16 + NP], axis=0)
    dstw = d16

    def edge_pass(mt):
        return _scatter_sc(mt.reshape(2 * NP, HH), srcw, dstw,
                           zeros128).reshape(2, NP, HH)

    s0 = edge_pass(mt0)
    agg0, gsum0 = _agg(s0, mt0, dinv2d, b_conv[0].reshape(1, HID), bat3)
    sub0, vsum0 = _sub(agg0, gsum0, counts2d, gn_a[0].reshape(1, HID), bat3)
    h1, mt1 = _next(sub0, vsum0, counts2d, gn_w[0].reshape(1, HID),
                    gn_b[0].reshape(1, HID), h0, dinv2d, W_conv[1], bat3)

    s1 = edge_pass(mt1)
    agg1, gsum1 = _agg(s1, mt1, dinv2d, b_conv[1].reshape(1, HID), bat3)
    sub1, vsum1 = _sub(agg1, gsum1, counts2d, gn_a[1].reshape(1, HID), bat3)
    zsum, zmax = _pool(sub1, vsum1, counts2d, gn_w[1].reshape(1, HID),
                       gn_b[1].reshape(1, HID), h1, bat3)

    return _outk(zsum, zmax, counts2d, W_out, b_out.reshape(1, OUT_C))

# --- scband reference (transcript-rebuilt; emitter-appended) ---
"""Pipeline reference for scband-per-frame-gnn-30013231465085 (READ-ONLY COPY).

The authoritative reference and input builder live on the scoring server;
editing this copy changes nothing except your own understanding.
"""

import jax, jax.numpy as jnp
import numpy as np

N = 10000
E = 320000
IN_C = 128
HID = 256
OUT_C = 128
L = 2
B = 16
EPS = 1e-5


def setup_inputs(seed: int = 0) -> dict:
    key = jax.random.key(seed)
    ks = jax.random.split(key, 8)
    x = jax.random.normal(ks[0], (N, IN_C), dtype=jnp.float32)
    edge_index = jax.random.randint(ks[1], (2, E), 0, N)
    batch = jnp.sort(jax.random.randint(ks[2], (N,), 0, B))
    W_in = jax.random.normal(ks[3], (HID, IN_C), dtype=jnp.float32) * (1.0 / np.sqrt(IN_C))
    b_in = jnp.zeros((HID,), dtype=jnp.float32)
    W_conv = jax.random.normal(ks[4], (L, HID, HID), dtype=jnp.float32) * (1.0 / np.sqrt(HID))
    b_conv = jnp.zeros((L, HID), dtype=jnp.float32)
    gn_w = jnp.ones((L, HID), dtype=jnp.float32)
    gn_b = jnp.zeros((L, HID), dtype=jnp.float32)
    gn_a = jnp.ones((L, HID), dtype=jnp.float32)
    W_out = jax.random.normal(ks[5], (OUT_C, 2 * HID), dtype=jnp.float32) * (1.0 / np.sqrt(2 * HID))
    b_out = jnp.zeros((OUT_C,), dtype=jnp.float32)
    return {"x": x, "edge_index": edge_index, "batch": batch,
            "W_in": W_in, "b_in": b_in, "W_conv": W_conv, "b_conv": b_conv,
            "gn_w": gn_w, "gn_b": gn_b, "gn_a": gn_a, "W_out": W_out, "b_out": b_out}


def reference(x, edge_index, batch, W_in, b_in, W_conv, b_conv, gn_w, gn_b, gn_a, W_out, b_out):
    # --- GCN normalization with self-loops (PyG GCNConv semantics) ---
    loop = jnp.arange(N)
    src = jnp.concatenate([edge_index[0], loop])
    dst = jnp.concatenate([edge_index[1], loop])
    deg = jax.ops.segment_sum(jnp.ones_like(src, dtype=x.dtype), dst, num_segments=N)
    dinv = jnp.where(deg > 0, 1.0 / jnp.sqrt(deg), 0.0)
    norm = dinv[src] * dinv[dst]

    counts = jax.ops.segment_sum(jnp.ones((N,), dtype=x.dtype), batch, num_segments=B)
    counts = jnp.maximum(counts, 1.0)

    h = jax.nn.relu(x @ W_in.T + b_in)
    for l in range(L):
        h_res = h
        # GCNConv: linear transform then normalized scatter-add aggregation
        m = h @ W_conv[l].T
        agg = jax.ops.segment_sum(m[src] * norm[:, None], dst, num_segments=N) + b_conv[l]
        # GraphNorm: per-graph mean/var with learnable mean-scale alpha
        mean = jax.ops.segment_sum(agg, batch, num_segments=B) / counts[:, None]
        sub = agg - gn_a[l] * mean[batch]
        var = jax.ops.segment_sum(sub * sub, batch, num_segments=B) / counts[:, None]
        hn = gn_w[l] * sub / jnp.sqrt(var[batch] + EPS) + gn_b[l]
        h = jax.nn.relu(hn)
        # dropout is identity in eval mode
        h = h + h_res

    z_mean = jax.ops.segment_sum(h, batch, num_segments=B) / counts[:, None]
    z_max = jax.ops.segment_max(h, batch, num_segments=B)
    z_max = jnp.where(jnp.isneginf(z_max), 0.0, z_max)
    z = jnp.concatenate([z_mean, z_max], axis=1)
    return z @ W_out.T + b_out

if __name__ == "__main__":
    import jax
    _d = setup_inputs()
    print(jax.jit(kernel)(*tuple(_d.values())))

</pallas_src>

<mosaic_0001>
#map = affine_map<(d0, d1) -> (0, 0, 0)>
#map1 = affine_map<(d0, d1) -> (0, 0)>
module attributes {stable_mosaic.version = 14 : i64} {
  func.func @_deg_sc(%arg0: i32, %arg1: i32, %arg2: memref<32x80x128xi32, #tpu.memory_space<hbm>>, %arg3: memref<128x128xf32, #tpu.memory_space<hbm>>, %arg4: memref<640x128xf32, #tpu.memory_space<hbm>>, %arg5: memref<32x640x128xf32, #tpu.memory_space<hbm>>, %arg6: memref<80x128xi32, #tpu.memory_space<vmem>>, %arg7: memref<128x128xf32, #tpu.memory_space<vmem>>, %arg8: memref<10240x128xf32, #tpu.memory_space<vmem_shared>>) attributes {dimension_semantics = [#tpu.dimension_semantics<core_parallel>, #tpu.dimension_semantics<subcore_parallel>], iteration_bounds = array<i64: 2, 16>, scalar_prefetch = 0 : i64, scratch_operands = 3 : i64, tpu.core_type = #tpu.core_type<sc_vector_subcore>, window_params = [{transform_indices = #map}, {transform_indices = #map1}, {transform_indices = #map1}, {transform_indices = #map}]} {
    %mul3A = arith.constant 16 : i32
    %mul3A_0 = arith.muli %arg0, %mul3A : i32
    %add3A = arith.addi %mul3A_0, %arg1 : i32
    "tpu.region"() ({
      %run_scoped3A = tpu.sem_alloc : memref<!tpu.dma_semaphore, #tpu.memory_space<semaphore_mem>>
      %dma_start3A = arith.constant 0 : i32
      %dma_start3A_11 = arith.constant 0 : i32
      %dma_start3A_12 = tpu.memref_slice %arg2[%add3A, %dma_start3A, %dma_start3A_11] : memref<32x80x128xi32, #tpu.memory_space<hbm>> -> memref<1x80x128xi32, #tpu.memory_space<hbm>>
      %dma_start3A_13 = tpu.memref_squeeze %dma_start3A_12 : memref<1x80x128xi32, #tpu.memory_space<hbm>> -> memref<80x128xi32, #tpu.memory_space<hbm>>
      %dma_start3A_14 = arith.constant 0 : i32
      %dma_start3A_15 = arith.constant 0 : i32
      %dma_start3A_16 = tpu.memref_slice %arg2[%add3A, %dma_start3A_14, %dma_start3A_15] : memref<32x80x128xi32, #tpu.memory_space<hbm>> -> memref<1x80x128xi32, #tpu.memory_space<hbm>>
      %dma_start3A_17 = tpu.memref_squeeze %dma_start3A_16 : memref<1x80x128xi32, #tpu.memory_space<hbm>> -> memref<80x128xi32, #tpu.memory_space<hbm>>
      tpu.enqueue_dma source(%dma_start3A_17 : memref<80x128xi32, #tpu.memory_space<hbm>>) target(%arg6 : memref<80x128xi32, #tpu.memory_space<vmem>>) target_semaphore(%run_scoped3A : memref<!tpu.dma_semaphore, #tpu.memory_space<semaphore_mem>>)
      %dma_wait3A = arith.constant 0 : i32
      %dma_wait3A_18 = arith.constant 0 : i32
      %dma_wait3A_19 = tpu.memref_slice %arg2[%add3A, %dma_wait3A, %dma_wait3A_18] : memref<32x80x128xi32, #tpu.memory_space<hbm>> -> memref<1x80x128xi32, #tpu.memory_space<hbm>>
      %dma_wait3A_20 = tpu.memref_squeeze %dma_wait3A_19 : memref<1x80x128xi32, #tpu.memory_space<hbm>> -> memref<80x128xi32, #tpu.memory_space<hbm>>
      %dma_wait3A_21 = arith.constant 0 : i32
      %dma_wait3A_22 = arith.constant 0 : i32
      %dma_wait3A_23 = tpu.memref_slice %arg2[%add3A, %dma_wait3A_21, %dma_wait3A_22] : memref<32x80x128xi32, #tpu.memory_space<hbm>> -> memref<1x80x128xi32, #tpu.memory_space<hbm>>
      %dma_wait3A_24 = tpu.memref_squeeze %dma_wait3A_23 : memref<1x80x128xi32, #tpu.memory_space<hbm>> -> memref<80x128xi32, #tpu.memory_space<hbm>>
      tpu.wait_dma2 semaphore(%run_scoped3A : memref<!tpu.dma_semaphore, #tpu.memory_space<semaphore_mem>>) src(%dma_wait3A_24 : memref<80x128xi32, #tpu.memory_space<hbm>>) dst(%arg6 : memref<80x128xi32, #tpu.memory_space<vmem>>)
      tpu.yield
    }) : () -> ()
    "tpu.region"() ({
      %run_scoped3A = tpu.sem_alloc : memref<!tpu.dma_semaphore, #tpu.memory_space<semaphore_mem>>
      tpu.enqueue_dma source(%arg3 : memref<128x128xf32, #tpu.memory_space<hbm>>) target(%arg7 : memref<128x128xf32, #tpu.memory_space<vmem>>) target_semaphore(%run_scoped3A : memref<!tpu.dma_semaphore, #tpu.memory_space<semaphore_mem>>)
      tpu.wait_dma2 semaphore(%run_scoped3A : memref<!tpu.dma_semaphore, #tpu.memory_space<semaphore_mem>>) src(%arg3 : memref<128x128xf32, #tpu.memory_space<hbm>>) dst(%arg7 : memref<128x128xf32, #tpu.memory_space<vmem>>)
      tpu.yield
    }) : () -> ()
    %mul3A_1 = arith.constant 640 : i32
    %mul3A_2 = arith.muli %arg1, %mul3A_1 : i32
    "tpu.region"() ({
      %run_scoped3A = tpu.sem_alloc : memref<!tpu.dma_semaphore, #tpu.memory_space<semaphore_mem>>
      %dma_start3A = arith.constant 0 : i32
      %dma_start3A_11 = tpu.memref_slice %arg8[%mul3A_2, %dma_start3A] : memref<10240x128xf32, #tpu.memory_space<vmem_shared>> -> memref<640x128xf32, #tpu.memory_space<vmem_shared>>
      tpu.enqueue_dma source(%arg4 : memref<640x128xf32, #tpu.memory_space<hbm>>) target(%dma_start3A_11 : memref<640x128xf32, #tpu.memory_space<vmem_shared>>) target_semaphore(%run_scoped3A : memref<!tpu.dma_semaphore, #tpu.memory_space<semaphore_mem>>)
      %dma_wait3A = arith.constant 0 : i32
      %dma_wait3A_12 = tpu.memref_slice %arg8[%mul3A_2, %dma_wait3A] : memref<10240x128xf32, #tpu.memory_space<vmem_shared>> -> memref<640x128xf32, #tpu.memory_space<vmem_shared>>
      tpu.wait_dma2 semaphore(%run_scoped3A : memref<!tpu.dma_semaphore, #tpu.memory_space<semaphore_mem>>) src(%arg4 : memref<640x128xf32, #tpu.memory_space<hbm>>) dst(%dma_wait3A_12 : memref<640x128xf32, #tpu.memory_space<vmem_shared>>)
      tpu.yield
    }) : () -> ()
    %barrier3A = arith.constant 0 : index
    tpu.barrier barrier_id(%barrier3A)
    %scan3A = arith.constant 0 : i32
    %scan3A_3 = arith.constant 0 : i32
    %scan3A_4 = arith.constant 80 : i32
    %scan3A_5 = arith.addi %scan3A_3, %scan3A_4 : i32
    %scan3A_6 = arith.constant 1 : i32
    scf.for %scan3A_11 = %scan3A_3 to %scan3A_5 step %scan3A_6  : i32 {
      "tpu.region"() ({
        %run_scoped3A = tpu.sem_alloc : memref<!tpu.dma_semaphore, #tpu.memory_space<semaphore_mem>>
        %dma_start3A = arith.constant 0 : i32
        %dma_start3A_12 = tpu.memref_slice %arg6[%scan3A_11, %dma_start3A] : memref<80x128xi32, #tpu.memory_space<vmem>> -> memref<1x128xi32, #tpu.memory_space<vmem>>
        %dma_start3A_13 = tpu.memref_squeeze %dma_start3A_12 : memref<1x128xi32, #tpu.memory_space<vmem>> -> memref<128xi32, #tpu.memory_space<vmem>>
        %dma_start3A_14 = arith.constant 0 : i32
        %dma_start3A_15 = arith.constant 0 : i32
        %dma_start3A_16 = tpu.memref_slice %arg8[%dma_start3A_14, %dma_start3A_15] : memref<10240x128xf32, #tpu.memory_space<vmem_shared>> -> memref<10240x128xf32, #tpu.memory_space<vmem_shared>>
        tpu.enqueue_indirect_dma source(%arg7 : memref<128x128xf32, #tpu.memory_space<vmem>>) target(%dma_start3A_16 : memref<10240x128xf32, #tpu.memory_space<vmem_shared>>) offsets(%dma_start3A_13 : memref<128xi32, #tpu.memory_space<vmem>>) semaphore(%run_scoped3A : memref<!tpu.dma_semaphore, #tpu.memory_space<semaphore_mem>>) {add = true}
        %dma_wait3A = arith.constant 0 : i32
        %dma_wait3A_17 = tpu.memref_slice %arg6[%scan3A_11, %dma_wait3A] : memref<80x128xi32, #tpu.memory_space<vmem>> -> memref<1x128xi32, #tpu.memory_space<vmem>>
        %dma_wait3A_18 = tpu.memref_squeeze %dma_wait3A_17 : memref<1x128xi32, #tpu.memory_space<vmem>> -> memref<128xi32, #tpu.memory_space<vmem>>
        %dma_wait3A_19 = arith.constant 0 : i32
        %dma_wait3A_20 = arith.constant 0 : i32
        %dma_wait3A_21 = tpu.memref_slice %arg8[%dma_wait3A_19, %dma_wait3A_20] : memref<10240x128xf32, #tpu.memory_space<vmem_shared>> -> memref<10240x128xf32, #tpu.memory_space<vmem_shared>>
        tpu.wait_indirect_dma semaphore(%run_scoped3A : memref<!tpu.dma_semaphore, #tpu.memory_space<semaphore_mem>>) src(%arg7 : memref<128x128xf32, #tpu.memory_space<vmem>>) dst(%dma_wait3A_21 : memref<10240x128xf32, #tpu.memory_space<vmem_shared>>)
        tpu.yield
      }) : () -> ()
    }
    %scan3A_7 = arith.constant 80 : i32
    %barrier3A_8 = arith.constant 0 : index
    tpu.barrier barrier_id(%barrier3A_8)
    %mul3A_9 = arith.constant 640 : i32
    %mul3A_10 = arith.muli %arg1, %mul3A_9 : i32
    "tpu.region"() ({
      %run_scoped3A = tpu.sem_alloc : memref<!tpu.dma_semaphore, #tpu.memory_space<semaphore_mem>>
      %dma_start3A = arith.constant 0 : i32
      %dma_start3A_11 = arith.constant 0 : i32
      %dma_start3A_12 = tpu.memref_slice %arg5[%add3A, %dma_start3A, %dma_start3A_11] : memref<32x640x128xf32, #tpu.memory_space<hbm>> -> memref<1x640x128xf32, #tpu.memory_space<hbm>>
      %dma_start3A_13 = tpu.memref_squeeze %dma_start3A_12 : memref<1x640x128xf32, #tpu.memory_space<hbm>> -> memref<640x128xf32, #tpu.memory_space<hbm>>
      %dma_start3A_14 = arith.constant 0 : i32
      %dma_start3A_15 = tpu.memref_slice %arg8[%mul3A_10, %dma_start3A_14] : memref<10240x128xf32, #tpu.memory_space<vmem_shared>> -> memref<640x128xf32, #tpu.memory_space<vmem_shared>>
      tpu.enqueue_dma source(%dma_start3A_15 : memref<640x128xf32, #tpu.memory_space<vmem_shared>>) target(%dma_start3A_13 : memref<640x128xf32, #tpu.memory_space<hbm>>) target_semaphore(%run_scoped3A : memref<!tpu.dma_semaphore, #tpu.memory_space<semaphore_mem>>)
      %dma_wait3A = arith.constant 0 : i32
      %dma_wait3A_16 = arith.constant 0 : i32
      %dma_wait3A_17 = tpu.memref_slice %arg5[%add3A, %dma_wait3A, %dma_wait3A_16] : memref<32x640x128xf32, #tpu.memory_space<hbm>> -> memref<1x640x128xf32, #tpu.memory_space<hbm>>
      %dma_wait3A_18 = tpu.memref_squeeze %dma_wait3A_17 : memref<1x640x128xf32, #tpu.memory_space<hbm>> -> memref<640x128xf32, #tpu.memory_space<hbm>>
      %dma_wait3A_19 = arith.constant 0 : i32
      %dma_wait3A_20 = tpu.memref_slice %arg8[%mul3A_10, %dma_wait3A_19] : memref<10240x128xf32, #tpu.memory_space<vmem_shared>> -> memref<640x128xf32, #tpu.memory_space<vmem_shared>>
      tpu.wait_dma2 semaphore(%run_scoped3A : memref<!tpu.dma_semaphore, #tpu.memory_space<semaphore_mem>>) src(%dma_wait3A_20 : memref<640x128xf32, #tpu.memory_space<vmem_shared>>) dst(%dma_wait3A_18 : memref<640x128xf32, #tpu.memory_space<hbm>>)
      tpu.yield
    }) : () -> ()
    return
  }
}

#map = affine_map<(d0, d1) -> (0, 0)>
#map1 = affine_map<(d0, d1) -> (0, 0, 0)>
module attributes {stable_mosaic.version = 14 : i64} {
  func.func @_scatter_sc(%arg0: i32, %arg1: i32, %arg2: memref<20480x128xf32, #tpu.memory_space<hbm>>, %arg3: memref<128x42x128xi32, #tpu.memory_space<hbm>>, %arg4: memref<64x42x128xi32, #tpu.memory_space<hbm>>, %arg5: memref<640x128xf32, #tpu.memory_space<hbm>>, %arg6: memref<32x640x128xf32, #tpu.memory_space<hbm>>, %arg7: memref<42x128xi32, #tpu.memory_space<vmem>>, %arg8: memref<42x128xi32, #tpu.memory_space<vmem>>, %arg9: memref<2x128x128xf32, #tpu.memory_space<vmem>>, %arg10: memref<10240x128xf32, #tpu.memory_space<vmem_shared>>, %arg11: memref<!tpu.dma_semaphore, #tpu.memory_space<semaphore_mem>>, %arg12: memref<!tpu.dma_semaphore, #tpu.memory_space<semaphore_mem>>) attributes {dimension_semantics = [#tpu.dimension_semantics<core_parallel>, #tpu.dimension_semantics<subcore_parallel>], iteration_bounds = array<i64: 2, 16>, scalar_prefetch = 0 : i64, scratch_operands = 6 : i64, tpu.core_type = #tpu.core_type<sc_vector_subcore>, window_params = [{transform_indices = #map}, {transform_indices = #map1}, {transform_indices = #map1}, {transform_indices = #map}, {transform_indices = #map1}]} {
    %mul3A = arith.constant 16 : i32
    %mul3A_0 = arith.muli %arg0, %mul3A : i32
    %add3A = arith.addi %mul3A_0, %arg1 : i32
    %mul3A_1 = arith.constant 640 : i32
    %mul3A_2 = arith.muli %arg1, %mul3A_1 : i32
    "tpu.region"() ({
      %run_scoped3A = tpu.sem_alloc : memref<!tpu.dma_semaphore, #tpu.memory_space<semaphore_mem>>
      %dma_start3A_251 = arith.constant 0 : i32
      %dma_start3A_252 = tpu.memref_slice %arg10[%mul3A_2, %dma_start3A_251] : memref<10240x128xf32, #tpu.memory_space<vmem_shared>> -> memref<640x128xf32, #tpu.memory_space<vmem_shared>>
      tpu.enqueue_dma source(%arg5 : memref<640x128xf32, #tpu.memory_space<hbm>>) target(%dma_start3A_252 : memref<640x128xf32, #tpu.memory_space<vmem_shared>>) target_semaphore(%run_scoped3A : memref<!tpu.dma_semaphore, #tpu.memory_space<semaphore_mem>>)
      %dma_wait3A_253 = arith.constant 0 : i32
      %dma_wait3A_254 = tpu.memref_slice %arg10[%mul3A_2, %dma_wait3A_253] : memref<10240x128xf32, #tpu.memory_space<vmem_shared>> -> memref<640x128xf32, #tpu.memory_space<vmem_shared>>
      tpu.wait_dma2 semaphore(%run_scoped3A : memref<!tpu.dma_semaphore, #tpu.memory_space<semaphore_mem>>) src(%arg5 : memref<640x128xf32, #tpu.memory_space<hbm>>) dst(%dma_wait3A_254 : memref<640x128xf32, #tpu.memory_space<vmem_shared>>)
      tpu.yield
    }) : () -> ()
    %barrier3A = arith.constant 0 : index
    tpu.barrier barrier_id(%barrier3A)
    %mul3A_3 = arith.constant 4 : i32
    %mul3A_4 = arith.muli %add3A, %mul3A_3 : i32
    %add3A_5 = arith.constant 0 : i32
    %add3A_6 = arith.addi %mul3A_4, %add3A_5 : i32
    "tpu.region"() ({
      %run_scoped3A = tpu.sem_alloc : memref<!tpu.dma_semaphore, #tpu.memory_space<semaphore_mem>>
      %dma_start3A_251 = arith.constant 0 : i32
      %dma_start3A_252 = arith.constant 0 : i32
      %dma_start3A_253 = tpu.memref_slice %arg3[%add3A_6, %dma_start3A_251, %dma_start3A_252] : memref<128x42x128xi32, #tpu.memory_space<hbm>> -> memref<1x42x128xi32, #tpu.memory_space<hbm>>
      %dma_start3A_254 = tpu.memref_squeeze %dma_start3A_253 : memref<1x42x128xi32, #tpu.memory_space<hbm>> -> memref<42x128xi32, #tpu.memory_space<hbm>>
      %dma_start3A_255 = arith.constant 0 : i32
      %dma_start3A_256 = arith.constant 0 : i32
      %dma_start3A_257 = tpu.memref_slice %arg3[%add3A_6, %dma_start3A_255, %dma_start3A_256] : memref<128x42x128xi32, #tpu.memory_space<hbm>> -> memref<1x42x128xi32, #tpu.memory_space<hbm>>
      %dma_start3A_258 = tpu.memref_squeeze %dma_start3A_257 : memref<1x42x128xi32, #tpu.memory_space<hbm>> -> memref<42x128xi32, #tpu.memory_space<hbm>>
      tpu.enqueue_dma source(%dma_start3A_258 : memref<42x128xi32, #tpu.memory_space<hbm>>) target(%arg7 : memref<42x128xi32, #tpu.memory_space<vmem>>) target_semaphore(%run_scoped3A : memref<!tpu.dma_semaphore, #tpu.memory_space<semaphore_mem>>)
      %dma_wait3A_259 = arith.constant 0 : i32
      %dma_wait3A_260 = arith.constant 0 : i32
      %dma_wait3A_261 = tpu.memref_slice %arg3[%add3A_6, %dma_wait3A_259, %dma_wait3A_260] : memref<128x42x128xi32, #tpu.memory_space<hbm>> -> memref<1x42x128xi32, #tpu.memory_space<hbm>>
      %dma_wait3A_262 = tpu.memref_squeeze %dma_wait3A_261 : memref<1x42x128xi32, #tpu.memory_space<hbm>> -> memref<42x128xi32, #tpu.memory_space<hbm>>
      %dma_wait3A_263 = arith.constant 0 : i32
      %dma_wait3A_264 = arith.constant 0 : i32
      %dma_wait3A_265 = tpu.memref_slice %arg3[%add3A_6, %dma_wait3A_263, %dma_wait3A_264] : memref<128x42x128xi32, #tpu.memory_space<hbm>> -> memref<1x42x128xi32, #tpu.memory_space<hbm>>
      %dma_wait3A_266 = tpu.memref_squeeze %dma_wait3A_265 : memref<1x42x128xi32, #tpu.memory_space<hbm>> -> memref<42x128xi32, #tpu.memory_space<hbm>>
      tpu.wait_dma2 semaphore(%run_scoped3A : memref<!tpu.dma_semaphore, #tpu.memory_space<semaphore_mem>>) src(%dma_wait3A_266 : memref<42x128xi32, #tpu.memory_space<hbm>>) dst(%arg7 : memref<42x128xi32, #tpu.memory_space<vmem>>)
      tpu.yield
    }) : () -> ()
    %mul3A_7 = arith.constant 4 : i32
    %mul3A_8 = arith.muli %arg1, %mul3A_7 : i32
    %add3A_9 = arith.constant 0 : i32
    %add3A_10 = arith.addi %mul3A_8, %add3A_9 : i32
    "tpu.region"() ({
      %run_scoped3A = tpu.sem_alloc : memref<!tpu.dma_semaphore, #tpu.memory_space<semaphore_mem>>
      %dma_start3A_251 = arith.constant 0 : i32
      %dma_start3A_252 = arith.constant 0 : i32
      %dma_start3A_253 = tpu.memref_slice %arg4[%add3A_10, %dma_start3A_251, %dma_start3A_252] : memref<64x42x128xi32, #tpu.memory_space<hbm>> -> memref<1x42x128xi32, #tpu.memory_space<hbm>>
      %dma_start3A_254 = tpu.memref_squeeze %dma_start3A_253 : memref<1x42x128xi32, #tpu.memory_space<hbm>> -> memref<42x128xi32, #tpu.memory_space<hbm>>
      %dma_start3A_255 = arith.constant 0 : i32
      %dma_start3A_256 = arith.constant 0 : i32
      %dma_start3A_257 = tpu.memref_slice %arg4[%add3A_10, %dma_start3A_255, %dma_start3A_256] : memref<64x42x128xi32, #tpu.memory_space<hbm>> -> memref<1x42x128xi32, #tpu.memory_space<hbm>>
      %dma_start3A_258 = tpu.memref_squeeze %dma_start3A_257 : memref<1x42x128xi32, #tpu.memory_space<hbm>> -> memref<42x128xi32, #tpu.memory_space<hbm>>
      tpu.enqueue_dma source(%dma_start3A_258 : memref<42x128xi32, #tpu.memory_space<hbm>>) target(%arg8 : memref<42x128xi32, #tpu.memory_space<vmem>>) target_semaphore(%run_scoped3A : memref<!tpu.dma_semaphore, #tpu.memory_space<semaphore_mem>>)
      %dma_wait3A_259 = arith.constant 0 : i32
      %dma_wait3A_260 = arith.constant 0 : i32
      %dma_wait3A_261 = tpu.memref_slice %arg4[%add3A_10, %dma_wait3A_259, %dma_wait3A_260] : memref<64x42x128xi32, #tpu.memory_space<hbm>> -> memref<1x42x128xi32, #tpu.memory_space<hbm>>
      %dma_wait3A_262 = tpu.memref_squeeze %dma_wait3A_261 : memref<1x42x128xi32, #tpu.memory_space<hbm>> -> memref<42x128xi32, #tpu.memory_space<hbm>>
      %dma_wait3A_263 = arith.constant 0 : i32
      %dma_wait3A_264 = arith.constant 0 : i32
      %dma_wait3A_265 = tpu.memref_slice %arg4[%add3A_10, %dma_wait3A_263, %dma_wait3A_264] : memref<64x42x128xi32, #tpu.memory_space<hbm>> -> memref<1x42x128xi32, #tpu.memory_space<hbm>>
      %dma_wait3A_266 = tpu.memref_squeeze %dma_wait3A_265 : memref<1x42x128xi32, #tpu.memory_space<hbm>> -> memref<42x128xi32, #tpu.memory_space<hbm>>
      tpu.wait_dma2 semaphore(%run_scoped3A : memref<!tpu.dma_semaphore, #tpu.memory_space<semaphore_mem>>) src(%dma_wait3A_266 : memref<42x128xi32, #tpu.memory_space<hbm>>) dst(%arg8 : memref<42x128xi32, #tpu.memory_space<vmem>>)
      tpu.yield
    }) : () -> ()
    %dma_start3A = arith.constant 0 : i32
    %dma_start3A_11 = arith.constant 0 : i32
    %dma_start3A_12 = arith.constant 0 : i32
    %dma_start3A_13 = arith.constant 0 : i32
    %dma_start3A_14 = tpu.memref_slice %arg9[%dma_start3A_11, %dma_start3A_12, %dma_start3A_13] : memref<2x128x128xf32, #tpu.memory_space<vmem>> -> memref<1x128x128xf32, #tpu.memory_space<vmem>>
    %dma_start3A_15 = tpu.memref_squeeze %dma_start3A_14 : memref<1x128x128xf32, #tpu.memory_space<vmem>> -> memref<128x128xf32, #tpu.memory_space<vmem>>
    %dma_start3A_16 = arith.constant 0 : i32
    %dma_start3A_17 = tpu.memref_slice %arg7[%dma_start3A, %dma_start3A_16] : memref<42x128xi32, #tpu.memory_space<vmem>> -> memref<1x128xi32, #tpu.memory_space<vmem>>
    %dma_start3A_18 = tpu.memref_squeeze %dma_start3A_17 : memref<1x128xi32, #tpu.memory_space<vmem>> -> memref<128xi32, #tpu.memory_space<vmem>>
    %dma_start3A_19 = arith.constant 0 : i32
    %dma_start3A_20 = arith.constant 0 : i32
    %dma_start3A_21 = tpu.memref_slice %arg2[%dma_start3A_19, %dma_start3A_20] : memref<20480x128xf32, #tpu.memory_space<hbm>> -> memref<20480x128xf32, #tpu.memory_space<hbm>>
    tpu.enqueue_indirect_dma source(%dma_start3A_21 : memref<20480x128xf32, #tpu.memory_space<hbm>>) target(%dma_start3A_15 : memref<128x128xf32, #tpu.memory_space<vmem>>) offsets(%dma_start3A_18 : memref<128xi32, #tpu.memory_space<vmem>>) semaphore(%arg11 : memref<!tpu.dma_semaphore, #tpu.memory_space<semaphore_mem>>)
    %dma_start3A_22 = arith.constant 1 : i32
    %dma_start3A_23 = arith.constant 1 : i32
    %dma_start3A_24 = arith.constant 0 : i32
    %dma_start3A_25 = arith.constant 0 : i32
    %dma_start3A_26 = tpu.memref_slice %arg9[%dma_start3A_23, %dma_start3A_24, %dma_start3A_25] : memref<2x128x128xf32, #tpu.memory_space<vmem>> -> memref<1x128x128xf32, #tpu.memory_space<vmem>>
    %dma_start3A_27 = tpu.memref_squeeze %dma_start3A_26 : memref<1x128x128xf32, #tpu.memory_space<vmem>> -> memref<128x128xf32, #tpu.memory_space<vmem>>
    %dma_start3A_28 = arith.constant 0 : i32
    %dma_start3A_29 = tpu.memref_slice %arg7[%dma_start3A_22, %dma_start3A_28] : memref<42x128xi32, #tpu.memory_space<vmem>> -> memref<1x128xi32, #tpu.memory_space<vmem>>
    %dma_start3A_30 = tpu.memref_squeeze %dma_start3A_29 : memref<1x128xi32, #tpu.memory_space<vmem>> -> memref<128xi32, #tpu.memory_space<vmem>>
    %dma_start3A_31 = arith.constant 0 : i32
    %dma_start3A_32 = arith.constant 0 : i32
    %dma_start3A_33 = tpu.memref_slice %arg2[%dma_start3A_31, %dma_start3A_32] : memref<20480x128xf32, #tpu.memory_space<hbm>> -> memref<20480x128xf32, #tpu.memory_space<hbm>>
    tpu.enqueue_indirect_dma source(%dma_start3A_33 : memref<20480x128xf32, #tpu.memory_space<hbm>>) target(%dma_start3A_27 : memref<128x128xf32, #tpu.memory_space<vmem>>) offsets(%dma_start3A_30 : memref<128xi32, #tpu.memory_space<vmem>>) semaphore(%arg12 : memref<!tpu.dma_semaphore, #tpu.memory_space<semaphore_mem>>)
    %scan3A = arith.constant 0 : i32
    %scan3A_34 = arith.constant 0 : i32
    %scan3A_35 = arith.constant 20 : i32
    %scan3A_36 = arith.addi %scan3A_34, %scan3A_35 : i32
    %scan3A_37 = arith.constant 1 : i32
    scf.for %scan3A_251 = %scan3A_34 to %scan3A_36 step %scan3A_37  : i32 {
      %mul3A_252 = arith.constant 2 : i32
      %mul3A_253 = arith.muli %scan3A_251, %mul3A_252 : i32
      %add3A_254 = arith.constant 0 : i32
      %add3A_255 = arith.addi %mul3A_253, %add3A_254 : i32
      %dma_wait3A_256 = arith.constant 0 : i32
      %dma_wait3A_257 = arith.constant 0 : i32
      %dma_wait3A_258 = arith.constant 0 : i32
      %dma_wait3A_259 = tpu.memref_slice %arg9[%dma_wait3A_256, %dma_wait3A_257, %dma_wait3A_258] : memref<2x128x128xf32, #tpu.memory_space<vmem>> -> memref<1x128x128xf32, #tpu.memory_space<vmem>>
      %dma_wait3A_260 = tpu.memref_squeeze %dma_wait3A_259 : memref<1x128x128xf32, #tpu.memory_space<vmem>> -> memref<128x128xf32, #tpu.memory_space<vmem>>
      %dma_wait3A_261 = arith.constant 0 : i32
      %dma_wait3A_262 = tpu.memref_slice %arg7[%add3A_255, %dma_wait3A_261] : memref<42x128xi32, #tpu.memory_space<vmem>> -> memref<1x128xi32, #tpu.memory_space<vmem>>
      %dma_wait3A_263 = tpu.memref_squeeze %dma_wait3A_262 : memref<1x128xi32, #tpu.memory_space<vmem>> -> memref<128xi32, #tpu.memory_space<vmem>>
      %dma_wait3A_264 = arith.constant 0 : i32
      %dma_wait3A_265 = arith.constant 0 : i32
      %dma_wait3A_266 = tpu.memref_slice %arg2[%dma_wait3A_264, %dma_wait3A_265] : memref<20480x128xf32, #tpu.memory_space<hbm>> -> memref<20480x128xf32, #tpu.memory_space<hbm>>
      tpu.wait_indirect_dma semaphore(%arg11 : memref<!tpu.dma_semaphore, #tpu.memory_space<semaphore_mem>>) src(%dma_wait3A_266 : memref<20480x128xf32, #tpu.memory_space<hbm>>) dst(%dma_wait3A_260 : memref<128x128xf32, #tpu.memory_space<vmem>>)
      %run_scoped3A = arith.constant 0 : i32
      "tpu.region"() ({
        %run_scoped3A_309 = tpu.sem_alloc : memref<!tpu.dma_semaphore, #tpu.memory_space<semaphore_mem>>
        %dma_start3A_310 = arith.constant 0 : i32
        %dma_start3A_311 = arith.constant 0 : i32
        %dma_start3A_312 = tpu.memref_slice %arg9[%run_scoped3A, %dma_start3A_310, %dma_start3A_311] : memref<2x128x128xf32, #tpu.memory_space<vmem>> -> memref<1x128x128xf32, #tpu.memory_space<vmem>>
        %dma_start3A_313 = tpu.memref_squeeze %dma_start3A_312 : memref<1x128x128xf32, #tpu.memory_space<vmem>> -> memref<128x128xf32, #tpu.memory_space<vmem>>
        %dma_start3A_314 = arith.constant 0 : i32
        %dma_start3A_315 = tpu.memref_slice %arg8[%add3A_255, %dma_start3A_314] : memref<42x128xi32, #tpu.memory_space<vmem>> -> memref<1x128xi32, #tpu.memory_space<vmem>>
        %dma_start3A_316 = tpu.memref_squeeze %dma_start3A_315 : memref<1x128xi32, #tpu.memory_space<vmem>> -> memref<128xi32, #tpu.memory_space<vmem>>
        %dma_start3A_317 = arith.constant 0 : i32
        %dma_start3A_318 = arith.constant 0 : i32
        %dma_start3A_319 = tpu.memref_slice %arg10[%dma_start3A_317, %dma_start3A_318] : memref<10240x128xf32, #tpu.memory_space<vmem_shared>> -> memref<10240x128xf32, #tpu.memory_space<vmem_shared>>
        tpu.enqueue_indirect_dma source(%dma_start3A_313 : memref<128x128xf32, #tpu.memory_space<vmem>>) target(%dma_start3A_319 : memref<10240x128xf32, #tpu.memory_space<vmem_shared>>) offsets(%dma_start3A_316 : memref<128xi32, #tpu.memory_space<vmem>>) semaphore(%run_scoped3A_309 : memref<!tpu.dma_semaphore, #tpu.memory_space<semaphore_mem>>) {add = true}
        %dma_wait3A_320 = arith.constant 0 : i32
        %dma_wait3A_321 = arith.constant 0 : i32
        %dma_wait3A_322 = tpu.memref_slice %arg9[%run_scoped3A, %dma_wait3A_320, %dma_wait3A_321] : memref<2x128x128xf32, #tpu.memory_space<vmem>> -> memref<1x128x128xf32, #tpu.memory_space<vmem>>
        %dma_wait3A_323 = tpu.memref_squeeze %dma_wait3A_322 : memref<1x128x128xf32, #tpu.memory_space<vmem>> -> memref<128x128xf32, #tpu.memory_space<vmem>>
        %dma_wait3A_324 = arith.constant 0 : i32
        %dma_wait3A_325 = tpu.memref_slice %arg8[%add3A_255, %dma_wait3A_324] : memref<42x128xi32, #tpu.memory_space<vmem>> -> memref<1x128xi32, #tpu.memory_space<vmem>>
        %dma_wait3A_326 = tpu.memref_squeeze %dma_wait3A_325 : memref<1x128xi32, #tpu.memory_space<vmem>> -> memref<128xi32, #tpu.memory_space<vmem>>
        %dma_wait3A_327 = arith.constant 0 : i32
        %dma_wait3A_328 = arith.constant 0 : i32
        %dma_wait3A_329 = tpu.memref_slice %arg10[%dma_wait3A_327, %dma_wait3A_328] : memref<10240x128xf32, #tpu.memory_space<vmem_shared>> -> memref<10240x128xf32, #tpu.memory_space<vmem_shared>>
        tpu.wait_indirect_dma semaphore(%run_scoped3A_309 : memref<!tpu.dma_semaphore, #tpu.memory_space<semaphore_mem>>) src(%dma_wait3A_323 : memref<128x128xf32, #tpu.memory_space<vmem>>) dst(%dma_wait3A_329 : memref<10240x128xf32, #tpu.memory_space<vmem_shared>>)
        tpu.yield
      }) : () -> ()
      %add3A_267 = arith.constant 2 : i32
      %add3A_268 = arith.addi %add3A_255, %add3A_267 : i32
      %dma_start3A_269 = arith.constant 0 : i32
      %dma_start3A_270 = arith.constant 0 : i32
      %dma_start3A_271 = arith.constant 0 : i32
      %dma_start3A_272 = tpu.memref_slice %arg9[%dma_start3A_269, %dma_start3A_270, %dma_start3A_271] : memref<2x128x128xf32, #tpu.memory_space<vmem>> -> memref<1x128x128xf32, #tpu.memory_space<vmem>>
      %dma_start3A_273 = tpu.memref_squeeze %dma_start3A_272 : memref<1x128x128xf32, #tpu.memory_space<vmem>> -> memref<128x128xf32, #tpu.memory_space<vmem>>
      %dma_start3A_274 = arith.constant 0 : i32
      %dma_start3A_275 = tpu.memref_slice %arg7[%add3A_268, %dma_start3A_274] : memref<42x128xi32, #tpu.memory_space<vmem>> -> memref<1x128xi32, #tpu.memory_space<vmem>>
      %dma_start3A_276 = tpu.memref_squeeze %dma_start3A_275 : memref<1x128xi32, #tpu.memory_space<vmem>> -> memref<128xi32, #tpu.memory_space<vmem>>
      %dma_start3A_277 = arith.constant 0 : i32
      %dma_start3A_278 = arith.constant 0 : i32
      %dma_start3A_279 = tpu.memref_slice %arg2[%dma_start3A_277, %dma_start3A_278] : memref<20480x128xf32, #tpu.memory_space<hbm>> -> memref<20480x128xf32, #tpu.memory_space<hbm>>
      tpu.enqueue_indirect_dma source(%dma_start3A_279 : memref<20480x128xf32, #tpu.memory_space<hbm>>) target(%dma_start3A_273 : memref<128x128xf32, #tpu.memory_space<vmem>>) offsets(%dma_start3A_276 : memref<128xi32, #tpu.memory_space<vmem>>) semaphore(%arg11 : memref<!tpu.dma_semaphore, #tpu.memory_space<semaphore_mem>>)
      %mul3A_280 = arith.constant 2 : i32
      %mul3A_281 = arith.muli %scan3A_251, %mul3A_280 : i32
      %add3A_282 = arith.constant 1 : i32
      %add3A_283 = arith.addi %mul3A_281, %add3A_282 : i32
      %dma_wait3A_284 = arith.constant 1 : i32
      %dma_wait3A_285 = arith.constant 0 : i32
      %dma_wait3A_286 = arith.constant 0 : i32
      %dma_wait3A_287 = tpu.memref_slice %arg9[%dma_wait3A_284, %dma_wait3A_285, %dma_wait3A_286] : memref<2x128x128xf32, #tpu.memory_space<vmem>> -> memref<1x128x128xf32, #tpu.memory_space<vmem>>
      %dma_wait3A_288 = tpu.memref_squeeze %dma_wait3A_287 : memref<1x128x128xf32, #tpu.memory_space<vmem>> -> memref<128x128xf32, #tpu.memory_space<vmem>>
      %dma_wait3A_289 = arith.constant 0 : i32
      %dma_wait3A_290 = tpu.memref_slice %arg7[%add3A_283, %dma_wait3A_289] : memref<42x128xi32, #tpu.memory_space<vmem>> -> memref<1x128xi32, #tpu.memory_space<vmem>>
      %dma_wait3A_291 = tpu.memref_squeeze %dma_wait3A_290 : memref<1x128xi32, #tpu.memory_space<vmem>> -> memref<128xi32, #tpu.memory_space<vmem>>
      %dma_wait3A_292 = arith.constant 0 : i32
      %dma_wait3A_293 = arith.constant 0 : i32
      %dma_wait3A_294 = tpu.memref_slice %arg2[%dma_wait3A_292, %dma_wait3A_293] : memref<20480x128xf32, #tpu.memory_space<hbm>> -> memref<20480x128xf32, #tpu.memory_space<hbm>>
      tpu.wait_indirect_dma semaphore(%arg12 : memref<!tpu.dma_semaphore, #tpu.memory_space<semaphore_mem>>) src(%dma_wait3A_294 : memref<20480x128xf32, #tpu.memory_space<hbm>>) dst(%dma_wait3A_288 : memref<128x128xf32, #tpu.memory_space<vmem>>)
      %run_scoped3A_295 = arith.constant 1 : i32
      "tpu.region"() ({
        %run_scoped3A_309 = tpu.sem_alloc : memref<!tpu.dma_semaphore, #tpu.memory_space<semaphore_mem>>
        %dma_start3A_310 = arith.constant 0 : i32
        %dma_start3A_311 = arith.constant 0 : i32
        %dma_start3A_312 = tpu.memref_slice %arg9[%run_scoped3A_295, %dma_start3A_310, %dma_start3A_311] : memref<2x128x128xf32, #tpu.memory_space<vmem>> -> memref<1x128x128xf32, #tpu.memory_space<vmem>>
        %dma_start3A_313 = tpu.memref_squeeze %dma_start3A_312 : memref<1x128x128xf32, #tpu.memory_space<vmem>> -> memref<128x128xf32, #tpu.memory_space<vmem>>
        %dma_start3A_314 = arith.constant 0 : i32
        %dma_start3A_315 = tpu.memref_slice %arg8[%add3A_283, %dma_start3A_314] : memref<42x128xi32, #tpu.memory_space<vmem>> -> memref<1x128xi32, #tpu.memory_space<vmem>>
        %dma_start3A_316 = tpu.memref_squeeze %dma_start3A_315 : memref<1x128xi32, #tpu.memory_space<vmem>> -> memref<128xi32, #tpu.memory_space<vmem>>
        %dma_start3A_317 = arith.constant 0 : i32
        %dma_start3A_318 = arith.constant 0 : i32
        %dma_start3A_319 = tpu.memref_slice %arg10[%dma_start3A_317, %dma_start3A_318] : memref<10240x128xf32, #tpu.memory_space<vmem_shared>> -> memref<10240x128xf32, #tpu.memory_space<vmem_shared>>
        tpu.enqueue_indirect_dma source(%dma_start3A_313 : memref<128x128xf32, #tpu.memory_space<vmem>>) target(%dma_start3A_319 : memref<10240x128xf32, #tpu.memory_space<vmem_shared>>) offsets(%dma_start3A_316 : memref<128xi32, #tpu.memory_space<vmem>>) semaphore(%run_scoped3A_309 : memref<!tpu.dma_semaphore, #tpu.memory_space<semaphore_mem>>) {add = true}
        %dma_wait3A_320 = arith.constant 0 : i32
        %dma_wait3A_321 = arith.constant 0 : i32
        %dma_wait3A_322 = tpu.memref_slice %arg9[%run_scoped3A_295, %dma_wait3A_320, %dma_wait3A_321] : memref<2x128x128xf32, #tpu.memory_space<vmem>> -> memref<1x128x128xf32, #tpu.memory_space<vmem>>
        %dma_wait3A_323 = tpu.memref_squeeze %dma_wait3A_322 : memref<1x128x128xf32, #tpu.memory_space<vmem>> -> memref<128x128xf32, #tpu.memory_space<vmem>>
        %dma_wait3A_324 = arith.constant 0 : i32
        %dma_wait3A_325 = tpu.memref_slice %arg8[%add3A_283, %dma_wait3A_324] : memref<42x128xi32, #tpu.memory_space<vmem>> -> memref<1x128xi32, #tpu.memory_space<vmem>>
        %dma_wait3A_326 = tpu.memref_squeeze %dma_wait3A_325 : memref<1x128xi32, #tpu.memory_space<vmem>> -> memref<128xi32, #tpu.memory_space<vmem>>
        %dma_wait3A_327 = arith.constant 0 : i32
        %dma_wait3A_328 = arith.constant 0 : i32
        %dma_wait3A_329 = tpu.memref_slice %arg10[%dma_wait3A_327, %dma_wait3A_328] : memref<10240x128xf32, #tpu.memory_space<vmem_shared>> -> memref<10240x128xf32, #tpu.memory_space<vmem_shared>>
        tpu.wait_indirect_dma semaphore(%run_scoped3A_309 : memref<!tpu.dma_semaphore, #tpu.memory_space<semaphore_mem>>) src(%dma_wait3A_323 : memref<128x128xf32, #tpu.memory_space<vmem>>) dst(%dma_wait3A_329 : memref<10240x128xf32, #tpu.memory_space<vmem_shared>>)
        tpu.yield
      }) : () -> ()
      %add3A_296 = arith.constant 2 : i32
      %add3A_297 = arith.addi %add3A_283, %add3A_296 : i32
      %dma_start3A_298 = arith.constant 1 : i32
      %dma_start3A_299 = arith.constant 0 : i32
      %dma_start3A_300 = arith.constant 0 : i32
      %dma_start3A_301 = tpu.memref_slice %arg9[%dma_start3A_298, %dma_start3A_299, %dma_start3A_300] : memref<2x128x128xf32, #tpu.memory_space<vmem>> -> memref<1x128x128xf32, #tpu.memory_space<vmem>>
      %dma_start3A_302 = tpu.memref_squeeze %dma_start3A_301 : memref<1x128x128xf32, #tpu.memory_space<vmem>> -> memref<128x128xf32, #tpu.memory_space<vmem>>
      %dma_start3A_303 = arith.constant 0 : i32
      %dma_start3A_304 = tpu.memref_slice %arg7[%add3A_297, %dma_start3A_303] : memref<42x128xi32, #tpu.memory_space<vmem>> -> memref<1x128xi32, #tpu.memory_space<vmem>>
      %dma_start3A_305 = tpu.memref_squeeze %dma_start3A_304 : memref<1x128xi32, #tpu.memory_space<vmem>> -> memref<128xi32, #tpu.memory_space<vmem>>
      %dma_start3A_306 = arith.constant 0 : i32
      %dma_start3A_307 = arith.constant 0 : i32
      %dma_start3A_308 = tpu.memref_slice %arg2[%dma_start3A_306, %dma_start3A_307] : memref<20480x128xf32, #tpu.memory_space<hbm>> -> memref<20480x128xf32, #tpu.memory_space<hbm>>
      tpu.enqueue_indirect_dma source(%dma_start3A_308 : memref<20480x128xf32, #tpu.memory_space<hbm>>) target(%dma_start3A_302 : memref<128x128xf32, #tpu.memory_space<vmem>>) offsets(%dma_start3A_305 : memref<128xi32, #tpu.memory_space<vmem>>) semaphore(%arg12 : memref<!tpu.dma_semaphore, #tpu.memory_space<semaphore_mem>>)
    }
    %scan3A_38 = arith.constant 20 : i32
    %dma_wait3A = arith.constant 40 : i32
    %dma_wait3A_39 = arith.constant 0 : i32
    %dma_wait3A_40 = arith.constant 0 : i32
    %dma_wait3A_41 = arith.constant 0 : i32
    %dma_wait3A_42 = tpu.memref_slice %arg9[%dma_wait3A_39, %dma_wait3A_40, %dma_wait3A_41] : memref<2x128x128xf32, #tpu.memory_space<vmem>> -> memref<1x128x128xf32, #tpu.memory_space<vmem>>
    %dma_wait3A_43 = tpu.memref_squeeze %dma_wait3A_42 : memref<1x128x128xf32, #tpu.memory_space<vmem>> -> memref<128x128xf32, #tpu.memory_space<vmem>>
    %dma_wait3A_44 = arith.constant 0 : i32
    %dma_wait3A_45 = tpu.memref_slice %arg7[%dma_wait3A, %dma_wait3A_44] : memref<42x128xi32, #tpu.memory_space<vmem>> -> memref<1x128xi32, #tpu.memory_space<vmem>>
    %dma_wait3A_46 = tpu.memref_squeeze %dma_wait3A_45 : memref<1x128xi32, #tpu.memory_space<vmem>> -> memref<128xi32, #tpu.memory_space<vmem>>
    %dma_wait3A_47 = arith.constant 0 : i32
    %dma_wait3A_48 = arith.constant 0 : i32
    %dma_wait3A_49 = tpu.memref_slice %arg2[%dma_wait3A_47, %dma_wait3A_48] : memref<20480x128xf32, #tpu.memory_space<hbm>> -> memref<20480x128xf32, #tpu.memory_space<hbm>>
    tpu.wait_indirect_dma semaphore(%arg11 : memref<!tpu.dma_semaphore, #tpu.memory_space<semaphore_mem>>) src(%dma_wait3A_49 : memref<20480x128xf32, #tpu.memory_space<hbm>>) dst(%dma_wait3A_43 : memref<128x128xf32, #tpu.memory_space<vmem>>)
    %dma_wait3A_50 = arith.constant 41 : i32
    %dma_wait3A_51 = arith.constant 1 : i32
    %dma_wait3A_52 = arith.constant 0 : i32
    %dma_wait3A_53 = arith.constant 0 : i32
    %dma_wait3A_54 = tpu.memref_slice %arg9[%dma_wait3A_51, %dma_wait3A_52, %dma_wait3A_53] : memref<2x128x128xf32, #tpu.memory_space<vmem>> -> memref<1x128x128xf32, #tpu.memory_space<vmem>>
    %dma_wait3A_55 = tpu.memref_squeeze %dma_wait3A_54 : memref<1x128x128xf32, #tpu.memory_space<vmem>> -> memref<128x128xf32, #tpu.memory_space<vmem>>
    %dma_wait3A_56 = arith.constant 0 : i32
    %dma_wait3A_57 = tpu.memref_slice %arg7[%dma_wait3A_50, %dma_wait3A_56] : memref<42x128xi32, #tpu.memory_space<vmem>> -> memref<1x128xi32, #tpu.memory_space<vmem>>
    %dma_wait3A_58 = tpu.memref_squeeze %dma_wait3A_57 : memref<1x128xi32, #tpu.memory_space<vmem>> -> memref<128xi32, #tpu.memory_space<vmem>>
    %dma_wait3A_59 = arith.constant 0 : i32
    %dma_wait3A_60 = arith.constant 0 : i32
    %dma_wait3A_61 = tpu.memref_slice %arg2[%dma_wait3A_59, %dma_wait3A_60] : memref<20480x128xf32, #tpu.memory_space<hbm>> -> memref<20480x128xf32, #tpu.memory_space<hbm>>
    tpu.wait_indirect_dma semaphore(%arg12 : memref<!tpu.dma_semaphore, #tpu.memory_space<semaphore_mem>>) src(%dma_wait3A_61 : memref<20480x128xf32, #tpu.memory_space<hbm>>) dst(%dma_wait3A_55 : memref<128x128xf32, #tpu.memory_space<vmem>>)
    %mul3A_62 = arith.constant 4 : i32
    %mul3A_63 = arith.muli %add3A, %mul3A_62 : i32
    %add3A_64 = arith.constant 1 : i32
    %add3A_65 = arith.addi %mul3A_63, %add3A_64 : i32
    "tpu.region"() ({
      %run_scoped3A = tpu.sem_alloc : memref<!tpu.dma_semaphore, #tpu.memory_space<semaphore_mem>>
      %dma_start3A_251 = arith.constant 0 : i32
      %dma_start3A_252 = arith.constant 0 : i32
      %dma_start3A_253 = tpu.memref_slice %arg3[%add3A_65, %dma_start3A_251, %dma_start3A_252] : memref<128x42x128xi32, #tpu.memory_space<hbm>> -> memref<1x42x128xi32, #tpu.memory_space<hbm>>
      %dma_start3A_254 = tpu.memref_squeeze %dma_start3A_253 : memref<1x42x128xi32, #tpu.memory_space<hbm>> -> memref<42x128xi32, #tpu.memory_space<hbm>>
      %dma_start3A_255 = arith.constant 0 : i32
      %dma_start3A_256 = arith.constant 0 : i32
      %dma_start3A_257 = tpu.memref_slice %arg3[%add3A_65, %dma_start3A_255, %dma_start3A_256] : memref<128x42x128xi32, #tpu.memory_space<hbm>> -> memref<1x42x128xi32, #tpu.memory_space<hbm>>
      %dma_start3A_258 = tpu.memref_squeeze %dma_start3A_257 : memref<1x42x128xi32, #tpu.memory_space<hbm>> -> memref<42x128xi32, #tpu.memory_space<hbm>>
      tpu.enqueue_dma source(%dma_start3A_258 : memref<42x128xi32, #tpu.memory_space<hbm>>) target(%arg7 : memref<42x128xi32, #tpu.memory_space<vmem>>) target_semaphore(%run_scoped3A : memref<!tpu.dma_semaphore, #tpu.memory_space<semaphore_mem>>)
      %dma_wait3A_259 = arith.constant 0 : i32
      %dma_wait3A_260 = arith.constant 0 : i32
      %dma_wait3A_261 = tpu.memref_slice %arg3[%add3A_65, %dma_wait3A_259, %dma_wait3A_260] : memref<128x42x128xi32, #tpu.memory_space<hbm>> -> memref<1x42x128xi32, #tpu.memory_space<hbm>>
      %dma_wait3A_262 = tpu.memref_squeeze %dma_wait3A_261 : memref<1x42x128xi32, #tpu.memory_space<hbm>> -> memref<42x128xi32, #tpu.memory_space<hbm>>
      %dma_wait3A_263 = arith.constant 0 : i32
      %dma_wait3A_264 = arith.constant 0 : i32
      %dma_wait3A_265 = tpu.memref_slice %arg3[%add3A_65, %dma_wait3A_263, %dma_wait3A_264] : memref<128x42x128xi32, #tpu.memory_space<hbm>> -> memref<1x42x128xi32, #tpu.memory_space<hbm>>
      %dma_wait3A_266 = tpu.memref_squeeze %dma_wait3A_265 : memref<1x42x128xi32, #tpu.memory_space<hbm>> -> memref<42x128xi32, #tpu.memory_space<hbm>>
      tpu.wait_dma2 semaphore(%run_scoped3A : memref<!tpu.dma_semaphore, #tpu.memory_space<semaphore_mem>>) src(%dma_wait3A_266 : memref<42x128xi32, #tpu.memory_space<hbm>>) dst(%arg7 : memref<42x128xi32, #tpu.memory_space<vmem>>)
      tpu.yield
    }) : () -> ()
    %mul3A_66 = arith.constant 4 : i32
    %mul3A_67 = arith.muli %arg1, %mul3A_66 : i32
    %add3A_68 = arith.constant 1 : i32
    %add3A_69 = arith.addi %mul3A_67, %add3A_68 : i32
    "tpu.region"() ({
      %run_scoped3A = tpu.sem_alloc : memref<!tpu.dma_semaphore, #tpu.memory_space<semaphore_mem>>
      %dma_start3A_251 = arith.constant 0 : i32
      %dma_start3A_252 = arith.constant 0 : i32
      %dma_start3A_253 = tpu.memref_slice %arg4[%add3A_69, %dma_start3A_251, %dma_start3A_252] : memref<64x42x128xi32, #tpu.memory_space<hbm>> -> memref<1x42x128xi32, #tpu.memory_space<hbm>>
      %dma_start3A_254 = tpu.memref_squeeze %dma_start3A_253 : memref<1x42x128xi32, #tpu.memory_space<hbm>> -> memref<42x128xi32, #tpu.memory_space<hbm>>
      %dma_start3A_255 = arith.constant 0 : i32
      %dma_start3A_256 = arith.constant 0 : i32
      %dma_start3A_257 = tpu.memref_slice %arg4[%add3A_69, %dma_start3A_255, %dma_start3A_256] : memref<64x42x128xi32, #tpu.memory_space<hbm>> -> memref<1x42x128xi32, #tpu.memory_space<hbm>>
      %dma_start3A_258 = tpu.memref_squeeze %dma_start3A_257 : memref<1x42x128xi32, #tpu.memory_space<hbm>> -> memref<42x128xi32, #tpu.memory_space<hbm>>
      tpu.enqueue_dma source(%dma_start3A_258 : memref<42x128xi32, #tpu.memory_space<hbm>>) target(%arg8 : memref<42x128xi32, #tpu.memory_space<vmem>>) target_semaphore(%run_scoped3A : memref<!tpu.dma_semaphore, #tpu.memory_space<semaphore_mem>>)
      %dma_wait3A_259 = arith.constant 0 : i32
      %dma_wait3A_260 = arith.constant 0 : i32
      %dma_wait3A_261 = tpu.memref_slice %arg4[%add3A_69, %dma_wait3A_259, %dma_wait3A_260] : memref<64x42x128xi32, #tpu.memory_space<hbm>> -> memref<1x42x128xi32, #tpu.memory_space<hbm>>
      %dma_wait3A_262 = tpu.memref_squeeze %dma_wait3A_261 : memref<1x42x128xi32, #tpu.memory_space<hbm>> -> memref<42x128xi32, #tpu.memory_space<hbm>>
      %dma_wait3A_263 = arith.constant 0 : i32
      %dma_wait3A_264 = arith.constant 0 : i32
      %dma_wait3A_265 = tpu.memref_slice %arg4[%add3A_69, %dma_wait3A_263, %dma_wait3A_264] : memref<64x42x128xi32, #tpu.memory_space<hbm>> -> memref<1x42x128xi32, #tpu.memory_space<hbm>>
      %dma_wait3A_266 = tpu.memref_squeeze %dma_wait3A_265 : memref<1x42x128xi32, #tpu.memory_space<hbm>> -> memref<42x128xi32, #tpu.memory_space<hbm>>
      tpu.wait_dma2 semaphore(%run_scoped3A : memref<!tpu.dma_semaphore, #tpu.memory_space<semaphore_mem>>) src(%dma_wait3A_266 : memref<42x128xi32, #tpu.memory_space<hbm>>) dst(%arg8 : memref<42x128xi32, #tpu.memory_space<vmem>>)
      tpu.yield
    }) : () -> ()
    %dma_start3A_70 = arith.constant 0 : i32
    %dma_start3A_71 = arith.constant 0 : i32
    %dma_start3A_72 = arith.constant 0 : i32
    %dma_start3A_73 = arith.constant 0 : i32
    %dma_start3A_74 = tpu.memref_slice %arg9[%dma_start3A_71, %dma_start3A_72, %dma_start3A_73] : memref<2x128x128xf32, #tpu.memory_space<vmem>> -> memref<1x128x128xf32, #tpu.memory_space<vmem>>
    %dma_start3A_75 = tpu.memref_squeeze %dma_start3A_74 : memref<1x128x128xf32, #tpu.memory_space<vmem>> -> memref<128x128xf32, #tpu.memory_space<vmem>>
    %dma_start3A_76 = arith.constant 0 : i32
    %dma_start3A_77 = tpu.memref_slice %arg7[%dma_start3A_70, %dma_start3A_76] : memref<42x128xi32, #tpu.memory_space<vmem>> -> memref<1x128xi32, #tpu.memory_space<vmem>>
    %dma_start3A_78 = tpu.memref_squeeze %dma_start3A_77 : memref<1x128xi32, #tpu.memory_space<vmem>> -> memref<128xi32, #tpu.memory_space<vmem>>
    %dma_start3A_79 = arith.constant 0 : i32
    %dma_start3A_80 = arith.constant 0 : i32
    %dma_start3A_81 = tpu.memref_slice %arg2[%dma_start3A_79, %dma_start3A_80] : memref<20480x128xf32, #tpu.memory_space<hbm>> -> memref<20480x128xf32, #tpu.memory_space<hbm>>
    tpu.enqueue_indirect_dma source(%dma_start3A_81 : memref<20480x128xf32, #tpu.memory_space<hbm>>) target(%dma_start3A_75 : memref<128x128xf32, #tpu.memory_space<vmem>>) offsets(%dma_start3A_78 : memref<128xi32, #tpu.memory_space<vmem>>) semaphore(%arg11 : memref<!tpu.dma_semaphore, #tpu.memory_space<semaphore_mem>>)
    %dma_start3A_82 = arith.constant 1 : i32
    %dma_start3A_83 = arith.constant 1 : i32
    %dma_start3A_84 = arith.constant 0 : i32
    %dma_start3A_85 = arith.constant 0 : i32
    %dma_start3A_86 = tpu.memref_slice %arg9[%dma_start3A_83, %dma_start3A_84, %dma_start3A_85] : memref<2x128x128xf32, #tpu.memory_space<vmem>> -> memref<1x128x128xf32, #tpu.memory_space<vmem>>
    %dma_start3A_87 = tpu.memref_squeeze %dma_start3A_86 : memref<1x128x128xf32, #tpu.memory_space<vmem>> -> memref<128x128xf32, #tpu.memory_space<vmem>>
    %dma_start3A_88 = arith.constant 0 : i32
    %dma_start3A_89 = tpu.memref_slice %arg7[%dma_start3A_82, %dma_start3A_88] : memref<42x128xi32, #tpu.memory_space<vmem>> -> memref<1x128xi32, #tpu.memory_space<vmem>>
    %dma_start3A_90 = tpu.memref_squeeze %dma_start3A_89 : memref<1x128xi32, #tpu.memory_space<vmem>> -> memref<128xi32, #tpu.memory_space<vmem>>
    %dma_start3A_91 = arith.constant 0 : i32
    %dma_start3A_92 = arith.constant 0 : i32
    %dma_start3A_93 = tpu.memref_slice %arg2[%dma_start3A_91, %dma_start3A_92] : memref<20480x128xf32, #tpu.memory_space<hbm>> -> memref<20480x128xf32, #tpu.memory_space<hbm>>
    tpu.enqueue_indirect_dma source(%dma_start3A_93 : memref<20480x128xf32, #tpu.memory_space<hbm>>) target(%dma_start3A_87 : memref<128x128xf32, #tpu.memory_space<vmem>>) offsets(%dma_start3A_90 : memref<128xi32, #tpu.memory_space<vmem>>) semaphore(%arg12 : memref<!tpu.dma_semaphore, #tpu.memory_space<semaphore_mem>>)
    %scan3A_94 = arith.constant 0 : i32
    %scan3A_95 = arith.constant 0 : i32
    %scan3A_96 = arith.constant 20 : i32
    %scan3A_97 = arith.addi %scan3A_95, %scan3A_96 : i32
    %scan3A_98 = arith.constant 1 : i32
    scf.for %scan3A_251 = %scan3A_95 to %scan3A_97 step %scan3A_98  : i32 {
      %mul3A_252 = arith.constant 2 : i32
      %mul3A_253 = arith.muli %scan3A_251, %mul3A_252 : i32
      %add3A_254 = arith.constant 0 : i32
      %add3A_255 = arith.addi %mul3A_253, %add3A_254 : i32
      %dma_wait3A_256 = arith.constant 0 : i32
      %dma_wait3A_257 = arith.constant 0 : i32
      %dma_wait3A_258 = arith.constant 0 : i32
      %dma_wait3A_259 = tpu.memref_slice %arg9[%dma_wait3A_256, %dma_wait3A_257, %dma_wait3A_258] : memref<2x128x128xf32, #tpu.memory_space<vmem>> -> memref<1x128x128xf32, #tpu.memory_space<vmem>>
      %dma_wait3A_260 = tpu.memref_squeeze %dma_wait3A_259 : memref<1x128x128xf32, #tpu.memory_space<vmem>> -> memref<128x128xf32, #tpu.memory_space<vmem>>
      %dma_wait3A_261 = arith.constant 0 : i32
      %dma_wait3A_262 = tpu.memref_slice %arg7[%add3A_255, %dma_wait3A_261] : memref<42x128xi32, #tpu.memory_space<vmem>> -> memref<1x128xi32, #tpu.memory_space<vmem>>
      %dma_wait3A_263 = tpu.memref_squeeze %dma_wait3A_262 : memref<1x128xi32, #tpu.memory_space<vmem>> -> memref<128xi32, #tpu.memory_space<vmem>>
      %dma_wait3A_264 = arith.constant 0 : i32
      %dma_wait3A_265 = arith.constant 0 : i32
      %dma_wait3A_266 = tpu.memref_slice %arg2[%dma_wait3A_264, %dma_wait3A_265] : memref<20480x128xf32, #tpu.memory_space<hbm>> -> memref<20480x128xf32, #tpu.memory_space<hbm>>
      tpu.wait_indirect_dma semaphore(%arg11 : memref<!tpu.dma_semaphore, #tpu.memory_space<semaphore_mem>>) src(%dma_wait3A_266 : memref<20480x128xf32, #tpu.memory_space<hbm>>) dst(%dma_wait3A_260 : memref<128x128xf32, #tpu.memory_space<vmem>>)
      %run_scoped3A = arith.constant 0 : i32
      "tpu.region"() ({
        %run_scoped3A_309 = tpu.sem_alloc : memref<!tpu.dma_semaphore, #tpu.memory_space<semaphore_mem>>
        %dma_start3A_310 = arith.constant 0 : i32
        %dma_start3A_311 = arith.constant 0 : i32
        %dma_start3A_312 = tpu.memref_slice %arg9[%run_scoped3A, %dma_start3A_310, %dma_start3A_311] : memref<2x128x128xf32, #tpu.memory_space<vmem>> -> memref<1x128x128xf32, #tpu.memory_space<vmem>>
        %dma_start3A_313 = tpu.memref_squeeze %dma_start3A_312 : memref<1x128x128xf32, #tpu.memory_space<vmem>> -> memref<128x128xf32, #tpu.memory_space<vmem>>
        %dma_start3A_314 = arith.constant 0 : i32
        %dma_start3A_315 = tpu.memref_slice %arg8[%add3A_255, %dma_start3A_314] : memref<42x128xi32, #tpu.memory_space<vmem>> -> memref<1x128xi32, #tpu.memory_space<vmem>>
        %dma_start3A_316 = tpu.memref_squeeze %dma_start3A_315 : memref<1x128xi32, #tpu.memory_space<vmem>> -> memref<128xi32, #tpu.memory_space<vmem>>
        %dma_start3A_317 = arith.constant 0 : i32
        %dma_start3A_318 = arith.constant 0 : i32
        %dma_start3A_319 = tpu.memref_slice %arg10[%dma_start3A_317, %dma_start3A_318] : memref<10240x128xf32, #tpu.memory_space<vmem_shared>> -> memref<10240x128xf32, #tpu.memory_space<vmem_shared>>
        tpu.enqueue_indirect_dma source(%dma_start3A_313 : memref<128x128xf32, #tpu.memory_space<vmem>>) target(%dma_start3A_319 : memref<10240x128xf32, #tpu.memory_space<vmem_shared>>) offsets(%dma_start3A_316 : memref<128xi32, #tpu.memory_space<vmem>>) semaphore(%run_scoped3A_309 : memref<!tpu.dma_semaphore, #tpu.memory_space<semaphore_mem>>) {add = true}
        %dma_wait3A_320 = arith.constant 0 : i32
        %dma_wait3A_321 = arith.constant 0 : i32
        %dma_wait3A_322 = tpu.memref_slice %arg9[%run_scoped3A, %dma_wait3A_320, %dma_wait3A_321] : memref<2x128x128xf32, #tpu.memory_space<vmem>> -> memref<1x128x128xf32, #tpu.memory_space<vmem>>
        %dma_wait3A_323 = tpu.memref_squeeze %dma_wait3A_322 : memref<1x128x128xf32, #tpu.memory_space<vmem>> -> memref<128x128xf32, #tpu.memory_space<vmem>>
        %dma_wait3A_324 = arith.constant 0 : i32
        %dma_wait3A_325 = tpu.memref_slice %arg8[%add3A_255, %dma_wait3A_324] : memref<42x128xi32, #tpu.memory_space<vmem>> -> memref<1x128xi32, #tpu.memory_space<vmem>>
        %dma_wait3A_326 = tpu.memref_squeeze %dma_wait3A_325 : memref<1x128xi32, #tpu.memory_space<vmem>> -> memref<128xi32, #tpu.memory_space<vmem>>
        %dma_wait3A_327 = arith.constant 0 : i32
        %dma_wait3A_328 = arith.constant 0 : i32
        %dma_wait3A_329 = tpu.memref_slice %arg10[%dma_wait3A_327, %dma_wait3A_328] : memref<10240x128xf32, #tpu.memory_space<vmem_shared>> -> memref<10240x128xf32, #tpu.memory_space<vmem_shared>>
        tpu.wait_indirect_dma semaphore(%run_scoped3A_309 : memref<!tpu.dma_semaphore, #tpu.memory_space<semaphore_mem>>) src(%dma_wait3A_323 : memref<128x128xf32, #tpu.memory_space<vmem>>) dst(%dma_wait3A_329 : memref<10240x128xf32, #tpu.memory_space<vmem_shared>>)
        tpu.yield
      }) : () -> ()
      %add3A_267 = arith.constant 2 : i32
      %add3A_268 = arith.addi %add3A_255, %add3A_267 : i32
      %dma_start3A_269 = arith.constant 0 : i32
      %dma_start3A_270 = arith.constant 0 : i32
      %dma_start3A_271 = arith.constant 0 : i32
      %dma_start3A_272 = tpu.memref_slice %arg9[%dma_start3A_269, %dma_start3A_270, %dma_start3A_271] : memref<2x128x128xf32, #tpu.memory_space<vmem>> -> memref<1x128x128xf32, #tpu.memory_space<vmem>>
      %dma_start3A_273 = tpu.memref_squeeze %dma_start3A_272 : memref<1x128x128xf32, #tpu.memory_space<vmem>> -> memref<128x128xf32, #tpu.memory_space<vmem>>
      %dma_start3A_274 = arith.constant 0 : i32
      %dma_start3A_275 = tpu.memref_slice %arg7[%add3A_268, %dma_start3A_274] : memref<42x128xi32, #tpu.memory_space<vmem>> -> memref<1x128xi32, #tpu.memory_space<vmem>>
      %dma_start3A_276 = tpu.memref_squeeze %dma_start3A_275 : memref<1x128xi32, #tpu.memory_space<vmem>> -> memref<128xi32, #tpu.memory_space<vmem>>
      %dma_start3A_277 = arith.constant 0 : i32
      %dma_start3A_278 = arith.constant 0 : i32
      %dma_start3A_279 = tpu.memref_slice %arg2[%dma_start3A_277, %dma_start3A_278] : memref<20480x128xf32, #tpu.memory_space<hbm>> -> memref<20480x128xf32, #tpu.memory_space<hbm>>
      tpu.enqueue_indirect_dma source(%dma_start3A_279 : memref<20480x128xf32, #tpu.memory_space<hbm>>) target(%dma_start3A_273 : memref<128x128xf32, #tpu.memory_space<vmem>>) offsets(%dma_start3A_276 : memref<128xi32, #tpu.memory_space<vmem>>) semaphore(%arg11 : memref<!tpu.dma_semaphore, #tpu.memory_space<semaphore_mem>>)
      %mul3A_280 = arith.constant 2 : i32
      %mul3A_281 = arith.muli %scan3A_251, %mul3A_280 : i32
      %add3A_282 = arith.constant 1 : i32
      %add3A_283 = arith.addi %mul3A_281, %add3A_282 : i32
      %dma_wait3A_284 = arith.constant 1 : i32
      %dma_wait3A_285 = arith.constant 0 : i32
      %dma_wait3A_286 = arith.constant 0 : i32
      %dma_wait3A_287 = tpu.memref_slice %arg9[%dma_wait3A_284, %dma_wait3A_285, %dma_wait3A_286] : memref<2x128x128xf32, #tpu.memory_space<vmem>> -> memref<1x128x128xf32, #tpu.memory_space<vmem>>
      %dma_wait3A_288 = tpu.memref_squeeze %dma_wait3A_287 : memref<1x128x128xf32, #tpu.memory_space<vmem>> -> memref<128x128xf32, #tpu.memory_space<vmem>>
      %dma_wait3A_289 = arith.constant 0 : i32
      %dma_wait3A_290 = tpu.memref_slice %arg7[%add3A_283, %dma_wait3A_289] : memref<42x128xi32, #tpu.memory_space<vmem>> -> memref<1x128xi32, #tpu.memory_space<vmem>>
      %dma_wait3A_291 = tpu.memref_squeeze %dma_wait3A_290 : memref<1x128xi32, #tpu.memory_space<vmem>> -> memref<128xi32, #tpu.memory_space<vmem>>
      %dma_wait3A_292 = arith.constant 0 : i32
      %dma_wait3A_293 = arith.constant 0 : i32
      %dma_wait3A_294 = tpu.memref_slice %arg2[%dma_wait3A_292, %dma_wait3A_293] : memref<20480x128xf32, #tpu.memory_space<hbm>> -> memref<20480x128xf32, #tpu.memory_space<hbm>>
      tpu.wait_indirect_dma semaphore(%arg12 : memref<!tpu.dma_semaphore, #tpu.memory_space<semaphore_mem>>) src(%dma_wait3A_294 : memref<20480x128xf32, #tpu.memory_space<hbm>>) dst(%dma_wait3A_288 : memref<128x128xf32, #tpu.memory_space<vmem>>)
      %run_scoped3A_295 = arith.constant 1 : i32
      "tpu.region"() ({
        %run_scoped3A_309 = tpu.sem_alloc : memref<!tpu.dma_semaphore, #tpu.memory_space<semaphore_mem>>
        %dma_start3A_310 = arith.constant 0 : i32
        %dma_start3A_311 = arith.constant 0 : i32
        %dma_start3A_312 = tpu.memref_slice %arg9[%run_scoped3A_295, %dma_start3A_310, %dma_start3A_311] : memref<2x128x128xf32, #tpu.memory_space<vmem>> -> memref<1x128x128xf32, #tpu.memory_space<vmem>>
        %dma_start3A_313 = tpu.memref_squeeze %dma_start3A_312 : memref<1x128x128xf32, #tpu.memory_space<vmem>> -> memref<128x128xf32, #tpu.memory_space<vmem>>
        %dma_start3A_314 = arith.constant 0 : i32
        %dma_start3A_315 = tpu.memref_slice %arg8[%add3A_283, %dma_start3A_314] : memref<42x128xi32, #tpu.memory_space<vmem>> -> memref<1x128xi32, #tpu.memory_space<vmem>>
        %dma_start3A_316 = tpu.memref_squeeze %dma_start3A_315 : memref<1x128xi32, #tpu.memory_space<vmem>> -> memref<128xi32, #tpu.memory_space<vmem>>
        %dma_start3A_317 = arith.constant 0 : i32
        %dma_start3A_318 = arith.constant 0 : i32
        %dma_start3A_319 = tpu.memref_slice %arg10[%dma_start3A_317, %dma_start3A_318] : memref<10240x128xf32, #tpu.memory_space<vmem_shared>> -> memref<10240x128xf32, #tpu.memory_space<vmem_shared>>
        tpu.enqueue_indirect_dma source(%dma_start3A_313 : memref<128x128xf32, #tpu.memory_space<vmem>>) target(%dma_start3A_319 : memref<10240x128xf32, #tpu.memory_space<vmem_shared>>) offsets(%dma_start3A_316 : memref<128xi32, #tpu.memory_space<vmem>>) semaphore(%run_scoped3A_309 : memref<!tpu.dma_semaphore, #tpu.memory_space<semaphore_mem>>) {add = true}
        %dma_wait3A_320 = arith.constant 0 : i32
        %dma_wait3A_321 = arith.constant 0 : i32
        %dma_wait3A_322 = tpu.memref_slice %arg9[%run_scoped3A_295, %dma_wait3A_320, %dma_wait3A_321] : memref<2x128x128xf32, #tpu.memory_space<vmem>> -> memref<1x128x128xf32, #tpu.memory_space<vmem>>
        %dma_wait3A_323 = tpu.memref_squeeze %dma_wait3A_322 : memref<1x128x128xf32, #tpu.memory_space<vmem>> -> memref<128x128xf32, #tpu.memory_space<vmem>>
        %dma_wait3A_324 = arith.constant 0 : i32
        %dma_wait3A_325 = tpu.memref_slice %arg8[%add3A_283, %dma_wait3A_324] : memref<42x128xi32, #tpu.memory_space<vmem>> -> memref<1x128xi32, #tpu.memory_space<vmem>>
        %dma_wait3A_326 = tpu.memref_squeeze %dma_wait3A_325 : memref<1x128xi32, #tpu.memory_space<vmem>> -> memref<128xi32, #tpu.memory_space<vmem>>
        %dma_wait3A_327 = arith.constant 0 : i32
        %dma_wait3A_328 = arith.constant 0 : i32
        %dma_wait3A_329 = tpu.memref_slice %arg10[%dma_wait3A_327, %dma_wait3A_328] : memref<10240x128xf32, #tpu.memory_space<vmem_shared>> -> memref<10240x128xf32, #tpu.memory_space<vmem_shared>>
        tpu.wait_indirect_dma semaphore(%run_scoped3A_309 : memref<!tpu.dma_semaphore, #tpu.memory_space<semaphore_mem>>) src(%dma_wait3A_323 : memref<128x128xf32, #tpu.memory_space<vmem>>) dst(%dma_wait3A_329 : memref<10240x128xf32, #tpu.memory_space<vmem_shared>>)
        tpu.yield
      }) : () -> ()
      %add3A_296 = arith.constant 2 : i32
      %add3A_297 = arith.addi %add3A_283, %add3A_296 : i32
      %dma_start3A_298 = arith.constant 1 : i32
      %dma_start3A_299 = arith.constant 0 : i32
      %dma_start3A_300 = arith.constant 0 : i32
      %dma_start3A_301 = tpu.memref_slice %arg9[%dma_start3A_298, %dma_start3A_299, %dma_start3A_300] : memref<2x128x128xf32, #tpu.memory_space<vmem>> -> memref<1x128x128xf32, #tpu.memory_space<vmem>>
      %dma_start3A_302 = tpu.memref_squeeze %dma_start3A_301 : memref<1x128x128xf32, #tpu.memory_space<vmem>> -> memref<128x128xf32, #tpu.memory_space<vmem>>
      %dma_start3A_303 = arith.constant 0 : i32
      %dma_start3A_304 = tpu.memref_slice %arg7[%add3A_297, %dma_start3A_303] : memref<42x128xi32, #tpu.memory_space<vmem>> -> memref<1x128xi32, #tpu.memory_space<vmem>>
      %dma_start3A_305 = tpu.memref_squeeze %dma_start3A_304 : memref<1x128xi32, #tpu.memory_space<vmem>> -> memref<128xi32, #tpu.memory_space<vmem>>
      %dma_start3A_306 = arith.constant 0 : i32
      %dma_start3A_307 = arith.constant 0 : i32
      %dma_start3A_308 = tpu.memref_slice %arg2[%dma_start3A_306, %dma_start3A_307] : memref<20480x128xf32, #tpu.memory_space<hbm>> -> memref<20480x128xf32, #tpu.memory_space<hbm>>
      tpu.enqueue_indirect_dma source(%dma_start3A_308 : memref<20480x128xf32, #tpu.memory_space<hbm>>) target(%dma_start3A_302 : memref<128x128xf32, #tpu.memory_space<vmem>>) offsets(%dma_start3A_305 : memref<128xi32, #tpu.memory_space<vmem>>) semaphore(%arg12 : memref<!tpu.dma_semaphore, #tpu.memory_space<semaphore_mem>>)
    }
    %scan3A_99 = arith.constant 20 : i32
    %dma_wait3A_100 = arith.constant 40 : i32
    %dma_wait3A_101 = arith.constant 0 : i32
    %dma_wait3A_102 = arith.constant 0 : i32
    %dma_wait3A_103 = arith.constant 0 : i32
    %dma_wait3A_104 = tpu.memref_slice %arg9[%dma_wait3A_101, %dma_wait3A_102, %dma_wait3A_103] : memref<2x128x128xf32, #tpu.memory_space<vmem>> -> memref<1x128x128xf32, #tpu.memory_space<vmem>>
    %dma_wait3A_105 = tpu.memref_squeeze %dma_wait3A_104 : memref<1x128x128xf32, #tpu.memory_space<vmem>> -> memref<128x128xf32, #tpu.memory_space<vmem>>
    %dma_wait3A_106 = arith.constant 0 : i32
    %dma_wait3A_107 = tpu.memref_slice %arg7[%dma_wait3A_100, %dma_wait3A_106] : memref<42x128xi32, #tpu.memory_space<vmem>> -> memref<1x128xi32, #tpu.memory_space<vmem>>
    %dma_wait3A_108 = tpu.memref_squeeze %dma_wait3A_107 : memref<1x128xi32, #tpu.memory_space<vmem>> -> memref<128xi32, #tpu.memory_space<vmem>>
    %dma_wait3A_109 = arith.constant 0 : i32
    %dma_wait3A_110 = arith.constant 0 : i32
    %dma_wait3A_111 = tpu.memref_slice %arg2[%dma_wait3A_109, %dma_wait3A_110] : memref<20480x128xf32, #tpu.memory_space<hbm>> -> memref<20480x128xf32, #tpu.memory_space<hbm>>
    tpu.wait_indirect_dma semaphore(%arg11 : memref<!tpu.dma_semaphore, #tpu.memory_space<semaphore_mem>>) src(%dma_wait3A_111 : memref<20480x128xf32, #tpu.memory_space<hbm>>) dst(%dma_wait3A_105 : memref<128x128xf32, #tpu.memory_space<vmem>>)
    %dma_wait3A_112 = arith.constant 41 : i32
    %dma_wait3A_113 = arith.constant 1 : i32
    %dma_wait3A_114 = arith.constant 0 : i32
    %dma_wait3A_115 = arith.constant 0 : i32
    %dma_wait3A_116 = tpu.memref_slice %arg9[%dma_wait3A_113, %dma_wait3A_114, %dma_wait3A_115] : memref<2x128x128xf32, #tpu.memory_space<vmem>> -> memref<1x128x128xf32, #tpu.memory_space<vmem>>
    %dma_wait3A_117 = tpu.memref_squeeze %dma_wait3A_116 : memref<1x128x128xf32, #tpu.memory_space<vmem>> -> memref<128x128xf32, #tpu.memory_space<vmem>>
    %dma_wait3A_118 = arith.constant 0 : i32
    %dma_wait3A_119 = tpu.memref_slice %arg7[%dma_wait3A_112, %dma_wait3A_118] : memref<42x128xi32, #tpu.memory_space<vmem>> -> memref<1x128xi32, #tpu.memory_space<vmem>>
    %dma_wait3A_120 = tpu.memref_squeeze %dma_wait3A_119 : memref<1x128xi32, #tpu.memory_space<vmem>> -> memref<128xi32, #tpu.memory_space<vmem>>
    %dma_wait3A_121 = arith.constant 0 : i32
    %dma_wait3A_122 = arith.constant 0 : i32
    %dma_wait3A_123 = tpu.memref_slice %arg2[%dma_wait3A_121, %dma_wait3A_122] : memref<20480x128xf32, #tpu.memory_space<hbm>> -> memref<20480x128xf32, #tpu.memory_space<hbm>>
    tpu.wait_indirect_dma semaphore(%arg12 : memref<!tpu.dma_semaphore, #tpu.memory_space<semaphore_mem>>) src(%dma_wait3A_123 : memref<20480x128xf32, #tpu.memory_space<hbm>>) dst(%dma_wait3A_117 : memref<128x128xf32, #tpu.memory_space<vmem>>)
    %mul3A_124 = arith.constant 4 : i32
    %mul3A_125 = arith.muli %add3A, %mul3A_124 : i32
    %add3A_126 = arith.constant 2 : i32
    %add3A_127 = arith.addi %mul3A_125, %add3A_126 : i32
    "tpu.region"() ({
      %run_scoped3A = tpu.sem_alloc : memref<!tpu.dma_semaphore, #tpu.memory_space<semaphore_mem>>
      %dma_start3A_251 = arith.constant 0 : i32
      %dma_start3A_252 = arith.constant 0 : i32
      %dma_start3A_253 = tpu.memref_slice %arg3[%add3A_127, %dma_start3A_251, %dma_start3A_252] : memref<128x42x128xi32, #tpu.memory_space<hbm>> -> memref<1x42x128xi32, #tpu.memory_space<hbm>>
      %dma_start3A_254 = tpu.memref_squeeze %dma_start3A_253 : memref<1x42x128xi32, #tpu.memory_space<hbm>> -> memref<42x128xi32, #tpu.memory_space<hbm>>
      %dma_start3A_255 = arith.constant 0 : i32
      %dma_start3A_256 = arith.constant 0 : i32
      %dma_start3A_257 = tpu.memref_slice %arg3[%add3A_127, %dma_start3A_255, %dma_start3A_256] : memref<128x42x128xi32, #tpu.memory_space<hbm>> -> memref<1x42x128xi32, #tpu.memory_space<hbm>>
      %dma_start3A_258 = tpu.memref_squeeze %dma_start3A_257 : memref<1x42x128xi32, #tpu.memory_space<hbm>> -> memref<42x128xi32, #tpu.memory_space<hbm>>
      tpu.enqueue_dma source(%dma_start3A_258 : memref<42x128xi32, #tpu.memory_space<hbm>>) target(%arg7 : memref<42x128xi32, #tpu.memory_space<vmem>>) target_semaphore(%run_scoped3A : memref<!tpu.dma_semaphore, #tpu.memory_space<semaphore_mem>>)
      %dma_wait3A_259 = arith.constant 0 : i32
      %dma_wait3A_260 = arith.constant 0 : i32
      %dma_wait3A_261 = tpu.memref_slice %arg3[%add3A_127, %dma_wait3A_259, %dma_wait3A_260] : memref<128x42x128xi32, #tpu.memory_space<hbm>> -> memref<1x42x128xi32, #tpu.memory_space<hbm>>
      %dma_wait3A_262 = tpu.memref_squeeze %dma_wait3A_261 : memref<1x42x128xi32, #tpu.memory_space<hbm>> -> memref<42x128xi32, #tpu.memory_space<hbm>>
      %dma_wait3A_263 = arith.constant 0 : i32
      %dma_wait3A_264 = arith.constant 0 : i32
      %dma_wait3A_265 = tpu.memref_slice %arg3[%add3A_127, %dma_wait3A_263, %dma_wait3A_264] : memref<128x42x128xi32, #tpu.memory_space<hbm>> -> memref<1x42x128xi32, #tpu.memory_space<hbm>>
      %dma_wait3A_266 = tpu.memref_squeeze %dma_wait3A_265 : memref<1x42x128xi32, #tpu.memory_space<hbm>> -> memref<42x128xi32, #tpu.memory_space<hbm>>
      tpu.wait_dma2 semaphore(%run_scoped3A : memref<!tpu.dma_semaphore, #tpu.memory_space<semaphore_mem>>) src(%dma_wait3A_266 : memref<42x128xi32, #tpu.memory_space<hbm>>) dst(%arg7 : memref<42x128xi32, #tpu.memory_space<vmem>>)
      tpu.yield
    }) : () -> ()
    %mul3A_128 = arith.constant 4 : i32
    %mul3A_129 = arith.muli %arg1, %mul3A_128 : i32
    %add3A_130 = arith.constant 2 : i32
    %add3A_131 = arith.addi %mul3A_129, %add3A_130 : i32
    "tpu.region"() ({
      %run_scoped3A = tpu.sem_alloc : memref<!tpu.dma_semaphore, #tpu.memory_space<semaphore_mem>>
      %dma_start3A_251 = arith.constant 0 : i32
      %dma_start3A_252 = arith.constant 0 : i32
      %dma_start3A_253 = tpu.memref_slice %arg4[%add3A_131, %dma_start3A_251, %dma_start3A_252] : memref<64x42x128xi32, #tpu.memory_space<hbm>> -> memref<1x42x128xi32, #tpu.memory_space<hbm>>
      %dma_start3A_254 = tpu.memref_squeeze %dma_start3A_253 : memref<1x42x128xi32, #tpu.memory_space<hbm>> -> memref<42x128xi32, #tpu.memory_space<hbm>>
      %dma_start3A_255 = arith.constant 0 : i32
      %dma_start3A_256 = arith.constant 0 : i32
      %dma_start3A_257 = tpu.memref_slice %arg4[%add3A_131, %dma_start3A_255, %dma_start3A_256] : memref<64x42x128xi32, #tpu.memory_space<hbm>> -> memref<1x42x128xi32, #tpu.memory_space<hbm>>
      %dma_start3A_258 = tpu.memref_squeeze %dma_start3A_257 : memref<1x42x128xi32, #tpu.memory_space<hbm>> -> memref<42x128xi32, #tpu.memory_space<hbm>>
      tpu.enqueue_dma source(%dma_start3A_258 : memref<42x128xi32, #tpu.memory_space<hbm>>) target(%arg8 : memref<42x128xi32, #tpu.memory_space<vmem>>) target_semaphore(%run_scoped3A : memref<!tpu.dma_semaphore, #tpu.memory_space<semaphore_mem>>)
      %dma_wait3A_259 = arith.constant 0 : i32
      %dma_wait3A_260 = arith.constant 0 : i32
      %dma_wait3A_261 = tpu.memref_slice %arg4[%add3A_131, %dma_wait3A_259, %dma_wait3A_260] : memref<64x42x128xi32, #tpu.memory_space<hbm>> -> memref<1x42x128xi32, #tpu.memory_space<hbm>>
      %dma_wait3A_262 = tpu.memref_squeeze %dma_wait3A_261 : memref<1x42x128xi32, #tpu.memory_space<hbm>> -> memref<42x128xi32, #tpu.memory_space<hbm>>
      %dma_wait3A_263 = arith.constant 0 : i32
      %dma_wait3A_264 = arith.constant 0 : i32
      %dma_wait3A_265 = tpu.memref_slice %arg4[%add3A_131, %dma_wait3A_263, %dma_wait3A_264] : memref<64x42x128xi32, #tpu.memory_space<hbm>> -> memref<1x42x128xi32, #tpu.memory_space<hbm>>
      %dma_wait3A_266 = tpu.memref_squeeze %dma_wait3A_265 : memref<1x42x128xi32, #tpu.memory_space<hbm>> -> memref<42x128xi32, #tpu.memory_space<hbm>>
      tpu.wait_dma2 semaphore(%run_scoped3A : memref<!tpu.dma_semaphore, #tpu.memory_space<semaphore_mem>>) src(%dma_wait3A_266 : memref<42x128xi32, #tpu.memory_space<hbm>>) dst(%arg8 : memref<42x128xi32, #tpu.memory_space<vmem>>)
      tpu.yield
    }) : () -> ()
    %dma_start3A_132 = arith.constant 0 : i32
    %dma_start3A_133 = arith.constant 0 : i32
    %dma_start3A_134 = arith.constant 0 : i32
    %dma_start3A_135 = arith.constant 0 : i32
    %dma_start3A_136 = tpu.memref_slice %arg9[%dma_start3A_133, %dma_start3A_134, %dma_start3A_135] : memref<2x128x128xf32, #tpu.memory_space<vmem>> -> memref<1x128x128xf32, #tpu.memory_space<vmem>>
    %dma_start3A_137 = tpu.memref_squeeze %dma_start3A_136 : memref<1x128x128xf32, #tpu.memory_space<vmem>> -> memref<128x128xf32, #tpu.memory_space<vmem>>
    %dma_start3A_138 = arith.constant 0 : i32
    %dma_start3A_139 = tpu.memref_slice %arg7[%dma_start3A_132, %dma_start3A_138] : memref<42x128xi32, #tpu.memory_space<vmem>> -> memref<1x128xi32, #tpu.memory_space<vmem>>
    %dma_start3A_140 = tpu.memref_squeeze %dma_start3A_139 : memref<1x128xi32, #tpu.memory_space<vmem>> -> memref<128xi32, #tpu.memory_space<vmem>>
    %dma_start3A_141 = arith.constant 0 : i32
    %dma_start3A_142 = arith.constant 0 : i32
    %dma_start3A_143 = tpu.memref_slice %arg2[%dma_start3A_141, %dma_start3A_142] : memref<20480x128xf32, #tpu.memory_space<hbm>> -> memref<20480x128xf32, #tpu.memory_space<hbm>>
    tpu.enqueue_indirect_dma source(%dma_start3A_143 : memref<20480x128xf32, #tpu.memory_space<hbm>>) target(%dma_start3A_137 : memref<128x128xf32, #tpu.memory_space<vmem>>) offsets(%dma_start3A_140 : memref<128xi32, #tpu.memory_space<vmem>>) semaphore(%arg11 : memref<!tpu.dma_semaphore, #tpu.memory_space<semaphore_mem>>)
    %dma_start3A_144 = arith.constant 1 : i32
    %dma_start3A_145 = arith.constant 1 : i32
    %dma_start3A_146 = arith.constant 0 : i32
    %dma_start3A_147 = arith.constant 0 : i32
    %dma_start3A_148 = tpu.memref_slice %arg9[%dma_start3A_145, %dma_start3A_146, %dma_start3A_147] : memref<2x128x128xf32, #tpu.memory_space<vmem>> -> memref<1x128x128xf32, #tpu.memory_space<vmem>>
    %dma_start3A_149 = tpu.memref_squeeze %dma_start3A_148 : memref<1x128x128xf32, #tpu.memory_space<vmem>> -> memref<128x128xf32, #tpu.memory_space<vmem>>
    %dma_start3A_150 = arith.constant 0 : i32
    %dma_start3A_151 = tpu.memref_slice %arg7[%dma_start3A_144, %dma_start3A_150] : memref<42x128xi32, #tpu.memory_space<vmem>> -> memref<1x128xi32, #tpu.memory_space<vmem>>
    %dma_start3A_152 = tpu.memref_squeeze %dma_start3A_151 : memref<1x128xi32, #tpu.memory_space<vmem>> -> memref<128xi32, #tpu.memory_space<vmem>>
    %dma_start3A_153 = arith.constant 0 : i32
    %dma_start3A_154 = arith.constant 0 : i32
    %dma_start3A_155 = tpu.memref_slice %arg2[%dma_start3A_153, %dma_start3A_154] : memref<20480x128xf32, #tpu.memory_space<hbm>> -> memref<20480x128xf32, #tpu.memory_space<hbm>>
    tpu.enqueue_indirect_dma source(%dma_start3A_155 : memref<20480x128xf32, #tpu.memory_space<hbm>>) target(%dma_start3A_149 : memref<128x128xf32, #tpu.memory_space<vmem>>) offsets(%dma_start3A_152 : memref<128xi32, #tpu.memory_space<vmem>>) semaphore(%arg12 : memref<!tpu.dma_semaphore, #tpu.memory_space<semaphore_mem>>)
    %scan3A_156 = arith.constant 0 : i32
    %scan3A_157 = arith.constant 0 : i32
    %scan3A_158 = arith.constant 20 : i32
    %scan3A_159 = arith.addi %scan3A_157, %scan3A_158 : i32
    %scan3A_160 = arith.constant 1 : i32
    scf.for %scan3A_251 = %scan3A_157 to %scan3A_159 step %scan3A_160  : i32 {
      %mul3A_252 = arith.constant 2 : i32
      %mul3A_253 = arith.muli %scan3A_251, %mul3A_252 : i32
      %add3A_254 = arith.constant 0 : i32
      %add3A_255 = arith.addi %mul3A_253, %add3A_254 : i32
      %dma_wait3A_256 = arith.constant 0 : i32
      %dma_wait3A_257 = arith.constant 0 : i32
      %dma_wait3A_258 = arith.constant 0 : i32
      %dma_wait3A_259 = tpu.memref_slice %arg9[%dma_wait3A_256, %dma_wait3A_257, %dma_wait3A_258] : memref<2x128x128xf32, #tpu.memory_space<vmem>> -> memref<1x128x128xf32, #tpu.memory_space<vmem>>
      %dma_wait3A_260 = tpu.memref_squeeze %dma_wait3A_259 : memref<1x128x128xf32, #tpu.memory_space<vmem>> -> memref<128x128xf32, #tpu.memory_space<vmem>>
      %dma_wait3A_261 = arith.constant 0 : i32
      %dma_wait3A_262 = tpu.memref_slice %arg7[%add3A_255, %dma_wait3A_261] : memref<42x128xi32, #tpu.memory_space<vmem>> -> memref<1x128xi32, #tpu.memory_space<vmem>>
      %dma_wait3A_263 = tpu.memref_squeeze %dma_wait3A_262 : memref<1x128xi32, #tpu.memory_space<vmem>> -> memref<128xi32, #tpu.memory_space<vmem>>
      %dma_wait3A_264 = arith.constant 0 : i32
      %dma_wait3A_265 = arith.constant 0 : i32
      %dma_wait3A_266 = tpu.memref_slice %arg2[%dma_wait3A_264, %dma_wait3A_265] : memref<20480x128xf32, #tpu.memory_space<hbm>> -> memref<20480x128xf32, #tpu.memory_space<hbm>>
      tpu.wait_indirect_dma semaphore(%arg11 : memref<!tpu.dma_semaphore, #tpu.memory_space<semaphore_mem>>) src(%dma_wait3A_266 : memref<20480x128xf32, #tpu.memory_space<hbm>>) dst(%dma_wait3A_260 : memref<128x128xf32, #tpu.memory_space<vmem>>)
      %run_scoped3A = arith.constant 0 : i32
      "tpu.region"() ({
        %run_scoped3A_309 = tpu.sem_alloc : memref<!tpu.dma_semaphore, #tpu.memory_space<semaphore_mem>>
        %dma_start3A_310 = arith.constant 0 : i32
        %dma_start3A_311 = arith.constant 0 : i32
        %dma_start3A_312 = tpu.memref_slice %arg9[%run_scoped3A, %dma_start3A_310, %dma_start3A_311] : memref<2x128x128xf32, #tpu.memory_space<vmem>> -> memref<1x128x128xf32, #tpu.memory_space<vmem>>
        %dma_start3A_313 = tpu.memref_squeeze %dma_start3A_312 : memref<1x128x128xf32, #tpu.memory_space<vmem>> -> memref<128x128xf32, #tpu.memory_space<vmem>>
        %dma_start3A_314 = arith.constant 0 : i32
        %dma_start3A_315 = tpu.memref_slice %arg8[%add3A_255, %dma_start3A_314] : memref<42x128xi32, #tpu.memory_space<vmem>> -> memref<1x128xi32, #tpu.memory_space<vmem>>
        %dma_start3A_316 = tpu.memref_squeeze %dma_start3A_315 : memref<1x128xi32, #tpu.memory_space<vmem>> -> memref<128xi32, #tpu.memory_space<vmem>>
        %dma_start3A_317 = arith.constant 0 : i32
        %dma_start3A_318 = arith.constant 0 : i32
        %dma_start3A_319 = tpu.memref_slice %arg10[%dma_start3A_317, %dma_start3A_318] : memref<10240x128xf32, #tpu.memory_space<vmem_shared>> -> memref<10240x128xf32, #tpu.memory_space<vmem_shared>>
        tpu.enqueue_indirect_dma source(%dma_start3A_313 : memref<128x128xf32, #tpu.memory_space<vmem>>) target(%dma_start3A_319 : memref<10240x128xf32, #tpu.memory_space<vmem_shared>>) offsets(%dma_start3A_316 : memref<128xi32, #tpu.memory_space<vmem>>) semaphore(%run_scoped3A_309 : memref<!tpu.dma_semaphore, #tpu.memory_space<semaphore_mem>>) {add = true}
        %dma_wait3A_320 = arith.constant 0 : i32
        %dma_wait3A_321 = arith.constant 0 : i32
        %dma_wait3A_322 = tpu.memref_slice %arg9[%run_scoped3A, %dma_wait3A_320, %dma_wait3A_321] : memref<2x128x128xf32, #tpu.memory_space<vmem>> -> memref<1x128x128xf32, #tpu.memory_space<vmem>>
        %dma_wait3A_323 = tpu.memref_squeeze %dma_wait3A_322 : memref<1x128x128xf32, #tpu.memory_space<vmem>> -> memref<128x128xf32, #tpu.memory_space<vmem>>
        %dma_wait3A_324 = arith.constant 0 : i32
        %dma_wait3A_325 = tpu.memref_slice %arg8[%add3A_255, %dma_wait3A_324] : memref<42x128xi32, #tpu.memory_space<vmem>> -> memref<1x128xi32, #tpu.memory_space<vmem>>
        %dma_wait3A_326 = tpu.memref_squeeze %dma_wait3A_325 : memref<1x128xi32, #tpu.memory_space<vmem>> -> memref<128xi32, #tpu.memory_space<vmem>>
        %dma_wait3A_327 = arith.constant 0 : i32
        %dma_wait3A_328 = arith.constant 0 : i32
        %dma_wait3A_329 = tpu.memref_slice %arg10[%dma_wait3A_327, %dma_wait3A_328] : memref<10240x128xf32, #tpu.memory_space<vmem_shared>> -> memref<10240x128xf32, #tpu.memory_space<vmem_shared>>
        tpu.wait_indirect_dma semaphore(%run_scoped3A_309 : memref<!tpu.dma_semaphore, #tpu.memory_space<semaphore_mem>>) src(%dma_wait3A_323 : memref<128x128xf32, #tpu.memory_space<vmem>>) dst(%dma_wait3A_329 : memref<10240x128xf32, #tpu.memory_space<vmem_shared>>)
        tpu.yield
      }) : () -> ()
      %add3A_267 = arith.constant 2 : i32
      %add3A_268 = arith.addi %add3A_255, %add3A_267 : i32
      %dma_start3A_269 = arith.constant 0 : i32
      %dma_start3A_270 = arith.constant 0 : i32
      %dma_start3A_271 = arith.constant 0 : i32
      %dma_start3A_272 = tpu.memref_slice %arg9[%dma_start3A_269, %dma_start3A_270, %dma_start3A_271] : memref<2x128x128xf32, #tpu.memory_space<vmem>> -> memref<1x128x128xf32, #tpu.memory_space<vmem>>
      %dma_start3A_273 = tpu.memref_squeeze %dma_start3A_272 : memref<1x128x128xf32, #tpu.memory_space<vmem>> -> memref<128x128xf32, #tpu.memory_space<vmem>>
      %dma_start3A_274 = arith.constant 0 : i32
      %dma_start3A_275 = tpu.memref_slice %arg7[%add3A_268, %dma_start3A_274] : memref<42x128xi32, #tpu.memory_space<vmem>> -> memref<1x128xi32, #tpu.memory_space<vmem>>
      %dma_start3A_276 = tpu.memref_squeeze %dma_start3A_275 : memref<1x128xi32, #tpu.memory_space<vmem>> -> memref<128xi32, #tpu.memory_space<vmem>>
      %dma_start3A_277 = arith.constant 0 : i32
      %dma_start3A_278 = arith.constant 0 : i32
      %dma_start3A_279 = tpu.memref_slice %arg2[%dma_start3A_277, %dma_start3A_278] : memref<20480x128xf32, #tpu.memory_space<hbm>> -> memref<20480x128xf32, #tpu.memory_space<hbm>>
      tpu.enqueue_indirect_dma source(%dma_start3A_279 : memref<20480x128xf32, #tpu.memory_space<hbm>>) target(%dma_start3A_273 : memref<128x128xf32, #tpu.memory_space<vmem>>) offsets(%dma_start3A_276 : memref<128xi32, #tpu.memory_space<vmem>>) semaphore(%arg11 : memref<!tpu.dma_semaphore, #tpu.memory_space<semaphore_mem>>)
      %mul3A_280 = arith.constant 2 : i32
      %mul3A_281 = arith.muli %scan3A_251, %mul3A_280 : i32
      %add3A_282 = arith.constant 1 : i32
      %add3A_283 = arith.addi %mul3A_281, %add3A_282 : i32
      %dma_wait3A_284 = arith.constant 1 : i32
      %dma_wait3A_285 = arith.constant 0 : i32
      %dma_wait3A_286 = arith.constant 0 : i32
      %dma_wait3A_287 = tpu.memref_slice %arg9[%dma_wait3A_284, %dma_wait3A_285, %dma_wait3A_286] : memref<2x128x128xf32, #tpu.memory_space<vmem>> -> memref<1x128x128xf32, #tpu.memory_space<vmem>>
      %dma_wait3A_288 = tpu.memref_squeeze %dma_wait3A_287 : memref<1x128x128xf32, #tpu.memory_space<vmem>> -> memref<128x128xf32, #tpu.memory_space<vmem>>
      %dma_wait3A_289 = arith.constant 0 : i32
      %dma_wait3A_290 = tpu.memref_slice %arg7[%add3A_283, %dma_wait3A_289] : memref<42x128xi32, #tpu.memory_space<vmem>> -> memref<1x128xi32, #tpu.memory_space<vmem>>
      %dma_wait3A_291 = tpu.memref_squeeze %dma_wait3A_290 : memref<1x128xi32, #tpu.memory_space<vmem>> -> memref<128xi32, #tpu.memory_space<vmem>>
      %dma_wait3A_292 = arith.constant 0 : i32
      %dma_wait3A_293 = arith.constant 0 : i32
      %dma_wait3A_294 = tpu.memref_slice %arg2[%dma_wait3A_292, %dma_wait3A_293] : memref<20480x128xf32, #tpu.memory_space<hbm>> -> memref<20480x128xf32, #tpu.memory_space<hbm>>
      tpu.wait_indirect_dma semaphore(%arg12 : memref<!tpu.dma_semaphore, #tpu.memory_space<semaphore_mem>>) src(%dma_wait3A_294 : memref<20480x128xf32, #tpu.memory_space<hbm>>) dst(%dma_wait3A_288 : memref<128x128xf32, #tpu.memory_space<vmem>>)
      %run_scoped3A_295 = arith.constant 1 : i32
      "tpu.region"() ({
        %run_scoped3A_309 = tpu.sem_alloc : memref<!tpu.dma_semaphore, #tpu.memory_space<semaphore_mem>>
        %dma_start3A_310 = arith.constant 0 : i32
        %dma_start3A_311 = arith.constant 0 : i32
        %dma_start3A_312 = tpu.memref_slice %arg9[%run_scoped3A_295, %dma_start3A_310, %dma_start3A_311] : memref<2x128x128xf32, #tpu.memory_space<vmem>> -> memref<1x128x128xf32, #tpu.memory_space<vmem>>
        %dma_start3A_313 = tpu.memref_squeeze %dma_start3A_312 : memref<1x128x128xf32, #tpu.memory_space<vmem>> -> memref<128x128xf32, #tpu.memory_space<vmem>>
        %dma_start3A_314 = arith.constant 0 : i32
        %dma_start3A_315 = tpu.memref_slice %arg8[%add3A_283, %dma_start3A_314] : memref<42x128xi32, #tpu.memory_space<vmem>> -> memref<1x128xi32, #tpu.memory_space<vmem>>
        %dma_start3A_316 = tpu.memref_squeeze %dma_start3A_315 : memref<1x128xi32, #tpu.memory_space<vmem>> -> memref<128xi32, #tpu.memory_space<vmem>>
        %dma_start3A_317 = arith.constant 0 : i32
        %dma_start3A_318 = arith.constant 0 : i32
        %dma_start3A_319 = tpu.memref_slice %arg10[%dma_start3A_317, %dma_start3A_318] : memref<10240x128xf32, #tpu.memory_space<vmem_shared>> -> memref<10240x128xf32, #tpu.memory_space<vmem_shared>>
        tpu.enqueue_indirect_dma source(%dma_start3A_313 : memref<128x128xf32, #tpu.memory_space<vmem>>) target(%dma_start3A_319 : memref<10240x128xf32, #tpu.memory_space<vmem_shared>>) offsets(%dma_start3A_316 : memref<128xi32, #tpu.memory_space<vmem>>) semaphore(%run_scoped3A_309 : memref<!tpu.dma_semaphore, #tpu.memory_space<semaphore_mem>>) {add = true}
        %dma_wait3A_320 = arith.constant 0 : i32
        %dma_wait3A_321 = arith.constant 0 : i32
        %dma_wait3A_322 = tpu.memref_slice %arg9[%run_scoped3A_295, %dma_wait3A_320, %dma_wait3A_321] : memref<2x128x128xf32, #tpu.memory_space<vmem>> -> memref<1x128x128xf32, #tpu.memory_space<vmem>>
        %dma_wait3A_323 = tpu.memref_squeeze %dma_wait3A_322 : memref<1x128x128xf32, #tpu.memory_space<vmem>> -> memref<128x128xf32, #tpu.memory_space<vmem>>
        %dma_wait3A_324 = arith.constant 0 : i32
        %dma_wait3A_325 = tpu.memref_slice %arg8[%add3A_283, %dma_wait3A_324] : memref<42x128xi32, #tpu.memory_space<vmem>> -> memref<1x128xi32, #tpu.memory_space<vmem>>
        %dma_wait3A_326 = tpu.memref_squeeze %dma_wait3A_325 : memref<1x128xi32, #tpu.memory_space<vmem>> -> memref<128xi32, #tpu.memory_space<vmem>>
        %dma_wait3A_327 = arith.constant 0 : i32
        %dma_wait3A_328 = arith.constant 0 : i32
        %dma_wait3A_329 = tpu.memref_slice %arg10[%dma_wait3A_327, %dma_wait3A_328] : memref<10240x128xf32, #tpu.memory_space<vmem_shared>> -> memref<10240x128xf32, #tpu.memory_space<vmem_shared>>
        tpu.wait_indirect_dma semaphore(%run_scoped3A_309 : memref<!tpu.dma_semaphore, #tpu.memory_space<semaphore_mem>>) src(%dma_wait3A_323 : memref<128x128xf32, #tpu.memory_space<vmem>>) dst(%dma_wait3A_329 : memref<10240x128xf32, #tpu.memory_space<vmem_shared>>)
        tpu.yield
      }) : () -> ()
      %add3A_296 = arith.constant 2 : i32
      %add3A_297 = arith.addi %add3A_283, %add3A_296 : i32
      %dma_start3A_298 = arith.constant 1 : i32
      %dma_start3A_299 = arith.constant 0 : i32
      %dma_start3A_300 = arith.constant 0 : i32
      %dma_start3A_301 = tpu.memref_slice %arg9[%dma_start3A_298, %dma_start3A_299, %dma_start3A_300] : memref<2x128x128xf32, #tpu.memory_space<vmem>> -> memref<1x128x128xf32, #tpu.memory_space<vmem>>
      %dma_start3A_302 = tpu.memref_squeeze %dma_start3A_301 : memref<1x128x128xf32, #tpu.memory_space<vmem>> -> memref<128x128xf32, #tpu.memory_space<vmem>>
      %dma_start3A_303 = arith.constant 0 : i32
      %dma_start3A_304 = tpu.memref_slice %arg7[%add3A_297, %dma_start3A_303] : memref<42x128xi32, #tpu.memory_space<vmem>> -> memref<1x128xi32, #tpu.memory_space<vmem>>
      %dma_start3A_305 = tpu.memref_squeeze %dma_start3A_304 : memref<1x128xi32, #tpu.memory_space<vmem>> -> memref<128xi32, #tpu.memory_space<vmem>>
      %dma_start3A_306 = arith.constant 0 : i32
      %dma_start3A_307 = arith.constant 0 : i32
      %dma_start3A_308 = tpu.memref_slice %arg2[%dma_start3A_306, %dma_start3A_307] : memref<20480x128xf32, #tpu.memory_space<hbm>> -> memref<20480x128xf32, #tpu.memory_space<hbm>>
      tpu.enqueue_indirect_dma source(%dma_start3A_308 : memref<20480x128xf32, #tpu.memory_space<hbm>>) target(%dma_start3A_302 : memref<128x128xf32, #tpu.memory_space<vmem>>) offsets(%dma_start3A_305 : memref<128xi32, #tpu.memory_space<vmem>>) semaphore(%arg12 : memref<!tpu.dma_semaphore, #tpu.memory_space<semaphore_mem>>)
    }
    %scan3A_161 = arith.constant 20 : i32
    %dma_wait3A_162 = arith.constant 40 : i32
    %dma_wait3A_163 = arith.constant 0 : i32
    %dma_wait3A_164 = arith.constant 0 : i32
    %dma_wait3A_165 = arith.constant 0 : i32
    %dma_wait3A_166 = tpu.memref_slice %arg9[%dma_wait3A_163, %dma_wait3A_164, %dma_wait3A_165] : memref<2x128x128xf32, #tpu.memory_space<vmem>> -> memref<1x128x128xf32, #tpu.memory_space<vmem>>
    %dma_wait3A_167 = tpu.memref_squeeze %dma_wait3A_166 : memref<1x128x128xf32, #tpu.memory_space<vmem>> -> memref<128x128xf32, #tpu.memory_space<vmem>>
    %dma_wait3A_168 = arith.constant 0 : i32
    %dma_wait3A_169 = tpu.memref_slice %arg7[%dma_wait3A_162, %dma_wait3A_168] : memref<42x128xi32, #tpu.memory_space<vmem>> -> memref<1x128xi32, #tpu.memory_space<vmem>>
    %dma_wait3A_170 = tpu.memref_squeeze %dma_wait3A_169 : memref<1x128xi32, #tpu.memory_space<vmem>> -> memref<128xi32, #tpu.memory_space<vmem>>
    %dma_wait3A_171 = arith.constant 0 : i32
    %dma_wait3A_172 = arith.constant 0 : i32
    %dma_wait3A_173 = tpu.memref_slice %arg2[%dma_wait3A_171, %dma_wait3A_172] : memref<20480x128xf32, #tpu.memory_space<hbm>> -> memref<20480x128xf32, #tpu.memory_space<hbm>>
    tpu.wait_indirect_dma semaphore(%arg11 : memref<!tpu.dma_semaphore, #tpu.memory_space<semaphore_mem>>) src(%dma_wait3A_173 : memref<20480x128xf32, #tpu.memory_space<hbm>>) dst(%dma_wait3A_167 : memref<128x128xf32, #tpu.memory_space<vmem>>)
    %dma_wait3A_174 = arith.constant 41 : i32
    %dma_wait3A_175 = arith.constant 1 : i32
    %dma_wait3A_176 = arith.constant 0 : i32
    %dma_wait3A_177 = arith.constant 0 : i32
    %dma_wait3A_178 = tpu.memref_slice %arg9[%dma_wait3A_175, %dma_wait3A_176, %dma_wait3A_177] : memref<2x128x128xf32, #tpu.memory_space<vmem>> -> memref<1x128x128xf32, #tpu.memory_space<vmem>>
    %dma_wait3A_179 = tpu.memref_squeeze %dma_wait3A_178 : memref<1x128x128xf32, #tpu.memory_space<vmem>> -> memref<128x128xf32, #tpu.memory_space<vmem>>
    %dma_wait3A_180 = arith.constant 0 : i32
    %dma_wait3A_181 = tpu.memref_slice %arg7[%dma_wait3A_174, %dma_wait3A_180] : memref<42x128xi32, #tpu.memory_space<vmem>> -> memref<1x128xi32, #tpu.memory_space<vmem>>
    %dma_wait3A_182 = tpu.memref_squeeze %dma_wait3A_181 : memref<1x128xi32, #tpu.memory_space<vmem>> -> memref<128xi32, #tpu.memory_space<vmem>>
    %dma_wait3A_183 = arith.constant 0 : i32
    %dma_wait3A_184 = arith.constant 0 : i32
    %dma_wait3A_185 = tpu.memref_slice %arg2[%dma_wait3A_183, %dma_wait3A_184] : memref<20480x128xf32, #tpu.memory_space<hbm>> -> memref<20480x128xf32, #tpu.memory_space<hbm>>
    tpu.wait_indirect_dma semaphore(%arg12 : memref<!tpu.dma_semaphore, #tpu.memory_space<semaphore_mem>>) src(%dma_wait3A_185 : memref<20480x128xf32, #tpu.memory_space<hbm>>) dst(%dma_wait3A_179 : memref<128x128xf32, #tpu.memory_space<vmem>>)
    %mul3A_186 = arith.constant 4 : i32
    %mul3A_187 = arith.muli %add3A, %mul3A_186 : i32
    %add3A_188 = arith.constant 3 : i32
    %add3A_189 = arith.addi %mul3A_187, %add3A_188 : i32
    "tpu.region"() ({
      %run_scoped3A = tpu.sem_alloc : memref<!tpu.dma_semaphore, #tpu.memory_space<semaphore_mem>>
      %dma_start3A_251 = arith.constant 0 : i32
      %dma_start3A_252 = arith.constant 0 : i32
      %dma_start3A_253 = tpu.memref_slice %arg3[%add3A_189, %dma_start3A_251, %dma_start3A_252] : memref<128x42x128xi32, #tpu.memory_space<hbm>> -> memref<1x42x128xi32, #tpu.memory_space<hbm>>
      %dma_start3A_254 = tpu.memref_squeeze %dma_start3A_253 : memref<1x42x128xi32, #tpu.memory_space<hbm>> -> memref<42x128xi32, #tpu.memory_space<hbm>>
      %dma_start3A_255 = arith.constant 0 : i32
      %dma_start3A_256 = arith.constant 0 : i32
      %dma_start3A_257 = tpu.memref_slice %arg3[%add3A_189, %dma_start3A_255, %dma_start3A_256] : memref<128x42x128xi32, #tpu.memory_space<hbm>> -> memref<1x42x128xi32, #tpu.memory_space<hbm>>
      %dma_start3A_258 = tpu.memref_squeeze %dma_start3A_257 : memref<1x42x128xi32, #tpu.memory_space<hbm>> -> memref<42x128xi32, #tpu.memory_space<hbm>>
      tpu.enqueue_dma source(%dma_start3A_258 : memref<42x128xi32, #tpu.memory_space<hbm>>) target(%arg7 : memref<42x128xi32, #tpu.memory_space<vmem>>) target_semaphore(%run_scoped3A : memref<!tpu.dma_semaphore, #tpu.memory_space<semaphore_mem>>)
      %dma_wait3A_259 = arith.constant 0 : i32
      %dma_wait3A_260 = arith.constant 0 : i32
      %dma_wait3A_261 = tpu.memref_slice %arg3[%add3A_189, %dma_wait3A_259, %dma_wait3A_260] : memref<128x42x128xi32, #tpu.memory_space<hbm>> -> memref<1x42x128xi32, #tpu.memory_space<hbm>>
      %dma_wait3A_262 = tpu.memref_squeeze %dma_wait3A_261 : memref<1x42x128xi32, #tpu.memory_space<hbm>> -> memref<42x128xi32, #tpu.memory_space<hbm>>
      %dma_wait3A_263 = arith.constant 0 : i32
      %dma_wait3A_264 = arith.constant 0 : i32
      %dma_wait3A_265 = tpu.memref_slice %arg3[%add3A_189, %dma_wait3A_263, %dma_wait3A_264] : memref<128x42x128xi32, #tpu.memory_space<hbm>> -> memref<1x42x128xi32, #tpu.memory_space<hbm>>
      %dma_wait3A_266 = tpu.memref_squeeze %dma_wait3A_265 : memref<1x42x128xi32, #tpu.memory_space<hbm>> -> memref<42x128xi32, #tpu.memory_space<hbm>>
      tpu.wait_dma2 semaphore(%run_scoped3A : memref<!tpu.dma_semaphore, #tpu.memory_space<semaphore_mem>>) src(%dma_wait3A_266 : memref<42x128xi32, #tpu.memory_space<hbm>>) dst(%arg7 : memref<42x128xi32, #tpu.memory_space<vmem>>)
      tpu.yield
    }) : () -> ()
    %mul3A_190 = arith.constant 4 : i32
    %mul3A_191 = arith.muli %arg1, %mul3A_190 : i32
    %add3A_192 = arith.constant 3 : i32
    %add3A_193 = arith.addi %mul3A_191, %add3A_192 : i32
    "tpu.region"() ({
      %run_scoped3A = tpu.sem_alloc : memref<!tpu.dma_semaphore, #tpu.memory_space<semaphore_mem>>
      %dma_start3A_251 = arith.constant 0 : i32
      %dma_start3A_252 = arith.constant 0 : i32
      %dma_start3A_253 = tpu.memref_slice %arg4[%add3A_193, %dma_start3A_251, %dma_start3A_252] : memref<64x42x128xi32, #tpu.memory_space<hbm>> -> memref<1x42x128xi32, #tpu.memory_space<hbm>>
      %dma_start3A_254 = tpu.memref_squeeze %dma_start3A_253 : memref<1x42x128xi32, #tpu.memory_space<hbm>> -> memref<42x128xi32, #tpu.memory_space<hbm>>
      %dma_start3A_255 = arith.constant 0 : i32
      %dma_start3A_256 = arith.constant 0 : i32
      %dma_start3A_257 = tpu.memref_slice %arg4[%add3A_193, %dma_start3A_255, %dma_start3A_256] : memref<64x42x128xi32, #tpu.memory_space<hbm>> -> memref<1x42x128xi32, #tpu.memory_space<hbm>>
      %dma_start3A_258 = tpu.memref_squeeze %dma_start3A_257 : memref<1x42x128xi32, #tpu.memory_space<hbm>> -> memref<42x128xi32, #tpu.memory_space<hbm>>
      tpu.enqueue_dma source(%dma_start3A_258 : memref<42x128xi32, #tpu.memory_space<hbm>>) target(%arg8 : memref<42x128xi32, #tpu.memory_space<vmem>>) target_semaphore(%run_scoped3A : memref<!tpu.dma_semaphore, #tpu.memory_space<semaphore_mem>>)
      %dma_wait3A_259 = arith.constant 0 : i32
      %dma_wait3A_260 = arith.constant 0 : i32
      %dma_wait3A_261 = tpu.memref_slice %arg4[%add3A_193, %dma_wait3A_259, %dma_wait3A_260] : memref<64x42x128xi32, #tpu.memory_space<hbm>> -> memref<1x42x128xi32, #tpu.memory_space<hbm>>
      %dma_wait3A_262 = tpu.memref_squeeze %dma_wait3A_261 : memref<1x42x128xi32, #tpu.memory_space<hbm>> -> memref<42x128xi32, #tpu.memory_space<hbm>>
      %dma_wait3A_263 = arith.constant 0 : i32
      %dma_wait3A_264 = arith.constant 0 : i32
      %dma_wait3A_265 = tpu.memref_slice %arg4[%add3A_193, %dma_wait3A_263, %dma_wait3A_264] : memref<64x42x128xi32, #tpu.memory_space<hbm>> -> memref<1x42x128xi32, #tpu.memory_space<hbm>>
      %dma_wait3A_266 = tpu.memref_squeeze %dma_wait3A_265 : memref<1x42x128xi32, #tpu.memory_space<hbm>> -> memref<42x128xi32, #tpu.memory_space<hbm>>
      tpu.wait_dma2 semaphore(%run_scoped3A : memref<!tpu.dma_semaphore, #tpu.memory_space<semaphore_mem>>) src(%dma_wait3A_266 : memref<42x128xi32, #tpu.memory_space<hbm>>) dst(%arg8 : memref<42x128xi32, #tpu.memory_space<vmem>>)
      tpu.yield
    }) : () -> ()
    %dma_start3A_194 = arith.constant 0 : i32
    %dma_start3A_195 = arith.constant 0 : i32
    %dma_start3A_196 = arith.constant 0 : i32
    %dma_start3A_197 = arith.constant 0 : i32
    %dma_start3A_198 = tpu.memref_slice %arg9[%dma_start3A_195, %dma_start3A_196, %dma_start3A_197] : memref<2x128x128xf32, #tpu.memory_space<vmem>> -> memref<1x128x128xf32, #tpu.memory_space<vmem>>
    %dma_start3A_199 = tpu.memref_squeeze %dma_start3A_198 : memref<1x128x128xf32, #tpu.memory_space<vmem>> -> memref<128x128xf32, #tpu.memory_space<vmem>>
    %dma_start3A_200 = arith.constant 0 : i32
    %dma_start3A_201 = tpu.memref_slice %arg7[%dma_start3A_194, %dma_start3A_200] : memref<42x128xi32, #tpu.memory_space<vmem>> -> memref<1x128xi32, #tpu.memory_space<vmem>>
    %dma_start3A_202 = tpu.memref_squeeze %dma_start3A_201 : memref<1x128xi32, #tpu.memory_space<vmem>> -> memref<128xi32, #tpu.memory_space<vmem>>
    %dma_start3A_203 = arith.constant 0 : i32
    %dma_start3A_204 = arith.constant 0 : i32
    %dma_start3A_205 = tpu.memref_slice %arg2[%dma_start3A_203, %dma_start3A_204] : memref<20480x128xf32, #tpu.memory_space<hbm>> -> memref<20480x128xf32, #tpu.memory_space<hbm>>
    tpu.enqueue_indirect_dma source(%dma_start3A_205 : memref<20480x128xf32, #tpu.memory_space<hbm>>) target(%dma_start3A_199 : memref<128x128xf32, #tpu.memory_space<vmem>>) offsets(%dma_start3A_202 : memref<128xi32, #tpu.memory_space<vmem>>) semaphore(%arg11 : memref<!tpu.dma_semaphore, #tpu.memory_space<semaphore_mem>>)
    %dma_start3A_206 = arith.constant 1 : i32
    %dma_start3A_207 = arith.constant 1 : i32
    %dma_start3A_208 = arith.constant 0 : i32
    %dma_start3A_209 = arith.constant 0 : i32
    %dma_start3A_210 = tpu.memref_slice %arg9[%dma_start3A_207, %dma_start3A_208, %dma_start3A_209] : memref<2x128x128xf32, #tpu.memory_space<vmem>> -> memref<1x128x128xf32, #tpu.memory_space<vmem>>
    %dma_start3A_211 = tpu.memref_squeeze %dma_start3A_210 : memref<1x128x128xf32, #tpu.memory_space<vmem>> -> memref<128x128xf32, #tpu.memory_space<vmem>>
    %dma_start3A_212 = arith.constant 0 : i32
    %dma_start3A_213 = tpu.memref_slice %arg7[%dma_start3A_206, %dma_start3A_212] : memref<42x128xi32, #tpu.memory_space<vmem>> -> memref<1x128xi32, #tpu.memory_space<vmem>>
    %dma_start3A_214 = tpu.memref_squeeze %dma_start3A_213 : memref<1x128xi32, #tpu.memory_space<vmem>> -> memref<128xi32, #tpu.memory_space<vmem>>
    %dma_start3A_215 = arith.constant 0 : i32
    %dma_start3A_216 = arith.constant 0 : i32
    %dma_start3A_217 = tpu.memref_slice %arg2[%dma_start3A_215, %dma_start3A_216] : memref<20480x128xf32, #tpu.memory_space<hbm>> -> memref<20480x128xf32, #tpu.memory_space<hbm>>
    tpu.enqueue_indirect_dma source(%dma_start3A_217 : memref<20480x128xf32, #tpu.memory_space<hbm>>) target(%dma_start3A_211 : memref<128x128xf32, #tpu.memory_space<vmem>>) offsets(%dma_start3A_214 : memref<128xi32, #tpu.memory_space<vmem>>) semaphore(%arg12 : memref<!tpu.dma_semaphore, #tpu.memory_space<semaphore_mem>>)
    %scan3A_218 = arith.constant 0 : i32
    %scan3A_219 = arith.constant 0 : i32
    %scan3A_220 = arith.constant 20 : i32
    %scan3A_221 = arith.addi %scan3A_219, %scan3A_220 : i32
    %scan3A_222 = arith.constant 1 : i32
    scf.for %scan3A_251 = %scan3A_219 to %scan3A_221 step %scan3A_222  : i32 {
      %mul3A_252 = arith.constant 2 : i32
      %mul3A_253 = arith.muli %scan3A_251, %mul3A_252 : i32
      %add3A_254 = arith.constant 0 : i32
      %add3A_255 = arith.addi %mul3A_253, %add3A_254 : i32
      %dma_wait3A_256 = arith.constant 0 : i32
      %dma_wait3A_257 = arith.constant 0 : i32
      %dma_wait3A_258 = arith.constant 0 : i32
      %dma_wait3A_259 = tpu.memref_slice %arg9[%dma_wait3A_256, %dma_wait3A_257, %dma_wait3A_258] : memref<2x128x128xf32, #tpu.memory_space<vmem>> -> memref<1x128x128xf32, #tpu.memory_space<vmem>>
      %dma_wait3A_260 = tpu.memref_squeeze %dma_wait3A_259 : memref<1x128x128xf32, #tpu.memory_space<vmem>> -> memref<128x128xf32, #tpu.memory_space<vmem>>
      %dma_wait3A_261 = arith.constant 0 : i32
      %dma_wait3A_262 = tpu.memref_slice %arg7[%add3A_255, %dma_wait3A_261] : memref<42x128xi32, #tpu.memory_space<vmem>> -> memref<1x128xi32, #tpu.memory_space<vmem>>
      %dma_wait3A_263 = tpu.memref_squeeze %dma_wait3A_262 : memref<1x128xi32, #tpu.memory_space<vmem>> -> memref<128xi32, #tpu.memory_space<vmem>>
      %dma_wait3A_264 = arith.constant 0 : i32
      %dma_wait3A_265 = arith.constant 0 : i32
      %dma_wait3A_266 = tpu.memref_slice %arg2[%dma_wait3A_264, %dma_wait3A_265] : memref<20480x128xf32, #tpu.memory_space<hbm>> -> memref<20480x128xf32, #tpu.memory_space<hbm>>
      tpu.wait_indirect_dma semaphore(%arg11 : memref<!tpu.dma_semaphore, #tpu.memory_space<semaphore_mem>>) src(%dma_wait3A_266 : memref<20480x128xf32, #tpu.memory_space<hbm>>) dst(%dma_wait3A_260 : memref<128x128xf32, #tpu.memory_space<vmem>>)
      %run_scoped3A = arith.constant 0 : i32
      "tpu.region"() ({
        %run_scoped3A_309 = tpu.sem_alloc : memref<!tpu.dma_semaphore, #tpu.memory_space<semaphore_mem>>
        %dma_start3A_310 = arith.constant 0 : i32
        %dma_start3A_311 = arith.constant 0 : i32
        %dma_start3A_312 = tpu.memref_slice %arg9[%run_scoped3A, %dma_start3A_310, %dma_start3A_311] : memref<2x128x128xf32, #tpu.memory_space<vmem>> -> memref<1x128x128xf32, #tpu.memory_space<vmem>>
        %dma_start3A_313 = tpu.memref_squeeze %dma_start3A_312 : memref<1x128x128xf32, #tpu.memory_space<vmem>> -> memref<128x128xf32, #tpu.memory_space<vmem>>
        %dma_start3A_314 = arith.constant 0 : i32
        %dma_start3A_315 = tpu.memref_slice %arg8[%add3A_255, %dma_start3A_314] : memref<42x128xi32, #tpu.memory_space<vmem>> -> memref<1x128xi32, #tpu.memory_space<vmem>>
        %dma_start3A_316 = tpu.memref_squeeze %dma_start3A_315 : memref<1x128xi32, #tpu.memory_space<vmem>> -> memref<128xi32, #tpu.memory_space<vmem>>
        %dma_start3A_317 = arith.constant 0 : i32
        %dma_start3A_318 = arith.constant 0 : i32
        %dma_start3A_319 = tpu.memref_slice %arg10[%dma_start3A_317, %dma_start3A_318] : memref<10240x128xf32, #tpu.memory_space<vmem_shared>> -> memref<10240x128xf32, #tpu.memory_space<vmem_shared>>
        tpu.enqueue_indirect_dma source(%dma_start3A_313 : memref<128x128xf32, #tpu.memory_space<vmem>>) target(%dma_start3A_319 : memref<10240x128xf32, #tpu.memory_space<vmem_shared>>) offsets(%dma_start3A_316 : memref<128xi32, #tpu.memory_space<vmem>>) semaphore(%run_scoped3A_309 : memref<!tpu.dma_semaphore, #tpu.memory_space<semaphore_mem>>) {add = true}
        %dma_wait3A_320 = arith.constant 0 : i32
        %dma_wait3A_321 = arith.constant 0 : i32
        %dma_wait3A_322 = tpu.memref_slice %arg9[%run_scoped3A, %dma_wait3A_320, %dma_wait3A_321] : memref<2x128x128xf32, #tpu.memory_space<vmem>> -> memref<1x128x128xf32, #tpu.memory_space<vmem>>
        %dma_wait3A_323 = tpu.memref_squeeze %dma_wait3A_322 : memref<1x128x128xf32, #tpu.memory_space<vmem>> -> memref<128x128xf32, #tpu.memory_space<vmem>>
        %dma_wait3A_324 = arith.constant 0 : i32
        %dma_wait3A_325 = tpu.memref_slice %arg8[%add3A_255, %dma_wait3A_324] : memref<42x128xi32, #tpu.memory_space<vmem>> -> memref<1x128xi32, #tpu.memory_space<vmem>>
        %dma_wait3A_326 = tpu.memref_squeeze %dma_wait3A_325 : memref<1x128xi32, #tpu.memory_space<vmem>> -> memref<128xi32, #tpu.memory_space<vmem>>
        %dma_wait3A_327 = arith.constant 0 : i32
        %dma_wait3A_328 = arith.constant 0 : i32
        %dma_wait3A_329 = tpu.memref_slice %arg10[%dma_wait3A_327, %dma_wait3A_328] : memref<10240x128xf32, #tpu.memory_space<vmem_shared>> -> memref<10240x128xf32, #tpu.memory_space<vmem_shared>>
        tpu.wait_indirect_dma semaphore(%run_scoped3A_309 : memref<!tpu.dma_semaphore, #tpu.memory_space<semaphore_mem>>) src(%dma_wait3A_323 : memref<128x128xf32, #tpu.memory_space<vmem>>) dst(%dma_wait3A_329 : memref<10240x128xf32, #tpu.memory_space<vmem_shared>>)
        tpu.yield
      }) : () -> ()
      %add3A_267 = arith.constant 2 : i32
      %add3A_268 = arith.addi %add3A_255, %add3A_267 : i32
      %dma_start3A_269 = arith.constant 0 : i32
      %dma_start3A_270 = arith.constant 0 : i32
      %dma_start3A_271 = arith.constant 0 : i32
      %dma_start3A_272 = tpu.memref_slice %arg9[%dma_start3A_269, %dma_start3A_270, %dma_start3A_271] : memref<2x128x128xf32, #tpu.memory_space<vmem>> -> memref<1x128x128xf32, #tpu.memory_space<vmem>>
      %dma_start3A_273 = tpu.memref_squeeze %dma_start3A_272 : memref<1x128x128xf32, #tpu.memory_space<vmem>> -> memref<128x128xf32, #tpu.memory_space<vmem>>
      %dma_start3A_274 = arith.constant 0 : i32
      %dma_start3A_275 = tpu.memref_slice %arg7[%add3A_268, %dma_start3A_274] : memref<42x128xi32, #tpu.memory_space<vmem>> -> memref<1x128xi32, #tpu.memory_space<vmem>>
      %dma_start3A_276 = tpu.memref_squeeze %dma_start3A_275 : memref<1x128xi32, #tpu.memory_space<vmem>> -> memref<128xi32, #tpu.memory_space<vmem>>
      %dma_start3A_277 = arith.constant 0 : i32
      %dma_start3A_278 = arith.constant 0 : i32
      %dma_start3A_279 = tpu.memref_slice %arg2[%dma_start3A_277, %dma_start3A_278] : memref<20480x128xf32, #tpu.memory_space<hbm>> -> memref<20480x128xf32, #tpu.memory_space<hbm>>
      tpu.enqueue_indirect_dma source(%dma_start3A_279 : memref<20480x128xf32, #tpu.memory_space<hbm>>) target(%dma_start3A_273 : memref<128x128xf32, #tpu.memory_space<vmem>>) offsets(%dma_start3A_276 : memref<128xi32, #tpu.memory_space<vmem>>) semaphore(%arg11 : memref<!tpu.dma_semaphore, #tpu.memory_space<semaphore_mem>>)
      %mul3A_280 = arith.constant 2 : i32
      %mul3A_281 = arith.muli %scan3A_251, %mul3A_280 : i32
      %add3A_282 = arith.constant 1 : i32
      %add3A_283 = arith.addi %mul3A_281, %add3A_282 : i32
      %dma_wait3A_284 = arith.constant 1 : i32
      %dma_wait3A_285 = arith.constant 0 : i32
      %dma_wait3A_286 = arith.constant 0 : i32
      %dma_wait3A_287 = tpu.memref_slice %arg9[%dma_wait3A_284, %dma_wait3A_285, %dma_wait3A_286] : memref<2x128x128xf32, #tpu.memory_space<vmem>> -> memref<1x128x128xf32, #tpu.memory_space<vmem>>
      %dma_wait3A_288 = tpu.memref_squeeze %dma_wait3A_287 : memref<1x128x128xf32, #tpu.memory_space<vmem>> -> memref<128x128xf32, #tpu.memory_space<vmem>>
      %dma_wait3A_289 = arith.constant 0 : i32
      %dma_wait3A_290 = tpu.memref_slice %arg7[%add3A_283, %dma_wait3A_289] : memref<42x128xi32, #tpu.memory_space<vmem>> -> memref<1x128xi32, #tpu.memory_space<vmem>>
      %dma_wait3A_291 = tpu.memref_squeeze %dma_wait3A_290 : memref<1x128xi32, #tpu.memory_space<vmem>> -> memref<128xi32, #tpu.memory_space<vmem>>
      %dma_wait3A_292 = arith.constant 0 : i32
      %dma_wait3A_293 = arith.constant 0 : i32
      %dma_wait3A_294 = tpu.memref_slice %arg2[%dma_wait3A_292, %dma_wait3A_293] : memref<20480x128xf32, #tpu.memory_space<hbm>> -> memref<20480x128xf32, #tpu.memory_space<hbm>>
      tpu.wait_indirect_dma semaphore(%arg12 : memref<!tpu.dma_semaphore, #tpu.memory_space<semaphore_mem>>) src(%dma_wait3A_294 : memref<20480x128xf32, #tpu.memory_space<hbm>>) dst(%dma_wait3A_288 : memref<128x128xf32, #tpu.memory_space<vmem>>)
      %run_scoped3A_295 = arith.constant 1 : i32
      "tpu.region"() ({
        %run_scoped3A_309 = tpu.sem_alloc : memref<!tpu.dma_semaphore, #tpu.memory_space<semaphore_mem>>
        %dma_start3A_310 = arith.constant 0 : i32
        %dma_start3A_311 = arith.constant 0 : i32
        %dma_start3A_312 = tpu.memref_slice %arg9[%run_scoped3A_295, %dma_start3A_310, %dma_start3A_311] : memref<2x128x128xf32, #tpu.memory_space<vmem>> -> memref<1x128x128xf32, #tpu.memory_space<vmem>>
        %dma_start3A_313 = tpu.memref_squeeze %dma_start3A_312 : memref<1x128x128xf32, #tpu.memory_space<vmem>> -> memref<128x128xf32, #tpu.memory_space<vmem>>
        %dma_start3A_314 = arith.constant 0 : i32
        %dma_start3A_315 = tpu.memref_slice %arg8[%add3A_283, %dma_start3A_314] : memref<42x128xi32, #tpu.memory_space<vmem>> -> memref<1x128xi32, #tpu.memory_space<vmem>>
        %dma_start3A_316 = tpu.memref_squeeze %dma_start3A_315 : memref<1x128xi32, #tpu.memory_space<vmem>> -> memref<128xi32, #tpu.memory_space<vmem>>
        %dma_start3A_317 = arith.constant 0 : i32
        %dma_start3A_318 = arith.constant 0 : i32
        %dma_start3A_319 = tpu.memref_slice %arg10[%dma_start3A_317, %dma_start3A_318] : memref<10240x128xf32, #tpu.memory_space<vmem_shared>> -> memref<10240x128xf32, #tpu.memory_space<vmem_shared>>
        tpu.enqueue_indirect_dma source(%dma_start3A_313 : memref<128x128xf32, #tpu.memory_space<vmem>>) target(%dma_start3A_319 : memref<10240x128xf32, #tpu.memory_space<vmem_shared>>) offsets(%dma_start3A_316 : memref<128xi32, #tpu.memory_space<vmem>>) semaphore(%run_scoped3A_309 : memref<!tpu.dma_semaphore, #tpu.memory_space<semaphore_mem>>) {add = true}
        %dma_wait3A_320 = arith.constant 0 : i32
        %dma_wait3A_321 = arith.constant 0 : i32
        %dma_wait3A_322 = tpu.memref_slice %arg9[%run_scoped3A_295, %dma_wait3A_320, %dma_wait3A_321] : memref<2x128x128xf32, #tpu.memory_space<vmem>> -> memref<1x128x128xf32, #tpu.memory_space<vmem>>
        %dma_wait3A_323 = tpu.memref_squeeze %dma_wait3A_322 : memref<1x128x128xf32, #tpu.memory_space<vmem>> -> memref<128x128xf32, #tpu.memory_space<vmem>>
        %dma_wait3A_324 = arith.constant 0 : i32
        %dma_wait3A_325 = tpu.memref_slice %arg8[%add3A_283, %dma_wait3A_324] : memref<42x128xi32, #tpu.memory_space<vmem>> -> memref<1x128xi32, #tpu.memory_space<vmem>>
        %dma_wait3A_326 = tpu.memref_squeeze %dma_wait3A_325 : memref<1x128xi32, #tpu.memory_space<vmem>> -> memref<128xi32, #tpu.memory_space<vmem>>
        %dma_wait3A_327 = arith.constant 0 : i32
        %dma_wait3A_328 = arith.constant 0 : i32
        %dma_wait3A_329 = tpu.memref_slice %arg10[%dma_wait3A_327, %dma_wait3A_328] : memref<10240x128xf32, #tpu.memory_space<vmem_shared>> -> memref<10240x128xf32, #tpu.memory_space<vmem_shared>>
        tpu.wait_indirect_dma semaphore(%run_scoped3A_309 : memref<!tpu.dma_semaphore, #tpu.memory_space<semaphore_mem>>) src(%dma_wait3A_323 : memref<128x128xf32, #tpu.memory_space<vmem>>) dst(%dma_wait3A_329 : memref<10240x128xf32, #tpu.memory_space<vmem_shared>>)
        tpu.yield
      }) : () -> ()
      %add3A_296 = arith.constant 2 : i32
      %add3A_297 = arith.addi %add3A_283, %add3A_296 : i32
      %dma_start3A_298 = arith.constant 1 : i32
      %dma_start3A_299 = arith.constant 0 : i32
      %dma_start3A_300 = arith.constant 0 : i32
      %dma_start3A_301 = tpu.memref_slice %arg9[%dma_start3A_298, %dma_start3A_299, %dma_start3A_300] : memref<2x128x128xf32, #tpu.memory_space<vmem>> -> memref<1x128x128xf32, #tpu.memory_space<vmem>>
      %dma_start3A_302 = tpu.memref_squeeze %dma_start3A_301 : memref<1x128x128xf32, #tpu.memory_space<vmem>> -> memref<128x128xf32, #tpu.memory_space<vmem>>
      %dma_start3A_303 = arith.constant 0 : i32
      %dma_start3A_304 = tpu.memref_slice %arg7[%add3A_297, %dma_start3A_303] : memref<42x128xi32, #tpu.memory_space<vmem>> -> memref<1x128xi32, #tpu.memory_space<vmem>>
      %dma_start3A_305 = tpu.memref_squeeze %dma_start3A_304 : memref<1x128xi32, #tpu.memory_space<vmem>> -> memref<128xi32, #tpu.memory_space<vmem>>
      %dma_start3A_306 = arith.constant 0 : i32
      %dma_start3A_307 = arith.constant 0 : i32
      %dma_start3A_308 = tpu.memref_slice %arg2[%dma_start3A_306, %dma_start3A_307] : memref<20480x128xf32, #tpu.memory_space<hbm>> -> memref<20480x128xf32, #tpu.memory_space<hbm>>
      tpu.enqueue_indirect_dma source(%dma_start3A_308 : memref<20480x128xf32, #tpu.memory_space<hbm>>) target(%dma_start3A_302 : memref<128x128xf32, #tpu.memory_space<vmem>>) offsets(%dma_start3A_305 : memref<128xi32, #tpu.memory_space<vmem>>) semaphore(%arg12 : memref<!tpu.dma_semaphore, #tpu.memory_space<semaphore_mem>>)
    }
    %scan3A_223 = arith.constant 20 : i32
    %dma_wait3A_224 = arith.constant 40 : i32
    %dma_wait3A_225 = arith.constant 0 : i32
    %dma_wait3A_226 = arith.constant 0 : i32
    %dma_wait3A_227 = arith.constant 0 : i32
    %dma_wait3A_228 = tpu.memref_slice %arg9[%dma_wait3A_225, %dma_wait3A_226, %dma_wait3A_227] : memref<2x128x128xf32, #tpu.memory_space<vmem>> -> memref<1x128x128xf32, #tpu.memory_space<vmem>>
    %dma_wait3A_229 = tpu.memref_squeeze %dma_wait3A_228 : memref<1x128x128xf32, #tpu.memory_space<vmem>> -> memref<128x128xf32, #tpu.memory_space<vmem>>
    %dma_wait3A_230 = arith.constant 0 : i32
    %dma_wait3A_231 = tpu.memref_slice %arg7[%dma_wait3A_224, %dma_wait3A_230] : memref<42x128xi32, #tpu.memory_space<vmem>> -> memref<1x128xi32, #tpu.memory_space<vmem>>
    %dma_wait3A_232 = tpu.memref_squeeze %dma_wait3A_231 : memref<1x128xi32, #tpu.memory_space<vmem>> -> memref<128xi32, #tpu.memory_space<vmem>>
    %dma_wait3A_233 = arith.constant 0 : i32
    %dma_wait3A_234 = arith.constant 0 : i32
    %dma_wait3A_235 = tpu.memref_slice %arg2[%dma_wait3A_233, %dma_wait3A_234] : memref<20480x128xf32, #tpu.memory_space<hbm>> -> memref<20480x128xf32, #tpu.memory_space<hbm>>
    tpu.wait_indirect_dma semaphore(%arg11 : memref<!tpu.dma_semaphore, #tpu.memory_space<semaphore_mem>>) src(%dma_wait3A_235 : memref<20480x128xf32, #tpu.memory_space<hbm>>) dst(%dma_wait3A_229 : memref<128x128xf32, #tpu.memory_space<vmem>>)
    %dma_wait3A_236 = arith.constant 41 : i32
    %dma_wait3A_237 = arith.constant 1 : i32
    %dma_wait3A_238 = arith.constant 0 : i32
    %dma_wait3A_239 = arith.constant 0 : i32
    %dma_wait3A_240 = tpu.memref_slice %arg9[%dma_wait3A_237, %dma_wait3A_238, %dma_wait3A_239] : memref<2x128x128xf32, #tpu.memory_space<vmem>> -> memref<1x128x128xf32, #tpu.memory_space<vmem>>
    %dma_wait3A_241 = tpu.memref_squeeze %dma_wait3A_240 : memref<1x128x128xf32, #tpu.memory_space<vmem>> -> memref<128x128xf32, #tpu.memory_space<vmem>>
    %dma_wait3A_242 = arith.constant 0 : i32
    %dma_wait3A_243 = tpu.memref_slice %arg7[%dma_wait3A_236, %dma_wait3A_242] : memref<42x128xi32, #tpu.memory_space<vmem>> -> memref<1x128xi32, #tpu.memory_space<vmem>>
    %dma_wait3A_244 = tpu.memref_squeeze %dma_wait3A_243 : memref<1x128xi32, #tpu.memory_space<vmem>> -> memref<128xi32, #tpu.memory_space<vmem>>
    %dma_wait3A_245 = arith.constant 0 : i32
    %dma_wait3A_246 = arith.constant 0 : i32
    %dma_wait3A_247 = tpu.memref_slice %arg2[%dma_wait3A_245, %dma_wait3A_246] : memref<20480x128xf32, #tpu.memory_space<hbm>> -> memref<20480x128xf32, #tpu.memory_space<hbm>>
    tpu.wait_indirect_dma semaphore(%arg12 : memref<!tpu.dma_semaphore, #tpu.memory_space<semaphore_mem>>) src(%dma_wait3A_247 : memref<20480x128xf32, #tpu.memory_space<hbm>>) dst(%dma_wait3A_241 : memref<128x128xf32, #tpu.memory_space<vmem>>)
    %barrier3A_248 = arith.constant 0 : index
    tpu.barrier barrier_id(%barrier3A_248)
    %mul3A_249 = arith.constant 640 : i32
    %mul3A_250 = arith.muli %arg1, %mul3A_249 : i32
    "tpu.region"() ({
      %run_scoped3A = tpu.sem_alloc : memref<!tpu.dma_semaphore, #tpu.memory_space<semaphore_mem>>
      %dma_start3A_251 = arith.constant 0 : i32
      %dma_start3A_252 = arith.constant 0 : i32
      %dma_start3A_253 = tpu.memref_slice %arg6[%add3A, %dma_start3A_251, %dma_start3A_252] : memref<32x640x128xf32, #tpu.memory_space<hbm>> -> memref<1x640x128xf32, #tpu.memory_space<hbm>>
      %dma_start3A_254 = tpu.memref_squeeze %dma_start3A_253 : memref<1x640x128xf32, #tpu.memory_space<hbm>> -> memref<640x128xf32, #tpu.memory_space<hbm>>
      %dma_start3A_255 = arith.constant 0 : i32
      %dma_start3A_256 = tpu.memref_slice %arg10[%mul3A_250, %dma_start3A_255] : memref<10240x128xf32, #tpu.memory_space<vmem_shared>> -> memref<640x128xf32, #tpu.memory_space<vmem_shared>>
      tpu.enqueue_dma source(%dma_start3A_256 : memref<640x128xf32, #tpu.memory_space<vmem_shared>>) target(%dma_start3A_254 : memref<640x128xf32, #tpu.memory_space<hbm>>) target_semaphore(%run_scoped3A : memref<!tpu.dma_semaphore, #tpu.memory_space<semaphore_mem>>)
      %dma_wait3A_257 = arith.constant 0 : i32
      %dma_wait3A_258 = arith.constant 0 : i32
      %dma_wait3A_259 = tpu.memref_slice %arg6[%add3A, %dma_wait3A_257, %dma_wait3A_258] : memref<32x640x128xf32, #tpu.memory_space<hbm>> -> memref<1x640x128xf32, #tpu.memory_space<hbm>>
      %dma_wait3A_260 = tpu.memref_squeeze %dma_wait3A_259 : memref<1x640x128xf32, #tpu.memory_space<hbm>> -> memref<640x128xf32, #tpu.memory_space<hbm>>
      %dma_wait3A_261 = arith.constant 0 : i32
      %dma_wait3A_262 = tpu.memref_slice %arg10[%mul3A_250, %dma_wait3A_261] : memref<10240x128xf32, #tpu.memory_space<vmem_shared>> -> memref<640x128xf32, #tpu.memory_space<vmem_shared>>
      tpu.wait_dma2 semaphore(%run_scoped3A : memref<!tpu.dma_semaphore, #tpu.memory_space<semaphore_mem>>) src(%dma_wait3A_262 : memref<640x128xf32, #tpu.memory_space<vmem_shared>>) dst(%dma_wait3A_260 : memref<640x128xf32, #tpu.memory_space<hbm>>)
      tpu.yield
    }) : () -> ()
    return
  }
}

#map = affine_map<(d0, d1) -> (0, 0)>
#map1 = affine_map<(d0, d1) -> (0, 0, 0)>
module attributes {stable_mosaic.version = 14 : i64} {
  func.func @_scatter_sc(%arg0: i32, %arg1: i32, %arg2: memref<20480x128xf32, #tpu.memory_space<hbm>>, %arg3: memref<128x42x128xi32, #tpu.memory_space<hbm>>, %arg4: memref<64x42x128xi32, #tpu.memory_space<hbm>>, %arg5: memref<640x128xf32, #tpu.memory_space<hbm>>, %arg6: memref<32x640x128xf32, #tpu.memory_space<hbm>>, %arg7: memref<42x128xi32, #tpu.memory_space<vmem>>, %arg8: memref<42x128xi32, #tpu.memory_space<vmem>>, %arg9: memref<2x128x128xf32, #tpu.memory_space<vmem>>, %arg10: memref<10240x128xf32, #tpu.memory_space<vmem_shared>>, %arg11: memref<!tpu.dma_semaphore, #tpu.memory_space<semaphore_mem>>, %arg12: memref<!tpu.dma_semaphore, #tpu.memory_space<semaphore_mem>>) attributes {dimension_semantics = [#tpu.dimension_semantics<core_parallel>, #tpu.dimension_semantics<subcore_parallel>], iteration_bounds = array<i64: 2, 16>, scalar_prefetch = 0 : i64, scratch_operands = 6 : i64, tpu.core_type = #tpu.core_type<sc_vector_subcore>, window_params = [{transform_indices = #map}, {transform_indices = #map1}, {transform_indices = #map1}, {transform_indices = #map}, {transform_indices = #map1}]} {
    %mul3A = arith.constant 16 : i32
    %mul3A_0 = arith.muli %arg0, %mul3A : i32
    %add3A = arith.addi %mul3A_0, %arg1 : i32
    %mul3A_1 = arith.constant 640 : i32
    %mul3A_2 = arith.muli %arg1, %mul3A_1 : i32
    "tpu.region"() ({
      %run_scoped3A = tpu.sem_alloc : memref<!tpu.dma_semaphore, #tpu.memory_space<semaphore_mem>>
      %dma_start3A_251 = arith.constant 0 : i32
      %dma_start3A_252 = tpu.memref_slice %arg10[%mul3A_2, %dma_start3A_251] : memref<10240x128xf32, #tpu.memory_space<vmem_shared>> -> memref<640x128xf32, #tpu.memory_space<vmem_shared>>
      tpu.enqueue_dma source(%arg5 : memref<640x128xf32, #tpu.memory_space<hbm>>) target(%dma_start3A_252 : memref<640x128xf32, #tpu.memory_space<vmem_shared>>) target_semaphore(%run_scoped3A : memref<!tpu.dma_semaphore, #tpu.memory_space<semaphore_mem>>)
      %dma_wait3A_253 = arith.constant 0 : i32
      %dma_wait3A_254 = tpu.memref_slice %arg10[%mul3A_2, %dma_wait3A_253] : memref<10240x128xf32, #tpu.memory_space<vmem_shared>> -> memref<640x128xf32, #tpu.memory_space<vmem_shared>>
      tpu.wait_dma2 semaphore(%run_scoped3A : memref<!tpu.dma_semaphore, #tpu.memory_space<semaphore_mem>>) src(%arg5 : memref<640x128xf32, #tpu.memory_space<hbm>>) dst(%dma_wait3A_254 : memref<640x128xf32, #tpu.memory_space<vmem_shared>>)
      tpu.yield
    }) : () -> ()
    %barrier3A = arith.constant 0 : index
    tpu.barrier barrier_id(%barrier3A)
    %mul3A_3 = arith.constant 4 : i32
    %mul3A_4 = arith.muli %add3A, %mul3A_3 : i32
    %add3A_5 = arith.constant 0 : i32
    %add3A_6 = arith.addi %mul3A_4, %add3A_5 : i32
    "tpu.region"() ({
      %run_scoped3A = tpu.sem_alloc : memref<!tpu.dma_semaphore, #tpu.memory_space<semaphore_mem>>
      %dma_start3A_251 = arith.constant 0 : i32
      %dma_start3A_252 = arith.constant 0 : i32
      %dma_start3A_253 = tpu.memref_slice %arg3[%add3A_6, %dma_start3A_251, %dma_start3A_252] : memref<128x42x128xi32, #tpu.memory_space<hbm>> -> memref<1x42x128xi32, #tpu.memory_space<hbm>>
      %dma_start3A_254 = tpu.memref_squeeze %dma_start3A_253 : memref<1x42x128xi32, #tpu.memory_space<hbm>> -> memref<42x128xi32, #tpu.memory_space<hbm>>
      %dma_start3A_255 = arith.constant 0 : i32
      %dma_start3A_256 = arith.constant 0 : i32
      %dma_start3A_257 = tpu.memref_slice %arg3[%add3A_6, %dma_start3A_255, %dma_start3A_256] : memref<128x42x128xi32, #tpu.memory_space<hbm>> -> memref<1x42x128xi32, #tpu.memory_space<hbm>>
      %dma_start3A_258 = tpu.memref_squeeze %dma_start3A_257 : memref<1x42x128xi32, #tpu.memory_space<hbm>> -> memref<42x128xi32, #tpu.memory_space<hbm>>
      tpu.enqueue_dma source(%dma_start3A_258 : memref<42x128xi32, #tpu.memory_space<hbm>>) target(%arg7 : memref<42x128xi32, #tpu.memory_space<vmem>>) target_semaphore(%run_scoped3A : memref<!tpu.dma_semaphore, #tpu.memory_space<semaphore_mem>>)
      %dma_wait3A_259 = arith.constant 0 : i32
      %dma_wait3A_260 = arith.constant 0 : i32
      %dma_wait3A_261 = tpu.memref_slice %arg3[%add3A_6, %dma_wait3A_259, %dma_wait3A_260] : memref<128x42x128xi32, #tpu.memory_space<hbm>> -> memref<1x42x128xi32, #tpu.memory_space<hbm>>
      %dma_wait3A_262 = tpu.memref_squeeze %dma_wait3A_261 : memref<1x42x128xi32, #tpu.memory_space<hbm>> -> memref<42x128xi32, #tpu.memory_space<hbm>>
      %dma_wait3A_263 = arith.constant 0 : i32
      %dma_wait3A_264 = arith.constant 0 : i32
      %dma_wait3A_265 = tpu.memref_slice %arg3[%add3A_6, %dma_wait3A_263, %dma_wait3A_264] : memref<128x42x128xi32, #tpu.memory_space<hbm>> -> memref<1x42x128xi32, #tpu.memory_space<hbm>>
      %dma_wait3A_266 = tpu.memref_squeeze %dma_wait3A_265 : memref<1x42x128xi32, #tpu.memory_space<hbm>> -> memref<42x128xi32, #tpu.memory_space<hbm>>
      tpu.wait_dma2 semaphore(%run_scoped3A : memref<!tpu.dma_semaphore, #tpu.memory_space<semaphore_mem>>) src(%dma_wait3A_266 : memref<42x128xi32, #tpu.memory_space<hbm>>) dst(%arg7 : memref<42x128xi32, #tpu.memory_space<vmem>>)
      tpu.yield
    }) : () -> ()
    %mul3A_7 = arith.constant 4 : i32
    %mul3A_8 = arith.muli %arg1, %mul3A_7 : i32
    %add3A_9 = arith.constant 0 : i32
    %add3A_10 = arith.addi %mul3A_8, %add3A_9 : i32
    "tpu.region"() ({
      %run_scoped3A = tpu.sem_alloc : memref<!tpu.dma_semaphore, #tpu.memory_space<semaphore_mem>>
      %dma_start3A_251 = arith.constant 0 : i32
      %dma_start3A_252 = arith.constant 0 : i32
      %dma_start3A_253 = tpu.memref_slice %arg4[%add3A_10, %dma_start3A_251, %dma_start3A_252] : memref<64x42x128xi32, #tpu.memory_space<hbm>> -> memref<1x42x128xi32, #tpu.memory_space<hbm>>
      %dma_start3A_254 = tpu.memref_squeeze %dma_start3A_253 : memref<1x42x128xi32, #tpu.memory_space<hbm>> -> memref<42x128xi32, #tpu.memory_space<hbm>>
      %dma_start3A_255 = arith.constant 0 : i32
      %dma_start3A_256 = arith.constant 0 : i32
      %dma_start3A_257 = tpu.memref_slice %arg4[%add3A_10, %dma_start3A_255, %dma_start3A_256] : memref<64x42x128xi32, #tpu.memory_space<hbm>> -> memref<1x42x128xi32, #tpu.memory_space<hbm>>
      %dma_start3A_258 = tpu.memref_squeeze %dma_start3A_257 : memref<1x42x128xi32, #tpu.memory_space<hbm>> -> memref<42x128xi32, #tpu.memory_space<hbm>>
      tpu.enqueue_dma source(%dma_start3A_258 : memref<42x128xi32, #tpu.memory_space<hbm>>) target(%arg8 : memref<42x128xi32, #tpu.memory_space<vmem>>) target_semaphore(%run_scoped3A : memref<!tpu.dma_semaphore, #tpu.memory_space<semaphore_mem>>)
      %dma_wait3A_259 = arith.constant 0 : i32
      %dma_wait3A_260 = arith.constant 0 : i32
      %dma_wait3A_261 = tpu.memref_slice %arg4[%add3A_10, %dma_wait3A_259, %dma_wait3A_260] : memref<64x42x128xi32, #tpu.memory_space<hbm>> -> memref<1x42x128xi32, #tpu.memory_space<hbm>>
      %dma_wait3A_262 = tpu.memref_squeeze %dma_wait3A_261 : memref<1x42x128xi32, #tpu.memory_space<hbm>> -> memref<42x128xi32, #tpu.memory_space<hbm>>
      %dma_wait3A_263 = arith.constant 0 : i32
      %dma_wait3A_264 = arith.constant 0 : i32
      %dma_wait3A_265 = tpu.memref_slice %arg4[%add3A_10, %dma_wait3A_263, %dma_wait3A_264] : memref<64x42x128xi32, #tpu.memory_space<hbm>> -> memref<1x42x128xi32, #tpu.memory_space<hbm>>
      %dma_wait3A_266 = tpu.memref_squeeze %dma_wait3A_265 : memref<1x42x128xi32, #tpu.memory_space<hbm>> -> memref<42x128xi32, #tpu.memory_space<hbm>>
      tpu.wait_dma2 semaphore(%run_scoped3A : memref<!tpu.dma_semaphore, #tpu.memory_space<semaphore_mem>>) src(%dma_wait3A_266 : memref<42x128xi32, #tpu.memory_space<hbm>>) dst(%arg8 : memref<42x128xi32, #tpu.memory_space<vmem>>)
      tpu.yield
    }) : () -> ()
    %dma_start3A = arith.constant 0 : i32
    %dma_start3A_11 = arith.constant 0 : i32
    %dma_start3A_12 = arith.constant 0 : i32
    %dma_start3A_13 = arith.constant 0 : i32
    %dma_start3A_14 = tpu.memref_slice %arg9[%dma_start3A_11, %dma_start3A_12, %dma_start3A_13] : memref<2x128x128xf32, #tpu.memory_space<vmem>> -> memref<1x128x128xf32, #tpu.memory_space<vmem>>
    %dma_start3A_15 = tpu.memref_squeeze %dma_start3A_14 : memref<1x128x128xf32, #tpu.memory_space<vmem>> -> memref<128x128xf32, #tpu.memory_space<vmem>>
    %dma_start3A_16 = arith.constant 0 : i32
    %dma_start3A_17 = tpu.memref_slice %arg7[%dma_start3A, %dma_start3A_16] : memref<42x128xi32, #tpu.memory_space<vmem>> -> memref<1x128xi32, #tpu.memory_space<vmem>>
    %dma_start3A_18 = tpu.memref_squeeze %dma_start3A_17 : memref<1x128xi32, #tpu.memory_space<vmem>> -> memref<128xi32, #tpu.memory_space<vmem>>
    %dma_start3A_19 = arith.constant 0 : i32
    %dma_start3A_20 = arith.constant 0 : i32
    %dma_start3A_21 = tpu.memref_slice %arg2[%dma_start3A_19, %dma_start3A_20] : memref<20480x128xf32, #tpu.memory_space<hbm>> -> memref<20480x128xf32, #tpu.memory_space<hbm>>
    tpu.enqueue_indirect_dma source(%dma_start3A_21 : memref<20480x128xf32, #tpu.memory_space<hbm>>) target(%dma_start3A_15 : memref<128x128xf32, #tpu.memory_space<vmem>>) offsets(%dma_start3A_18 : memref<128xi32, #tpu.memory_space<vmem>>) semaphore(%arg11 : memref<!tpu.dma_semaphore, #tpu.memory_space<semaphore_mem>>)
    %dma_start3A_22 = arith.constant 1 : i32
    %dma_start3A_23 = arith.constant 1 : i32
    %dma_start3A_24 = arith.constant 0 : i32
    %dma_start3A_25 = arith.constant 0 : i32
    %dma_start3A_26 = tpu.memref_slice %arg9[%dma_start3A_23, %dma_start3A_24, %dma_start3A_25] : memref<2x128x128xf32, #tpu.memory_space<vmem>> -> memref<1x128x128xf32, #tpu.memory_space<vmem>>
    %dma_start3A_27 = tpu.memref_squeeze %dma_start3A_26 : memref<1x128x128xf32, #tpu.memory_space<vmem>> -> memref<128x128xf32, #tpu.memory_space<vmem>>
    %dma_start3A_28 = arith.constant 0 : i32
    %dma_start3A_29 = tpu.memref_slice %arg7[%dma_start3A_22, %dma_start3A_28] : memref<42x128xi32, #tpu.memory_space<vmem>> -> memref<1x128xi32, #tpu.memory_space<vmem>>
    %dma_start3A_30 = tpu.memref_squeeze %dma_start3A_29 : memref<1x128xi32, #tpu.memory_space<vmem>> -> memref<128xi32, #tpu.memory_space<vmem>>
    %dma_start3A_31 = arith.constant 0 : i32
    %dma_start3A_32 = arith.constant 0 : i32
    %dma_start3A_33 = tpu.memref_slice %arg2[%dma_start3A_31, %dma_start3A_32] : memref<20480x128xf32, #tpu.memory_space<hbm>> -> memref<20480x128xf32, #tpu.memory_space<hbm>>
    tpu.enqueue_indirect_dma source(%dma_start3A_33 : memref<20480x128xf32, #tpu.memory_space<hbm>>) target(%dma_start3A_27 : memref<128x128xf32, #tpu.memory_space<vmem>>) offsets(%dma_start3A_30 : memref<128xi32, #tpu.memory_space<vmem>>) semaphore(%arg12 : memref<!tpu.dma_semaphore, #tpu.memory_space<semaphore_mem>>)
    %scan3A = arith.constant 0 : i32
    %scan3A_34 = arith.constant 0 : i32
    %scan3A_35 = arith.constant 20 : i32
    %scan3A_36 = arith.addi %scan3A_34, %scan3A_35 : i32
    %scan3A_37 = arith.constant 1 : i32
    scf.for %scan3A_251 = %scan3A_34 to %scan3A_36 step %scan3A_37  : i32 {
      %mul3A_252 = arith.constant 2 : i32
      %mul3A_253 = arith.muli %scan3A_251, %mul3A_252 : i32
      %add3A_254 = arith.constant 0 : i32
      %add3A_255 = arith.addi %mul3A_253, %add3A_254 : i32
      %dma_wait3A_256 = arith.constant 0 : i32
      %dma_wait3A_257 = arith.constant 0 : i32
      %dma_wait3A_258 = arith.constant 0 : i32
      %dma_wait3A_259 = tpu.memref_slice %arg9[%dma_wait3A_256, %dma_wait3A_257, %dma_wait3A_258] : memref<2x128x128xf32, #tpu.memory_space<vmem>> -> memref<1x128x128xf32, #tpu.memory_space<vmem>>
      %dma_wait3A_260 = tpu.memref_squeeze %dma_wait3A_259 : memref<1x128x128xf32, #tpu.memory_space<vmem>> -> memref<128x128xf32, #tpu.memory_space<vmem>>
      %dma_wait3A_261 = arith.constant 0 : i32
      %dma_wait3A_262 = tpu.memref_slice %arg7[%add3A_255, %dma_wait3A_261] : memref<42x128xi32, #tpu.memory_space<vmem>> -> memref<1x128xi32, #tpu.memory_space<vmem>>
      %dma_wait3A_263 = tpu.memref_squeeze %dma_wait3A_262 : memref<1x128xi32, #tpu.memory_space<vmem>> -> memref<128xi32, #tpu.memory_space<vmem>>
      %dma_wait3A_264 = arith.constant 0 : i32
      %dma_wait3A_265 = arith.constant 0 : i32
      %dma_wait3A_266 = tpu.memref_slice %arg2[%dma_wait3A_264, %dma_wait3A_265] : memref<20480x128xf32, #tpu.memory_space<hbm>> -> memref<20480x128xf32, #tpu.memory_space<hbm>>
      tpu.wait_indirect_dma semaphore(%arg11 : memref<!tpu.dma_semaphore, #tpu.memory_space<semaphore_mem>>) src(%dma_wait3A_266 : memref<20480x128xf32, #tpu.memory_space<hbm>>) dst(%dma_wait3A_260 : memref<128x128xf32, #tpu.memory_space<vmem>>)
      %run_scoped3A = arith.constant 0 : i32
      "tpu.region"() ({
        %run_scoped3A_309 = tpu.sem_alloc : memref<!tpu.dma_semaphore, #tpu.memory_space<semaphore_mem>>
        %dma_start3A_310 = arith.constant 0 : i32
        %dma_start3A_311 = arith.constant 0 : i32
        %dma_start3A_312 = tpu.memref_slice %arg9[%run_scoped3A, %dma_start3A_310, %dma_start3A_311] : memref<2x128x128xf32, #tpu.memory_space<vmem>> -> memref<1x128x128xf32, #tpu.memory_space<vmem>>
        %dma_start3A_313 = tpu.memref_squeeze %dma_start3A_312 : memref<1x128x128xf32, #tpu.memory_space<vmem>> -> memref<128x128xf32, #tpu.memory_space<vmem>>
        %dma_start3A_314 = arith.constant 0 : i32
        %dma_start3A_315 = tpu.memref_slice %arg8[%add3A_255, %dma_start3A_314] : memref<42x128xi32, #tpu.memory_space<vmem>> -> memref<1x128xi32, #tpu.memory_space<vmem>>
        %dma_start3A_316 = tpu.memref_squeeze %dma_start3A_315 : memref<1x128xi32, #tpu.memory_space<vmem>> -> memref<128xi32, #tpu.memory_space<vmem>>
        %dma_start3A_317 = arith.constant 0 : i32
        %dma_start3A_318 = arith.constant 0 : i32
        %dma_start3A_319 = tpu.memref_slice %arg10[%dma_start3A_317, %dma_start3A_318] : memref<10240x128xf32, #tpu.memory_space<vmem_shared>> -> memref<10240x128xf32, #tpu.memory_space<vmem_shared>>
        tpu.enqueue_indirect_dma source(%dma_start3A_313 : memref<128x128xf32, #tpu.memory_space<vmem>>) target(%dma_start3A_319 : memref<10240x128xf32, #tpu.memory_space<vmem_shared>>) offsets(%dma_start3A_316 : memref<128xi32, #tpu.memory_space<vmem>>) semaphore(%run_scoped3A_309 : memref<!tpu.dma_semaphore, #tpu.memory_space<semaphore_mem>>) {add = true}
        %dma_wait3A_320 = arith.constant 0 : i32
        %dma_wait3A_321 = arith.constant 0 : i32
        %dma_wait3A_322 = tpu.memref_slice %arg9[%run_scoped3A, %dma_wait3A_320, %dma_wait3A_321] : memref<2x128x128xf32, #tpu.memory_space<vmem>> -> memref<1x128x128xf32, #tpu.memory_space<vmem>>
        %dma_wait3A_323 = tpu.memref_squeeze %dma_wait3A_322 : memref<1x128x128xf32, #tpu.memory_space<vmem>> -> memref<128x128xf32, #tpu.memory_space<vmem>>
        %dma_wait3A_324 = arith.constant 0 : i32
        %dma_wait3A_325 = tpu.memref_slice %arg8[%add3A_255, %dma_wait3A_324] : memref<42x128xi32, #tpu.memory_space<vmem>> -> memref<1x128xi32, #tpu.memory_space<vmem>>
        %dma_wait3A_326 = tpu.memref_squeeze %dma_wait3A_325 : memref<1x128xi32, #tpu.memory_space<vmem>> -> memref<128xi32, #tpu.memory_space<vmem>>
        %dma_wait3A_327 = arith.constant 0 : i32
        %dma_wait3A_328 = arith.constant 0 : i32
        %dma_wait3A_329 = tpu.memref_slice %arg10[%dma_wait3A_327, %dma_wait3A_328] : memref<10240x128xf32, #tpu.memory_space<vmem_shared>> -> memref<10240x128xf32, #tpu.memory_space<vmem_shared>>
        tpu.wait_indirect_dma semaphore(%run_scoped3A_309 : memref<!tpu.dma_semaphore, #tpu.memory_space<semaphore_mem>>) src(%dma_wait3A_323 : memref<128x128xf32, #tpu.memory_space<vmem>>) dst(%dma_wait3A_329 : memref<10240x128xf32, #tpu.memory_space<vmem_shared>>)
        tpu.yield
      }) : () -> ()
      %add3A_267 = arith.constant 2 : i32
      %add3A_268 = arith.addi %add3A_255, %add3A_267 : i32
      %dma_start3A_269 = arith.constant 0 : i32
      %dma_start3A_270 = arith.constant 0 : i32
      %dma_start3A_271 = arith.constant 0 : i32
      %dma_start3A_272 = tpu.memref_slice %arg9[%dma_start3A_269, %dma_start3A_270, %dma_start3A_271] : memref<2x128x128xf32, #tpu.memory_space<vmem>> -> memref<1x128x128xf32, #tpu.memory_space<vmem>>
      %dma_start3A_273 = tpu.memref_squeeze %dma_start3A_272 : memref<1x128x128xf32, #tpu.memory_space<vmem>> -> memref<128x128xf32, #tpu.memory_space<vmem>>
      %dma_start3A_274 = arith.constant 0 : i32
      %dma_start3A_275 = tpu.memref_slice %arg7[%add3A_268, %dma_start3A_274] : memref<42x128xi32, #tpu.memory_space<vmem>> -> memref<1x128xi32, #tpu.memory_space<vmem>>
      %dma_start3A_276 = tpu.memref_squeeze %dma_start3A_275 : memref<1x128xi32, #tpu.memory_space<vmem>> -> memref<128xi32, #tpu.memory_space<vmem>>
      %dma_start3A_277 = arith.constant 0 : i32
      %dma_start3A_278 = arith.constant 0 : i32
      %dma_start3A_279 = tpu.memref_slice %arg2[%dma_start3A_277, %dma_start3A_278] : memref<20480x128xf32, #tpu.memory_space<hbm>> -> memref<20480x128xf32, #tpu.memory_space<hbm>>
      tpu.enqueue_indirect_dma source(%dma_start3A_279 : memref<20480x128xf32, #tpu.memory_space<hbm>>) target(%dma_start3A_273 : memref<128x128xf32, #tpu.memory_space<vmem>>) offsets(%dma_start3A_276 : memref<128xi32, #tpu.memory_space<vmem>>) semaphore(%arg11 : memref<!tpu.dma_semaphore, #tpu.memory_space<semaphore_mem>>)
      %mul3A_280 = arith.constant 2 : i32
      %mul3A_281 = arith.muli %scan3A_251, %mul3A_280 : i32
      %add3A_282 = arith.constant 1 : i32
      %add3A_283 = arith.addi %mul3A_281, %add3A_282 : i32
      %dma_wait3A_284 = arith.constant 1 : i32
      %dma_wait3A_285 = arith.constant 0 : i32
      %dma_wait3A_286 = arith.constant 0 : i32
      %dma_wait3A_287 = tpu.memref_slice %arg9[%dma_wait3A_284, %dma_wait3A_285, %dma_wait3A_286] : memref<2x128x128xf32, #tpu.memory_space<vmem>> -> memref<1x128x128xf32, #tpu.memory_space<vmem>>
      %dma_wait3A_288 = tpu.memref_squeeze %dma_wait3A_287 : memref<1x128x128xf32, #tpu.memory_space<vmem>> -> memref<128x128xf32, #tpu.memory_space<vmem>>
      %dma_wait3A_289 = arith.constant 0 : i32
      %dma_wait3A_290 = tpu.memref_slice %arg7[%add3A_283, %dma_wait3A_289] : memref<42x128xi32, #tpu.memory_space<vmem>> -> memref<1x128xi32, #tpu.memory_space<vmem>>
      %dma_wait3A_291 = tpu.memref_squeeze %dma_wait3A_290 : memref<1x128xi32, #tpu.memory_space<vmem>> -> memref<128xi32, #tpu.memory_space<vmem>>
      %dma_wait3A_292 = arith.constant 0 : i32
      %dma_wait3A_293 = arith.constant 0 : i32
      %dma_wait3A_294 = tpu.memref_slice %arg2[%dma_wait3A_292, %dma_wait3A_293] : memref<20480x128xf32, #tpu.memory_space<hbm>> -> memref<20480x128xf32, #tpu.memory_space<hbm>>
      tpu.wait_indirect_dma semaphore(%arg12 : memref<!tpu.dma_semaphore, #tpu.memory_space<semaphore_mem>>) src(%dma_wait3A_294 : memref<20480x128xf32, #tpu.memory_space<hbm>>) dst(%dma_wait3A_288 : memref<128x128xf32, #tpu.memory_space<vmem>>)
      %run_scoped3A_295 = arith.constant 1 : i32
      "tpu.region"() ({
        %run_scoped3A_309 = tpu.sem_alloc : memref<!tpu.dma_semaphore, #tpu.memory_space<semaphore_mem>>
        %dma_start3A_310 = arith.constant 0 : i32
        %dma_start3A_311 = arith.constant 0 : i32
        %dma_start3A_312 = tpu.memref_slice %arg9[%run_scoped3A_295, %dma_start3A_310, %dma_start3A_311] : memref<2x128x128xf32, #tpu.memory_space<vmem>> -> memref<1x128x128xf32, #tpu.memory_space<vmem>>
        %dma_start3A_313 = tpu.memref_squeeze %dma_start3A_312 : memref<1x128x128xf32, #tpu.memory_space<vmem>> -> memref<128x128xf32, #tpu.memory_space<vmem>>
        %dma_start3A_314 = arith.constant 0 : i32
        %dma_start3A_315 = tpu.memref_slice %arg8[%add3A_283, %dma_start3A_314] : memref<42x128xi32, #tpu.memory_space<vmem>> -> memref<1x128xi32, #tpu.memory_space<vmem>>
        %dma_start3A_316 = tpu.memref_squeeze %dma_start3A_315 : memref<1x128xi32, #tpu.memory_space<vmem>> -> memref<128xi32, #tpu.memory_space<vmem>>
        %dma_start3A_317 = arith.constant 0 : i32
        %dma_start3A_318 = arith.constant 0 : i32
        %dma_start3A_319 = tpu.memref_slice %arg10[%dma_start3A_317, %dma_start3A_318] : memref<10240x128xf32, #tpu.memory_space<vmem_shared>> -> memref<10240x128xf32, #tpu.memory_space<vmem_shared>>
        tpu.enqueue_indirect_dma source(%dma_start3A_313 : memref<128x128xf32, #tpu.memory_space<vmem>>) target(%dma_start3A_319 : memref<10240x128xf32, #tpu.memory_space<vmem_shared>>) offsets(%dma_start3A_316 : memref<128xi32, #tpu.memory_space<vmem>>) semaphore(%run_scoped3A_309 : memref<!tpu.dma_semaphore, #tpu.memory_space<semaphore_mem>>) {add = true}
        %dma_wait3A_320 = arith.constant 0 : i32
        %dma_wait3A_321 = arith.constant 0 : i32
        %dma_wait3A_322 = tpu.memref_slice %arg9[%run_scoped3A_295, %dma_wait3A_320, %dma_wait3A_321] : memref<2x128x128xf32, #tpu.memory_space<vmem>> -> memref<1x128x128xf32, #tpu.memory_space<vmem>>
        %dma_wait3A_323 = tpu.memref_squeeze %dma_wait3A_322 : memref<1x128x128xf32, #tpu.memory_space<vmem>> -> memref<128x128xf32, #tpu.memory_space<vmem>>
        %dma_wait3A_324 = arith.constant 0 : i32
        %dma_wait3A_325 = tpu.memref_slice %arg8[%add3A_283, %dma_wait3A_324] : memref<42x128xi32, #tpu.memory_space<vmem>> -> memref<1x128xi32, #tpu.memory_space<vmem>>
        %dma_wait3A_326 = tpu.memref_squeeze %dma_wait3A_325 : memref<1x128xi32, #tpu.memory_space<vmem>> -> memref<128xi32, #tpu.memory_space<vmem>>
        %dma_wait3A_327 = arith.constant 0 : i32
        %dma_wait3A_328 = arith.constant 0 : i32
        %dma_wait3A_329 = tpu.memref_slice %arg10[%dma_wait3A_327, %dma_wait3A_328] : memref<10240x128xf32, #tpu.memory_space<vmem_shared>> -> memref<10240x128xf32, #tpu.memory_space<vmem_shared>>
        tpu.wait_indirect_dma semaphore(%run_scoped3A_309 : memref<!tpu.dma_semaphore, #tpu.memory_space<semaphore_mem>>) src(%dma_wait3A_323 : memref<128x128xf32, #tpu.memory_space<vmem>>) dst(%dma_wait3A_329 : memref<10240x128xf32, #tpu.memory_space<vmem_shared>>)
        tpu.yield
      }) : () -> ()
      %add3A_296 = arith.constant 2 : i32
      %add3A_297 = arith.addi %add3A_283, %add3A_296 : i32
      %dma_start3A_298 = arith.constant 1 : i32
      %dma_start3A_299 = arith.constant 0 : i32
      %dma_start3A_300 = arith.constant 0 : i32
      %dma_start3A_301 = tpu.memref_slice %arg9[%dma_start3A_298, %dma_start3A_299, %dma_start3A_300] : memref<2x128x128xf32, #tpu.memory_space<vmem>> -> memref<1x128x128xf32, #tpu.memory_space<vmem>>
      %dma_start3A_302 = tpu.memref_squeeze %dma_start3A_301 : memref<1x128x128xf32, #tpu.memory_space<vmem>> -> memref<128x128xf32, #tpu.memory_space<vmem>>
      %dma_start3A_303 = arith.constant 0 : i32
      %dma_start3A_304 = tpu.memref_slice %arg7[%add3A_297, %dma_start3A_303] : memref<42x128xi32, #tpu.memory_space<vmem>> -> memref<1x128xi32, #tpu.memory_space<vmem>>
      %dma_start3A_305 = tpu.memref_squeeze %dma_start3A_304 : memref<1x128xi32, #tpu.memory_space<vmem>> -> memref<128xi32, #tpu.memory_space<vmem>>
      %dma_start3A_306 = arith.constant 0 : i32
      %dma_start3A_307 = arith.constant 0 : i32
      %dma_start3A_308 = tpu.memref_slice %arg2[%dma_start3A_306, %dma_start3A_307] : memref<20480x128xf32, #tpu.memory_space<hbm>> -> memref<20480x128xf32, #tpu.memory_space<hbm>>
      tpu.enqueue_indirect_dma source(%dma_start3A_308 : memref<20480x128xf32, #tpu.memory_space<hbm>>) target(%dma_start3A_302 : memref<128x128xf32, #tpu.memory_space<vmem>>) offsets(%dma_start3A_305 : memref<128xi32, #tpu.memory_space<vmem>>) semaphore(%arg12 : memref<!tpu.dma_semaphore, #tpu.memory_space<semaphore_mem>>)
    }
    %scan3A_38 = arith.constant 20 : i32
    %dma_wait3A = arith.constant 40 : i32
    %dma_wait3A_39 = arith.constant 0 : i32
    %dma_wait3A_40 = arith.constant 0 : i32
    %dma_wait3A_41 = arith.constant 0 : i32
    %dma_wait3A_42 = tpu.memref_slice %arg9[%dma_wait3A_39, %dma_wait3A_40, %dma_wait3A_41] : memref<2x128x128xf32, #tpu.memory_space<vmem>> -> memref<1x128x128xf32, #tpu.memory_space<vmem>>
    %dma_wait3A_43 = tpu.memref_squeeze %dma_wait3A_42 : memref<1x128x128xf32, #tpu.memory_space<vmem>> -> memref<128x128xf32, #tpu.memory_space<vmem>>
    %dma_wait3A_44 = arith.constant 0 : i32
    %dma_wait3A_45 = tpu.memref_slice %arg7[%dma_wait3A, %dma_wait3A_44] : memref<42x128xi32, #tpu.memory_space<vmem>> -> memref<1x128xi32, #tpu.memory_space<vmem>>
    %dma_wait3A_46 = tpu.memref_squeeze %dma_wait3A_45 : memref<1x128xi32, #tpu.memory_space<vmem>> -> memref<128xi32, #tpu.memory_space<vmem>>
    %dma_wait3A_47 = arith.constant 0 : i32
    %dma_wait3A_48 = arith.constant 0 : i32
    %dma_wait3A_49 = tpu.memref_slice %arg2[%dma_wait3A_47, %dma_wait3A_48] : memref<20480x128xf32, #tpu.memory_space<hbm>> -> memref<20480x128xf32, #tpu.memory_space<hbm>>
    tpu.wait_indirect_dma semaphore(%arg11 : memref<!tpu.dma_semaphore, #tpu.memory_space<semaphore_mem>>) src(%dma_wait3A_49 : memref<20480x128xf32, #tpu.memory_space<hbm>>) dst(%dma_wait3A_43 : memref<128x128xf32, #tpu.memory_space<vmem>>)
    %dma_wait3A_50 = arith.constant 41 : i32
    %dma_wait3A_51 = arith.constant 1 : i32
    %dma_wait3A_52 = arith.constant 0 : i32
    %dma_wait3A_53 = arith.constant 0 : i32
    %dma_wait3A_54 = tpu.memref_slice %arg9[%dma_wait3A_51, %dma_wait3A_52, %dma_wait3A_53] : memref<2x128x128xf32, #tpu.memory_space<vmem>> -> memref<1x128x128xf32, #tpu.memory_space<vmem>>
    %dma_wait3A_55 = tpu.memref_squeeze %dma_wait3A_54 : memref<1x128x128xf32, #tpu.memory_space<vmem>> -> memref<128x128xf32, #tpu.memory_space<vmem>>
    %dma_wait3A_56 = arith.constant 0 : i32
    %dma_wait3A_57 = tpu.memref_slice %arg7[%dma_wait3A_50, %dma_wait3A_56] : memref<42x128xi32, #tpu.memory_space<vmem>> -> memref<1x128xi32, #tpu.memory_space<vmem>>
    %dma_wait3A_58 = tpu.memref_squeeze %dma_wait3A_57 : memref<1x128xi32, #tpu.memory_space<vmem>> -> memref<128xi32, #tpu.memory_space<vmem>>
    %dma_wait3A_59 = arith.constant 0 : i32
    %dma_wait3A_60 = arith.constant 0 : i32
    %dma_wait3A_61 = tpu.memref_slice %arg2[%dma_wait3A_59, %dma_wait3A_60] : memref<20480x128xf32, #tpu.memory_space<hbm>> -> memref<20480x128xf32, #tpu.memory_space<hbm>>
    tpu.wait_indirect_dma semaphore(%arg12 : memref<!tpu.dma_semaphore, #tpu.memory_space<semaphore_mem>>) src(%dma_wait3A_61 : memref<20480x128xf32, #tpu.memory_space<hbm>>) dst(%dma_wait3A_55 : memref<128x128xf32, #tpu.memory_space<vmem>>)
    %mul3A_62 = arith.constant 4 : i32
    %mul3A_63 = arith.muli %add3A, %mul3A_62 : i32
    %add3A_64 = arith.constant 1 : i32
    %add3A_65 = arith.addi %mul3A_63, %add3A_64 : i32
    "tpu.region"() ({
      %run_scoped3A = tpu.sem_alloc : memref<!tpu.dma_semaphore, #tpu.memory_space<semaphore_mem>>
      %dma_start3A_251 = arith.constant 0 : i32
      %dma_start3A_252 = arith.constant 0 : i32
      %dma_start3A_253 = tpu.memref_slice %arg3[%add3A_65, %dma_start3A_251, %dma_start3A_252] : memref<128x42x128xi32, #tpu.memory_space<hbm>> -> memref<1x42x128xi32, #tpu.memory_space<hbm>>
      %dma_start3A_254 = tpu.memref_squeeze %dma_start3A_253 : memref<1x42x128xi32, #tpu.memory_space<hbm>> -> memref<42x128xi32, #tpu.memory_space<hbm>>
      %dma_start3A_255 = arith.constant 0 : i32
      %dma_start3A_256 = arith.constant 0 : i32
      %dma_start3A_257 = tpu.memref_slice %arg3[%add3A_65, %dma_start3A_255, %dma_start3A_256] : memref<128x42x128xi32, #tpu.memory_space<hbm>> -> memref<1x42x128xi32, #tpu.memory_space<hbm>>
      %dma_start3A_258 = tpu.memref_squeeze %dma_start3A_257 : memref<1x42x128xi32, #tpu.memory_space<hbm>> -> memref<42x128xi32, #tpu.memory_space<hbm>>
      tpu.enqueue_dma source(%dma_start3A_258 : memref<42x128xi32, #tpu.memory_space<hbm>>) target(%arg7 : memref<42x128xi32, #tpu.memory_space<vmem>>) target_semaphore(%run_scoped3A : memref<!tpu.dma_semaphore, #tpu.memory_space<semaphore_mem>>)
      %dma_wait3A_259 = arith.constant 0 : i32
      %dma_wait3A_260 = arith.constant 0 : i32
      %dma_wait3A_261 = tpu.memref_slice %arg3[%add3A_65, %dma_wait3A_259, %dma_wait3A_260] : memref<128x42x128xi32, #tpu.memory_space<hbm>> -> memref<1x42x128xi32, #tpu.memory_space<hbm>>
      %dma_wait3A_262 = tpu.memref_squeeze %dma_wait3A_261 : memref<1x42x128xi32, #tpu.memory_space<hbm>> -> memref<42x128xi32, #tpu.memory_space<hbm>>
      %dma_wait3A_263 = arith.constant 0 : i32
      %dma_wait3A_264 = arith.constant 0 : i32
      %dma_wait3A_265 = tpu.memref_slice %arg3[%add3A_65, %dma_wait3A_263, %dma_wait3A_264] : memref<128x42x128xi32, #tpu.memory_space<hbm>> -> memref<1x42x128xi32, #tpu.memory_space<hbm>>
      %dma_wait3A_266 = tpu.memref_squeeze %dma_wait3A_265 : memref<1x42x128xi32, #tpu.memory_space<hbm>> -> memref<42x128xi32, #tpu.memory_space<hbm>>
      tpu.wait_dma2 semaphore(%run_scoped3A : memref<!tpu.dma_semaphore, #tpu.memory_space<semaphore_mem>>) src(%dma_wait3A_266 : memref<42x128xi32, #tpu.memory_space<hbm>>) dst(%arg7 : memref<42x128xi32, #tpu.memory_space<vmem>>)
      tpu.yield
    }) : () -> ()
    %mul3A_66 = arith.constant 4 : i32
    %mul3A_67 = arith.muli %arg1, %mul3A_66 : i32
    %add3A_68 = arith.constant 1 : i32
    %add3A_69 = arith.addi %mul3A_67, %add3A_68 : i32
    "tpu.region"() ({
      %run_scoped3A = tpu.sem_alloc : memref<!tpu.dma_semaphore, #tpu.memory_space<semaphore_mem>>
      %dma_start3A_251 = arith.constant 0 : i32
      %dma_start3A_252 = arith.constant 0 : i32
      %dma_start3A_253 = tpu.memref_slice %arg4[%add3A_69, %dma_start3A_251, %dma_start3A_252] : memref<64x42x128xi32, #tpu.memory_space<hbm>> -> memref<1x42x128xi32, #tpu.memory_space<hbm>>
      %dma_start3A_254 = tpu.memref_squeeze %dma_start3A_253 : memref<1x42x128xi32, #tpu.memory_space<hbm>> -> memref<42x128xi32, #tpu.memory_space<hbm>>
      %dma_start3A_255 = arith.constant 0 : i32
      %dma_start3A_256 = arith.constant 0 : i32
      %dma_start3A_257 = tpu.memref_slice %arg4[%add3A_69, %dma_start3A_255, %dma_start3A_256] : memref<64x42x128xi32, #tpu.memory_space<hbm>> -> memref<1x42x128xi32, #tpu.memory_space<hbm>>
      %dma_start3A_258 = tpu.memref_squeeze %dma_start3A_257 : memref<1x42x128xi32, #tpu.memory_space<hbm>> -> memref<42x128xi32, #tpu.memory_space<hbm>>
      tpu.enqueue_dma source(%dma_start3A_258 : memref<42x128xi32, #tpu.memory_space<hbm>>) target(%arg8 : memref<42x128xi32, #tpu.memory_space<vmem>>) target_semaphore(%run_scoped3A : memref<!tpu.dma_semaphore, #tpu.memory_space<semaphore_mem>>)
      %dma_wait3A_259 = arith.constant 0 : i32
      %dma_wait3A_260 = arith.constant 0 : i32
      %dma_wait3A_261 = tpu.memref_slice %arg4[%add3A_69, %dma_wait3A_259, %dma_wait3A_260] : memref<64x42x128xi32, #tpu.memory_space<hbm>> -> memref<1x42x128xi32, #tpu.memory_space<hbm>>
      %dma_wait3A_262 = tpu.memref_squeeze %dma_wait3A_261 : memref<1x42x128xi32, #tpu.memory_space<hbm>> -> memref<42x128xi32, #tpu.memory_space<hbm>>
      %dma_wait3A_263 = arith.constant 0 : i32
      %dma_wait3A_264 = arith.constant 0 : i32
      %dma_wait3A_265 = tpu.memref_slice %arg4[%add3A_69, %dma_wait3A_263, %dma_wait3A_264] : memref<64x42x128xi32, #tpu.memory_space<hbm>> -> memref<1x42x128xi32, #tpu.memory_space<hbm>>
      %dma_wait3A_266 = tpu.memref_squeeze %dma_wait3A_265 : memref<1x42x128xi32, #tpu.memory_space<hbm>> -> memref<42x128xi32, #tpu.memory_space<hbm>>
      tpu.wait_dma2 semaphore(%run_scoped3A : memref<!tpu.dma_semaphore, #tpu.memory_space<semaphore_mem>>) src(%dma_wait3A_266 : memref<42x128xi32, #tpu.memory_space<hbm>>) dst(%arg8 : memref<42x128xi32, #tpu.memory_space<vmem>>)
      tpu.yield
    }) : () -> ()
    %dma_start3A_70 = arith.constant 0 : i32
    %dma_start3A_71 = arith.constant 0 : i32
    %dma_start3A_72 = arith.constant 0 : i32
    %dma_start3A_73 = arith.constant 0 : i32
    %dma_start3A_74 = tpu.memref_slice %arg9[%dma_start3A_71, %dma_start3A_72, %dma_start3A_73] : memref<2x128x128xf32, #tpu.memory_space<vmem>> -> memref<1x128x128xf32, #tpu.memory_space<vmem>>
    %dma_start3A_75 = tpu.memref_squeeze %dma_start3A_74 : memref<1x128x128xf32, #tpu.memory_space<vmem>> -> memref<128x128xf32, #tpu.memory_space<vmem>>
    %dma_start3A_76 = arith.constant 0 : i32
    %dma_start3A_77 = tpu.memref_slice %arg7[%dma_start3A_70, %dma_start3A_76] : memref<42x128xi32, #tpu.memory_space<vmem>> -> memref<1x128xi32, #tpu.memory_space<vmem>>
    %dma_start3A_78 = tpu.memref_squeeze %dma_start3A_77 : memref<1x128xi32, #tpu.memory_space<vmem>> -> memref<128xi32, #tpu.memory_space<vmem>>
    %dma_start3A_79 = arith.constant 0 : i32
    %dma_start3A_80 = arith.constant 0 : i32
    %dma_start3A_81 = tpu.memref_slice %arg2[%dma_start3A_79, %dma_start3A_80] : memref<20480x128xf32, #tpu.memory_space<hbm>> -> memref<20480x128xf32, #tpu.memory_space<hbm>>
    tpu.enqueue_indirect_dma source(%dma_start3A_81 : memref<20480x128xf32, #tpu.memory_space<hbm>>) target(%dma_start3A_75 : memref<128x128xf32, #tpu.memory_space<vmem>>) offsets(%dma_start3A_78 : memref<128xi32, #tpu.memory_space<vmem>>) semaphore(%arg11 : memref<!tpu.dma_semaphore, #tpu.memory_space<semaphore_mem>>)
    %dma_start3A_82 = arith.constant 1 : i32
    %dma_start3A_83 = arith.constant 1 : i32
    %dma_start3A_84 = arith.constant 0 : i32
    %dma_start3A_85 = arith.constant 0 : i32
    %dma_start3A_86 = tpu.memref_slice %arg9[%dma_start3A_83, %dma_start3A_84, %dma_start3A_85] : memref<2x128x128xf32, #tpu.memory_space<vmem>> -> memref<1x128x128xf32, #tpu.memory_space<vmem>>
    %dma_start3A_87 = tpu.memref_squeeze %dma_start3A_86 : memref<1x128x128xf32, #tpu.memory_space<vmem>> -> memref<128x128xf32, #tpu.memory_space<vmem>>
    %dma_start3A_88 = arith.constant 0 : i32
    %dma_start3A_89 = tpu.memref_slice %arg7[%dma_start3A_82, %dma_start3A_88] : memref<42x128xi32, #tpu.memory_space<vmem>> -> memref<1x128xi32, #tpu.memory_space<vmem>>
    %dma_start3A_90 = tpu.memref_squeeze %dma_start3A_89 : memref<1x128xi32, #tpu.memory_space<vmem>> -> memref<128xi32, #tpu.memory_space<vmem>>
    %dma_start3A_91 = arith.constant 0 : i32
    %dma_start3A_92 = arith.constant 0 : i32
    %dma_start3A_93 = tpu.memref_slice %arg2[%dma_start3A_91, %dma_start3A_92] : memref<20480x128xf32, #tpu.memory_space<hbm>> -> memref<20480x128xf32, #tpu.memory_space<hbm>>
    tpu.enqueue_indirect_dma source(%dma_start3A_93 : memref<20480x128xf32, #tpu.memory_space<hbm>>) target(%dma_start3A_87 : memref<128x128xf32, #tpu.memory_space<vmem>>) offsets(%dma_start3A_90 : memref<128xi32, #tpu.memory_space<vmem>>) semaphore(%arg12 : memref<!tpu.dma_semaphore, #tpu.memory_space<semaphore_mem>>)
    %scan3A_94 = arith.constant 0 : i32
    %scan3A_95 = arith.constant 0 : i32
    %scan3A_96 = arith.constant 20 : i32
    %scan3A_97 = arith.addi %scan3A_95, %scan3A_96 : i32
    %scan3A_98 = arith.constant 1 : i32
    scf.for %scan3A_251 = %scan3A_95 to %scan3A_97 step %scan3A_98  : i32 {
      %mul3A_252 = arith.constant 2 : i32
      %mul3A_253 = arith.muli %scan3A_251, %mul3A_252 : i32
      %add3A_254 = arith.constant 0 : i32
      %add3A_255 = arith.addi %mul3A_253, %add3A_254 : i32
      %dma_wait3A_256 = arith.constant 0 : i32
      %dma_wait3A_257 = arith.constant 0 : i32
      %dma_wait3A_258 = arith.constant 0 : i32
      %dma_wait3A_259 = tpu.memref_slice %arg9[%dma_wait3A_256, %dma_wait3A_257, %dma_wait3A_258] : memref<2x128x128xf32, #tpu.memory_space<vmem>> -> memref<1x128x128xf32, #tpu.memory_space<vmem>>
      %dma_wait3A_260 = tpu.memref_squeeze %dma_wait3A_259 : memref<1x128x128xf32, #tpu.memory_space<vmem>> -> memref<128x128xf32, #tpu.memory_space<vmem>>
      %dma_wait3A_261 = arith.constant 0 : i32
      %dma_wait3A_262 = tpu.memref_slice %arg7[%add3A_255, %dma_wait3A_261] : memref<42x128xi32, #tpu.memory_space<vmem>> -> memref<1x128xi32, #tpu.memory_space<vmem>>
      %dma_wait3A_263 = tpu.memref_squeeze %dma_wait3A_262 : memref<1x128xi32, #tpu.memory_space<vmem>> -> memref<128xi32, #tpu.memory_space<vmem>>
      %dma_wait3A_264 = arith.constant 0 : i32
      %dma_wait3A_265 = arith.constant 0 : i32
      %dma_wait3A_266 = tpu.memref_slice %arg2[%dma_wait3A_264, %dma_wait3A_265] : memref<20480x128xf32, #tpu.memory_space<hbm>> -> memref<20480x128xf32, #tpu.memory_space<hbm>>
      tpu.wait_indirect_dma semaphore(%arg11 : memref<!tpu.dma_semaphore, #tpu.memory_space<semaphore_mem>>) src(%dma_wait3A_266 : memref<20480x128xf32, #tpu.memory_space<hbm>>) dst(%dma_wait3A_260 : memref<128x128xf32, #tpu.memory_space<vmem>>)
      %run_scoped3A = arith.constant 0 : i32
      "tpu.region"() ({
        %run_scoped3A_309 = tpu.sem_alloc : memref<!tpu.dma_semaphore, #tpu.memory_space<semaphore_mem>>
        %dma_start3A_310 = arith.constant 0 : i32
        %dma_start3A_311 = arith.constant 0 : i32
        %dma_start3A_312 = tpu.memref_slice %arg9[%run_scoped3A, %dma_start3A_310, %dma_start3A_311] : memref<2x128x128xf32, #tpu.memory_space<vmem>> -> memref<1x128x128xf32, #tpu.memory_space<vmem>>
        %dma_start3A_313 = tpu.memref_squeeze %dma_start3A_312 : memref<1x128x128xf32, #tpu.memory_space<vmem>> -> memref<128x128xf32, #tpu.memory_space<vmem>>
        %dma_start3A_314 = arith.constant 0 : i32
        %dma_start3A_315 = tpu.memref_slice %arg8[%add3A_255, %dma_start3A_314] : memref<42x128xi32, #tpu.memory_space<vmem>> -> memref<1x128xi32, #tpu.memory_space<vmem>>
        %dma_start3A_316 = tpu.memref_squeeze %dma_start3A_315 : memref<1x128xi32, #tpu.memory_space<vmem>> -> memref<128xi32, #tpu.memory_space<vmem>>
        %dma_start3A_317 = arith.constant 0 : i32
        %dma_start3A_318 = arith.constant 0 : i32
        %dma_start3A_319 = tpu.memref_slice %arg10[%dma_start3A_317, %dma_start3A_318] : memref<10240x128xf32, #tpu.memory_space<vmem_shared>> -> memref<10240x128xf32, #tpu.memory_space<vmem_shared>>
        tpu.enqueue_indirect_dma source(%dma_start3A_313 : memref<128x128xf32, #tpu.memory_space<vmem>>) target(%dma_start3A_319 : memref<10240x128xf32, #tpu.memory_space<vmem_shared>>) offsets(%dma_start3A_316 : memref<128xi32, #tpu.memory_space<vmem>>) semaphore(%run_scoped3A_309 : memref<!tpu.dma_semaphore, #tpu.memory_space<semaphore_mem>>) {add = true}
        %dma_wait3A_320 = arith.constant 0 : i32
        %dma_wait3A_321 = arith.constant 0 : i32
        %dma_wait3A_322 = tpu.memref_slice %arg9[%run_scoped3A, %dma_wait3A_320, %dma_wait3A_321] : memref<2x128x128xf32, #tpu.memory_space<vmem>> -> memref<1x128x128xf32, #tpu.memory_space<vmem>>
        %dma_wait3A_323 = tpu.memref_squeeze %dma_wait3A_322 : memref<1x128x128xf32, #tpu.memory_space<vmem>> -> memref<128x128xf32, #tpu.memory_space<vmem>>
        %dma_wait3A_324 = arith.constant 0 : i32
        %dma_wait3A_325 = tpu.memref_slice %arg8[%add3A_255, %dma_wait3A_324] : memref<42x128xi32, #tpu.memory_space<vmem>> -> memref<1x128xi32, #tpu.memory_space<vmem>>
        %dma_wait3A_326 = tpu.memref_squeeze %dma_wait3A_325 : memref<1x128xi32, #tpu.memory_space<vmem>> -> memref<128xi32, #tpu.memory_space<vmem>>
        %dma_wait3A_327 = arith.constant 0 : i32
        %dma_wait3A_328 = arith.constant 0 : i32
        %dma_wait3A_329 = tpu.memref_slice %arg10[%dma_wait3A_327, %dma_wait3A_328] : memref<10240x128xf32, #tpu.memory_space<vmem_shared>> -> memref<10240x128xf32, #tpu.memory_space<vmem_shared>>
        tpu.wait_indirect_dma semaphore(%run_scoped3A_309 : memref<!tpu.dma_semaphore, #tpu.memory_space<semaphore_mem>>) src(%dma_wait3A_323 : memref<128x128xf32, #tpu.memory_space<vmem>>) dst(%dma_wait3A_329 : memref<10240x128xf32, #tpu.memory_space<vmem_shared>>)
        tpu.yield
      }) : () -> ()
      %add3A_267 = arith.constant 2 : i32
      %add3A_268 = arith.addi %add3A_255, %add3A_267 : i32
      %dma_start3A_269 = arith.constant 0 : i32
      %dma_start3A_270 = arith.constant 0 : i32
      %dma_start3A_271 = arith.constant 0 : i32
      %dma_start3A_272 = tpu.memref_slice %arg9[%dma_start3A_269, %dma_start3A_270, %dma_start3A_271] : memref<2x128x128xf32, #tpu.memory_space<vmem>> -> memref<1x128x128xf32, #tpu.memory_space<vmem>>
      %dma_start3A_273 = tpu.memref_squeeze %dma_start3A_272 : memref<1x128x128xf32, #tpu.memory_space<vmem>> -> memref<128x128xf32, #tpu.memory_space<vmem>>
      %dma_start3A_274 = arith.constant 0 : i32
      %dma_start3A_275 = tpu.memref_slice %arg7[%add3A_268, %dma_start3A_274] : memref<42x128xi32, #tpu.memory_space<vmem>> -> memref<1x128xi32, #tpu.memory_space<vmem>>
      %dma_start3A_276 = tpu.memref_squeeze %dma_start3A_275 : memref<1x128xi32, #tpu.memory_space<vmem>> -> memref<128xi32, #tpu.memory_space<vmem>>
      %dma_start3A_277 = arith.constant 0 : i32
      %dma_start3A_278 = arith.constant 0 : i32
      %dma_start3A_279 = tpu.memref_slice %arg2[%dma_start3A_277, %dma_start3A_278] : memref<20480x128xf32, #tpu.memory_space<hbm>> -> memref<20480x128xf32, #tpu.memory_space<hbm>>
      tpu.enqueue_indirect_dma source(%dma_start3A_279 : memref<20480x128xf32, #tpu.memory_space<hbm>>) target(%dma_start3A_273 : memref<128x128xf32, #tpu.memory_space<vmem>>) offsets(%dma_start3A_276 : memref<128xi32, #tpu.memory_space<vmem>>) semaphore(%arg11 : memref<!tpu.dma_semaphore, #tpu.memory_space<semaphore_mem>>)
      %mul3A_280 = arith.constant 2 : i32
      %mul3A_281 = arith.muli %scan3A_251, %mul3A_280 : i32
      %add3A_282 = arith.constant 1 : i32
      %add3A_283 = arith.addi %mul3A_281, %add3A_282 : i32
      %dma_wait3A_284 = arith.constant 1 : i32
      %dma_wait3A_285 = arith.constant 0 : i32
      %dma_wait3A_286 = arith.constant 0 : i32
      %dma_wait3A_287 = tpu.memref_slice %arg9[%dma_wait3A_284, %dma_wait3A_285, %dma_wait3A_286] : memref<2x128x128xf32, #tpu.memory_space<vmem>> -> memref<1x128x128xf32, #tpu.memory_space<vmem>>
      %dma_wait3A_288 = tpu.memref_squeeze %dma_wait3A_287 : memref<1x128x128xf32, #tpu.memory_space<vmem>> -> memref<128x128xf32, #tpu.memory_space<vmem>>
      %dma_wait3A_289 = arith.constant 0 : i32
      %dma_wait3A_290 = tpu.memref_slice %arg7[%add3A_283, %dma_wait3A_289] : memref<42x128xi32, #tpu.memory_space<vmem>> -> memref<1x128xi32, #tpu.memory_space<vmem>>
      %dma_wait3A_291 = tpu.memref_squeeze %dma_wait3A_290 : memref<1x128xi32, #tpu.memory_space<vmem>> -> memref<128xi32, #tpu.memory_space<vmem>>
      %dma_wait3A_292 = arith.constant 0 : i32
      %dma_wait3A_293 = arith.constant 0 : i32
      %dma_wait3A_294 = tpu.memref_slice %arg2[%dma_wait3A_292, %dma_wait3A_293] : memref<20480x128xf32, #tpu.memory_space<hbm>> -> memref<20480x128xf32, #tpu.memory_space<hbm>>
      tpu.wait_indirect_dma semaphore(%arg12 : memref<!tpu.dma_semaphore, #tpu.memory_space<semaphore_mem>>) src(%dma_wait3A_294 : memref<20480x128xf32, #tpu.memory_space<hbm>>) dst(%dma_wait3A_288 : memref<128x128xf32, #tpu.memory_space<vmem>>)
      %run_scoped3A_295 = arith.constant 1 : i32
      "tpu.region"() ({
        %run_scoped3A_309 = tpu.sem_alloc : memref<!tpu.dma_semaphore, #tpu.memory_space<semaphore_mem>>
        %dma_start3A_310 = arith.constant 0 : i32
        %dma_start3A_311 = arith.constant 0 : i32
        %dma_start3A_312 = tpu.memref_slice %arg9[%run_scoped3A_295, %dma_start3A_310, %dma_start3A_311] : memref<2x128x128xf32, #tpu.memory_space<vmem>> -> memref<1x128x128xf32, #tpu.memory_space<vmem>>
        %dma_start3A_313 = tpu.memref_squeeze %dma_start3A_312 : memref<1x128x128xf32, #tpu.memory_space<vmem>> -> memref<128x128xf32, #tpu.memory_space<vmem>>
        %dma_start3A_314 = arith.constant 0 : i32
        %dma_start3A_315 = tpu.memref_slice %arg8[%add3A_283, %dma_start3A_314] : memref<42x128xi32, #tpu.memory_space<vmem>> -> memref<1x128xi32, #tpu.memory_space<vmem>>
        %dma_start3A_316 = tpu.memref_squeeze %dma_start3A_315 : memref<1x128xi32, #tpu.memory_space<vmem>> -> memref<128xi32, #tpu.memory_space<vmem>>
        %dma_start3A_317 = arith.constant 0 : i32
        %dma_start3A_318 = arith.constant 0 : i32
        %dma_start3A_319 = tpu.memref_slice %arg10[%dma_start3A_317, %dma_start3A_318] : memref<10240x128xf32, #tpu.memory_space<vmem_shared>> -> memref<10240x128xf32, #tpu.memory_space<vmem_shared>>
        tpu.enqueue_indirect_dma source(%dma_start3A_313 : memref<128x128xf32, #tpu.memory_space<vmem>>) target(%dma_start3A_319 : memref<10240x128xf32, #tpu.memory_space<vmem_shared>>) offsets(%dma_start3A_316 : memref<128xi32, #tpu.memory_space<vmem>>) semaphore(%run_scoped3A_309 : memref<!tpu.dma_semaphore, #tpu.memory_space<semaphore_mem>>) {add = true}
        %dma_wait3A_320 = arith.constant 0 : i32
        %dma_wait3A_321 = arith.constant 0 : i32
        %dma_wait3A_322 = tpu.memref_slice %arg9[%run_scoped3A_295, %dma_wait3A_320, %dma_wait3A_321] : memref<2x128x128xf32, #tpu.memory_space<vmem>> -> memref<1x128x128xf32, #tpu.memory_space<vmem>>
        %dma_wait3A_323 = tpu.memref_squeeze %dma_wait3A_322 : memref<1x128x128xf32, #tpu.memory_space<vmem>> -> memref<128x128xf32, #tpu.memory_space<vmem>>
        %dma_wait3A_324 = arith.constant 0 : i32
        %dma_wait3A_325 = tpu.memref_slice %arg8[%add3A_283, %dma_wait3A_324] : memref<42x128xi32, #tpu.memory_space<vmem>> -> memref<1x128xi32, #tpu.memory_space<vmem>>
        %dma_wait3A_326 = tpu.memref_squeeze %dma_wait3A_325 : memref<1x128xi32, #tpu.memory_space<vmem>> -> memref<128xi32, #tpu.memory_space<vmem>>
        %dma_wait3A_327 = arith.constant 0 : i32
        %dma_wait3A_328 = arith.constant 0 : i32
        %dma_wait3A_329 = tpu.memref_slice %arg10[%dma_wait3A_327, %dma_wait3A_328] : memref<10240x128xf32, #tpu.memory_space<vmem_shared>> -> memref<10240x128xf32, #tpu.memory_space<vmem_shared>>
        tpu.wait_indirect_dma semaphore(%run_scoped3A_309 : memref<!tpu.dma_semaphore, #tpu.memory_space<semaphore_mem>>) src(%dma_wait3A_323 : memref<128x128xf32, #tpu.memory_space<vmem>>) dst(%dma_wait3A_329 : memref<10240x128xf32, #tpu.memory_space<vmem_shared>>)
        tpu.yield
      }) : () -> ()
      %add3A_296 = arith.constant 2 : i32
      %add3A_297 = arith.addi %add3A_283, %add3A_296 : i32
      %dma_start3A_298 = arith.constant 1 : i32
      %dma_start3A_299 = arith.constant 0 : i32
      %dma_start3A_300 = arith.constant 0 : i32
      %dma_start3A_301 = tpu.memref_slice %arg9[%dma_start3A_298, %dma_start3A_299, %dma_start3A_300] : memref<2x128x128xf32, #tpu.memory_space<vmem>> -> memref<1x128x128xf32, #tpu.memory_space<vmem>>
      %dma_start3A_302 = tpu.memref_squeeze %dma_start3A_301 : memref<1x128x128xf32, #tpu.memory_space<vmem>> -> memref<128x128xf32, #tpu.memory_space<vmem>>
      %dma_start3A_303 = arith.constant 0 : i32
      %dma_start3A_304 = tpu.memref_slice %arg7[%add3A_297, %dma_start3A_303] : memref<42x128xi32, #tpu.memory_space<vmem>> -> memref<1x128xi32, #tpu.memory_space<vmem>>
      %dma_start3A_305 = tpu.memref_squeeze %dma_start3A_304 : memref<1x128xi32, #tpu.memory_space<vmem>> -> memref<128xi32, #tpu.memory_space<vmem>>
      %dma_start3A_306 = arith.constant 0 : i32
      %dma_start3A_307 = arith.constant 0 : i32
      %dma_start3A_308 = tpu.memref_slice %arg2[%dma_start3A_306, %dma_start3A_307] : memref<20480x128xf32, #tpu.memory_space<hbm>> -> memref<20480x128xf32, #tpu.memory_space<hbm>>
      tpu.enqueue_indirect_dma source(%dma_start3A_308 : memref<20480x128xf32, #tpu.memory_space<hbm>>) target(%dma_start3A_302 : memref<128x128xf32, #tpu.memory_space<vmem>>) offsets(%dma_start3A_305 : memref<128xi32, #tpu.memory_space<vmem>>) semaphore(%arg12 : memref<!tpu.dma_semaphore, #tpu.memory_space<semaphore_mem>>)
    }
    %scan3A_99 = arith.constant 20 : i32
    %dma_wait3A_100 = arith.constant 40 : i32
    %dma_wait3A_101 = arith.constant 0 : i32
    %dma_wait3A_102 = arith.constant 0 : i32
    %dma_wait3A_103 = arith.constant 0 : i32
    %dma_wait3A_104 = tpu.memref_slice %arg9[%dma_wait3A_101, %dma_wait3A_102, %dma_wait3A_103] : memref<2x128x128xf32, #tpu.memory_space<vmem>> -> memref<1x128x128xf32, #tpu.memory_space<vmem>>
    %dma_wait3A_105 = tpu.memref_squeeze %dma_wait3A_104 : memref<1x128x128xf32, #tpu.memory_space<vmem>> -> memref<128x128xf32, #tpu.memory_space<vmem>>
    %dma_wait3A_106 = arith.constant 0 : i32
    %dma_wait3A_107 = tpu.memref_slice %arg7[%dma_wait3A_100, %dma_wait3A_106] : memref<42x128xi32, #tpu.memory_space<vmem>> -> memref<1x128xi32, #tpu.memory_space<vmem>>
    %dma_wait3A_108 = tpu.memref_squeeze %dma_wait3A_107 : memref<1x128xi32, #tpu.memory_space<vmem>> -> memref<128xi32, #tpu.memory_space<vmem>>
    %dma_wait3A_109 = arith.constant 0 : i32
    %dma_wait3A_110 = arith.constant 0 : i32
    %dma_wait3A_111 = tpu.memref_slice %arg2[%dma_wait3A_109, %dma_wait3A_110] : memref<20480x128xf32, #tpu.memory_space<hbm>> -> memref<20480x128xf32, #tpu.memory_space<hbm>>
    tpu.wait_indirect_dma semaphore(%arg11 : memref<!tpu.dma_semaphore, #tpu.memory_space<semaphore_mem>>) src(%dma_wait3A_111 : memref<20480x128xf32, #tpu.memory_space<hbm>>) dst(%dma_wait3A_105 : memref<128x128xf32, #tpu.memory_space<vmem>>)
    %dma_wait3A_112 = arith.constant 41 : i32
    %dma_wait3A_113 = arith.constant 1 : i32
    %dma_wait3A_114 = arith.constant 0 : i32
    %dma_wait3A_115 = arith.constant 0 : i32
    %dma_wait3A_116 = tpu.memref_slice %arg9[%dma_wait3A_113, %dma_wait3A_114, %dma_wait3A_115] : memref<2x128x128xf32, #tpu.memory_space<vmem>> -> memref<1x128x128xf32, #tpu.memory_space<vmem>>
    %dma_wait3A_117 = tpu.memref_squeeze %dma_wait3A_116 : memref<1x128x128xf32, #tpu.memory_space<vmem>> -> memref<128x128xf32, #tpu.memory_space<vmem>>
    %dma_wait3A_118 = arith.constant 0 : i32
    %dma_wait3A_119 = tpu.memref_slice %arg7[%dma_wait3A_112, %dma_wait3A_118] : memref<42x128xi32, #tpu.memory_space<vmem>> -> memref<1x128xi32, #tpu.memory_space<vmem>>
    %dma_wait3A_120 = tpu.memref_squeeze %dma_wait3A_119 : memref<1x128xi32, #tpu.memory_space<vmem>> -> memref<128xi32, #tpu.memory_space<vmem>>
    %dma_wait3A_121 = arith.constant 0 : i32
    %dma_wait3A_122 = arith.constant 0 : i32
    %dma_wait3A_123 = tpu.memref_slice %arg2[%dma_wait3A_121, %dma_wait3A_122] : memref<20480x128xf32, #tpu.memory_space<hbm>> -> memref<20480x128xf32, #tpu.memory_space<hbm>>
    tpu.wait_indirect_dma semaphore(%arg12 : memref<!tpu.dma_semaphore, #tpu.memory_space<semaphore_mem>>) src(%dma_wait3A_123 : memref<20480x128xf32, #tpu.memory_space<hbm>>) dst(%dma_wait3A_117 : memref<128x128xf32, #tpu.memory_space<vmem>>)
    %mul3A_124 = arith.constant 4 : i32
    %mul3A_125 = arith.muli %add3A, %mul3A_124 : i32
    %add3A_126 = arith.constant 2 : i32
    %add3A_127 = arith.addi %mul3A_125, %add3A_126 : i32
    "tpu.region"() ({
      %run_scoped3A = tpu.sem_alloc : memref<!tpu.dma_semaphore, #tpu.memory_space<semaphore_mem>>
      %dma_start3A_251 = arith.constant 0 : i32
      %dma_start3A_252 = arith.constant 0 : i32
      %dma_start3A_253 = tpu.memref_slice %arg3[%add3A_127, %dma_start3A_251, %dma_start3A_252] : memref<128x42x128xi32, #tpu.memory_space<hbm>> -> memref<1x42x128xi32, #tpu.memory_space<hbm>>
      %dma_start3A_254 = tpu.memref_squeeze %dma_start3A_253 : memref<1x42x128xi32, #tpu.memory_space<hbm>> -> memref<42x128xi32, #tpu.memory_space<hbm>>
      %dma_start3A_255 = arith.constant 0 : i32
      %dma_start3A_256 = arith.constant 0 : i32
      %dma_start3A_257 = tpu.memref_slice %arg3[%add3A_127, %dma_start3A_255, %dma_start3A_256] : memref<128x42x128xi32, #tpu.memory_space<hbm>> -> memref<1x42x128xi32, #tpu.memory_space<hbm>>
      %dma_start3A_258 = tpu.memref_squeeze %dma_start3A_257 : memref<1x42x128xi32, #tpu.memory_space<hbm>> -> memref<42x128xi32, #tpu.memory_space<hbm>>
      tpu.enqueue_dma source(%dma_start3A_258 : memref<42x128xi32, #tpu.memory_space<hbm>>) target(%arg7 : memref<42x128xi32, #tpu.memory_space<vmem>>) target_semaphore(%run_scoped3A : memref<!tpu.dma_semaphore, #tpu.memory_space<semaphore_mem>>)
      %dma_wait3A_259 = arith.constant 0 : i32
      %dma_wait3A_260 = arith.constant 0 : i32
      %dma_wait3A_261 = tpu.memref_slice %arg3[%add3A_127, %dma_wait3A_259, %dma_wait3A_260] : memref<128x42x128xi32, #tpu.memory_space<hbm>> -> memref<1x42x128xi32, #tpu.memory_space<hbm>>
      %dma_wait3A_262 = tpu.memref_squeeze %dma_wait3A_261 : memref<1x42x128xi32, #tpu.memory_space<hbm>> -> memref<42x128xi32, #tpu.memory_space<hbm>>
      %dma_wait3A_263 = arith.constant 0 : i32
      %dma_wait3A_264 = arith.constant 0 : i32
      %dma_wait3A_265 = tpu.memref_slice %arg3[%add3A_127, %dma_wait3A_263, %dma_wait3A_264] : memref<128x42x128xi32, #tpu.memory_space<hbm>> -> memref<1x42x128xi32, #tpu.memory_space<hbm>>
      %dma_wait3A_266 = tpu.memref_squeeze %dma_wait3A_265 : memref<1x42x128xi32, #tpu.memory_space<hbm>> -> memref<42x128xi32, #tpu.memory_space<hbm>>
      tpu.wait_dma2 semaphore(%run_scoped3A : memref<!tpu.dma_semaphore, #tpu.memory_space<semaphore_mem>>) src(%dma_wait3A_266 : memref<42x128xi32, #tpu.memory_space<hbm>>) dst(%arg7 : memref<42x128xi32, #tpu.memory_space<vmem>>)
      tpu.yield
    }) : () -> ()
    %mul3A_128 = arith.constant 4 : i32
    %mul3A_129 = arith.muli %arg1, %mul3A_128 : i32
    %add3A_130 = arith.constant 2 : i32
    %add3A_131 = arith.addi %mul3A_129, %add3A_130 : i32
    "tpu.region"() ({
      %run_scoped3A = tpu.sem_alloc : memref<!tpu.dma_semaphore, #tpu.memory_space<semaphore_mem>>
      %dma_start3A_251 = arith.constant 0 : i32
      %dma_start3A_252 = arith.constant 0 : i32
      %dma_start3A_253 = tpu.memref_slice %arg4[%add3A_131, %dma_start3A_251, %dma_start3A_252] : memref<64x42x128xi32, #tpu.memory_space<hbm>> -> memref<1x42x128xi32, #tpu.memory_space<hbm>>
      %dma_start3A_254 = tpu.memref_squeeze %dma_start3A_253 : memref<1x42x128xi32, #tpu.memory_space<hbm>> -> memref<42x128xi32, #tpu.memory_space<hbm>>
      %dma_start3A_255 = arith.constant 0 : i32
      %dma_start3A_256 = arith.constant 0 : i32
      %dma_start3A_257 = tpu.memref_slice %arg4[%add3A_131, %dma_start3A_255, %dma_start3A_256] : memref<64x42x128xi32, #tpu.memory_space<hbm>> -> memref<1x42x128xi32, #tpu.memory_space<hbm>>
      %dma_start3A_258 = tpu.memref_squeeze %dma_start3A_257 : memref<1x42x128xi32, #tpu.memory_space<hbm>> -> memref<42x128xi32, #tpu.memory_space<hbm>>
      tpu.enqueue_dma source(%dma_start3A_258 : memref<42x128xi32, #tpu.memory_space<hbm>>) target(%arg8 : memref<42x128xi32, #tpu.memory_space<vmem>>) target_semaphore(%run_scoped3A : memref<!tpu.dma_semaphore, #tpu.memory_space<semaphore_mem>>)
      %dma_wait3A_259 = arith.constant 0 : i32
      %dma_wait3A_260 = arith.constant 0 : i32
      %dma_wait3A_261 = tpu.memref_slice %arg4[%add3A_131, %dma_wait3A_259, %dma_wait3A_260] : memref<64x42x128xi32, #tpu.memory_space<hbm>> -> memref<1x42x128xi32, #tpu.memory_space<hbm>>
      %dma_wait3A_262 = tpu.memref_squeeze %dma_wait3A_261 : memref<1x42x128xi32, #tpu.memory_space<hbm>> -> memref<42x128xi32, #tpu.memory_space<hbm>>
      %dma_wait3A_263 = arith.constant 0 : i32
      %dma_wait3A_264 = arith.constant 0 : i32
      %dma_wait3A_265 = tpu.memref_slice %arg4[%add3A_131, %dma_wait3A_263, %dma_wait3A_264] : memref<64x42x128xi32, #tpu.memory_space<hbm>> -> memref<1x42x128xi32, #tpu.memory_space<hbm>>
      %dma_wait3A_266 = tpu.memref_squeeze %dma_wait3A_265 : memref<1x42x128xi32, #tpu.memory_space<hbm>> -> memref<42x128xi32, #tpu.memory_space<hbm>>
      tpu.wait_dma2 semaphore(%run_scoped3A : memref<!tpu.dma_semaphore, #tpu.memory_space<semaphore_mem>>) src(%dma_wait3A_266 : memref<42x128xi32, #tpu.memory_space<hbm>>) dst(%arg8 : memref<42x128xi32, #tpu.memory_space<vmem>>)
      tpu.yield
    }) : () -> ()
    %dma_start3A_132 = arith.constant 0 : i32
    %dma_start3A_133 = arith.constant 0 : i32
    %dma_start3A_134 = arith.constant 0 : i32
    %dma_start3A_135 = arith.constant 0 : i32
    %dma_start3A_136 = tpu.memref_slice %arg9[%dma_start3A_133, %dma_start3A_134, %dma_start3A_135] : memref<2x128x128xf32, #tpu.memory_space<vmem>> -> memref<1x128x128xf32, #tpu.memory_space<vmem>>
    %dma_start3A_137 = tpu.memref_squeeze %dma_start3A_136 : memref<1x128x128xf32, #tpu.memory_space<vmem>> -> memref<128x128xf32, #tpu.memory_space<vmem>>
    %dma_start3A_138 = arith.constant 0 : i32
    %dma_start3A_139 = tpu.memref_slice %arg7[%dma_start3A_132, %dma_start3A_138] : memref<42x128xi32, #tpu.memory_space<vmem>> -> memref<1x128xi32, #tpu.memory_space<vmem>>
    %dma_start3A_140 = tpu.memref_squeeze %dma_start3A_139 : memref<1x128xi32, #tpu.memory_space<vmem>> -> memref<128xi32, #tpu.memory_space<vmem>>
    %dma_start3A_141 = arith.constant 0 : i32
    %dma_start3A_142 = arith.constant 0 : i32
    %dma_start3A_143 = tpu.memref_slice %arg2[%dma_start3A_141, %dma_start3A_142] : memref<20480x128xf32, #tpu.memory_space<hbm>> -> memref<20480x128xf32, #tpu.memory_space<hbm>>
    tpu.enqueue_indirect_dma source(%dma_start3A_143 : memref<20480x128xf32, #tpu.memory_space<hbm>>) target(%dma_start3A_137 : memref<128x128xf32, #tpu.memory_space<vmem>>) offsets(%dma_start3A_140 : memref<128xi32, #tpu.memory_space<vmem>>) semaphore(%arg11 : memref<!tpu.dma_semaphore, #tpu.memory_space<semaphore_mem>>)
    %dma_start3A_144 = arith.constant 1 : i32
    %dma_start3A_145 = arith.constant 1 : i32
    %dma_start3A_146 = arith.constant 0 : i32
    %dma_start3A_147 = arith.constant 0 : i32
    %dma_start3A_148 = tpu.memref_slice %arg9[%dma_start3A_145, %dma_start3A_146, %dma_start3A_147] : memref<2x128x128xf32, #tpu.memory_space<vmem>> -> memref<1x128x128xf32, #tpu.memory_space<vmem>>
    %dma_start3A_149 = tpu.memref_squeeze %dma_start3A_148 : memref<1x128x128xf32, #tpu.memory_space<vmem>> -> memref<128x128xf32, #tpu.memory_space<vmem>>
    %dma_start3A_150 = arith.constant 0 : i32
    %dma_start3A_151 = tpu.memref_slice %arg7[%dma_start3A_144, %dma_start3A_150] : memref<42x128xi32, #tpu.memory_space<vmem>> -> memref<1x128xi32, #tpu.memory_space<vmem>>
    %dma_start3A_152 = tpu.memref_squeeze %dma_start3A_151 : memref<1x128xi32, #tpu.memory_space<vmem>> -> memref<128xi32, #tpu.memory_space<vmem>>
    %dma_start3A_153 = arith.constant 0 : i32
    %dma_start3A_154 = arith.constant 0 : i32
    %dma_start3A_155 = tpu.memref_slice %arg2[%dma_start3A_153, %dma_start3A_154] : memref<20480x128xf32, #tpu.memory_space<hbm>> -> memref<20480x128xf32, #tpu.memory_space<hbm>>
    tpu.enqueue_indirect_dma source(%dma_start3A_155 : memref<20480x128xf32, #tpu.memory_space<hbm>>) target(%dma_start3A_149 : memref<128x128xf32, #tpu.memory_space<vmem>>) offsets(%dma_start3A_152 : memref<128xi32, #tpu.memory_space<vmem>>) semaphore(%arg12 : memref<!tpu.dma_semaphore, #tpu.memory_space<semaphore_mem>>)
    %scan3A_156 = arith.constant 0 : i32
    %scan3A_157 = arith.constant 0 : i32
    %scan3A_158 = arith.constant 20 : i32
    %scan3A_159 = arith.addi %scan3A_157, %scan3A_158 : i32
    %scan3A_160 = arith.constant 1 : i32
    scf.for %scan3A_251 = %scan3A_157 to %scan3A_159 step %scan3A_160  : i32 {
      %mul3A_252 = arith.constant 2 : i32
      %mul3A_253 = arith.muli %scan3A_251, %mul3A_252 : i32
      %add3A_254 = arith.constant 0 : i32
      %add3A_255 = arith.addi %mul3A_253, %add3A_254 : i32
      %dma_wait3A_256 = arith.constant 0 : i32
      %dma_wait3A_257 = arith.constant 0 : i32
      %dma_wait3A_258 = arith.constant 0 : i32
      %dma_wait3A_259 = tpu.memref_slice %arg9[%dma_wait3A_256, %dma_wait3A_257, %dma_wait3A_258] : memref<2x128x128xf32, #tpu.memory_space<vmem>> -> memref<1x128x128xf32, #tpu.memory_space<vmem>>
      %dma_wait3A_260 = tpu.memref_squeeze %dma_wait3A_259 : memref<1x128x128xf32, #tpu.memory_space<vmem>> -> memref<128x128xf32, #tpu.memory_space<vmem>>
      %dma_wait3A_261 = arith.constant 0 : i32
      %dma_wait3A_262 = tpu.memref_slice %arg7[%add3A_255, %dma_wait3A_261] : memref<42x128xi32, #tpu.memory_space<vmem>> -> memref<1x128xi32, #tpu.memory_space<vmem>>
      %dma_wait3A_263 = tpu.memref_squeeze %dma_wait3A_262 : memref<1x128xi32, #tpu.memory_space<vmem>> -> memref<128xi32, #tpu.memory_space<vmem>>
      %dma_wait3A_264 = arith.constant 0 : i32
      %dma_wait3A_265 = arith.constant 0 : i32
      %dma_wait3A_266 = tpu.memref_slice %arg2[%dma_wait3A_264, %dma_wait3A_265] : memref<20480x128xf32, #tpu.memory_space<hbm>> -> memref<20480x128xf32, #tpu.memory_space<hbm>>
      tpu.wait_indirect_dma semaphore(%arg11 : memref<!tpu.dma_semaphore, #tpu.memory_space<semaphore_mem>>) src(%dma_wait3A_266 : memref<20480x128xf32, #tpu.memory_space<hbm>>) dst(%dma_wait3A_260 : memref<128x128xf32, #tpu.memory_space<vmem>>)
      %run_scoped3A = arith.constant 0 : i32
      "tpu.region"() ({
        %run_scoped3A_309 = tpu.sem_alloc : memref<!tpu.dma_semaphore, #tpu.memory_space<semaphore_mem>>
        %dma_start3A_310 = arith.constant 0 : i32
        %dma_start3A_311 = arith.constant 0 : i32
        %dma_start3A_312 = tpu.memref_slice %arg9[%run_scoped3A, %dma_start3A_310, %dma_start3A_311] : memref<2x128x128xf32, #tpu.memory_space<vmem>> -> memref<1x128x128xf32, #tpu.memory_space<vmem>>
        %dma_start3A_313 = tpu.memref_squeeze %dma_start3A_312 : memref<1x128x128xf32, #tpu.memory_space<vmem>> -> memref<128x128xf32, #tpu.memory_space<vmem>>
        %dma_start3A_314 = arith.constant 0 : i32
        %dma_start3A_315 = tpu.memref_slice %arg8[%add3A_255, %dma_start3A_314] : memref<42x128xi32, #tpu.memory_space<vmem>> -> memref<1x128xi32, #tpu.memory_space<vmem>>
        %dma_start3A_316 = tpu.memref_squeeze %dma_start3A_315 : memref<1x128xi32, #tpu.memory_space<vmem>> -> memref<128xi32, #tpu.memory_space<vmem>>
        %dma_start3A_317 = arith.constant 0 : i32
        %dma_start3A_318 = arith.constant 0 : i32
        %dma_start3A_319 = tpu.memref_slice %arg10[%dma_start3A_317, %dma_start3A_318] : memref<10240x128xf32, #tpu.memory_space<vmem_shared>> -> memref<10240x128xf32, #tpu.memory_space<vmem_shared>>
        tpu.enqueue_indirect_dma source(%dma_start3A_313 : memref<128x128xf32, #tpu.memory_space<vmem>>) target(%dma_start3A_319 : memref<10240x128xf32, #tpu.memory_space<vmem_shared>>) offsets(%dma_start3A_316 : memref<128xi32, #tpu.memory_space<vmem>>) semaphore(%run_scoped3A_309 : memref<!tpu.dma_semaphore, #tpu.memory_space<semaphore_mem>>) {add = true}
        %dma_wait3A_320 = arith.constant 0 : i32
        %dma_wait3A_321 = arith.constant 0 : i32
        %dma_wait3A_322 = tpu.memref_slice %arg9[%run_scoped3A, %dma_wait3A_320, %dma_wait3A_321] : memref<2x128x128xf32, #tpu.memory_space<vmem>> -> memref<1x128x128xf32, #tpu.memory_space<vmem>>
        %dma_wait3A_323 = tpu.memref_squeeze %dma_wait3A_322 : memref<1x128x128xf32, #tpu.memory_space<vmem>> -> memref<128x128xf32, #tpu.memory_space<vmem>>
        %dma_wait3A_324 = arith.constant 0 : i32
        %dma_wait3A_325 = tpu.memref_slice %arg8[%add3A_255, %dma_wait3A_324] : memref<42x128xi32, #tpu.memory_space<vmem>> -> memref<1x128xi32, #tpu.memory_space<vmem>>
        %dma_wait3A_326 = tpu.memref_squeeze %dma_wait3A_325 : memref<1x128xi32, #tpu.memory_space<vmem>> -> memref<128xi32, #tpu.memory_space<vmem>>
        %dma_wait3A_327 = arith.constant 0 : i32
        %dma_wait3A_328 = arith.constant 0 : i32
        %dma_wait3A_329 = tpu.memref_slice %arg10[%dma_wait3A_327, %dma_wait3A_328] : memref<10240x128xf32, #tpu.memory_space<vmem_shared>> -> memref<10240x128xf32, #tpu.memory_space<vmem_shared>>
        tpu.wait_indirect_dma semaphore(%run_scoped3A_309 : memref<!tpu.dma_semaphore, #tpu.memory_space<semaphore_mem>>) src(%dma_wait3A_323 : memref<128x128xf32, #tpu.memory_space<vmem>>) dst(%dma_wait3A_329 : memref<10240x128xf32, #tpu.memory_space<vmem_shared>>)
        tpu.yield
      }) : () -> ()
      %add3A_267 = arith.constant 2 : i32
      %add3A_268 = arith.addi %add3A_255, %add3A_267 : i32
      %dma_start3A_269 = arith.constant 0 : i32
      %dma_start3A_270 = arith.constant 0 : i32
      %dma_start3A_271 = arith.constant 0 : i32
      %dma_start3A_272 = tpu.memref_slice %arg9[%dma_start3A_269, %dma_start3A_270, %dma_start3A_271] : memref<2x128x128xf32, #tpu.memory_space<vmem>> -> memref<1x128x128xf32, #tpu.memory_space<vmem>>
      %dma_start3A_273 = tpu.memref_squeeze %dma_start3A_272 : memref<1x128x128xf32, #tpu.memory_space<vmem>> -> memref<128x128xf32, #tpu.memory_space<vmem>>
      %dma_start3A_274 = arith.constant 0 : i32
      %dma_start3A_275 = tpu.memref_slice %arg7[%add3A_268, %dma_start3A_274] : memref<42x128xi32, #tpu.memory_space<vmem>> -> memref<1x128xi32, #tpu.memory_space<vmem>>
      %dma_start3A_276 = tpu.memref_squeeze %dma_start3A_275 : memref<1x128xi32, #tpu.memory_space<vmem>> -> memref<128xi32, #tpu.memory_space<vmem>>
      %dma_start3A_277 = arith.constant 0 : i32
      %dma_start3A_278 = arith.constant 0 : i32
      %dma_start3A_279 = tpu.memref_slice %arg2[%dma_start3A_277, %dma_start3A_278] : memref<20480x128xf32, #tpu.memory_space<hbm>> -> memref<20480x128xf32, #tpu.memory_space<hbm>>
      tpu.enqueue_indirect_dma source(%dma_start3A_279 : memref<20480x128xf32, #tpu.memory_space<hbm>>) target(%dma_start3A_273 : memref<128x128xf32, #tpu.memory_space<vmem>>) offsets(%dma_start3A_276 : memref<128xi32, #tpu.memory_space<vmem>>) semaphore(%arg11 : memref<!tpu.dma_semaphore, #tpu.memory_space<semaphore_mem>>)
      %mul3A_280 = arith.constant 2 : i32
      %mul3A_281 = arith.muli %scan3A_251, %mul3A_280 : i32
      %add3A_282 = arith.constant 1 : i32
      %add3A_283 = arith.addi %mul3A_281, %add3A_282 : i32
      %dma_wait3A_284 = arith.constant 1 : i32
      %dma_wait3A_285 = arith.constant 0 : i32
      %dma_wait3A_286 = arith.constant 0 : i32
      %dma_wait3A_287 = tpu.memref_slice %arg9[%dma_wait3A_284, %dma_wait3A_285, %dma_wait3A_286] : memref<2x128x128xf32, #tpu.memory_space<vmem>> -> memref<1x128x128xf32, #tpu.memory_space<vmem>>
      %dma_wait3A_288 = tpu.memref_squeeze %dma_wait3A_287 : memref<1x128x128xf32, #tpu.memory_space<vmem>> -> memref<128x128xf32, #tpu.memory_space<vmem>>
      %dma_wait3A_289 = arith.constant 0 : i32
      %dma_wait3A_290 = tpu.memref_slice %arg7[%add3A_283, %dma_wait3A_289] : memref<42x128xi32, #tpu.memory_space<vmem>> -> memref<1x128xi32, #tpu.memory_space<vmem>>
      %dma_wait3A_291 = tpu.memref_squeeze %dma_wait3A_290 : memref<1x128xi32, #tpu.memory_space<vmem>> -> memref<128xi32, #tpu.memory_space<vmem>>
      %dma_wait3A_292 = arith.constant 0 : i32
      %dma_wait3A_293 = arith.constant 0 : i32
      %dma_wait3A_294 = tpu.memref_slice %arg2[%dma_wait3A_292, %dma_wait3A_293] : memref<20480x128xf32, #tpu.memory_space<hbm>> -> memref<20480x128xf32, #tpu.memory_space<hbm>>
      tpu.wait_indirect_dma semaphore(%arg12 : memref<!tpu.dma_semaphore, #tpu.memory_space<semaphore_mem>>) src(%dma_wait3A_294 : memref<20480x128xf32, #tpu.memory_space<hbm>>) dst(%dma_wait3A_288 : memref<128x128xf32, #tpu.memory_space<vmem>>)
      %run_scoped3A_295 = arith.constant 1 : i32
      "tpu.region"() ({
        %run_scoped3A_309 = tpu.sem_alloc : memref<!tpu.dma_semaphore, #tpu.memory_space<semaphore_mem>>
        %dma_start3A_310 = arith.constant 0 : i32
        %dma_start3A_311 = arith.constant 0 : i32
        %dma_start3A_312 = tpu.memref_slice %arg9[%run_scoped3A_295, %dma_start3A_310, %dma_start3A_311] : memref<2x128x128xf32, #tpu.memory_space<vmem>> -> memref<1x128x128xf32, #tpu.memory_space<vmem>>
        %dma_start3A_313 = tpu.memref_squeeze %dma_start3A_312 : memref<1x128x128xf32, #tpu.memory_space<vmem>> -> memref<128x128xf32, #tpu.memory_space<vmem>>
        %dma_start3A_314 = arith.constant 0 : i32
        %dma_start3A_315 = tpu.memref_slice %arg8[%add3A_283, %dma_start3A_314] : memref<42x128xi32, #tpu.memory_space<vmem>> -> memref<1x128xi32, #tpu.memory_space<vmem>>
        %dma_start3A_316 = tpu.memref_squeeze %dma_start3A_315 : memref<1x128xi32, #tpu.memory_space<vmem>> -> memref<128xi32, #tpu.memory_space<vmem>>
        %dma_start3A_317 = arith.constant 0 : i32
        %dma_start3A_318 = arith.constant 0 : i32
        %dma_start3A_319 = tpu.memref_slice %arg10[%dma_start3A_317, %dma_start3A_318] : memref<10240x128xf32, #tpu.memory_space<vmem_shared>> -> memref<10240x128xf32, #tpu.memory_space<vmem_shared>>
        tpu.enqueue_indirect_dma source(%dma_start3A_313 : memref<128x128xf32, #tpu.memory_space<vmem>>) target(%dma_start3A_319 : memref<10240x128xf32, #tpu.memory_space<vmem_shared>>) offsets(%dma_start3A_316 : memref<128xi32, #tpu.memory_space<vmem>>) semaphore(%run_scoped3A_309 : memref<!tpu.dma_semaphore, #tpu.memory_space<semaphore_mem>>) {add = true}
        %dma_wait3A_320 = arith.constant 0 : i32
        %dma_wait3A_321 = arith.constant 0 : i32
        %dma_wait3A_322 = tpu.memref_slice %arg9[%run_scoped3A_295, %dma_wait3A_320, %dma_wait3A_321] : memref<2x128x128xf32, #tpu.memory_space<vmem>> -> memref<1x128x128xf32, #tpu.memory_space<vmem>>
        %dma_wait3A_323 = tpu.memref_squeeze %dma_wait3A_322 : memref<1x128x128xf32, #tpu.memory_space<vmem>> -> memref<128x128xf32, #tpu.memory_space<vmem>>
        %dma_wait3A_324 = arith.constant 0 : i32
        %dma_wait3A_325 = tpu.memref_slice %arg8[%add3A_283, %dma_wait3A_324] : memref<42x128xi32, #tpu.memory_space<vmem>> -> memref<1x128xi32, #tpu.memory_space<vmem>>
        %dma_wait3A_326 = tpu.memref_squeeze %dma_wait3A_325 : memref<1x128xi32, #tpu.memory_space<vmem>> -> memref<128xi32, #tpu.memory_space<vmem>>
        %dma_wait3A_327 = arith.constant 0 : i32
        %dma_wait3A_328 = arith.constant 0 : i32
        %dma_wait3A_329 = tpu.memref_slice %arg10[%dma_wait3A_327, %dma_wait3A_328] : memref<10240x128xf32, #tpu.memory_space<vmem_shared>> -> memref<10240x128xf32, #tpu.memory_space<vmem_shared>>
        tpu.wait_indirect_dma semaphore(%run_scoped3A_309 : memref<!tpu.dma_semaphore, #tpu.memory_space<semaphore_mem>>) src(%dma_wait3A_323 : memref<128x128xf32, #tpu.memory_space<vmem>>) dst(%dma_wait3A_329 : memref<10240x128xf32, #tpu.memory_space<vmem_shared>>)
        tpu.yield
      }) : () -> ()
      %add3A_296 = arith.constant 2 : i32
      %add3A_297 = arith.addi %add3A_283, %add3A_296 : i32
      %dma_start3A_298 = arith.constant 1 : i32
      %dma_start3A_299 = arith.constant 0 : i32
      %dma_start3A_300 = arith.constant 0 : i32
      %dma_start3A_301 = tpu.memref_slice %arg9[%dma_start3A_298, %dma_start3A_299, %dma_start3A_300] : memref<2x128x128xf32, #tpu.memory_space<vmem>> -> memref<1x128x128xf32, #tpu.memory_space<vmem>>
      %dma_start3A_302 = tpu.memref_squeeze %dma_start3A_301 : memref<1x128x128xf32, #tpu.memory_space<vmem>> -> memref<128x128xf32, #tpu.memory_space<vmem>>
      %dma_start3A_303 = arith.constant 0 : i32
      %dma_start3A_304 = tpu.memref_slice %arg7[%add3A_297, %dma_start3A_303] : memref<42x128xi32, #tpu.memory_space<vmem>> -> memref<1x128xi32, #tpu.memory_space<vmem>>
      %dma_start3A_305 = tpu.memref_squeeze %dma_start3A_304 : memref<1x128xi32, #tpu.memory_space<vmem>> -> memref<128xi32, #tpu.memory_space<vmem>>
      %dma_start3A_306 = arith.constant 0 : i32
      %dma_start3A_307 = arith.constant 0 : i32
      %dma_start3A_308 = tpu.memref_slice %arg2[%dma_start3A_306, %dma_start3A_307] : memref<20480x128xf32, #tpu.memory_space<hbm>> -> memref<20480x128xf32, #tpu.memory_space<hbm>>
      tpu.enqueue_indirect_dma source(%dma_start3A_308 : memref<20480x128xf32, #tpu.memory_space<hbm>>) target(%dma_start3A_302 : memref<128x128xf32, #tpu.memory_space<vmem>>) offsets(%dma_start3A_305 : memref<128xi32, #tpu.memory_space<vmem>>) semaphore(%arg12 : memref<!tpu.dma_semaphore, #tpu.memory_space<semaphore_mem>>)
    }
    %scan3A_161 = arith.constant 20 : i32
    %dma_wait3A_162 = arith.constant 40 : i32
    %dma_wait3A_163 = arith.constant 0 : i32
    %dma_wait3A_164 = arith.constant 0 : i32
    %dma_wait3A_165 = arith.constant 0 : i32
    %dma_wait3A_166 = tpu.memref_slice %arg9[%dma_wait3A_163, %dma_wait3A_164, %dma_wait3A_165] : memref<2x128x128xf32, #tpu.memory_space<vmem>> -> memref<1x128x128xf32, #tpu.memory_space<vmem>>
    %dma_wait3A_167 = tpu.memref_squeeze %dma_wait3A_166 : memref<1x128x128xf32, #tpu.memory_space<vmem>> -> memref<128x128xf32, #tpu.memory_space<vmem>>
    %dma_wait3A_168 = arith.constant 0 : i32
    %dma_wait3A_169 = tpu.memref_slice %arg7[%dma_wait3A_162, %dma_wait3A_168] : memref<42x128xi32, #tpu.memory_space<vmem>> -> memref<1x128xi32, #tpu.memory_space<vmem>>
    %dma_wait3A_170 = tpu.memref_squeeze %dma_wait3A_169 : memref<1x128xi32, #tpu.memory_space<vmem>> -> memref<128xi32, #tpu.memory_space<vmem>>
    %dma_wait3A_171 = arith.constant 0 : i32
    %dma_wait3A_172 = arith.constant 0 : i32
    %dma_wait3A_173 = tpu.memref_slice %arg2[%dma_wait3A_171, %dma_wait3A_172] : memref<20480x128xf32, #tpu.memory_space<hbm>> -> memref<20480x128xf32, #tpu.memory_space<hbm>>
    tpu.wait_indirect_dma semaphore(%arg11 : memref<!tpu.dma_semaphore, #tpu.memory_space<semaphore_mem>>) src(%dma_wait3A_173 : memref<20480x128xf32, #tpu.memory_space<hbm>>) dst(%dma_wait3A_167 : memref<128x128xf32, #tpu.memory_space<vmem>>)
    %dma_wait3A_174 = arith.constant 41 : i32
    %dma_wait3A_175 = arith.constant 1 : i32
    %dma_wait3A_176 = arith.constant 0 : i32
    %dma_wait3A_177 = arith.constant 0 : i32
    %dma_wait3A_178 = tpu.memref_slice %arg9[%dma_wait3A_175, %dma_wait3A_176, %dma_wait3A_177] : memref<2x128x128xf32, #tpu.memory_space<vmem>> -> memref<1x128x128xf32, #tpu.memory_space<vmem>>
    %dma_wait3A_179 = tpu.memref_squeeze %dma_wait3A_178 : memref<1x128x128xf32, #tpu.memory_space<vmem>> -> memref<128x128xf32, #tpu.memory_space<vmem>>
    %dma_wait3A_180 = arith.constant 0 : i32
    %dma_wait3A_181 = tpu.memref_slice %arg7[%dma_wait3A_174, %dma_wait3A_180] : memref<42x128xi32, #tpu.memory_space<vmem>> -> memref<1x128xi32, #tpu.memory_space<vmem>>
    %dma_wait3A_182 = tpu.memref_squeeze %dma_wait3A_181 : memref<1x128xi32, #tpu.memory_space<vmem>> -> memref<128xi32, #tpu.memory_space<vmem>>
    %dma_wait3A_183 = arith.constant 0 : i32
    %dma_wait3A_184 = arith.constant 0 : i32
    %dma_wait3A_185 = tpu.memref_slice %arg2[%dma_wait3A_183, %dma_wait3A_184] : memref<20480x128xf32, #tpu.memory_space<hbm>> -> memref<20480x128xf32, #tpu.memory_space<hbm>>
    tpu.wait_indirect_dma semaphore(%arg12 : memref<!tpu.dma_semaphore, #tpu.memory_space<semaphore_mem>>) src(%dma_wait3A_185 : memref<20480x128xf32, #tpu.memory_space<hbm>>) dst(%dma_wait3A_179 : memref<128x128xf32, #tpu.memory_space<vmem>>)
    %mul3A_186 = arith.constant 4 : i32
    %mul3A_187 = arith.muli %add3A, %mul3A_186 : i32
    %add3A_188 = arith.constant 3 : i32
    %add3A_189 = arith.addi %mul3A_187, %add3A_188 : i32
    "tpu.region"() ({
      %run_scoped3A = tpu.sem_alloc : memref<!tpu.dma_semaphore, #tpu.memory_space<semaphore_mem>>
      %dma_start3A_251 = arith.constant 0 : i32
      %dma_start3A_252 = arith.constant 0 : i32
      %dma_start3A_253 = tpu.memref_slice %arg3[%add3A_189, %dma_start3A_251, %dma_start3A_252] : memref<128x42x128xi32, #tpu.memory_space<hbm>> -> memref<1x42x128xi32, #tpu.memory_space<hbm>>
      %dma_start3A_254 = tpu.memref_squeeze %dma_start3A_253 : memref<1x42x128xi32, #tpu.memory_space<hbm>> -> memref<42x128xi32, #tpu.memory_space<hbm>>
      %dma_start3A_255 = arith.constant 0 : i32
      %dma_start3A_256 = arith.constant 0 : i32
      %dma_start3A_257 = tpu.memref_slice %arg3[%add3A_189, %dma_start3A_255, %dma_start3A_256] : memref<128x42x128xi32, #tpu.memory_space<hbm>> -> memref<1x42x128xi32, #tpu.memory_space<hbm>>
      %dma_start3A_258 = tpu.memref_squeeze %dma_start3A_257 : memref<1x42x128xi32, #tpu.memory_space<hbm>> -> memref<42x128xi32, #tpu.memory_space<hbm>>
      tpu.enqueue_dma source(%dma_start3A_258 : memref<42x128xi32, #tpu.memory_space<hbm>>) target(%arg7 : memref<42x128xi32, #tpu.memory_space<vmem>>) target_semaphore(%run_scoped3A : memref<!tpu.dma_semaphore, #tpu.memory_space<semaphore_mem>>)
      %dma_wait3A_259 = arith.constant 0 : i32
      %dma_wait3A_260 = arith.constant 0 : i32
      %dma_wait3A_261 = tpu.memref_slice %arg3[%add3A_189, %dma_wait3A_259, %dma_wait3A_260] : memref<128x42x128xi32, #tpu.memory_space<hbm>> -> memref<1x42x128xi32, #tpu.memory_space<hbm>>
      %dma_wait3A_262 = tpu.memref_squeeze %dma_wait3A_261 : memref<1x42x128xi32, #tpu.memory_space<hbm>> -> memref<42x128xi32, #tpu.memory_space<hbm>>
      %dma_wait3A_263 = arith.constant 0 : i32
      %dma_wait3A_264 = arith.constant 0 : i32
      %dma_wait3A_265 = tpu.memref_slice %arg3[%add3A_189, %dma_wait3A_263, %dma_wait3A_264] : memref<128x42x128xi32, #tpu.memory_space<hbm>> -> memref<1x42x128xi32, #tpu.memory_space<hbm>>
      %dma_wait3A_266 = tpu.memref_squeeze %dma_wait3A_265 : memref<1x42x128xi32, #tpu.memory_space<hbm>> -> memref<42x128xi32, #tpu.memory_space<hbm>>
      tpu.wait_dma2 semaphore(%run_scoped3A : memref<!tpu.dma_semaphore, #tpu.memory_space<semaphore_mem>>) src(%dma_wait3A_266 : memref<42x128xi32, #tpu.memory_space<hbm>>) dst(%arg7 : memref<42x128xi32, #tpu.memory_space<vmem>>)
      tpu.yield
    }) : () -> ()
    %mul3A_190 = arith.constant 4 : i32
    %mul3A_191 = arith.muli %arg1, %mul3A_190 : i32
    %add3A_192 = arith.constant 3 : i32
    %add3A_193 = arith.addi %mul3A_191, %add3A_192 : i32
    "tpu.region"() ({
      %run_scoped3A = tpu.sem_alloc : memref<!tpu.dma_semaphore, #tpu.memory_space<semaphore_mem>>
      %dma_start3A_251 = arith.constant 0 : i32
      %dma_start3A_252 = arith.constant 0 : i32
      %dma_start3A_253 = tpu.memref_slice %arg4[%add3A_193, %dma_start3A_251, %dma_start3A_252] : memref<64x42x128xi32, #tpu.memory_space<hbm>> -> memref<1x42x128xi32, #tpu.memory_space<hbm>>
      %dma_start3A_254 = tpu.memref_squeeze %dma_start3A_253 : memref<1x42x128xi32, #tpu.memory_space<hbm>> -> memref<42x128xi32, #tpu.memory_space<hbm>>
      %dma_start3A_255 = arith.constant 0 : i32
      %dma_start3A_256 = arith.constant 0 : i32
      %dma_start3A_257 = tpu.memref_slice %arg4[%add3A_193, %dma_start3A_255, %dma_start3A_256] : memref<64x42x128xi32, #tpu.memory_space<hbm>> -> memref<1x42x128xi32, #tpu.memory_space<hbm>>
      %dma_start3A_258 = tpu.memref_squeeze %dma_start3A_257 : memref<1x42x128xi32, #tpu.memory_space<hbm>> -> memref<42x128xi32, #tpu.memory_space<hbm>>
      tpu.enqueue_dma source(%dma_start3A_258 : memref<42x128xi32, #tpu.memory_space<hbm>>) target(%arg8 : memref<42x128xi32, #tpu.memory_space<vmem>>) target_semaphore(%run_scoped3A : memref<!tpu.dma_semaphore, #tpu.memory_space<semaphore_mem>>)
      %dma_wait3A_259 = arith.constant 0 : i32
      %dma_wait3A_260 = arith.constant 0 : i32
      %dma_wait3A_261 = tpu.memref_slice %arg4[%add3A_193, %dma_wait3A_259, %dma_wait3A_260] : memref<64x42x128xi32, #tpu.memory_space<hbm>> -> memref<1x42x128xi32, #tpu.memory_space<hbm>>
      %dma_wait3A_262 = tpu.memref_squeeze %dma_wait3A_261 : memref<1x42x128xi32, #tpu.memory_space<hbm>> -> memref<42x128xi32, #tpu.memory_space<hbm>>
      %dma_wait3A_263 = arith.constant 0 : i32
      %dma_wait3A_264 = arith.constant 0 : i32
      %dma_wait3A_265 = tpu.memref_slice %arg4[%add3A_193, %dma_wait3A_263, %dma_wait3A_264] : memref<64x42x128xi32, #tpu.memory_space<hbm>> -> memref<1x42x128xi32, #tpu.memory_space<hbm>>
      %dma_wait3A_266 = tpu.memref_squeeze %dma_wait3A_265 : memref<1x42x128xi32, #tpu.memory_space<hbm>> -> memref<42x128xi32, #tpu.memory_space<hbm>>
      tpu.wait_dma2 semaphore(%run_scoped3A : memref<!tpu.dma_semaphore, #tpu.memory_space<semaphore_mem>>) src(%dma_wait3A_266 : memref<42x128xi32, #tpu.memory_space<hbm>>) dst(%arg8 : memref<42x128xi32, #tpu.memory_space<vmem>>)
      tpu.yield
    }) : () -> ()
    %dma_start3A_194 = arith.constant 0 : i32
    %dma_start3A_195 = arith.constant 0 : i32
    %dma_start3A_196 = arith.constant 0 : i32
    %dma_start3A_197 = arith.constant 0 : i32
    %dma_start3A_198 = tpu.memref_slice %arg9[%dma_start3A_195, %dma_start3A_196, %dma_start3A_197] : memref<2x128x128xf32, #tpu.memory_space<vmem>> -> memref<1x128x128xf32, #tpu.memory_space<vmem>>
    %dma_start3A_199 = tpu.memref_squeeze %dma_start3A_198 : memref<1x128x128xf32, #tpu.memory_space<vmem>> -> memref<128x128xf32, #tpu.memory_space<vmem>>
    %dma_start3A_200 = arith.constant 0 : i32
    %dma_start3A_201 = tpu.memref_slice %arg7[%dma_start3A_194, %dma_start3A_200] : memref<42x128xi32, #tpu.memory_space<vmem>> -> memref<1x128xi32, #tpu.memory_space<vmem>>
    %dma_start3A_202 = tpu.memref_squeeze %dma_start3A_201 : memref<1x128xi32, #tpu.memory_space<vmem>> -> memref<128xi32, #tpu.memory_space<vmem>>
    %dma_start3A_203 = arith.constant 0 : i32
    %dma_start3A_204 = arith.constant 0 : i32
    %dma_start3A_205 = tpu.memref_slice %arg2[%dma_start3A_203, %dma_start3A_204] : memref<20480x128xf32, #tpu.memory_space<hbm>> -> memref<20480x128xf32, #tpu.memory_space<hbm>>
    tpu.enqueue_indirect_dma source(%dma_start3A_205 : memref<20480x128xf32, #tpu.memory_space<hbm>>) target(%dma_start3A_199 : memref<128x128xf32, #tpu.memory_space<vmem>>) offsets(%dma_start3A_202 : memref<128xi32, #tpu.memory_space<vmem>>) semaphore(%arg11 : memref<!tpu.dma_semaphore, #tpu.memory_space<semaphore_mem>>)
    %dma_start3A_206 = arith.constant 1 : i32
    %dma_start3A_207 = arith.constant 1 : i32
    %dma_start3A_208 = arith.constant 0 : i32
    %dma_start3A_209 = arith.constant 0 : i32
    %dma_start3A_210 = tpu.memref_slice %arg9[%dma_start3A_207, %dma_start3A_208, %dma_start3A_209] : memref<2x128x128xf32, #tpu.memory_space<vmem>> -> memref<1x128x128xf32, #tpu.memory_space<vmem>>
    %dma_start3A_211 = tpu.memref_squeeze %dma_start3A_210 : memref<1x128x128xf32, #tpu.memory_space<vmem>> -> memref<128x128xf32, #tpu.memory_space<vmem>>
    %dma_start3A_212 = arith.constant 0 : i32
    %dma_start3A_213 = tpu.memref_slice %arg7[%dma_start3A_206, %dma_start3A_212] : memref<42x128xi32, #tpu.memory_space<vmem>> -> memref<1x128xi32, #tpu.memory_space<vmem>>
    %dma_start3A_214 = tpu.memref_squeeze %dma_start3A_213 : memref<1x128xi32, #tpu.memory_space<vmem>> -> memref<128xi32, #tpu.memory_space<vmem>>
    %dma_start3A_215 = arith.constant 0 : i32
    %dma_start3A_216 = arith.constant 0 : i32
    %dma_start3A_217 = tpu.memref_slice %arg2[%dma_start3A_215, %dma_start3A_216] : memref<20480x128xf32, #tpu.memory_space<hbm>> -> memref<20480x128xf32, #tpu.memory_space<hbm>>
    tpu.enqueue_indirect_dma source(%dma_start3A_217 : memref<20480x128xf32, #tpu.memory_space<hbm>>) target(%dma_start3A_211 : memref<128x128xf32, #tpu.memory_space<vmem>>) offsets(%dma_start3A_214 : memref<128xi32, #tpu.memory_space<vmem>>) semaphore(%arg12 : memref<!tpu.dma_semaphore, #tpu.memory_space<semaphore_mem>>)
    %scan3A_218 = arith.constant 0 : i32
    %scan3A_219 = arith.constant 0 : i32
    %scan3A_220 = arith.constant 20 : i32
    %scan3A_221 = arith.addi %scan3A_219, %scan3A_220 : i32
    %scan3A_222 = arith.constant 1 : i32
    scf.for %scan3A_251 = %scan3A_219 to %scan3A_221 step %scan3A_222  : i32 {
      %mul3A_252 = arith.constant 2 : i32
      %mul3A_253 = arith.muli %scan3A_251, %mul3A_252 : i32
      %add3A_254 = arith.constant 0 : i32
      %add3A_255 = arith.addi %mul3A_253, %add3A_254 : i32
      %dma_wait3A_256 = arith.constant 0 : i32
      %dma_wait3A_257 = arith.constant 0 : i32
      %dma_wait3A_258 = arith.constant 0 : i32
      %dma_wait3A_259 = tpu.memref_slice %arg9[%dma_wait3A_256, %dma_wait3A_257, %dma_wait3A_258] : memref<2x128x128xf32, #tpu.memory_space<vmem>> -> memref<1x128x128xf32, #tpu.memory_space<vmem>>
      %dma_wait3A_260 = tpu.memref_squeeze %dma_wait3A_259 : memref<1x128x128xf32, #tpu.memory_space<vmem>> -> memref<128x128xf32, #tpu.memory_space<vmem>>
      %dma_wait3A_261 = arith.constant 0 : i32
      %dma_wait3A_262 = tpu.memref_slice %arg7[%add3A_255, %dma_wait3A_261] : memref<42x128xi32, #tpu.memory_space<vmem>> -> memref<1x128xi32, #tpu.memory_space<vmem>>
      %dma_wait3A_263 = tpu.memref_squeeze %dma_wait3A_262 : memref<1x128xi32, #tpu.memory_space<vmem>> -> memref<128xi32, #tpu.memory_space<vmem>>
      %dma_wait3A_264 = arith.constant 0 : i32
      %dma_wait3A_265 = arith.constant 0 : i32
      %dma_wait3A_266 = tpu.memref_slice %arg2[%dma_wait3A_264, %dma_wait3A_265] : memref<20480x128xf32, #tpu.memory_space<hbm>> -> memref<20480x128xf32, #tpu.memory_space<hbm>>
      tpu.wait_indirect_dma semaphore(%arg11 : memref<!tpu.dma_semaphore, #tpu.memory_space<semaphore_mem>>) src(%dma_wait3A_266 : memref<20480x128xf32, #tpu.memory_space<hbm>>) dst(%dma_wait3A_260 : memref<128x128xf32, #tpu.memory_space<vmem>>)
      %run_scoped3A = arith.constant 0 : i32
      "tpu.region"() ({
        %run_scoped3A_309 = tpu.sem_alloc : memref<!tpu.dma_semaphore, #tpu.memory_space<semaphore_mem>>
        %dma_start3A_310 = arith.constant 0 : i32
        %dma_start3A_311 = arith.constant 0 : i32
        %dma_start3A_312 = tpu.memref_slice %arg9[%run_scoped3A, %dma_start3A_310, %dma_start3A_311] : memref<2x128x128xf32, #tpu.memory_space<vmem>> -> memref<1x128x128xf32, #tpu.memory_space<vmem>>
        %dma_start3A_313 = tpu.memref_squeeze %dma_start3A_312 : memref<1x128x128xf32, #tpu.memory_space<vmem>> -> memref<128x128xf32, #tpu.memory_space<vmem>>
        %dma_start3A_314 = arith.constant 0 : i32
        %dma_start3A_315 = tpu.memref_slice %arg8[%add3A_255, %dma_start3A_314] : memref<42x128xi32, #tpu.memory_space<vmem>> -> memref<1x128xi32, #tpu.memory_space<vmem>>
        %dma_start3A_316 = tpu.memref_squeeze %dma_start3A_315 : memref<1x128xi32, #tpu.memory_space<vmem>> -> memref<128xi32, #tpu.memory_space<vmem>>
        %dma_start3A_317 = arith.constant 0 : i32
        %dma_start3A_318 = arith.constant 0 : i32
        %dma_start3A_319 = tpu.memref_slice %arg10[%dma_start3A_317, %dma_start3A_318] : memref<10240x128xf32, #tpu.memory_space<vmem_shared>> -> memref<10240x128xf32, #tpu.memory_space<vmem_shared>>
        tpu.enqueue_indirect_dma source(%dma_start3A_313 : memref<128x128xf32, #tpu.memory_space<vmem>>) target(%dma_start3A_319 : memref<10240x128xf32, #tpu.memory_space<vmem_shared>>) offsets(%dma_start3A_316 : memref<128xi32, #tpu.memory_space<vmem>>) semaphore(%run_scoped3A_309 : memref<!tpu.dma_semaphore, #tpu.memory_space<semaphore_mem>>) {add = true}
        %dma_wait3A_320 = arith.constant 0 : i32
        %dma_wait3A_321 = arith.constant 0 : i32
        %dma_wait3A_322 = tpu.memref_slice %arg9[%run_scoped3A, %dma_wait3A_320, %dma_wait3A_321] : memref<2x128x128xf32, #tpu.memory_space<vmem>> -> memref<1x128x128xf32, #tpu.memory_space<vmem>>
        %dma_wait3A_323 = tpu.memref_squeeze %dma_wait3A_322 : memref<1x128x128xf32, #tpu.memory_space<vmem>> -> memref<128x128xf32, #tpu.memory_space<vmem>>
        %dma_wait3A_324 = arith.constant 0 : i32
        %dma_wait3A_325 = tpu.memref_slice %arg8[%add3A_255, %dma_wait3A_324] : memref<42x128xi32, #tpu.memory_space<vmem>> -> memref<1x128xi32, #tpu.memory_space<vmem>>
        %dma_wait3A_326 = tpu.memref_squeeze %dma_wait3A_325 : memref<1x128xi32, #tpu.memory_space<vmem>> -> memref<128xi32, #tpu.memory_space<vmem>>
        %dma_wait3A_327 = arith.constant 0 : i32
        %dma_wait3A_328 = arith.constant 0 : i32
        %dma_wait3A_329 = tpu.memref_slice %arg10[%dma_wait3A_327, %dma_wait3A_328] : memref<10240x128xf32, #tpu.memory_space<vmem_shared>> -> memref<10240x128xf32, #tpu.memory_space<vmem_shared>>
        tpu.wait_indirect_dma semaphore(%run_scoped3A_309 : memref<!tpu.dma_semaphore, #tpu.memory_space<semaphore_mem>>) src(%dma_wait3A_323 : memref<128x128xf32, #tpu.memory_space<vmem>>) dst(%dma_wait3A_329 : memref<10240x128xf32, #tpu.memory_space<vmem_shared>>)
        tpu.yield
      }) : () -> ()
      %add3A_267 = arith.constant 2 : i32
      %add3A_268 = arith.addi %add3A_255, %add3A_267 : i32
      %dma_start3A_269 = arith.constant 0 : i32
      %dma_start3A_270 = arith.constant 0 : i32
      %dma_start3A_271 = arith.constant 0 : i32
      %dma_start3A_272 = tpu.memref_slice %arg9[%dma_start3A_269, %dma_start3A_270, %dma_start3A_271] : memref<2x128x128xf32, #tpu.memory_space<vmem>> -> memref<1x128x128xf32, #tpu.memory_space<vmem>>
      %dma_start3A_273 = tpu.memref_squeeze %dma_start3A_272 : memref<1x128x128xf32, #tpu.memory_space<vmem>> -> memref<128x128xf32, #tpu.memory_space<vmem>>
      %dma_start3A_274 = arith.constant 0 : i32
      %dma_start3A_275 = tpu.memref_slice %arg7[%add3A_268, %dma_start3A_274] : memref<42x128xi32, #tpu.memory_space<vmem>> -> memref<1x128xi32, #tpu.memory_space<vmem>>
      %dma_start3A_276 = tpu.memref_squeeze %dma_start3A_275 : memref<1x128xi32, #tpu.memory_space<vmem>> -> memref<128xi32, #tpu.memory_space<vmem>>
      %dma_start3A_277 = arith.constant 0 : i32
      %dma_start3A_278 = arith.constant 0 : i32
      %dma_start3A_279 = tpu.memref_slice %arg2[%dma_start3A_277, %dma_start3A_278] : memref<20480x128xf32, #tpu.memory_space<hbm>> -> memref<20480x128xf32, #tpu.memory_space<hbm>>
      tpu.enqueue_indirect_dma source(%dma_start3A_279 : memref<20480x128xf32, #tpu.memory_space<hbm>>) target(%dma_start3A_273 : memref<128x128xf32, #tpu.memory_space<vmem>>) offsets(%dma_start3A_276 : memref<128xi32, #tpu.memory_space<vmem>>) semaphore(%arg11 : memref<!tpu.dma_semaphore, #tpu.memory_space<semaphore_mem>>)
      %mul3A_280 = arith.constant 2 : i32
      %mul3A_281 = arith.muli %scan3A_251, %mul3A_280 : i32
      %add3A_282 = arith.constant 1 : i32
      %add3A_283 = arith.addi %mul3A_281, %add3A_282 : i32
      %dma_wait3A_284 = arith.constant 1 : i32
      %dma_wait3A_285 = arith.constant 0 : i32
      %dma_wait3A_286 = arith.constant 0 : i32
      %dma_wait3A_287 = tpu.memref_slice %arg9[%dma_wait3A_284, %dma_wait3A_285, %dma_wait3A_286] : memref<2x128x128xf32, #tpu.memory_space<vmem>> -> memref<1x128x128xf32, #tpu.memory_space<vmem>>
      %dma_wait3A_288 = tpu.memref_squeeze %dma_wait3A_287 : memref<1x128x128xf32, #tpu.memory_space<vmem>> -> memref<128x128xf32, #tpu.memory_space<vmem>>
      %dma_wait3A_289 = arith.constant 0 : i32
      %dma_wait3A_290 = tpu.memref_slice %arg7[%add3A_283, %dma_wait3A_289] : memref<42x128xi32, #tpu.memory_space<vmem>> -> memref<1x128xi32, #tpu.memory_space<vmem>>
      %dma_wait3A_291 = tpu.memref_squeeze %dma_wait3A_290 : memref<1x128xi32, #tpu.memory_space<vmem>> -> memref<128xi32, #tpu.memory_space<vmem>>
      %dma_wait3A_292 = arith.constant 0 : i32
      %dma_wait3A_293 = arith.constant 0 : i32
      %dma_wait3A_294 = tpu.memref_slice %arg2[%dma_wait3A_292, %dma_wait3A_293] : memref<20480x128xf32, #tpu.memory_space<hbm>> -> memref<20480x128xf32, #tpu.memory_space<hbm>>
      tpu.wait_indirect_dma semaphore(%arg12 : memref<!tpu.dma_semaphore, #tpu.memory_space<semaphore_mem>>) src(%dma_wait3A_294 : memref<20480x128xf32, #tpu.memory_space<hbm>>) dst(%dma_wait3A_288 : memref<128x128xf32, #tpu.memory_space<vmem>>)
      %run_scoped3A_295 = arith.constant 1 : i32
      "tpu.region"() ({
        %run_scoped3A_309 = tpu.sem_alloc : memref<!tpu.dma_semaphore, #tpu.memory_space<semaphore_mem>>
        %dma_start3A_310 = arith.constant 0 : i32
        %dma_start3A_311 = arith.constant 0 : i32
        %dma_start3A_312 = tpu.memref_slice %arg9[%run_scoped3A_295, %dma_start3A_310, %dma_start3A_311] : memref<2x128x128xf32, #tpu.memory_space<vmem>> -> memref<1x128x128xf32, #tpu.memory_space<vmem>>
        %dma_start3A_313 = tpu.memref_squeeze %dma_start3A_312 : memref<1x128x128xf32, #tpu.memory_space<vmem>> -> memref<128x128xf32, #tpu.memory_space<vmem>>
        %dma_start3A_314 = arith.constant 0 : i32
        %dma_start3A_315 = tpu.memref_slice %arg8[%add3A_283, %dma_start3A_314] : memref<42x128xi32, #tpu.memory_space<vmem>> -> memref<1x128xi32, #tpu.memory_space<vmem>>
        %dma_start3A_316 = tpu.memref_squeeze %dma_start3A_315 : memref<1x128xi32, #tpu.memory_space<vmem>> -> memref<128xi32, #tpu.memory_space<vmem>>
        %dma_start3A_317 = arith.constant 0 : i32
        %dma_start3A_318 = arith.constant 0 : i32
        %dma_start3A_319 = tpu.memref_slice %arg10[%dma_start3A_317, %dma_start3A_318] : memref<10240x128xf32, #tpu.memory_space<vmem_shared>> -> memref<10240x128xf32, #tpu.memory_space<vmem_shared>>
        tpu.enqueue_indirect_dma source(%dma_start3A_313 : memref<128x128xf32, #tpu.memory_space<vmem>>) target(%dma_start3A_319 : memref<10240x128xf32, #tpu.memory_space<vmem_shared>>) offsets(%dma_start3A_316 : memref<128xi32, #tpu.memory_space<vmem>>) semaphore(%run_scoped3A_309 : memref<!tpu.dma_semaphore, #tpu.memory_space<semaphore_mem>>) {add = true}
        %dma_wait3A_320 = arith.constant 0 : i32
        %dma_wait3A_321 = arith.constant 0 : i32
        %dma_wait3A_322 = tpu.memref_slice %arg9[%run_scoped3A_295, %dma_wait3A_320, %dma_wait3A_321] : memref<2x128x128xf32, #tpu.memory_space<vmem>> -> memref<1x128x128xf32, #tpu.memory_space<vmem>>
        %dma_wait3A_323 = tpu.memref_squeeze %dma_wait3A_322 : memref<1x128x128xf32, #tpu.memory_space<vmem>> -> memref<128x128xf32, #tpu.memory_space<vmem>>
        %dma_wait3A_324 = arith.constant 0 : i32
        %dma_wait3A_325 = tpu.memref_slice %arg8[%add3A_283, %dma_wait3A_324] : memref<42x128xi32, #tpu.memory_space<vmem>> -> memref<1x128xi32, #tpu.memory_space<vmem>>
        %dma_wait3A_326 = tpu.memref_squeeze %dma_wait3A_325 : memref<1x128xi32, #tpu.memory_space<vmem>> -> memref<128xi32, #tpu.memory_space<vmem>>
        %dma_wait3A_327 = arith.constant 0 : i32
        %dma_wait3A_328 = arith.constant 0 : i32
        %dma_wait3A_329 = tpu.memref_slice %arg10[%dma_wait3A_327, %dma_wait3A_328] : memref<10240x128xf32, #tpu.memory_space<vmem_shared>> -> memref<10240x128xf32, #tpu.memory_space<vmem_shared>>
        tpu.wait_indirect_dma semaphore(%run_scoped3A_309 : memref<!tpu.dma_semaphore, #tpu.memory_space<semaphore_mem>>) src(%dma_wait3A_323 : memref<128x128xf32, #tpu.memory_space<vmem>>) dst(%dma_wait3A_329 : memref<10240x128xf32, #tpu.memory_space<vmem_shared>>)
        tpu.yield
      }) : () -> ()
      %add3A_296 = arith.constant 2 : i32
      %add3A_297 = arith.addi %add3A_283, %add3A_296 : i32
      %dma_start3A_298 = arith.constant 1 : i32
      %dma_start3A_299 = arith.constant 0 : i32
      %dma_start3A_300 = arith.constant 0 : i32
      %dma_start3A_301 = tpu.memref_slice %arg9[%dma_start3A_298, %dma_start3A_299, %dma_start3A_300] : memref<2x128x128xf32, #tpu.memory_space<vmem>> -> memref<1x128x128xf32, #tpu.memory_space<vmem>>
      %dma_start3A_302 = tpu.memref_squeeze %dma_start3A_301 : memref<1x128x128xf32, #tpu.memory_space<vmem>> -> memref<128x128xf32, #tpu.memory_space<vmem>>
      %dma_start3A_303 = arith.constant 0 : i32
      %dma_start3A_304 = tpu.memref_slice %arg7[%add3A_297, %dma_start3A_303] : memref<42x128xi32, #tpu.memory_space<vmem>> -> memref<1x128xi32, #tpu.memory_space<vmem>>
      %dma_start3A_305 = tpu.memref_squeeze %dma_start3A_304 : memref<1x128xi32, #tpu.memory_space<vmem>> -> memref<128xi32, #tpu.memory_space<vmem>>
      %dma_start3A_306 = arith.constant 0 : i32
      %dma_start3A_307 = arith.constant 0 : i32
      %dma_start3A_308 = tpu.memref_slice %arg2[%dma_start3A_306, %dma_start3A_307] : memref<20480x128xf32, #tpu.memory_space<hbm>> -> memref<20480x128xf32, #tpu.memory_space<hbm>>
      tpu.enqueue_indirect_dma source(%dma_start3A_308 : memref<20480x128xf32, #tpu.memory_space<hbm>>) target(%dma_start3A_302 : memref<128x128xf32, #tpu.memory_space<vmem>>) offsets(%dma_start3A_305 : memref<128xi32, #tpu.memory_space<vmem>>) semaphore(%arg12 : memref<!tpu.dma_semaphore, #tpu.memory_space<semaphore_mem>>)
    }
    %scan3A_223 = arith.constant 20 : i32
    %dma_wait3A_224 = arith.constant 40 : i32
    %dma_wait3A_225 = arith.constant 0 : i32
    %dma_wait3A_226 = arith.constant 0 : i32
    %dma_wait3A_227 = arith.constant 0 : i32
    %dma_wait3A_228 = tpu.memref_slice %arg9[%dma_wait3A_225, %dma_wait3A_226, %dma_wait3A_227] : memref<2x128x128xf32, #tpu.memory_space<vmem>> -> memref<1x128x128xf32, #tpu.memory_space<vmem>>
    %dma_wait3A_229 = tpu.memref_squeeze %dma_wait3A_228 : memref<1x128x128xf32, #tpu.memory_space<vmem>> -> memref<128x128xf32, #tpu.memory_space<vmem>>
    %dma_wait3A_230 = arith.constant 0 : i32
    %dma_wait3A_231 = tpu.memref_slice %arg7[%dma_wait3A_224, %dma_wait3A_230] : memref<42x128xi32, #tpu.memory_space<vmem>> -> memref<1x128xi32, #tpu.memory_space<vmem>>
    %dma_wait3A_232 = tpu.memref_squeeze %dma_wait3A_231 : memref<1x128xi32, #tpu.memory_space<vmem>> -> memref<128xi32, #tpu.memory_space<vmem>>
    %dma_wait3A_233 = arith.constant 0 : i32
    %dma_wait3A_234 = arith.constant 0 : i32
    %dma_wait3A_235 = tpu.memref_slice %arg2[%dma_wait3A_233, %dma_wait3A_234] : memref<20480x128xf32, #tpu.memory_space<hbm>> -> memref<20480x128xf32, #tpu.memory_space<hbm>>
    tpu.wait_indirect_dma semaphore(%arg11 : memref<!tpu.dma_semaphore, #tpu.memory_space<semaphore_mem>>) src(%dma_wait3A_235 : memref<20480x128xf32, #tpu.memory_space<hbm>>) dst(%dma_wait3A_229 : memref<128x128xf32, #tpu.memory_space<vmem>>)
    %dma_wait3A_236 = arith.constant 41 : i32
    %dma_wait3A_237 = arith.constant 1 : i32
    %dma_wait3A_238 = arith.constant 0 : i32
    %dma_wait3A_239 = arith.constant 0 : i32
    %dma_wait3A_240 = tpu.memref_slice %arg9[%dma_wait3A_237, %dma_wait3A_238, %dma_wait3A_239] : memref<2x128x128xf32, #tpu.memory_space<vmem>> -> memref<1x128x128xf32, #tpu.memory_space<vmem>>
    %dma_wait3A_241 = tpu.memref_squeeze %dma_wait3A_240 : memref<1x128x128xf32, #tpu.memory_space<vmem>> -> memref<128x128xf32, #tpu.memory_space<vmem>>
    %dma_wait3A_242 = arith.constant 0 : i32
    %dma_wait3A_243 = tpu.memref_slice %arg7[%dma_wait3A_236, %dma_wait3A_242] : memref<42x128xi32, #tpu.memory_space<vmem>> -> memref<1x128xi32, #tpu.memory_space<vmem>>
    %dma_wait3A_244 = tpu.memref_squeeze %dma_wait3A_243 : memref<1x128xi32, #tpu.memory_space<vmem>> -> memref<128xi32, #tpu.memory_space<vmem>>
    %dma_wait3A_245 = arith.constant 0 : i32
    %dma_wait3A_246 = arith.constant 0 : i32
    %dma_wait3A_247 = tpu.memref_slice %arg2[%dma_wait3A_245, %dma_wait3A_246] : memref<20480x128xf32, #tpu.memory_space<hbm>> -> memref<20480x128xf32, #tpu.memory_space<hbm>>
    tpu.wait_indirect_dma semaphore(%arg12 : memref<!tpu.dma_semaphore, #tpu.memory_space<semaphore_mem>>) src(%dma_wait3A_247 : memref<20480x128xf32, #tpu.memory_space<hbm>>) dst(%dma_wait3A_241 : memref<128x128xf32, #tpu.memory_space<vmem>>)
    %barrier3A_248 = arith.constant 0 : index
    tpu.barrier barrier_id(%barrier3A_248)
    %mul3A_249 = arith.constant 640 : i32
    %mul3A_250 = arith.muli %arg1, %mul3A_249 : i32
    "tpu.region"() ({
      %run_scoped3A = tpu.sem_alloc : memref<!tpu.dma_semaphore, #tpu.memory_space<semaphore_mem>>
      %dma_start3A_251 = arith.constant 0 : i32
      %dma_start3A_252 = arith.constant 0 : i32
      %dma_start3A_253 = tpu.memref_slice %arg6[%add3A, %dma_start3A_251, %dma_start3A_252] : memref<32x640x128xf32, #tpu.memory_space<hbm>> -> memref<1x640x128xf32, #tpu.memory_space<hbm>>
      %dma_start3A_254 = tpu.memref_squeeze %dma_start3A_253 : memref<1x640x128xf32, #tpu.memory_space<hbm>> -> memref<640x128xf32, #tpu.memory_space<hbm>>
      %dma_start3A_255 = arith.constant 0 : i32
      %dma_start3A_256 = tpu.memref_slice %arg10[%mul3A_250, %dma_start3A_255] : memref<10240x128xf32, #tpu.memory_space<vmem_shared>> -> memref<640x128xf32, #tpu.memory_space<vmem_shared>>
      tpu.enqueue_dma source(%dma_start3A_256 : memref<640x128xf32, #tpu.memory_space<vmem_shared>>) target(%dma_start3A_254 : memref<640x128xf32, #tpu.memory_space<hbm>>) target_semaphore(%run_scoped3A : memref<!tpu.dma_semaphore, #tpu.memory_space<semaphore_mem>>)
      %dma_wait3A_257 = arith.constant 0 : i32
      %dma_wait3A_258 = arith.constant 0 : i32
      %dma_wait3A_259 = tpu.memref_slice %arg6[%add3A, %dma_wait3A_257, %dma_wait3A_258] : memref<32x640x128xf32, #tpu.memory_space<hbm>> -> memref<1x640x128xf32, #tpu.memory_space<hbm>>
      %dma_wait3A_260 = tpu.memref_squeeze %dma_wait3A_259 : memref<1x640x128xf32, #tpu.memory_space<hbm>> -> memref<640x128xf32, #tpu.memory_space<hbm>>
      %dma_wait3A_261 = arith.constant 0 : i32
      %dma_wait3A_262 = tpu.memref_slice %arg10[%mul3A_250, %dma_wait3A_261] : memref<10240x128xf32, #tpu.memory_space<vmem_shared>> -> memref<640x128xf32, #tpu.memory_space<vmem_shared>>
      tpu.wait_dma2 semaphore(%run_scoped3A : memref<!tpu.dma_semaphore, #tpu.memory_space<semaphore_mem>>) src(%dma_wait3A_262 : memref<640x128xf32, #tpu.memory_space<vmem_shared>>) dst(%dma_wait3A_260 : memref<640x128xf32, #tpu.memory_space<hbm>>)
      tpu.yield
    }) : () -> ()
    return
  }
}

module attributes {stable_mosaic.version = 14 : i64} {
  func.func @_pre_body(%arg0: i32, %arg1: memref<1024x128xf32, #tpu.memory_space<vmem>>, %arg2: memref<256x128xf32, #tpu.memory_space<vmem>>, %arg3: memref<1x256xf32, #tpu.memory_space<vmem>>, %arg4: memref<256x256xf32, #tpu.memory_space<vmem>>, %arg5: memref<1024x128xf32, #tpu.memory_space<vmem>>, %arg6: memref<1024x128xf32, #tpu.memory_space<vmem>>, %arg7: memref<1x1x1024xi32, #tpu.memory_space<vmem>>, %arg8: memref<1024x256xf32, #tpu.memory_space<vmem>>, %arg9: memref<1024x16xf32, #tpu.memory_space<vmem>>, %arg10: memref<2x1024x128xf32, #tpu.memory_space<vmem>>, %arg11: memref<16x128xf32, #tpu.memory_space<vmem>>) attributes {dimension_semantics = [#tpu.dimension_semantics<arbitrary>], iteration_bounds = array<i64: 10>, scalar_prefetch = 0 : i64, scratch_operands = 0 : i64, tpu.core_type = #tpu.core_type<tc>, window_params = [{transform_indices = @transform_0, window_bounds = array<i64: 1024, 128>}, {pipeline_mode = #tpu.pipeline_mode<synchronous>, transform_indices = @transform_1, window_bounds = array<i64: 256, 128>}, {pipeline_mode = #tpu.pipeline_mode<synchronous>, transform_indices = @transform_2, window_bounds = array<i64: 1, 256>}, {pipeline_mode = #tpu.pipeline_mode<synchronous>, transform_indices = @transform_3, window_bounds = array<i64: 256, 256>}, {transform_indices = @transform_4, window_bounds = array<i64: 1024, 128>}, {transform_indices = @transform_5, window_bounds = array<i64: 1024, 128>}, {transform_indices = @transform_6, window_bounds = array<i64: 1, 1, 1024>}, {transform_indices = @transform_7, window_bounds = array<i64: 1024, 256>}, {transform_indices = @transform_8, window_bounds = array<i64: 1024, 16>}, {transform_indices = @transform_9, window_bounds = array<i64: 2, 1024, 128>}, {pipeline_mode = #tpu.pipeline_mode<synchronous>, transform_indices = @transform_10, window_bounds = array<i64: 16, 128>}]} {
    %get3A = arith.constant 0 : index
    %get3A_0 = arith.constant 0 : index
    %get3A_1 = vector.load %arg5[%get3A, %get3A_0] : memref<1024x128xf32, #tpu.memory_space<vmem>>, vector<1024x1xf32>
    %get3A_2 = arith.constant 0 : index
    %get3A_3 = arith.constant 0 : index
    %get3A_4 = vector.load %arg6[%get3A_2, %get3A_3] : memref<1024x128xf32, #tpu.memory_space<vmem>>, vector<1024x1xf32>
    %add3A = arith.addf %get3A_1, %get3A_4 : vector<1024x1xf32>
    %add3A_5 = arith.constant 1.000000e+00 : f32
    %add3A_6 = vector.broadcast %add3A_5 : f32 to vector<1024x1xf32>
    %add3A_7 = arith.addf %add3A, %add3A_6 : vector<1024x1xf32>
    %rsqrt3A = math.rsqrt %add3A_7 : vector<1024x1xf32>
    %get3A_8 = arith.constant 0 : index
    %get3A_9 = arith.constant 0 : index
    %get3A_10 = vector.load %arg1[%get3A_8, %get3A_9] : memref<1024x128xf32, #tpu.memory_space<vmem>>, vector<1024x128xf32>
    %get3A_11 = arith.constant 0 : index
    %get3A_12 = arith.constant 0 : index
    %get3A_13 = vector.load %arg2[%get3A_11, %get3A_12] : memref<256x128xf32, #tpu.memory_space<vmem>>, vector<256x128xf32>
    %dot_general3A = arith.constant dense<0.000000e+00> : vector<1024x256xf32>
    %dot_general3A_14 = tpu.matmul %get3A_10, %get3A_13, %dot_general3A {dimension_numbers = #tpu.dot_dimension_numbers<[1], [1], [0], [0], [0, 0, 1, 0], [], []>, transpose_lhs_hint = false} : vector<1024x128xf32>, vector<256x128xf32>, vector<1024x256xf32> -> vector<1024x256xf32>
    %get3A_15 = arith.constant 0 : index
    %get3A_16 = arith.constant 0 : index
    %get3A_17 = vector.load %arg3[%get3A_15, %get3A_16] : memref<1x256xf32, #tpu.memory_space<vmem>>, vector<1x256xf32>
    %add3A_18 = vector.broadcast %get3A_17 : vector<1x256xf32> to vector<1024x256xf32>
    %add3A_19 = arith.addf %dot_general3A_14, %add3A_18 : vector<1024x256xf32>
    %max3A = arith.constant 0.000000e+00 : f32
    %max3A_20 = vector.broadcast %max3A : f32 to vector<1024x256xf32>
    %max3A_21 = arith.maximumf %add3A_19, %max3A_20 : vector<1024x256xf32>
    %swap3A = arith.constant 0 : index
    %swap3A_22 = arith.constant 0 : index
    %swap3A_23 = vector.load %arg8[%swap3A, %swap3A_22] : memref<1024x256xf32, #tpu.memory_space<vmem>>, vector<1024x256xf32>
    tpu.vector_store %arg8[%swap3A, %swap3A_22], %max3A_21 {strides = array<i32>} : memref<1024x256xf32, #tpu.memory_space<vmem>>, vector<1024x256xf32>,
    %broadcast_in_dim3A = vector.shape_cast %rsqrt3A : vector<1024x1xf32> to vector<1024x1xf32>
    %broadcast_in_dim3A_24 = vector.broadcast %broadcast_in_dim3A : vector<1024x1xf32> to vector<1024x16xf32>
    %swap3A_25 = arith.constant 0 : index
    %swap3A_26 = arith.constant 0 : index
    %swap3A_27 = vector.load %arg9[%swap3A_25, %swap3A_26] : memref<1024x16xf32, #tpu.memory_space<vmem>>, vector<1024x16xf32>
    tpu.vector_store %arg9[%swap3A_25, %swap3A_26], %broadcast_in_dim3A_24 {strides = array<i32>} : memref<1024x16xf32, #tpu.memory_space<vmem>>, vector<1024x16xf32>,
    %get3A_28 = arith.constant 0 : index
    %get3A_29 = arith.constant 0 : index
    %get3A_30 = vector.load %arg4[%get3A_28, %get3A_29] : memref<256x256xf32, #tpu.memory_space<vmem>>, vector<256x256xf32>
    %dot_general3A_31 = arith.constant dense<0.000000e+00> : vector<1024x256xf32>
    %dot_general3A_32 = tpu.matmul %max3A_21, %get3A_30, %dot_general3A_31 {dimension_numbers = #tpu.dot_dimension_numbers<[1], [1], [0], [0], [0, 0, 1, 0], [], []>, transpose_lhs_hint = false} : vector<1024x256xf32>, vector<256x256xf32>, vector<1024x256xf32> -> vector<1024x256xf32>
    %mul3A = vector.broadcast %rsqrt3A : vector<1024x1xf32> to vector<1024x256xf32>
    %mul3A_33 = arith.mulf %dot_general3A_32, %mul3A : vector<1024x256xf32>
    %slice3A = vector.extract_strided_slice %mul3A_33 {offsets = [0, 0], sizes = [1024, 128], strides = [1, 1]} : vector<1024x256xf32> to vector<1024x128xf32>
    %slice3A_34 = vector.extract_strided_slice %mul3A_33 {offsets = [0, 128], sizes = [1024, 128], strides = [1, 1]} : vector<1024x256xf32> to vector<1024x128xf32>
    %stack3A = vector.shape_cast %slice3A : vector<1024x128xf32> to vector<1x1024x128xf32>
    %stack3A_35 = vector.shape_cast %slice3A_34 : vector<1024x128xf32> to vector<1x1024x128xf32>
    %stack3A_36 = tpu.concatenate %stack3A, %stack3A_35 in 0 : vector<1x1024x128xf32>, vector<1x1024x128xf32> -> vector<2x1024x128xf32>
    %swap3A_37 = arith.constant 0 : index
    %swap3A_38 = arith.constant 0 : index
    %swap3A_39 = arith.constant 0 : index
    %swap3A_40 = vector.load %arg10[%swap3A_37, %swap3A_38, %swap3A_39] : memref<2x1024x128xf32, #tpu.memory_space<vmem>>, vector<2x1024x128xf32>
    tpu.vector_store %arg10[%swap3A_37, %swap3A_38, %swap3A_39], %stack3A_36 {strides = array<i32>} : memref<2x1024x128xf32, #tpu.memory_space<vmem>>, vector<2x1024x128xf32>,
    %get3A_41 = arith.constant 0 : index
    %get3A_42 = arith.constant 0 : index
    %get3A_43 = arith.constant 0 : index
    %get3A_44 = vector.load %arg7[%get3A_41, %get3A_42, %get3A_43] : memref<1x1x1024xi32, #tpu.memory_space<vmem>>, vector<1x1x1024xi32>
    %get3A_45 = vector.shape_cast %get3A_44 : vector<1x1x1024xi32> to vector<1024xi32>
    %iota3A = tpu.iota {dimensions = array<i32: 1>} : vector<1024x16xi32>
    %broadcast_in_dim3A_46 = vector.shape_cast %get3A_45 : vector<1024xi32> to vector<1024x1xi32>
    %eq3A = vector.broadcast %broadcast_in_dim3A_46 : vector<1024x1xi32> to vector<1024x16xi32>
    %eq3A_47 = arith.cmpi eq, %eq3A, %iota3A : vector<1024x16xi32>
    %convert_element_type3A = arith.extui %eq3A_47 : vector<1024x16xi1> to vector<1024x16xi32>
    %convert_element_type3A_48 = arith.sitofp %convert_element_type3A : vector<1024x16xi32> to vector<1024x16xf32>
    %reduce_sum3A = arith.constant dense<0.000000e+00> : vector<16xf32>
    %reduce_sum3A_49 = vector.multi_reduction <add>, %convert_element_type3A_48, %reduce_sum3A [0] : vector<1024x16xf32> to vector<16xf32>
    %eq3A_50 = arith.constant 0 : i32
    %eq3A_51 = arith.cmpi eq, %arg0, %eq3A_50 : i32
    %convert_element_type3A_52 = arith.extui %eq3A_51 : i1 to i32
    %cond3A = arith.constant 0 : i32
    %cond3A_53 = arith.cmpi ne, %convert_element_type3A_52, %cond3A : i32
    scf.if %cond3A_53 {
      %broadcast_in_dim3A_64 = arith.constant 0.000000e+00 : f32
      %broadcast_in_dim3A_65 = vector.broadcast %broadcast_in_dim3A_64 : f32 to vector<16x128xf32>
      %swap3A_66 = arith.constant 0 : index
      %swap3A_67 = arith.constant 0 : index
      %swap3A_68 = vector.load %arg11[%swap3A_66, %swap3A_67] : memref<16x128xf32, #tpu.memory_space<vmem>>, vector<16x128xf32>
      tpu.vector_store %arg11[%swap3A_66, %swap3A_67], %broadcast_in_dim3A_65 {strides = array<i32>} : memref<16x128xf32, #tpu.memory_space<vmem>>, vector<16x128xf32>,
    } else {
    }
    %get3A_54 = arith.constant 0 : index
    %get3A_55 = arith.constant 0 : index
    %get3A_56 = vector.load %arg11[%get3A_54, %get3A_55] : memref<16x128xf32, #tpu.memory_space<vmem>>, vector<16x128xf32>
    %broadcast_in_dim3A_57 = vector.shape_cast %reduce_sum3A_49 : vector<16xf32> to vector<16x1xf32>
    %broadcast_in_dim3A_58 = vector.shape_cast %broadcast_in_dim3A_57 : vector<16x1xf32> to vector<16x1xf32>
    %broadcast_in_dim3A_59 = vector.broadcast %broadcast_in_dim3A_58 : vector<16x1xf32> to vector<16x128xf32>
    %add3A_60 = arith.addf %get3A_56, %broadcast_in_dim3A_59 : vector<16x128xf32>
    %swap3A_61 = arith.constant 0 : index
    %swap3A_62 = arith.constant 0 : index
    %swap3A_63 = vector.load %arg11[%swap3A_61, %swap3A_62] : memref<16x128xf32, #tpu.memory_space<vmem>>, vector<16x128xf32>
    tpu.vector_store %arg11[%swap3A_61, %swap3A_62], %add3A_60 {strides = array<i32>} : memref<16x128xf32, #tpu.memory_space<vmem>>, vector<16x128xf32>,
    return
  }
  func.func @transform_0(%arg0: i32) -> (i32, i32) {
    %c0_i32 = arith.constant 0 : i32
    %c0_i32_0 = arith.constant 0 : i32
    return %arg0, %c0_i32 : i32, i32
  }
  func.func @transform_1(%arg0: i32) -> (i32, i32) {
    %c0_i32 = arith.constant 0 : i32
    %c0_i32_0 = arith.constant 0 : i32
    %c0_i32_1 = arith.constant 0 : i32
    return %c0_i32, %c0_i32_0 : i32, i32
  }
  func.func @transform_2(%arg0: i32) -> (i32, i32) {
    %c0_i32 = arith.constant 0 : i32
    %c0_i32_0 = arith.constant 0 : i32
    %c0_i32_1 = arith.constant 0 : i32
    return %c0_i32, %c0_i32_0 : i32, i32
  }
  func.func @transform_3(%arg0: i32) -> (i32, i32) {
    %c0_i32 = arith.constant 0 : i32
    %c0_i32_0 = arith.constant 0 : i32
    %c0_i32_1 = arith.constant 0 : i32
    return %c0_i32, %c0_i32_0 : i32, i32
  }
  func.func @transform_4(%arg0: i32) -> (i32, i32) {
    %c0_i32 = arith.constant 0 : i32
    %c0_i32_0 = arith.constant 0 : i32
    return %arg0, %c0_i32 : i32, i32
  }
  func.func @transform_5(%arg0: i32) -> (i32, i32) {
    %c0_i32 = arith.constant 0 : i32
    %c0_i32_0 = arith.constant 0 : i32
    return %arg0, %c0_i32 : i32, i32
  }
  func.func @transform_6(%arg0: i32) -> (i32, i32, i32) {
    %c0_i32 = arith.constant 0 : i32
    %c0_i32_0 = arith.constant 0 : i32
    %c0_i32_1 = arith.constant 0 : i32
    return %arg0, %c0_i32, %c0_i32_0 : i32, i32, i32
  }
  func.func @transform_7(%arg0: i32) -> (i32, i32) {
    %c0_i32 = arith.constant 0 : i32
    %c0_i32_0 = arith.constant 0 : i32
    return %arg0, %c0_i32 : i32, i32
  }
  func.func @transform_8(%arg0: i32) -> (i32, i32) {
    %c0_i32 = arith.constant 0 : i32
    %c0_i32_0 = arith.constant 0 : i32
    return %arg0, %c0_i32 : i32, i32
  }
  func.func @transform_9(%arg0: i32) -> (i32, i32, i32) {
    %c0_i32 = arith.constant 0 : i32
    %c0_i32_0 = arith.constant 0 : i32
    %c0_i32_1 = arith.constant 0 : i32
    return %c0_i32, %arg0, %c0_i32_0 : i32, i32, i32
  }
  func.func @transform_10(%arg0: i32) -> (i32, i32) {
    %c0_i32 = arith.constant 0 : i32
    %c0_i32_0 = arith.constant 0 : i32
    %c0_i32_1 = arith.constant 0 : i32
    return %c0_i32, %c0_i32_0 : i32, i32
  }
}

module attributes {stable_mosaic.version = 14 : i64} {
  func.func @_agg_body(%arg0: i32, %arg1: memref<2x1024x128xf32, #tpu.memory_space<vmem>>, %arg2: memref<2x1024x128xf32, #tpu.memory_space<vmem>>, %arg3: memref<1024x16xf32, #tpu.memory_space<vmem>>, %arg4: memref<1x256xf32, #tpu.memory_space<vmem>>, %arg5: memref<1x1x1024xi32, #tpu.memory_space<vmem>>, %arg6: memref<1024x256xf32, #tpu.memory_space<vmem>>, %arg7: memref<16x256xf32, #tpu.memory_space<vmem>>) attributes {dimension_semantics = [#tpu.dimension_semantics<arbitrary>], iteration_bounds = array<i64: 10>, scalar_prefetch = 0 : i64, scratch_operands = 0 : i64, tpu.core_type = #tpu.core_type<tc>, window_params = [{transform_indices = @transform_0, window_bounds = array<i64: 2, 1024, 128>}, {transform_indices = @transform_1, window_bounds = array<i64: 2, 1024, 128>}, {transform_indices = @transform_2, window_bounds = array<i64: 1024, 16>}, {pipeline_mode = #tpu.pipeline_mode<synchronous>, transform_indices = @transform_3, window_bounds = array<i64: 1, 256>}, {transform_indices = @transform_4, window_bounds = array<i64: 1, 1, 1024>}, {transform_indices = @transform_5, window_bounds = array<i64: 1024, 256>}, {pipeline_mode = #tpu.pipeline_mode<synchronous>, transform_indices = @transform_6, window_bounds = array<i64: 16, 256>}]} {
    %get3A = arith.constant 0 : index
    %get3A_0 = arith.constant 0 : index
    %get3A_1 = arith.constant 0 : index
    %get3A_2 = vector.load %arg1[%get3A, %get3A_0, %get3A_1] : memref<2x1024x128xf32, #tpu.memory_space<vmem>>, vector<1x1024x128xf32>
    %get3A_3 = vector.shape_cast %get3A_2 : vector<1x1024x128xf32> to vector<1024x128xf32>
    %get3A_4 = arith.constant 0 : index
    %get3A_5 = arith.constant 0 : index
    %get3A_6 = arith.constant 0 : index
    %get3A_7 = vector.load %arg2[%get3A_4, %get3A_5, %get3A_6] : memref<2x1024x128xf32, #tpu.memory_space<vmem>>, vector<1x1024x128xf32>
    %get3A_8 = vector.shape_cast %get3A_7 : vector<1x1024x128xf32> to vector<1024x128xf32>
    %add3A = arith.addf %get3A_3, %get3A_8 : vector<1024x128xf32>
    %get3A_9 = arith.constant 1 : index
    %get3A_10 = arith.constant 0 : index
    %get3A_11 = arith.constant 0 : index
    %get3A_12 = vector.load %arg1[%get3A_9, %get3A_10, %get3A_11] : memref<2x1024x128xf32, #tpu.memory_space<vmem>>, vector<1x1024x128xf32>
    %get3A_13 = vector.shape_cast %get3A_12 : vector<1x1024x128xf32> to vector<1024x128xf32>
    %get3A_14 = arith.constant 1 : index
    %get3A_15 = arith.constant 0 : index
    %get3A_16 = arith.constant 0 : index
    %get3A_17 = vector.load %arg2[%get3A_14, %get3A_15, %get3A_16] : memref<2x1024x128xf32, #tpu.memory_space<vmem>>, vector<1x1024x128xf32>
    %get3A_18 = vector.shape_cast %get3A_17 : vector<1x1024x128xf32> to vector<1024x128xf32>
    %add3A_19 = arith.addf %get3A_13, %get3A_18 : vector<1024x128xf32>
    %concatenate3A = tpu.concatenate %add3A, %add3A_19 in 1 : vector<1024x128xf32>, vector<1024x128xf32> -> vector<1024x256xf32>
    %get3A_20 = arith.constant 0 : index
    %get3A_21 = arith.constant 0 : index
    %get3A_22 = vector.load %arg3[%get3A_20, %get3A_21] : memref<1024x16xf32, #tpu.memory_space<vmem>>, vector<1024x1xf32>
    %mul3A = vector.broadcast %get3A_22 : vector<1024x1xf32> to vector<1024x256xf32>
    %mul3A_23 = arith.mulf %mul3A, %concatenate3A : vector<1024x256xf32>
    %get3A_24 = arith.constant 0 : index
    %get3A_25 = arith.constant 0 : index
    %get3A_26 = vector.load %arg4[%get3A_24, %get3A_25] : memref<1x256xf32, #tpu.memory_space<vmem>>, vector<1x256xf32>
    %add3A_27 = vector.broadcast %get3A_26 : vector<1x256xf32> to vector<1024x256xf32>
    %add3A_28 = arith.addf %mul3A_23, %add3A_27 : vector<1024x256xf32>
    %swap3A = arith.constant 0 : index
    %swap3A_29 = arith.constant 0 : index
    %swap3A_30 = vector.load %arg6[%swap3A, %swap3A_29] : memref<1024x256xf32, #tpu.memory_space<vmem>>, vector<1024x256xf32>
    tpu.vector_store %arg6[%swap3A, %swap3A_29], %add3A_28 {strides = array<i32>} : memref<1024x256xf32, #tpu.memory_space<vmem>>, vector<1024x256xf32>,
    %get3A_31 = arith.constant 0 : index
    %get3A_32 = arith.constant 0 : index
    %get3A_33 = arith.constant 0 : index
    %get3A_34 = vector.load %arg5[%get3A_31, %get3A_32, %get3A_33] : memref<1x1x1024xi32, #tpu.memory_space<vmem>>, vector<1x1x1024xi32>
    %get3A_35 = vector.shape_cast %get3A_34 : vector<1x1x1024xi32> to vector<1024xi32>
    %iota3A = tpu.iota {dimensions = array<i32: 1>} : vector<1024x16xi32>
    %broadcast_in_dim3A = vector.shape_cast %get3A_35 : vector<1024xi32> to vector<1024x1xi32>
    %eq3A = vector.broadcast %broadcast_in_dim3A : vector<1024x1xi32> to vector<1024x16xi32>
    %eq3A_36 = arith.cmpi eq, %eq3A, %iota3A : vector<1024x16xi32>
    %convert_element_type3A = arith.extui %eq3A_36 : vector<1024x16xi1> to vector<1024x16xi32>
    %convert_element_type3A_37 = arith.sitofp %convert_element_type3A : vector<1024x16xi32> to vector<1024x16xf32>
    %eq3A_38 = arith.constant 0 : i32
    %eq3A_39 = arith.cmpi eq, %arg0, %eq3A_38 : i32
    %convert_element_type3A_40 = arith.extui %eq3A_39 : i1 to i32
    %cond3A = arith.constant 0 : i32
    %cond3A_41 = arith.cmpi ne, %convert_element_type3A_40, %cond3A : i32
    scf.if %cond3A_41 {
      %broadcast_in_dim3A_50 = arith.constant 0.000000e+00 : f32
      %broadcast_in_dim3A_51 = vector.broadcast %broadcast_in_dim3A_50 : f32 to vector<16x256xf32>
      %swap3A_52 = arith.constant 0 : index
      %swap3A_53 = arith.constant 0 : index
      %swap3A_54 = vector.load %arg7[%swap3A_52, %swap3A_53] : memref<16x256xf32, #tpu.memory_space<vmem>>, vector<16x256xf32>
      tpu.vector_store %arg7[%swap3A_52, %swap3A_53], %broadcast_in_dim3A_51 {strides = array<i32>} : memref<16x256xf32, #tpu.memory_space<vmem>>, vector<16x256xf32>,
    } else {
    }
    %get3A_42 = arith.constant 0 : index
    %get3A_43 = arith.constant 0 : index
    %get3A_44 = vector.load %arg7[%get3A_42, %get3A_43] : memref<16x256xf32, #tpu.memory_space<vmem>>, vector<16x256xf32>
    %dot_general3A = arith.constant dense<0.000000e+00> : vector<16x256xf32>
    %dot_general3A_45 = tpu.matmul %convert_element_type3A_37, %add3A_28, %dot_general3A {dimension_numbers = #tpu.dot_dimension_numbers<[0], [0], [1], [1], [0, 1, 1, 1], [], []>, transpose_lhs_hint = false} : vector<1024x16xf32>, vector<1024x256xf32>, vector<16x256xf32> -> vector<16x256xf32>
    %add3A_46 = arith.addf %get3A_44, %dot_general3A_45 : vector<16x256xf32>
    %swap3A_47 = arith.constant 0 : index
    %swap3A_48 = arith.constant 0 : index
    %swap3A_49 = vector.load %arg7[%swap3A_47, %swap3A_48] : memref<16x256xf32, #tpu.memory_space<vmem>>, vector<16x256xf32>
    tpu.vector_store %arg7[%swap3A_47, %swap3A_48], %add3A_46 {strides = array<i32>} : memref<16x256xf32, #tpu.memory_space<vmem>>, vector<16x256xf32>,
    return
  }
  func.func @transform_0(%arg0: i32) -> (i32, i32, i32) {
    %c0_i32 = arith.constant 0 : i32
    %c0_i32_0 = arith.constant 0 : i32
    %c0_i32_1 = arith.constant 0 : i32
    return %c0_i32, %arg0, %c0_i32_0 : i32, i32, i32
  }
  func.func @transform_1(%arg0: i32) -> (i32, i32, i32) {
    %c0_i32 = arith.constant 0 : i32
    %c0_i32_0 = arith.constant 0 : i32
    %c0_i32_1 = arith.constant 0 : i32
    return %c0_i32, %arg0, %c0_i32_0 : i32, i32, i32
  }
  func.func @transform_2(%arg0: i32) -> (i32, i32) {
    %c0_i32 = arith.constant 0 : i32
    %c0_i32_0 = arith.constant 0 : i32
    return %arg0, %c0_i32 : i32, i32
  }
  func.func @transform_3(%arg0: i32) -> (i32, i32) {
    %c0_i32 = arith.constant 0 : i32
    %c0_i32_0 = arith.constant 0 : i32
    %c0_i32_1 = arith.constant 0 : i32
    return %c0_i32, %c0_i32_0 : i32, i32
  }
  func.func @transform_4(%arg0: i32) -> (i32, i32, i32) {
    %c0_i32 = arith.constant 0 : i32
    %c0_i32_0 = arith.constant 0 : i32
    %c0_i32_1 = arith.constant 0 : i32
    return %arg0, %c0_i32, %c0_i32_0 : i32, i32, i32
  }
  func.func @transform_5(%arg0: i32) -> (i32, i32) {
    %c0_i32 = arith.constant 0 : i32
    %c0_i32_0 = arith.constant 0 : i32
    return %arg0, %c0_i32 : i32, i32
  }
  func.func @transform_6(%arg0: i32) -> (i32, i32) {
    %c0_i32 = arith.constant 0 : i32
    %c0_i32_0 = arith.constant 0 : i32
    %c0_i32_1 = arith.constant 0 : i32
    return %c0_i32, %c0_i32_0 : i32, i32
  }
}

module attributes {stable_mosaic.version = 14 : i64} {
  func.func @_sub_body(%arg0: i32, %arg1: memref<1024x256xf32, #tpu.memory_space<vmem>>, %arg2: memref<16x256xf32, #tpu.memory_space<vmem>>, %arg3: memref<16x128xf32, #tpu.memory_space<vmem>>, %arg4: memref<1x256xf32, #tpu.memory_space<vmem>>, %arg5: memref<1x1x1024xi32, #tpu.memory_space<vmem>>, %arg6: memref<1024x256xf32, #tpu.memory_space<vmem>>, %arg7: memref<16x256xf32, #tpu.memory_space<vmem>>) attributes {dimension_semantics = [#tpu.dimension_semantics<arbitrary>], iteration_bounds = array<i64: 10>, scalar_prefetch = 0 : i64, scratch_operands = 0 : i64, tpu.core_type = #tpu.core_type<tc>, window_params = [{transform_indices = @transform_0, window_bounds = array<i64: 1024, 256>}, {pipeline_mode = #tpu.pipeline_mode<synchronous>, transform_indices = @transform_1, window_bounds = array<i64: 16, 256>}, {pipeline_mode = #tpu.pipeline_mode<synchronous>, transform_indices = @transform_2, window_bounds = array<i64: 16, 128>}, {pipeline_mode = #tpu.pipeline_mode<synchronous>, transform_indices = @transform_3, window_bounds = array<i64: 1, 256>}, {transform_indices = @transform_4, window_bounds = array<i64: 1, 1, 1024>}, {transform_indices = @transform_5, window_bounds = array<i64: 1024, 256>}, {pipeline_mode = #tpu.pipeline_mode<synchronous>, transform_indices = @transform_6, window_bounds = array<i64: 16, 256>}]} {
    %get3A = arith.constant 0 : index
    %get3A_0 = arith.constant 0 : index
    %get3A_1 = vector.load %arg3[%get3A, %get3A_0] : memref<16x128xf32, #tpu.memory_space<vmem>>, vector<16x1xf32>
    %max3A = arith.constant 1.000000e+00 : f32
    %max3A_2 = vector.broadcast %max3A : f32 to vector<16x1xf32>
    %max3A_3 = arith.maximumf %get3A_1, %max3A_2 : vector<16x1xf32>
    %get3A_4 = arith.constant 0 : index
    %get3A_5 = arith.constant 0 : index
    %get3A_6 = vector.load %arg2[%get3A_4, %get3A_5] : memref<16x256xf32, #tpu.memory_space<vmem>>, vector<16x256xf32>
    %div3A = vector.broadcast %max3A_3 : vector<16x1xf32> to vector<16x256xf32>
    %div3A_7 = arith.divf %get3A_6, %div3A : vector<16x256xf32>
    %get3A_8 = arith.constant 0 : index
    %get3A_9 = arith.constant 0 : index
    %get3A_10 = arith.constant 0 : index
    %get3A_11 = vector.load %arg5[%get3A_8, %get3A_9, %get3A_10] : memref<1x1x1024xi32, #tpu.memory_space<vmem>>, vector<1x1x1024xi32>
    %get3A_12 = vector.shape_cast %get3A_11 : vector<1x1x1024xi32> to vector<1024xi32>
    %iota3A = tpu.iota {dimensions = array<i32: 1>} : vector<1024x16xi32>
    %broadcast_in_dim3A = vector.shape_cast %get3A_12 : vector<1024xi32> to vector<1024x1xi32>
    %eq3A = vector.broadcast %broadcast_in_dim3A : vector<1024x1xi32> to vector<1024x16xi32>
    %eq3A_13 = arith.cmpi eq, %eq3A, %iota3A : vector<1024x16xi32>
    %convert_element_type3A = arith.extui %eq3A_13 : vector<1024x16xi1> to vector<1024x16xi32>
    %convert_element_type3A_14 = arith.sitofp %convert_element_type3A : vector<1024x16xi32> to vector<1024x16xf32>
    %get3A_15 = arith.constant 0 : index
    %get3A_16 = arith.constant 0 : index
    %get3A_17 = vector.load %arg1[%get3A_15, %get3A_16] : memref<1024x256xf32, #tpu.memory_space<vmem>>, vector<1024x256xf32>
    %get3A_18 = arith.constant 0 : index
    %get3A_19 = arith.constant 0 : index
    %get3A_20 = vector.load %arg4[%get3A_18, %get3A_19] : memref<1x256xf32, #tpu.memory_space<vmem>>, vector<1x256xf32>
    %dot_general3A = arith.constant dense<0.000000e+00> : vector<1024x256xf32>
    %dot_general3A_21 = tpu.matmul %convert_element_type3A_14, %div3A_7, %dot_general3A {dimension_numbers = #tpu.dot_dimension_numbers<[1], [0], [0], [1], [0, 0, 1, 1], [], []>, transpose_lhs_hint = false} : vector<1024x16xf32>, vector<16x256xf32>, vector<1024x256xf32> -> vector<1024x256xf32>
    %mul3A = vector.broadcast %get3A_20 : vector<1x256xf32> to vector<1024x256xf32>
    %mul3A_22 = arith.mulf %mul3A, %dot_general3A_21 : vector<1024x256xf32>
    %sub3A = arith.subf %get3A_17, %mul3A_22 : vector<1024x256xf32>
    %swap3A = arith.constant 0 : index
    %swap3A_23 = arith.constant 0 : index
    %swap3A_24 = vector.load %arg6[%swap3A, %swap3A_23] : memref<1024x256xf32, #tpu.memory_space<vmem>>, vector<1024x256xf32>
    tpu.vector_store %arg6[%swap3A, %swap3A_23], %sub3A {strides = array<i32>} : memref<1024x256xf32, #tpu.memory_space<vmem>>, vector<1024x256xf32>,
    %eq3A_25 = arith.constant 0 : i32
    %eq3A_26 = arith.cmpi eq, %arg0, %eq3A_25 : i32
    %convert_element_type3A_27 = arith.extui %eq3A_26 : i1 to i32
    %cond3A = arith.constant 0 : i32
    %cond3A_28 = arith.cmpi ne, %convert_element_type3A_27, %cond3A : i32
    scf.if %cond3A_28 {
      %broadcast_in_dim3A_38 = arith.constant 0.000000e+00 : f32
      %broadcast_in_dim3A_39 = vector.broadcast %broadcast_in_dim3A_38 : f32 to vector<16x256xf32>
      %swap3A_40 = arith.constant 0 : index
      %swap3A_41 = arith.constant 0 : index
      %swap3A_42 = vector.load %arg7[%swap3A_40, %swap3A_41] : memref<16x256xf32, #tpu.memory_space<vmem>>, vector<16x256xf32>
      tpu.vector_store %arg7[%swap3A_40, %swap3A_41], %broadcast_in_dim3A_39 {strides = array<i32>} : memref<16x256xf32, #tpu.memory_space<vmem>>, vector<16x256xf32>,
    } else {
    }
    %get3A_29 = arith.constant 0 : index
    %get3A_30 = arith.constant 0 : index
    %get3A_31 = vector.load %arg7[%get3A_29, %get3A_30] : memref<16x256xf32, #tpu.memory_space<vmem>>, vector<16x256xf32>
    %mul3A_32 = arith.mulf %sub3A, %sub3A : vector<1024x256xf32>
    %dot_general3A_33 = arith.constant dense<0.000000e+00> : vector<16x256xf32>
    %dot_general3A_34 = tpu.matmul %convert_element_type3A_14, %mul3A_32, %dot_general3A_33 {dimension_numbers = #tpu.dot_dimension_numbers<[0], [0], [1], [1], [0, 1, 1, 1], [], []>, transpose_lhs_hint = false} : vector<1024x16xf32>, vector<1024x256xf32>, vector<16x256xf32> -> vector<16x256xf32>
    %add3A = arith.addf %get3A_31, %dot_general3A_34 : vector<16x256xf32>
    %swap3A_35 = arith.constant 0 : index
    %swap3A_36 = arith.constant 0 : index
    %swap3A_37 = vector.load %arg7[%swap3A_35, %swap3A_36] : memref<16x256xf32, #tpu.memory_space<vmem>>, vector<16x256xf32>
    tpu.vector_store %arg7[%swap3A_35, %swap3A_36], %add3A {strides = array<i32>} : memref<16x256xf32, #tpu.memory_space<vmem>>, vector<16x256xf32>,
    return
  }
  func.func @transform_0(%arg0: i32) -> (i32, i32) {
    %c0_i32 = arith.constant 0 : i32
    %c0_i32_0 = arith.constant 0 : i32
    return %arg0, %c0_i32 : i32, i32
  }
  func.func @transform_1(%arg0: i32) -> (i32, i32) {
    %c0_i32 = arith.constant 0 : i32
    %c0_i32_0 = arith.constant 0 : i32
    %c0_i32_1 = arith.constant 0 : i32
    return %c0_i32, %c0_i32_0 : i32, i32
  }
  func.func @transform_2(%arg0: i32) -> (i32, i32) {
    %c0_i32 = arith.constant 0 : i32
    %c0_i32_0 = arith.constant 0 : i32
    %c0_i32_1 = arith.constant 0 : i32
    return %c0_i32, %c0_i32_0 : i32, i32
  }
  func.func @transform_3(%arg0: i32) -> (i32, i32) {
    %c0_i32 = arith.constant 0 : i32
    %c0_i32_0 = arith.constant 0 : i32
    %c0_i32_1 = arith.constant 0 : i32
    return %c0_i32, %c0_i32_0 : i32, i32
  }
  func.func @transform_4(%arg0: i32) -> (i32, i32, i32) {
    %c0_i32 = arith.constant 0 : i32
    %c0_i32_0 = arith.constant 0 : i32
    %c0_i32_1 = arith.constant 0 : i32
    return %arg0, %c0_i32, %c0_i32_0 : i32, i32, i32
  }
  func.func @transform_5(%arg0: i32) -> (i32, i32) {
    %c0_i32 = arith.constant 0 : i32
    %c0_i32_0 = arith.constant 0 : i32
    return %arg0, %c0_i32 : i32, i32
  }
  func.func @transform_6(%arg0: i32) -> (i32, i32) {
    %c0_i32 = arith.constant 0 : i32
    %c0_i32_0 = arith.constant 0 : i32
    %c0_i32_1 = arith.constant 0 : i32
    return %c0_i32, %c0_i32_0 : i32, i32
  }
}

module attributes {stable_mosaic.version = 14 : i64} {
  func.func @_next_body(%arg0: i32, %arg1: memref<1024x256xf32, #tpu.memory_space<vmem>>, %arg2: memref<16x256xf32, #tpu.memory_space<vmem>>, %arg3: memref<16x128xf32, #tpu.memory_space<vmem>>, %arg4: memref<1x256xf32, #tpu.memory_space<vmem>>, %arg5: memref<1x256xf32, #tpu.memory_space<vmem>>, %arg6: memref<1024x256xf32, #tpu.memory_space<vmem>>, %arg7: memref<1024x16xf32, #tpu.memory_space<vmem>>, %arg8: memref<256x256xf32, #tpu.memory_space<vmem>>, %arg9: memref<1x1x1024xi32, #tpu.memory_space<vmem>>, %arg10: memref<1024x256xf32, #tpu.memory_space<vmem>>, %arg11: memref<2x1024x128xf32, #tpu.memory_space<vmem>>) attributes {dimension_semantics = [#tpu.dimension_semantics<arbitrary>], iteration_bounds = array<i64: 10>, scalar_prefetch = 0 : i64, scratch_operands = 0 : i64, tpu.core_type = #tpu.core_type<tc>, window_params = [{transform_indices = @transform_0, window_bounds = array<i64: 1024, 256>}, {pipeline_mode = #tpu.pipeline_mode<synchronous>, transform_indices = @transform_1, window_bounds = array<i64: 16, 256>}, {pipeline_mode = #tpu.pipeline_mode<synchronous>, transform_indices = @transform_2, window_bounds = array<i64: 16, 128>}, {pipeline_mode = #tpu.pipeline_mode<synchronous>, transform_indices = @transform_3, window_bounds = array<i64: 1, 256>}, {pipeline_mode = #tpu.pipeline_mode<synchronous>, transform_indices = @transform_4, window_bounds = array<i64: 1, 256>}, {transform_indices = @transform_5, window_bounds = array<i64: 1024, 256>}, {transform_indices = @transform_6, window_bounds = array<i64: 1024, 16>}, {pipeline_mode = #tpu.pipeline_mode<synchronous>, transform_indices = @transform_7, window_bounds = array<i64: 256, 256>}, {transform_indices = @transform_8, window_bounds = array<i64: 1, 1, 1024>}, {transform_indices = @transform_9, window_bounds = array<i64: 1024, 256>}, {transform_indices = @transform_10, window_bounds = array<i64: 2, 1024, 128>}]} {
    %get3A = arith.constant 0 : index
    %get3A_0 = arith.constant 0 : index
    %get3A_1 = vector.load %arg3[%get3A, %get3A_0] : memref<16x128xf32, #tpu.memory_space<vmem>>, vector<16x1xf32>
    %max3A = arith.constant 1.000000e+00 : f32
    %max3A_2 = vector.broadcast %max3A : f32 to vector<16x1xf32>
    %max3A_3 = arith.maximumf %get3A_1, %max3A_2 : vector<16x1xf32>
    %get3A_4 = arith.constant 0 : index
    %get3A_5 = arith.constant 0 : index
    %get3A_6 = vector.load %arg2[%get3A_4, %get3A_5] : memref<16x256xf32, #tpu.memory_space<vmem>>, vector<16x256xf32>
    %div3A = vector.broadcast %max3A_3 : vector<16x1xf32> to vector<16x256xf32>
    %div3A_7 = arith.divf %get3A_6, %div3A : vector<16x256xf32>
    %add3A = arith.constant 9.99999974E-6 : f32
    %add3A_8 = vector.broadcast %add3A : f32 to vector<16x256xf32>
    %add3A_9 = arith.addf %div3A_7, %add3A_8 : vector<16x256xf32>
    %rsqrt3A = math.rsqrt %add3A_9 : vector<16x256xf32>
    %get3A_10 = arith.constant 0 : index
    %get3A_11 = arith.constant 0 : index
    %get3A_12 = arith.constant 0 : index
    %get3A_13 = vector.load %arg9[%get3A_10, %get3A_11, %get3A_12] : memref<1x1x1024xi32, #tpu.memory_space<vmem>>, vector<1x1x1024xi32>
    %get3A_14 = vector.shape_cast %get3A_13 : vector<1x1x1024xi32> to vector<1024xi32>
    %iota3A = tpu.iota {dimensions = array<i32: 1>} : vector<1024x16xi32>
    %broadcast_in_dim3A = vector.shape_cast %get3A_14 : vector<1024xi32> to vector<1024x1xi32>
    %eq3A = vector.broadcast %broadcast_in_dim3A : vector<1024x1xi32> to vector<1024x16xi32>
    %eq3A_15 = arith.cmpi eq, %eq3A, %iota3A : vector<1024x16xi32>
    %convert_element_type3A = arith.extui %eq3A_15 : vector<1024x16xi1> to vector<1024x16xi32>
    %convert_element_type3A_16 = arith.sitofp %convert_element_type3A : vector<1024x16xi32> to vector<1024x16xf32>
    %get3A_17 = arith.constant 0 : index
    %get3A_18 = arith.constant 0 : index
    %get3A_19 = vector.load %arg4[%get3A_17, %get3A_18] : memref<1x256xf32, #tpu.memory_space<vmem>>, vector<1x256xf32>
    %get3A_20 = arith.constant 0 : index
    %get3A_21 = arith.constant 0 : index
    %get3A_22 = vector.load %arg1[%get3A_20, %get3A_21] : memref<1024x256xf32, #tpu.memory_space<vmem>>, vector<1024x256xf32>
    %mul3A = vector.broadcast %get3A_19 : vector<1x256xf32> to vector<1024x256xf32>
    %mul3A_23 = arith.mulf %mul3A, %get3A_22 : vector<1024x256xf32>
    %dot_general3A = arith.constant dense<0.000000e+00> : vector<1024x256xf32>
    %dot_general3A_24 = tpu.matmul %convert_element_type3A_16, %rsqrt3A, %dot_general3A {dimension_numbers = #tpu.dot_dimension_numbers<[1], [0], [0], [1], [0, 0, 1, 1], [], []>, transpose_lhs_hint = false} : vector<1024x16xf32>, vector<16x256xf32>, vector<1024x256xf32> -> vector<1024x256xf32>
    %mul3A_25 = arith.mulf %mul3A_23, %dot_general3A_24 : vector<1024x256xf32>
    %get3A_26 = arith.constant 0 : index
    %get3A_27 = arith.constant 0 : index
    %get3A_28 = vector.load %arg5[%get3A_26, %get3A_27] : memref<1x256xf32, #tpu.memory_space<vmem>>, vector<1x256xf32>
    %add3A_29 = vector.broadcast %get3A_28 : vector<1x256xf32> to vector<1024x256xf32>
    %add3A_30 = arith.addf %mul3A_25, %add3A_29 : vector<1024x256xf32>
    %max3A_31 = arith.constant 0.000000e+00 : f32
    %max3A_32 = vector.broadcast %max3A_31 : f32 to vector<1024x256xf32>
    %max3A_33 = arith.maximumf %add3A_30, %max3A_32 : vector<1024x256xf32>
    %get3A_34 = arith.constant 0 : index
    %get3A_35 = arith.constant 0 : index
    %get3A_36 = vector.load %arg6[%get3A_34, %get3A_35] : memref<1024x256xf32, #tpu.memory_space<vmem>>, vector<1024x256xf32>
    %add3A_37 = arith.addf %max3A_33, %get3A_36 : vector<1024x256xf32>
    %swap3A = arith.constant 0 : index
    %swap3A_38 = arith.constant 0 : index
    %swap3A_39 = vector.load %arg10[%swap3A, %swap3A_38] : memref<1024x256xf32, #tpu.memory_space<vmem>>, vector<1024x256xf32>
    tpu.vector_store %arg10[%swap3A, %swap3A_38], %add3A_37 {strides = array<i32>} : memref<1024x256xf32, #tpu.memory_space<vmem>>, vector<1024x256xf32>,
    %get3A_40 = arith.constant 0 : index
    %get3A_41 = arith.constant 0 : index
    %get3A_42 = vector.load %arg8[%get3A_40, %get3A_41] : memref<256x256xf32, #tpu.memory_space<vmem>>, vector<256x256xf32>
    %dot_general3A_43 = arith.constant dense<0.000000e+00> : vector<1024x256xf32>
    %dot_general3A_44 = tpu.matmul %add3A_37, %get3A_42, %dot_general3A_43 {dimension_numbers = #tpu.dot_dimension_numbers<[1], [1], [0], [0], [0, 0, 1, 0], [], []>, transpose_lhs_hint = false} : vector<1024x256xf32>, vector<256x256xf32>, vector<1024x256xf32> -> vector<1024x256xf32>
    %get3A_45 = arith.constant 0 : index
    %get3A_46 = arith.constant 0 : index
    %get3A_47 = vector.load %arg7[%get3A_45, %get3A_46] : memref<1024x16xf32, #tpu.memory_space<vmem>>, vector<1024x1xf32>
    %mul3A_48 = vector.broadcast %get3A_47 : vector<1024x1xf32> to vector<1024x256xf32>
    %mul3A_49 = arith.mulf %dot_general3A_44, %mul3A_48 : vector<1024x256xf32>
    %slice3A = vector.extract_strided_slice %mul3A_49 {offsets = [0, 0], sizes = [1024, 128], strides = [1, 1]} : vector<1024x256xf32> to vector<1024x128xf32>
    %slice3A_50 = vector.extract_strided_slice %mul3A_49 {offsets = [0, 128], sizes = [1024, 128], strides = [1, 1]} : vector<1024x256xf32> to vector<1024x128xf32>
    %stack3A = vector.shape_cast %slice3A : vector<1024x128xf32> to vector<1x1024x128xf32>
    %stack3A_51 = vector.shape_cast %slice3A_50 : vector<1024x128xf32> to vector<1x1024x128xf32>
    %stack3A_52 = tpu.concatenate %stack3A, %stack3A_51 in 0 : vector<1x1024x128xf32>, vector<1x1024x128xf32> -> vector<2x1024x128xf32>
    %swap3A_53 = arith.constant 0 : index
    %swap3A_54 = arith.constant 0 : index
    %swap3A_55 = arith.constant 0 : index
    %swap3A_56 = vector.load %arg11[%swap3A_53, %swap3A_54, %swap3A_55] : memref<2x1024x128xf32, #tpu.memory_space<vmem>>, vector<2x1024x128xf32>
    tpu.vector_store %arg11[%swap3A_53, %swap3A_54, %swap3A_55], %stack3A_52 {strides = array<i32>} : memref<2x1024x128xf32, #tpu.memory_space<vmem>>, vector<2x1024x128xf32>,
    return
  }
  func.func @transform_0(%arg0: i32) -> (i32, i32) {
    %c0_i32 = arith.constant 0 : i32
    %c0_i32_0 = arith.constant 0 : i32
    return %arg0, %c0_i32 : i32, i32
  }
  func.func @transform_1(%arg0: i32) -> (i32, i32) {
    %c0_i32 = arith.constant 0 : i32
    %c0_i32_0 = arith.constant 0 : i32
    %c0_i32_1 = arith.constant 0 : i32
    return %c0_i32, %c0_i32_0 : i32, i32
  }
  func.func @transform_2(%arg0: i32) -> (i32, i32) {
    %c0_i32 = arith.constant 0 : i32
    %c0_i32_0 = arith.constant 0 : i32
    %c0_i32_1 = arith.constant 0 : i32
    return %c0_i32, %c0_i32_0 : i32, i32
  }
  func.func @transform_3(%arg0: i32) -> (i32, i32) {
    %c0_i32 = arith.constant 0 : i32
    %c0_i32_0 = arith.constant 0 : i32
    %c0_i32_1 = arith.constant 0 : i32
    return %c0_i32, %c0_i32_0 : i32, i32
  }
  func.func @transform_4(%arg0: i32) -> (i32, i32) {
    %c0_i32 = arith.constant 0 : i32
    %c0_i32_0 = arith.constant 0 : i32
    %c0_i32_1 = arith.constant 0 : i32
    return %c0_i32, %c0_i32_0 : i32, i32
  }
  func.func @transform_5(%arg0: i32) -> (i32, i32) {
    %c0_i32 = arith.constant 0 : i32
    %c0_i32_0 = arith.constant 0 : i32
    return %arg0, %c0_i32 : i32, i32
  }
  func.func @transform_6(%arg0: i32) -> (i32, i32) {
    %c0_i32 = arith.constant 0 : i32
    %c0_i32_0 = arith.constant 0 : i32
    return %arg0, %c0_i32 : i32, i32
  }
  func.func @transform_7(%arg0: i32) -> (i32, i32) {
    %c0_i32 = arith.constant 0 : i32
    %c0_i32_0 = arith.constant 0 : i32
    %c0_i32_1 = arith.constant 0 : i32
    return %c0_i32, %c0_i32_0 : i32, i32
  }
  func.func @transform_8(%arg0: i32) -> (i32, i32, i32) {
    %c0_i32 = arith.constant 0 : i32
    %c0_i32_0 = arith.constant 0 : i32
    %c0_i32_1 = arith.constant 0 : i32
    return %arg0, %c0_i32, %c0_i32_0 : i32, i32, i32
  }
  func.func @transform_9(%arg0: i32) -> (i32, i32) {
    %c0_i32 = arith.constant 0 : i32
    %c0_i32_0 = arith.constant 0 : i32
    return %arg0, %c0_i32 : i32, i32
  }
  func.func @transform_10(%arg0: i32) -> (i32, i32, i32) {
    %c0_i32 = arith.constant 0 : i32
    %c0_i32_0 = arith.constant 0 : i32
    %c0_i32_1 = arith.constant 0 : i32
    return %c0_i32, %arg0, %c0_i32_0 : i32, i32, i32
  }
}

module attributes {stable_mosaic.version = 14 : i64} {
  func.func @_pool_body(%arg0: i32, %arg1: memref<1024x256xf32, #tpu.memory_space<vmem>>, %arg2: memref<16x256xf32, #tpu.memory_space<vmem>>, %arg3: memref<16x128xf32, #tpu.memory_space<vmem>>, %arg4: memref<1x256xf32, #tpu.memory_space<vmem>>, %arg5: memref<1x256xf32, #tpu.memory_space<vmem>>, %arg6: memref<1024x256xf32, #tpu.memory_space<vmem>>, %arg7: memref<1x1x1024xi32, #tpu.memory_space<vmem>>, %arg8: memref<16x256xf32, #tpu.memory_space<vmem>>, %arg9: memref<16x256xf32, #tpu.memory_space<vmem>>) attributes {dimension_semantics = [#tpu.dimension_semantics<arbitrary>], iteration_bounds = array<i64: 10>, scalar_prefetch = 0 : i64, scratch_operands = 0 : i64, tpu.core_type = #tpu.core_type<tc>, window_params = [{transform_indices = @transform_0, window_bounds = array<i64: 1024, 256>}, {pipeline_mode = #tpu.pipeline_mode<synchronous>, transform_indices = @transform_1, window_bounds = array<i64: 16, 256>}, {pipeline_mode = #tpu.pipeline_mode<synchronous>, transform_indices = @transform_2, window_bounds = array<i64: 16, 128>}, {pipeline_mode = #tpu.pipeline_mode<synchronous>, transform_indices = @transform_3, window_bounds = array<i64: 1, 256>}, {pipeline_mode = #tpu.pipeline_mode<synchronous>, transform_indices = @transform_4, window_bounds = array<i64: 1, 256>}, {transform_indices = @transform_5, window_bounds = array<i64: 1024, 256>}, {transform_indices = @transform_6, window_bounds = array<i64: 1, 1, 1024>}, {pipeline_mode = #tpu.pipeline_mode<synchronous>, transform_indices = @transform_7, window_bounds = array<i64: 16, 256>}, {pipeline_mode = #tpu.pipeline_mode<synchronous>, transform_indices = @transform_8, window_bounds = array<i64: 16, 256>}]} {
    %get3A = arith.constant 0 : index
    %get3A_0 = arith.constant 0 : index
    %get3A_1 = vector.load %arg3[%get3A, %get3A_0] : memref<16x128xf32, #tpu.memory_space<vmem>>, vector<16x1xf32>
    %max3A = arith.constant 1.000000e+00 : f32
    %max3A_2 = vector.broadcast %max3A : f32 to vector<16x1xf32>
    %max3A_3 = arith.maximumf %get3A_1, %max3A_2 : vector<16x1xf32>
    %get3A_4 = arith.constant 0 : index
    %get3A_5 = arith.constant 0 : index
    %get3A_6 = vector.load %arg2[%get3A_4, %get3A_5] : memref<16x256xf32, #tpu.memory_space<vmem>>, vector<16x256xf32>
    %div3A = vector.broadcast %max3A_3 : vector<16x1xf32> to vector<16x256xf32>
    %div3A_7 = arith.divf %get3A_6, %div3A : vector<16x256xf32>
    %add3A = arith.constant 9.99999974E-6 : f32
    %add3A_8 = vector.broadcast %add3A : f32 to vector<16x256xf32>
    %add3A_9 = arith.addf %div3A_7, %add3A_8 : vector<16x256xf32>
    %rsqrt3A = math.rsqrt %add3A_9 : vector<16x256xf32>
    %get3A_10 = arith.constant 0 : index
    %get3A_11 = arith.constant 0 : index
    %get3A_12 = arith.constant 0 : index
    %get3A_13 = vector.load %arg7[%get3A_10, %get3A_11, %get3A_12] : memref<1x1x1024xi32, #tpu.memory_space<vmem>>, vector<1x1x1024xi32>
    %get3A_14 = vector.shape_cast %get3A_13 : vector<1x1x1024xi32> to vector<1024xi32>
    %iota3A = tpu.iota {dimensions = array<i32: 1>} : vector<1024x16xi32>
    %broadcast_in_dim3A = vector.shape_cast %get3A_14 : vector<1024xi32> to vector<1024x1xi32>
    %eq3A = vector.broadcast %broadcast_in_dim3A : vector<1024x1xi32> to vector<1024x16xi32>
    %eq3A_15 = arith.cmpi eq, %eq3A, %iota3A : vector<1024x16xi32>
    %convert_element_type3A = arith.extui %eq3A_15 : vector<1024x16xi1> to vector<1024x16xi32>
    %convert_element_type3A_16 = arith.sitofp %convert_element_type3A : vector<1024x16xi32> to vector<1024x16xf32>
    %get3A_17 = arith.constant 0 : index
    %get3A_18 = arith.constant 0 : index
    %get3A_19 = vector.load %arg4[%get3A_17, %get3A_18] : memref<1x256xf32, #tpu.memory_space<vmem>>, vector<1x256xf32>
    %get3A_20 = arith.constant 0 : index
    %get3A_21 = arith.constant 0 : index
    %get3A_22 = vector.load %arg1[%get3A_20, %get3A_21] : memref<1024x256xf32, #tpu.memory_space<vmem>>, vector<1024x256xf32>
    %mul3A = vector.broadcast %get3A_19 : vector<1x256xf32> to vector<1024x256xf32>
    %mul3A_23 = arith.mulf %mul3A, %get3A_22 : vector<1024x256xf32>
    %dot_general3A = arith.constant dense<0.000000e+00> : vector<1024x256xf32>
    %dot_general3A_24 = tpu.matmul %convert_element_type3A_16, %rsqrt3A, %dot_general3A {dimension_numbers = #tpu.dot_dimension_numbers<[1], [0], [0], [1], [0, 0, 1, 1], [], []>, transpose_lhs_hint = false} : vector<1024x16xf32>, vector<16x256xf32>, vector<1024x256xf32> -> vector<1024x256xf32>
    %mul3A_25 = arith.mulf %mul3A_23, %dot_general3A_24 : vector<1024x256xf32>
    %get3A_26 = arith.constant 0 : index
    %get3A_27 = arith.constant 0 : index
    %get3A_28 = vector.load %arg5[%get3A_26, %get3A_27] : memref<1x256xf32, #tpu.memory_space<vmem>>, vector<1x256xf32>
    %add3A_29 = vector.broadcast %get3A_28 : vector<1x256xf32> to vector<1024x256xf32>
    %add3A_30 = arith.addf %mul3A_25, %add3A_29 : vector<1024x256xf32>
    %max3A_31 = arith.constant 0.000000e+00 : f32
    %max3A_32 = vector.broadcast %max3A_31 : f32 to vector<1024x256xf32>
    %max3A_33 = arith.maximumf %add3A_30, %max3A_32 : vector<1024x256xf32>
    %get3A_34 = arith.constant 0 : index
    %get3A_35 = arith.constant 0 : index
    %get3A_36 = vector.load %arg6[%get3A_34, %get3A_35] : memref<1024x256xf32, #tpu.memory_space<vmem>>, vector<1024x256xf32>
    %add3A_37 = arith.addf %max3A_33, %get3A_36 : vector<1024x256xf32>
    %eq3A_38 = arith.constant 0 : i32
    %eq3A_39 = arith.cmpi eq, %arg0, %eq3A_38 : i32
    %convert_element_type3A_40 = arith.extui %eq3A_39 : i1 to i32
    %cond3A = arith.constant 0 : i32
    %cond3A_41 = arith.cmpi ne, %convert_element_type3A_40, %cond3A : i32
    scf.if %cond3A_41 {
      %broadcast_in_dim3A_244 = arith.constant 0.000000e+00 : f32
      %broadcast_in_dim3A_245 = vector.broadcast %broadcast_in_dim3A_244 : f32 to vector<16x256xf32>
      %swap3A_246 = arith.constant 0 : index
      %swap3A_247 = arith.constant 0 : index
      %swap3A_248 = vector.load %arg8[%swap3A_246, %swap3A_247] : memref<16x256xf32, #tpu.memory_space<vmem>>, vector<16x256xf32>
      tpu.vector_store %arg8[%swap3A_246, %swap3A_247], %broadcast_in_dim3A_245 {strides = array<i32>} : memref<16x256xf32, #tpu.memory_space<vmem>>, vector<16x256xf32>,
      %broadcast_in_dim3A_249 = arith.constant -3.000000e+38 : f32
      %broadcast_in_dim3A_250 = vector.broadcast %broadcast_in_dim3A_249 : f32 to vector<16x256xf32>
      %swap3A_251 = arith.constant 0 : index
      %swap3A_252 = arith.constant 0 : index
      %swap3A_253 = vector.load %arg9[%swap3A_251, %swap3A_252] : memref<16x256xf32, #tpu.memory_space<vmem>>, vector<16x256xf32>
      tpu.vector_store %arg9[%swap3A_251, %swap3A_252], %broadcast_in_dim3A_250 {strides = array<i32>} : memref<16x256xf32, #tpu.memory_space<vmem>>, vector<16x256xf32>,
    } else {
    }
    %get3A_42 = arith.constant 0 : index
    %get3A_43 = arith.constant 0 : index
    %get3A_44 = vector.load %arg8[%get3A_42, %get3A_43] : memref<16x256xf32, #tpu.memory_space<vmem>>, vector<16x256xf32>
    %dot_general3A_45 = arith.constant dense<0.000000e+00> : vector<16x256xf32>
    %dot_general3A_46 = tpu.matmul %convert_element_type3A_16, %add3A_37, %dot_general3A_45 {dimension_numbers = #tpu.dot_dimension_numbers<[0], [0], [1], [1], [0, 1, 1, 1], [], []>, transpose_lhs_hint = false} : vector<1024x16xf32>, vector<1024x256xf32>, vector<16x256xf32> -> vector<16x256xf32>
    %add3A_47 = arith.addf %get3A_44, %dot_general3A_46 : vector<16x256xf32>
    %swap3A = arith.constant 0 : index
    %swap3A_48 = arith.constant 0 : index
    %swap3A_49 = vector.load %arg8[%swap3A, %swap3A_48] : memref<16x256xf32, #tpu.memory_space<vmem>>, vector<16x256xf32>
    tpu.vector_store %arg8[%swap3A, %swap3A_48], %add3A_47 {strides = array<i32>} : memref<16x256xf32, #tpu.memory_space<vmem>>, vector<16x256xf32>,
    %slice3A = vector.extract_strided_slice %convert_element_type3A_16 {offsets = [0, 0], sizes = [1024, 1], strides = [1, 1]} : vector<1024x16xf32> to vector<1024x1xf32>
    %gt3A = arith.constant 5.000000e-01 : f32
    %gt3A_50 = vector.broadcast %gt3A : f32 to vector<1024x1xf32>
    %gt3A_51 = arith.cmpf ogt, %slice3A, %gt3A_50 : vector<1024x1xf32>
    %jit3A = arith.constant -3.000000e+38 : f32
    %broadcast_in_dim3A_52 = vector.shape_cast %gt3A_51 : vector<1024x1xi1> to vector<1024x1xi1>
    %broadcast_in_dim3A_53 = vector.broadcast %broadcast_in_dim3A_52 : vector<1024x1xi1> to vector<1024x256xi1>
    %broadcast_in_dim3A_54 = vector.broadcast %jit3A : f32 to vector<1024x256xf32>
    %select_n3A = arith.select %broadcast_in_dim3A_53, %add3A_37, %broadcast_in_dim3A_54 : vector<1024x256xi1>, vector<1024x256xf32>
    %reduce_max3A = arith.constant dense<0xFF800000> : vector<256xf32>
    %reduce_max3A_55 = vector.multi_reduction <maximumf>, %select_n3A, %reduce_max3A [0] : vector<1024x256xf32> to vector<256xf32>
    %broadcast_in_dim3A_56 = vector.shape_cast %reduce_max3A_55 : vector<256xf32> to vector<1x256xf32>
    %slice3A_57 = vector.extract_strided_slice %convert_element_type3A_16 {offsets = [0, 1], sizes = [1024, 1], strides = [1, 1]} : vector<1024x16xf32> to vector<1024x1xf32>
    %gt3A_58 = arith.constant 5.000000e-01 : f32
    %gt3A_59 = vector.broadcast %gt3A_58 : f32 to vector<1024x1xf32>
    %gt3A_60 = arith.cmpf ogt, %slice3A_57, %gt3A_59 : vector<1024x1xf32>
    %jit3A_61 = arith.constant -3.000000e+38 : f32
    %broadcast_in_dim3A_62 = vector.shape_cast %gt3A_60 : vector<1024x1xi1> to vector<1024x1xi1>
    %broadcast_in_dim3A_63 = vector.broadcast %broadcast_in_dim3A_62 : vector<1024x1xi1> to vector<1024x256xi1>
    %broadcast_in_dim3A_64 = vector.broadcast %jit3A_61 : f32 to vector<1024x256xf32>
    %select_n3A_65 = arith.select %broadcast_in_dim3A_63, %add3A_37, %broadcast_in_dim3A_64 : vector<1024x256xi1>, vector<1024x256xf32>
    %reduce_max3A_66 = arith.constant dense<0xFF800000> : vector<256xf32>
    %reduce_max3A_67 = vector.multi_reduction <maximumf>, %select_n3A_65, %reduce_max3A_66 [0] : vector<1024x256xf32> to vector<256xf32>
    %broadcast_in_dim3A_68 = vector.shape_cast %reduce_max3A_67 : vector<256xf32> to vector<1x256xf32>
    %slice3A_69 = vector.extract_strided_slice %convert_element_type3A_16 {offsets = [0, 2], sizes = [1024, 1], strides = [1, 1]} : vector<1024x16xf32> to vector<1024x1xf32>
    %gt3A_70 = arith.constant 5.000000e-01 : f32
    %gt3A_71 = vector.broadcast %gt3A_70 : f32 to vector<1024x1xf32>
    %gt3A_72 = arith.cmpf ogt, %slice3A_69, %gt3A_71 : vector<1024x1xf32>
    %jit3A_73 = arith.constant -3.000000e+38 : f32
    %broadcast_in_dim3A_74 = vector.shape_cast %gt3A_72 : vector<1024x1xi1> to vector<1024x1xi1>
    %broadcast_in_dim3A_75 = vector.broadcast %broadcast_in_dim3A_74 : vector<1024x1xi1> to vector<1024x256xi1>
    %broadcast_in_dim3A_76 = vector.broadcast %jit3A_73 : f32 to vector<1024x256xf32>
    %select_n3A_77 = arith.select %broadcast_in_dim3A_75, %add3A_37, %broadcast_in_dim3A_76 : vector<1024x256xi1>, vector<1024x256xf32>
    %reduce_max3A_78 = arith.constant dense<0xFF800000> : vector<256xf32>
    %reduce_max3A_79 = vector.multi_reduction <maximumf>, %select_n3A_77, %reduce_max3A_78 [0] : vector<1024x256xf32> to vector<256xf32>
    %broadcast_in_dim3A_80 = vector.shape_cast %reduce_max3A_79 : vector<256xf32> to vector<1x256xf32>
    %slice3A_81 = vector.extract_strided_slice %convert_element_type3A_16 {offsets = [0, 3], sizes = [1024, 1], strides = [1, 1]} : vector<1024x16xf32> to vector<1024x1xf32>
    %gt3A_82 = arith.constant 5.000000e-01 : f32
    %gt3A_83 = vector.broadcast %gt3A_82 : f32 to vector<1024x1xf32>
    %gt3A_84 = arith.cmpf ogt, %slice3A_81, %gt3A_83 : vector<1024x1xf32>
    %jit3A_85 = arith.constant -3.000000e+38 : f32
    %broadcast_in_dim3A_86 = vector.shape_cast %gt3A_84 : vector<1024x1xi1> to vector<1024x1xi1>
    %broadcast_in_dim3A_87 = vector.broadcast %broadcast_in_dim3A_86 : vector<1024x1xi1> to vector<1024x256xi1>
    %broadcast_in_dim3A_88 = vector.broadcast %jit3A_85 : f32 to vector<1024x256xf32>
    %select_n3A_89 = arith.select %broadcast_in_dim3A_87, %add3A_37, %broadcast_in_dim3A_88 : vector<1024x256xi1>, vector<1024x256xf32>
    %reduce_max3A_90 = arith.constant dense<0xFF800000> : vector<256xf32>
    %reduce_max3A_91 = vector.multi_reduction <maximumf>, %select_n3A_89, %reduce_max3A_90 [0] : vector<1024x256xf32> to vector<256xf32>
    %broadcast_in_dim3A_92 = vector.shape_cast %reduce_max3A_91 : vector<256xf32> to vector<1x256xf32>
    %slice3A_93 = vector.extract_strided_slice %convert_element_type3A_16 {offsets = [0, 4], sizes = [1024, 1], strides = [1, 1]} : vector<1024x16xf32> to vector<1024x1xf32>
    %gt3A_94 = arith.constant 5.000000e-01 : f32
    %gt3A_95 = vector.broadcast %gt3A_94 : f32 to vector<1024x1xf32>
    %gt3A_96 = arith.cmpf ogt, %slice3A_93, %gt3A_95 : vector<1024x1xf32>
    %jit3A_97 = arith.constant -3.000000e+38 : f32
    %broadcast_in_dim3A_98 = vector.shape_cast %gt3A_96 : vector<1024x1xi1> to vector<1024x1xi1>
    %broadcast_in_dim3A_99 = vector.broadcast %broadcast_in_dim3A_98 : vector<1024x1xi1> to vector<1024x256xi1>
    %broadcast_in_dim3A_100 = vector.broadcast %jit3A_97 : f32 to vector<1024x256xf32>
    %select_n3A_101 = arith.select %broadcast_in_dim3A_99, %add3A_37, %broadcast_in_dim3A_100 : vector<1024x256xi1>, vector<1024x256xf32>
    %reduce_max3A_102 = arith.constant dense<0xFF800000> : vector<256xf32>
    %reduce_max3A_103 = vector.multi_reduction <maximumf>, %select_n3A_101, %reduce_max3A_102 [0] : vector<1024x256xf32> to vector<256xf32>
    %broadcast_in_dim3A_104 = vector.shape_cast %reduce_max3A_103 : vector<256xf32> to vector<1x256xf32>
    %slice3A_105 = vector.extract_strided_slice %convert_element_type3A_16 {offsets = [0, 5], sizes = [1024, 1], strides = [1, 1]} : vector<1024x16xf32> to vector<1024x1xf32>
    %gt3A_106 = arith.constant 5.000000e-01 : f32
    %gt3A_107 = vector.broadcast %gt3A_106 : f32 to vector<1024x1xf32>
    %gt3A_108 = arith.cmpf ogt, %slice3A_105, %gt3A_107 : vector<1024x1xf32>
    %jit3A_109 = arith.constant -3.000000e+38 : f32
    %broadcast_in_dim3A_110 = vector.shape_cast %gt3A_108 : vector<1024x1xi1> to vector<1024x1xi1>
    %broadcast_in_dim3A_111 = vector.broadcast %broadcast_in_dim3A_110 : vector<1024x1xi1> to vector<1024x256xi1>
    %broadcast_in_dim3A_112 = vector.broadcast %jit3A_109 : f32 to vector<1024x256xf32>
    %select_n3A_113 = arith.select %broadcast_in_dim3A_111, %add3A_37, %broadcast_in_dim3A_112 : vector<1024x256xi1>, vector<1024x256xf32>
    %reduce_max3A_114 = arith.constant dense<0xFF800000> : vector<256xf32>
    %reduce_max3A_115 = vector.multi_reduction <maximumf>, %select_n3A_113, %reduce_max3A_114 [0] : vector<1024x256xf32> to vector<256xf32>
    %broadcast_in_dim3A_116 = vector.shape_cast %reduce_max3A_115 : vector<256xf32> to vector<1x256xf32>
    %slice3A_117 = vector.extract_strided_slice %convert_element_type3A_16 {offsets = [0, 6], sizes = [1024, 1], strides = [1, 1]} : vector<1024x16xf32> to vector<1024x1xf32>
    %gt3A_118 = arith.constant 5.000000e-01 : f32
    %gt3A_119 = vector.broadcast %gt3A_118 : f32 to vector<1024x1xf32>
    %gt3A_120 = arith.cmpf ogt, %slice3A_117, %gt3A_119 : vector<1024x1xf32>
    %jit3A_121 = arith.constant -3.000000e+38 : f32
    %broadcast_in_dim3A_122 = vector.shape_cast %gt3A_120 : vector<1024x1xi1> to vector<1024x1xi1>
    %broadcast_in_dim3A_123 = vector.broadcast %broadcast_in_dim3A_122 : vector<1024x1xi1> to vector<1024x256xi1>
    %broadcast_in_dim3A_124 = vector.broadcast %jit3A_121 : f32 to vector<1024x256xf32>
    %select_n3A_125 = arith.select %broadcast_in_dim3A_123, %add3A_37, %broadcast_in_dim3A_124 : vector<1024x256xi1>, vector<1024x256xf32>
    %reduce_max3A_126 = arith.constant dense<0xFF800000> : vector<256xf32>
    %reduce_max3A_127 = vector.multi_reduction <maximumf>, %select_n3A_125, %reduce_max3A_126 [0] : vector<1024x256xf32> to vector<256xf32>
    %broadcast_in_dim3A_128 = vector.shape_cast %reduce_max3A_127 : vector<256xf32> to vector<1x256xf32>
    %slice3A_129 = vector.extract_strided_slice %convert_element_type3A_16 {offsets = [0, 7], sizes = [1024, 1], strides = [1, 1]} : vector<1024x16xf32> to vector<1024x1xf32>
    %gt3A_130 = arith.constant 5.000000e-01 : f32
    %gt3A_131 = vector.broadcast %gt3A_130 : f32 to vector<1024x1xf32>
    %gt3A_132 = arith.cmpf ogt, %slice3A_129, %gt3A_131 : vector<1024x1xf32>
    %jit3A_133 = arith.constant -3.000000e+38 : f32
    %broadcast_in_dim3A_134 = vector.shape_cast %gt3A_132 : vector<1024x1xi1> to vector<1024x1xi1>
    %broadcast_in_dim3A_135 = vector.broadcast %broadcast_in_dim3A_134 : vector<1024x1xi1> to vector<1024x256xi1>
    %broadcast_in_dim3A_136 = vector.broadcast %jit3A_133 : f32 to vector<1024x256xf32>
    %select_n3A_137 = arith.select %broadcast_in_dim3A_135, %add3A_37, %broadcast_in_dim3A_136 : vector<1024x256xi1>, vector<1024x256xf32>
    %reduce_max3A_138 = arith.constant dense<0xFF800000> : vector<256xf32>
    %reduce_max3A_139 = vector.multi_reduction <maximumf>, %select_n3A_137, %reduce_max3A_138 [0] : vector<1024x256xf32> to vector<256xf32>
    %broadcast_in_dim3A_140 = vector.shape_cast %reduce_max3A_139 : vector<256xf32> to vector<1x256xf32>
    %slice3A_141 = vector.extract_strided_slice %convert_element_type3A_16 {offsets = [0, 8], sizes = [1024, 1], strides = [1, 1]} : vector<1024x16xf32> to vector<1024x1xf32>
    %gt3A_142 = arith.constant 5.000000e-01 : f32
    %gt3A_143 = vector.broadcast %gt3A_142 : f32 to vector<1024x1xf32>
    %gt3A_144 = arith.cmpf ogt, %slice3A_141, %gt3A_143 : vector<1024x1xf32>
    %jit3A_145 = arith.constant -3.000000e+38 : f32
    %broadcast_in_dim3A_146 = vector.shape_cast %gt3A_144 : vector<1024x1xi1> to vector<1024x1xi1>
    %broadcast_in_dim3A_147 = vector.broadcast %broadcast_in_dim3A_146 : vector<1024x1xi1> to vector<1024x256xi1>
    %broadcast_in_dim3A_148 = vector.broadcast %jit3A_145 : f32 to vector<1024x256xf32>
    %select_n3A_149 = arith.select %broadcast_in_dim3A_147, %add3A_37, %broadcast_in_dim3A_148 : vector<1024x256xi1>, vector<1024x256xf32>
    %reduce_max3A_150 = arith.constant dense<0xFF800000> : vector<256xf32>
    %reduce_max3A_151 = vector.multi_reduction <maximumf>, %select_n3A_149, %reduce_max3A_150 [0] : vector<1024x256xf32> to vector<256xf32>
    %broadcast_in_dim3A_152 = vector.shape_cast %reduce_max3A_151 : vector<256xf32> to vector<1x256xf32>
    %slice3A_153 = vector.extract_strided_slice %convert_element_type3A_16 {offsets = [0, 9], sizes = [1024, 1], strides = [1, 1]} : vector<1024x16xf32> to vector<1024x1xf32>
    %gt3A_154 = arith.constant 5.000000e-01 : f32
    %gt3A_155 = vector.broadcast %gt3A_154 : f32 to vector<1024x1xf32>
    %gt3A_156 = arith.cmpf ogt, %slice3A_153, %gt3A_155 : vector<1024x1xf32>
    %jit3A_157 = arith.constant -3.000000e+38 : f32
    %broadcast_in_dim3A_158 = vector.shape_cast %gt3A_156 : vector<1024x1xi1> to vector<1024x1xi1>
    %broadcast_in_dim3A_159 = vector.broadcast %broadcast_in_dim3A_158 : vector<1024x1xi1> to vector<1024x256xi1>
    %broadcast_in_dim3A_160 = vector.broadcast %jit3A_157 : f32 to vector<1024x256xf32>
    %select_n3A_161 = arith.select %broadcast_in_dim3A_159, %add3A_37, %broadcast_in_dim3A_160 : vector<1024x256xi1>, vector<1024x256xf32>
    %reduce_max3A_162 = arith.constant dense<0xFF800000> : vector<256xf32>
    %reduce_max3A_163 = vector.multi_reduction <maximumf>, %select_n3A_161, %reduce_max3A_162 [0] : vector<1024x256xf32> to vector<256xf32>
    %broadcast_in_dim3A_164 = vector.shape_cast %reduce_max3A_163 : vector<256xf32> to vector<1x256xf32>
    %slice3A_165 = vector.extract_strided_slice %convert_element_type3A_16 {offsets = [0, 10], sizes = [1024, 1], strides = [1, 1]} : vector<1024x16xf32> to vector<1024x1xf32>
    %gt3A_166 = arith.constant 5.000000e-01 : f32
    %gt3A_167 = vector.broadcast %gt3A_166 : f32 to vector<1024x1xf32>
    %gt3A_168 = arith.cmpf ogt, %slice3A_165, %gt3A_167 : vector<1024x1xf32>
    %jit3A_169 = arith.constant -3.000000e+38 : f32
    %broadcast_in_dim3A_170 = vector.shape_cast %gt3A_168 : vector<1024x1xi1> to vector<1024x1xi1>
    %broadcast_in_dim3A_171 = vector.broadcast %broadcast_in_dim3A_170 : vector<1024x1xi1> to vector<1024x256xi1>
    %broadcast_in_dim3A_172 = vector.broadcast %jit3A_169 : f32 to vector<1024x256xf32>
    %select_n3A_173 = arith.select %broadcast_in_dim3A_171, %add3A_37, %broadcast_in_dim3A_172 : vector<1024x256xi1>, vector<1024x256xf32>
    %reduce_max3A_174 = arith.constant dense<0xFF800000> : vector<256xf32>
    %reduce_max3A_175 = vector.multi_reduction <maximumf>, %select_n3A_173, %reduce_max3A_174 [0] : vector<1024x256xf32> to vector<256xf32>
    %broadcast_in_dim3A_176 = vector.shape_cast %reduce_max3A_175 : vector<256xf32> to vector<1x256xf32>
    %slice3A_177 = vector.extract_strided_slice %convert_element_type3A_16 {offsets = [0, 11], sizes = [1024, 1], strides = [1, 1]} : vector<1024x16xf32> to vector<1024x1xf32>
    %gt3A_178 = arith.constant 5.000000e-01 : f32
    %gt3A_179 = vector.broadcast %gt3A_178 : f32 to vector<1024x1xf32>
    %gt3A_180 = arith.cmpf ogt, %slice3A_177, %gt3A_179 : vector<1024x1xf32>
    %jit3A_181 = arith.constant -3.000000e+38 : f32
    %broadcast_in_dim3A_182 = vector.shape_cast %gt3A_180 : vector<1024x1xi1> to vector<1024x1xi1>
    %broadcast_in_dim3A_183 = vector.broadcast %broadcast_in_dim3A_182 : vector<1024x1xi1> to vector<1024x256xi1>
    %broadcast_in_dim3A_184 = vector.broadcast %jit3A_181 : f32 to vector<1024x256xf32>
    %select_n3A_185 = arith.select %broadcast_in_dim3A_183, %add3A_37, %broadcast_in_dim3A_184 : vector<1024x256xi1>, vector<1024x256xf32>
    %reduce_max3A_186 = arith.constant dense<0xFF800000> : vector<256xf32>
    %reduce_max3A_187 = vector.multi_reduction <maximumf>, %select_n3A_185, %reduce_max3A_186 [0] : vector<1024x256xf32> to vector<256xf32>
    %broadcast_in_dim3A_188 = vector.shape_cast %reduce_max3A_187 : vector<256xf32> to vector<1x256xf32>
    %slice3A_189 = vector.extract_strided_slice %convert_element_type3A_16 {offsets = [0, 12], sizes = [1024, 1], strides = [1, 1]} : vector<1024x16xf32> to vector<1024x1xf32>
    %gt3A_190 = arith.constant 5.000000e-01 : f32
    %gt3A_191 = vector.broadcast %gt3A_190 : f32 to vector<1024x1xf32>
    %gt3A_192 = arith.cmpf ogt, %slice3A_189, %gt3A_191 : vector<1024x1xf32>
    %jit3A_193 = arith.constant -3.000000e+38 : f32
    %broadcast_in_dim3A_194 = vector.shape_cast %gt3A_192 : vector<1024x1xi1> to vector<1024x1xi1>
    %broadcast_in_dim3A_195 = vector.broadcast %broadcast_in_dim3A_194 : vector<1024x1xi1> to vector<1024x256xi1>
    %broadcast_in_dim3A_196 = vector.broadcast %jit3A_193 : f32 to vector<1024x256xf32>
    %select_n3A_197 = arith.select %broadcast_in_dim3A_195, %add3A_37, %broadcast_in_dim3A_196 : vector<1024x256xi1>, vector<1024x256xf32>
    %reduce_max3A_198 = arith.constant dense<0xFF800000> : vector<256xf32>
    %reduce_max3A_199 = vector.multi_reduction <maximumf>, %select_n3A_197, %reduce_max3A_198 [0] : vector<1024x256xf32> to vector<256xf32>
    %broadcast_in_dim3A_200 = vector.shape_cast %reduce_max3A_199 : vector<256xf32> to vector<1x256xf32>
    %slice3A_201 = vector.extract_strided_slice %convert_element_type3A_16 {offsets = [0, 13], sizes = [1024, 1], strides = [1, 1]} : vector<1024x16xf32> to vector<1024x1xf32>
    %gt3A_202 = arith.constant 5.000000e-01 : f32
    %gt3A_203 = vector.broadcast %gt3A_202 : f32 to vector<1024x1xf32>
    %gt3A_204 = arith.cmpf ogt, %slice3A_201, %gt3A_203 : vector<1024x1xf32>
    %jit3A_205 = arith.constant -3.000000e+38 : f32
    %broadcast_in_dim3A_206 = vector.shape_cast %gt3A_204 : vector<1024x1xi1> to vector<1024x1xi1>
    %broadcast_in_dim3A_207 = vector.broadcast %broadcast_in_dim3A_206 : vector<1024x1xi1> to vector<1024x256xi1>
    %broadcast_in_dim3A_208 = vector.broadcast %jit3A_205 : f32 to vector<1024x256xf32>
    %select_n3A_209 = arith.select %broadcast_in_dim3A_207, %add3A_37, %broadcast_in_dim3A_208 : vector<1024x256xi1>, vector<1024x256xf32>
    %reduce_max3A_210 = arith.constant dense<0xFF800000> : vector<256xf32>
    %reduce_max3A_211 = vector.multi_reduction <maximumf>, %select_n3A_209, %reduce_max3A_210 [0] : vector<1024x256xf32> to vector<256xf32>
    %broadcast_in_dim3A_212 = vector.shape_cast %reduce_max3A_211 : vector<256xf32> to vector<1x256xf32>
    %slice3A_213 = vector.extract_strided_slice %convert_element_type3A_16 {offsets = [0, 14], sizes = [1024, 1], strides = [1, 1]} : vector<1024x16xf32> to vector<1024x1xf32>
    %gt3A_214 = arith.constant 5.000000e-01 : f32
    %gt3A_215 = vector.broadcast %gt3A_214 : f32 to vector<1024x1xf32>
    %gt3A_216 = arith.cmpf ogt, %slice3A_213, %gt3A_215 : vector<1024x1xf32>
    %jit3A_217 = arith.constant -3.000000e+38 : f32
    %broadcast_in_dim3A_218 = vector.shape_cast %gt3A_216 : vector<1024x1xi1> to vector<1024x1xi1>
    %broadcast_in_dim3A_219 = vector.broadcast %broadcast_in_dim3A_218 : vector<1024x1xi1> to vector<1024x256xi1>
    %broadcast_in_dim3A_220 = vector.broadcast %jit3A_217 : f32 to vector<1024x256xf32>
    %select_n3A_221 = arith.select %broadcast_in_dim3A_219, %add3A_37, %broadcast_in_dim3A_220 : vector<1024x256xi1>, vector<1024x256xf32>
    %reduce_max3A_222 = arith.constant dense<0xFF800000> : vector<256xf32>
    %reduce_max3A_223 = vector.multi_reduction <maximumf>, %select_n3A_221, %reduce_max3A_222 [0] : vector<1024x256xf32> to vector<256xf32>
    %broadcast_in_dim3A_224 = vector.shape_cast %reduce_max3A_223 : vector<256xf32> to vector<1x256xf32>
    %slice3A_225 = vector.extract_strided_slice %convert_element_type3A_16 {offsets = [0, 15], sizes = [1024, 1], strides = [1, 1]} : vector<1024x16xf32> to vector<1024x1xf32>
    %gt3A_226 = arith.constant 5.000000e-01 : f32
    %gt3A_227 = vector.broadcast %gt3A_226 : f32 to vector<1024x1xf32>
    %gt3A_228 = arith.cmpf ogt, %slice3A_225, %gt3A_227 : vector<1024x1xf32>
    %jit3A_229 = arith.constant -3.000000e+38 : f32
    %broadcast_in_dim3A_230 = vector.shape_cast %gt3A_228 : vector<1024x1xi1> to vector<1024x1xi1>
    %broadcast_in_dim3A_231 = vector.broadcast %broadcast_in_dim3A_230 : vector<1024x1xi1> to vector<1024x256xi1>
    %broadcast_in_dim3A_232 = vector.broadcast %jit3A_229 : f32 to vector<1024x256xf32>
    %select_n3A_233 = arith.select %broadcast_in_dim3A_231, %add3A_37, %broadcast_in_dim3A_232 : vector<1024x256xi1>, vector<1024x256xf32>
    %reduce_max3A_234 = arith.constant dense<0xFF800000> : vector<256xf32>
    %reduce_max3A_235 = vector.multi_reduction <maximumf>, %select_n3A_233, %reduce_max3A_234 [0] : vector<1024x256xf32> to vector<256xf32>
    %broadcast_in_dim3A_236 = vector.shape_cast %reduce_max3A_235 : vector<256xf32> to vector<1x256xf32>
    %get3A_237 = arith.constant 0 : index
    %get3A_238 = arith.constant 0 : index
    %get3A_239 = vector.load %arg9[%get3A_237, %get3A_238] : memref<16x256xf32, #tpu.memory_space<vmem>>, vector<16x256xf32>
    %concatenate3A = tpu.concatenate %broadcast_in_dim3A_56, %broadcast_in_dim3A_68, %broadcast_in_dim3A_80, %broadcast_in_dim3A_92, %broadcast_in_dim3A_104, %broadcast_in_dim3A_116, %broadcast_in_dim3A_128, %broadcast_in_dim3A_140, %broadcast_in_dim3A_152, %broadcast_in_dim3A_164, %broadcast_in_dim3A_176, %broadcast_in_dim3A_188, %broadcast_in_dim3A_200, %broadcast_in_dim3A_212, %broadcast_in_dim3A_224, %broadcast_in_dim3A_236 in 0 : vector<1x256xf32>, vector<1x256xf32>, vector<1x256xf32>, vector<1x256xf32>, vector<1x256xf32>, vector<1x256xf32>, vector<1x256xf32>, vector<1x256xf32>, vector<1x256xf32>, vector<1x256xf32>, vector<1x256xf32>, vector<1x256xf32>, vector<1x256xf32>, vector<1x256xf32>, vector<1x256xf32>, vector<1x256xf32> -> vector<16x256xf32>
    %max3A_240 = arith.maximumf %get3A_239, %concatenate3A : vector<16x256xf32>
    %swap3A_241 = arith.constant 0 : index
    %swap3A_242 = arith.constant 0 : index
    %swap3A_243 = vector.load %arg9[%swap3A_241, %swap3A_242] : memref<16x256xf32, #tpu.memory_space<vmem>>, vector<16x256xf32>
    tpu.vector_store %arg9[%swap3A_241, %swap3A_242], %max3A_240 {strides = array<i32>} : memref<16x256xf32, #tpu.memory_space<vmem>>, vector<16x256xf32>,
    return
  }
  func.func @transform_0(%arg0: i32) -> (i32, i32) {
    %c0_i32 = arith.constant 0 : i32
    %c0_i32_0 = arith.constant 0 : i32
    return %arg0, %c0_i32 : i32, i32
  }
  func.func @transform_1(%arg0: i32) -> (i32, i32) {
    %c0_i32 = arith.constant 0 : i32
    %c0_i32_0 = arith.constant 0 : i32
    %c0_i32_1 = arith.constant 0 : i32
    return %c0_i32, %c0_i32_0 : i32, i32
  }
  func.func @transform_2(%arg0: i32) -> (i32, i32) {
    %c0_i32 = arith.constant 0 : i32
    %c0_i32_0 = arith.constant 0 : i32
    %c0_i32_1 = arith.constant 0 : i32
    return %c0_i32, %c0_i32_0 : i32, i32
  }
  func.func @transform_3(%arg0: i32) -> (i32, i32) {
    %c0_i32 = arith.constant 0 : i32
    %c0_i32_0 = arith.constant 0 : i32
    %c0_i32_1 = arith.constant 0 : i32
    return %c0_i32, %c0_i32_0 : i32, i32
  }
  func.func @transform_4(%arg0: i32) -> (i32, i32) {
    %c0_i32 = arith.constant 0 : i32
    %c0_i32_0 = arith.constant 0 : i32
    %c0_i32_1 = arith.constant 0 : i32
    return %c0_i32, %c0_i32_0 : i32, i32
  }
  func.func @transform_5(%arg0: i32) -> (i32, i32) {
    %c0_i32 = arith.constant 0 : i32
    %c0_i32_0 = arith.constant 0 : i32
    return %arg0, %c0_i32 : i32, i32
  }
  func.func @transform_6(%arg0: i32) -> (i32, i32, i32) {
    %c0_i32 = arith.constant 0 : i32
    %c0_i32_0 = arith.constant 0 : i32
    %c0_i32_1 = arith.constant 0 : i32
    return %arg0, %c0_i32, %c0_i32_0 : i32, i32, i32
  }
  func.func @transform_7(%arg0: i32) -> (i32, i32) {
    %c0_i32 = arith.constant 0 : i32
    %c0_i32_0 = arith.constant 0 : i32
    %c0_i32_1 = arith.constant 0 : i32
    return %c0_i32, %c0_i32_0 : i32, i32
  }
  func.func @transform_8(%arg0: i32) -> (i32, i32) {
    %c0_i32 = arith.constant 0 : i32
    %c0_i32_0 = arith.constant 0 : i32
    %c0_i32_1 = arith.constant 0 : i32
    return %c0_i32, %c0_i32_0 : i32, i32
  }
}

module attributes {stable_mosaic.version = 14 : i64} {
  func.func @_out_body(%arg0: i32, %arg1: memref<16x256xf32, #tpu.memory_space<vmem>>, %arg2: memref<16x256xf32, #tpu.memory_space<vmem>>, %arg3: memref<16x128xf32, #tpu.memory_space<vmem>>, %arg4: memref<128x512xf32, #tpu.memory_space<vmem>>, %arg5: memref<1x128xf32, #tpu.memory_space<vmem>>, %arg6: memref<16x128xf32, #tpu.memory_space<vmem>>) attributes {dimension_semantics = [#tpu.dimension_semantics<arbitrary>], iteration_bounds = array<i64: 1>, scalar_prefetch = 0 : i64, scratch_operands = 0 : i64, tpu.core_type = #tpu.core_type<tc>, window_params = [{pipeline_mode = #tpu.pipeline_mode<synchronous>, transform_indices = @transform_0, window_bounds = array<i64: 16, 256>}, {pipeline_mode = #tpu.pipeline_mode<synchronous>, transform_indices = @transform_1, window_bounds = array<i64: 16, 256>}, {pipeline_mode = #tpu.pipeline_mode<synchronous>, transform_indices = @transform_2, window_bounds = array<i64: 16, 128>}, {pipeline_mode = #tpu.pipeline_mode<synchronous>, transform_indices = @transform_3, window_bounds = array<i64: 128, 512>}, {pipeline_mode = #tpu.pipeline_mode<synchronous>, transform_indices = @transform_4, window_bounds = array<i64: 1, 128>}, {pipeline_mode = #tpu.pipeline_mode<synchronous>, transform_indices = @transform_5, window_bounds = array<i64: 16, 128>}]} {
    %get3A = arith.constant 0 : index
    %get3A_0 = arith.constant 0 : index
    %get3A_1 = vector.load %arg3[%get3A, %get3A_0] : memref<16x128xf32, #tpu.memory_space<vmem>>, vector<16x1xf32>
    %max3A = arith.constant 1.000000e+00 : f32
    %max3A_2 = vector.broadcast %max3A : f32 to vector<16x1xf32>
    %max3A_3 = arith.maximumf %get3A_1, %max3A_2 : vector<16x1xf32>
    %get3A_4 = arith.constant 0 : index
    %get3A_5 = arith.constant 0 : index
    %get3A_6 = vector.load %arg1[%get3A_4, %get3A_5] : memref<16x256xf32, #tpu.memory_space<vmem>>, vector<16x256xf32>
    %div3A = vector.broadcast %max3A_3 : vector<16x1xf32> to vector<16x256xf32>
    %div3A_7 = arith.divf %get3A_6, %div3A : vector<16x256xf32>
    %get3A_8 = arith.constant 0 : index
    %get3A_9 = arith.constant 0 : index
    %get3A_10 = vector.load %arg2[%get3A_8, %get3A_9] : memref<16x256xf32, #tpu.memory_space<vmem>>, vector<16x256xf32>
    %le3A = arith.constant -9.99999968E+37 : f32
    %le3A_11 = vector.broadcast %le3A : f32 to vector<16x256xf32>
    %le3A_12 = arith.cmpf ole, %get3A_10, %le3A_11 : vector<16x256xf32>
    %jit3A = arith.constant 0.000000e+00 : f32
    %broadcast_in_dim3A = vector.broadcast %jit3A : f32 to vector<16x256xf32>
    %select_n3A = arith.select %le3A_12, %broadcast_in_dim3A, %get3A_10 : vector<16x256xi1>, vector<16x256xf32>
    %concatenate3A = tpu.concatenate %div3A_7, %select_n3A in 1 : vector<16x256xf32>, vector<16x256xf32> -> vector<16x512xf32>
    %get3A_13 = arith.constant 0 : index
    %get3A_14 = arith.constant 0 : index
    %get3A_15 = vector.load %arg4[%get3A_13, %get3A_14] : memref<128x512xf32, #tpu.memory_space<vmem>>, vector<128x512xf32>
    %dot_general3A = arith.constant dense<0.000000e+00> : vector<16x128xf32>
    %dot_general3A_16 = tpu.matmul %concatenate3A, %get3A_15, %dot_general3A {dimension_numbers = #tpu.dot_dimension_numbers<[1], [1], [0], [0], [0, 0, 1, 0], [], []>, transpose_lhs_hint = false} : vector<16x512xf32>, vector<128x512xf32>, vector<16x128xf32> -> vector<16x128xf32>
    %get3A_17 = arith.constant 0 : index
    %get3A_18 = arith.constant 0 : index
    %get3A_19 = vector.load %arg5[%get3A_17, %get3A_18] : memref<1x128xf32, #tpu.memory_space<vmem>>, vector<1x128xf32>
    %add3A = vector.broadcast %get3A_19 : vector<1x128xf32> to vector<16x128xf32>
    %add3A_20 = arith.addf %dot_general3A_16, %add3A : vector<16x128xf32>
    %swap3A = arith.constant 0 : index
    %swap3A_21 = arith.constant 0 : index
    %swap3A_22 = vector.load %arg6[%swap3A, %swap3A_21] : memref<16x128xf32, #tpu.memory_space<vmem>>, vector<16x128xf32>
    tpu.vector_store %arg6[%swap3A, %swap3A_21], %add3A_20 {strides = array<i32>} : memref<16x128xf32, #tpu.memory_space<vmem>>, vector<16x128xf32>,
    return
  }
  func.func @transform_0(%arg0: i32) -> (i32, i32) {
    %c0_i32 = arith.constant 0 : i32
    %c0_i32_0 = arith.constant 0 : i32
    %c0_i32_1 = arith.constant 0 : i32
    return %c0_i32, %c0_i32_0 : i32, i32
  }
  func.func @transform_1(%arg0: i32) -> (i32, i32) {
    %c0_i32 = arith.constant 0 : i32
    %c0_i32_0 = arith.constant 0 : i32
    %c0_i32_1 = arith.constant 0 : i32
    return %c0_i32, %c0_i32_0 : i32, i32
  }
  func.func @transform_2(%arg0: i32) -> (i32, i32) {
    %c0_i32 = arith.constant 0 : i32
    %c0_i32_0 = arith.constant 0 : i32
    %c0_i32_1 = arith.constant 0 : i32
    return %c0_i32, %c0_i32_0 : i32, i32
  }
  func.func @transform_3(%arg0: i32) -> (i32, i32) {
    %c0_i32 = arith.constant 0 : i32
    %c0_i32_0 = arith.constant 0 : i32
    %c0_i32_1 = arith.constant 0 : i32
    return %c0_i32, %c0_i32_0 : i32, i32
  }
  func.func @transform_4(%arg0: i32) -> (i32, i32) {
    %c0_i32 = arith.constant 0 : i32
    %c0_i32_0 = arith.constant 0 : i32
    %c0_i32_1 = arith.constant 0 : i32
    return %c0_i32, %c0_i32_0 : i32, i32
  }
  func.func @transform_5(%arg0: i32) -> (i32, i32) {
    %c0_i32 = arith.constant 0 : i32
    %c0_i32_0 = arith.constant 0 : i32
    %c0_i32_1 = arith.constant 0 : i32
    return %c0_i32, %c0_i32_0 : i32, i32
  }
}

</mosaic_0001>

<sc_bundles>
// kernel: kernel.13.cloned.1.call-start
scs
__scs_entry_jumppad:
0x0: {  	(pc) =	sbr.rel $0x88, $3  }
0x1: {  	(tag) =	ssettag $0x0;
	lr =	simm.s32 $0x1  }
0x2: {  	[smem:$0x3F95] =	sst lr;
	_ =	strace $0xD0000000  }
0x3: {  	_ = 	snop  }
0x4: {  	_ = 	snop  }
0x5: {  	_ = 	snop  }
0x6: {  	_ = 	snop  }
0x7: {  	_ = 	snop  }
__scs_overlays_trampoline_lowered:
0x8: {  	[smem:$0x3FA4] =	sst s0  }
0x9: {  	[smem:$0x3FA5] =	sst s1  }
0xa: {  	[smem:$0x3FA6] =	sst s2  }
0xb: {  	[smem:$0x3FA7] =	sst s3  }
0xc: {  	[smem:$0x3FA8] =	sst s4  }
0xd: {  	[smem:$0x3FA9] =	sst s5  }
0xe: {  	[smem:$0x3FAA] =	sst s6  }
0xf: {  	[smem:$0x3FAB] =	sst s7  }
0x10: {  	[smem:$0x3FAC] =	sst s8  }
0x11: {  	[smem:$0x3FAD] =	sst s9;
	s0 =	simm.s32 @!p0 $0x0  }
0x12: {  	s1 =	sld [smem:$0x3F93];
	s0 =	simm.s32 @p0 $0x1  }
0x13: {  	[smem:$0x3FAE] =	sst s0;
	s0 =	simm.s32 @!p1 $0x0  }
0x14: {  	s2 =	sld [smem:$0x3F92];
	s0 =	simm.s32 @p1 $0x1  }
0x15: {  	[smem:$0x3FAF] =	sst s0;
	s0 =	simm.s32 @!p2 $0x0  }
0x16: {  	s3 =	sld [smem:$0x3FDB];
	s0 =	simm.s32 @p2 $0x1  }
0x17: {  	s4 =	simm.s32 $0x1BF5;
	[smem:$0x3FB1] =	sst s0  }
0x18: {  	s0 =	sld [smem:$0x3F94];
	_ =	swait.ge [sflag:s4], $0x0  }
0x19: {  	s7 =	sld [smem:$0x3F95]  }
0x1a: {  	s8 =	sadd.s32 $0xFFFFE003, lr  }
0x1b: {  	s9 =	sadd.s32 $0xFFFFFEF7, lr;
	s5 =	simm.s32 $0xFFFFFFFF;
	p2 =	slt.u32 s8, $0xFFFFF086  }
0x1c: {  	p1 =	slt.u32 s9, $0xF7A;
	s5 =	simm.s32 @!p2 $0x0  }
0x1d: {  	s5 =	simm.s32 @p1 $0x1;
	p0 =	seq.s32 s7, s2  }
0x1e: {  	s7 =	smul.u32 @!p0 $0xF7A, s2;
	p2 =	seq.s32 @!p0 s5, $0x0  }
0x1f: {  	s9 =	smul.u32 $0xF7A, s1;
	s8 =	simm.s32 @!p0 $0x1BF5;
	p2 =	por !p2, p0  }
0x20: {  	[sflag:s8] =	ssyncset.s32 @!p0 $0xFFFFF086;
	s6 =	sadd.s32 @!p0 s3, s7;
	s7 =	simm.s32 @!p0 $0x108  }
0x21: {  	s3 =	sadd.s32 s3, s9;
	s6 =	sadd.s32 @!p0 $0x88, s6;
	s7 =	simm.s32 @p2 $0x1082  }
0x22: {  	[simem:s7], [sflag:s8] =	dma.local @!p0 [hbm:s6], $0xF7A  }
0x23: {  	s9 =	sor.u32 $0xD0000000, s2;
	s6 =	simm.s32 $0x108;
	_ =	swait.ge @!p0 [sflag:s8], $0x0  }
0x24: {  	s3 =	sadd.s32 $0x88, s3;
	s6 =	simm.s32 @!p1 $0x1082;
	[sflag:s4] =	ssyncset.s32 $0xFFFFF086  }
0x25: {  	[simem:s6], [sflag:s4] =	dma.local [hbm:s3], $0xF7A  }
0x26: {  	[smem:$0x3F95] =	sst s1;
	(tag) =	ssettag s2;
	_ =	strace s9  }
0x27: {  	s1 =	sld [smem:$0x3FA5]  }
0x28: {  	s2 =	sld [smem:$0x3FA6]  }
0x29: {  	s4 =	sld [smem:$0x3FA8]  }
0x2a: {  	p0 =	seq.s32 s5, $0x0;
	s5 =	sld [smem:$0x3FA9]  }
0x2b: {  	s6 =	sld [smem:$0x3FAA]  }
0x2c: {  	s7 =	sld [smem:$0x3FAB]  }
0x2d: {  	s3 =	simm.s32 $0x108;
	s8 =	sld [smem:$0x3FAC]  }
0x2e: {  	s3 =	simm.s32 @!p0 $0x1082;
	s9 =	sld [smem:$0x3FAD]  }
0x2f: {  	lr =	sadd.s32 s0, s3;
	s0 =	sld [smem:$0x3FA4]  }
0x30: {  	s3 =	sld [smem:$0x3FA7]  }
0x31: {  	[smem:$0x3FB0] =	sst s10  }
0x32: {  	s10 =	sld [smem:$0x3FAE];
	_ =	sdelay $0x3  }
0x33: {  	p0 =	seq.s32 s10, $0x1;
	s10 =	sld [smem:$0x3FB0];
	_ =	sdelay $0x3  }
0x34: {  	[smem:$0x3FB0] =	sst s10  }
0x35: {  	s10 =	sld [smem:$0x3FAF];
	_ =	sdelay $0x3  }
0x36: {  	p1 =	seq.s32 s10, $0x1;
	s10 =	sld [smem:$0x3FB0];
	_ =	sdelay $0x3  }
0x37: {  	[smem:$0x3FB0] =	sst s10  }
0x38: {  	s10 =	sld [smem:$0x3FB1]  }
0x39: {  	_ = 	snop;
	(pc) =	sbr.ind lr, $3  }
0x3a: {  	_ = 	snop  }
0x3b: {  	_ = 	snop  }
0x3c: {  	p2 =	seq.s32 s10, $0x1;
	s10 =	sld [smem:$0x3FB0]  }
0x3d: {  	_ =	shalt  }
0x3e: {  	_ =	shalt  }
0x3f: {  	_ =	shalt  }
0x40: {  	_ =	shalt  }
0x41: {  	_ =	shalt  }
0x42: {  	_ =	shalt  }
0x43: {  	_ =	shalt  }
0x44: {  	_ =	shalt  }
0x45: {  	_ =	shalt  }
0x46: {  	_ =	shalt  }
0x47: {  	_ =	shalt  }
0x48: {  	_ =	shalt  }
0x49: {  	_ =	shalt  }
0x4a: {  	_ =	shalt  }
0x4b: {  	_ =	shalt  }
0x4c: {  	_ =	shalt  }
0x4d: {  	_ =	shalt  }
0x4e: {  	_ =	shalt  }
0x4f: {  	_ =	shalt  }
0x50: {  	_ =	shalt  }
0x51: {  	_ =	shalt  }
0x52: {  	_ =	shalt  }
0x53: {  	_ =	shalt  }
0x54: {  	_ =	shalt  }
0x55: {  	_ =	shalt  }
0x56: {  	_ =	shalt  }
0x57: {  	_ =	shalt  }
0x58: {  	_ =	shalt  }
0x59: {  	_ =	shalt  }
0x5a: {  	_ =	shalt  }
0x5b: {  	_ =	shalt  }
0x5c: {  	_ =	shalt  }
0x5d: {  	_ =	shalt  }
0x5e: {  	_ =	shalt  }
0x5f: {  	_ =	shalt  }
0x60: {  	_ =	shalt  }
0x61: {  	_ =	shalt  }
0x62: {  	_ =	shalt  }
0x63: {  	_ =	shalt  }
0x64: {  	_ =	shalt  }
0x65: {  	_ =	shalt  }
0x66: {  	_ =	shalt  }
0x67: {  	_ =	shalt  }
0x68: {  	_ =	shalt  }
0x69: {  	_ =	shalt  }
0x6a: {  	_ =	shalt  }
0x6b: {  	_ =	shalt  }
0x6c: {  	_ =	shalt  }
0x6d: {  	_ =	shalt  }
0x6e: {  	_ =	shalt  }
0x6f: {  	_ =	shalt  }
0x70: {  	_ =	shalt  }
0x71: {  	_ =	shalt  }
0x72: {  	_ =	shalt  }
0x73: {  	_ =	shalt  }
0x74: {  	_ =	shalt  }
0x75: {  	_ =	shalt  }
0x76: {  	_ =	shalt  }
0x77: {  	_ =	shalt  }
0x78: {  	_ =	shalt  }
0x79: {  	_ =	shalt  }
0x7a: {  	_ =	shalt  }
0x7b: {  	_ =	shalt  }
0x7c: {  	_ =	shalt  }
0x7d: {  	_ =	shalt  }
0x7e: {  	_ =	shalt  }
0x7f: {  	_ =	shalt  }
0x80: {  	_ =	shalt  }
0x81: {  	_ =	shalt  }
0x82: {  	_ =	shalt  }
0x83: {  	_ =	shalt  }
0x84: {  	_ =	shalt  }
0x85: {  	_ =	shalt  }
0x86: {  	_ =	shalt  }
0x87: {  	_ =	shalt  }
.Lfunc_end0:
.L_simem_size_0:
called_computation_lowered:
.L_overlay_start_0:
0x88: {  	s2 =	sld [smem:$0x3FD9]  }
0x89: {  	s3 =	sld [smem:$0x3FFE];
	_ =	sdelay $0x1  }
0x8a: {  	s1 =	srdreg.scid  }
0x8b: {  	s0 =	sand.u32 $0x1, s1  }
0x8c: {  	s16 =	sshll.u32 s0, $0xA;
	s2 =	sadd.s32 s3, s2  }
0x8d: {  	s2 =	sadd.s32 s2, s16  }
0x8e: {  	[smem:$0x3FBC] =	sst s2  }
0x8f: {  	_ = 	snop  }
0x90: {  	(tm) =	ssettm $0x1  }
0x91: {  	s17 =	sld [smem:$0x3FFB];
	_ =	sdelay $0x3  }
0x92: {  	_ =	strace s17  }
0x93: {  	s2 =	sld [smem:$0x3FFC];
	_ =	sdelay $0x3  }
0x94: {  	_ =	strace s2  }
0x95: {  	s2 =	sld [smem:$0x3FFD];
	_ =	sdelay $0x3  }
0x96: {  	_ =	strace s2  }
0x97: {  	_ =	strace $0x8FFFFFFF  }
0x98: {  	s18 =	sld [smem:$0x3FDB];
	_ =	sdelay $0x1  }
0x99: {  	s19 =	simm.s32 $_scs_section_size  }
0x9a: {  	s4 =	simm.s32 $_size__tile_overlayer_lowered;
	s5 =	simm.s32 $_tile_overlayer_lowered  }
0x9b: {  	s22 =	simm.s32 $0x1BFF;
	s21 =	sshll.u32 s5, $0x1;
	s2 =	sadd.s32 s19, s18  }
0x9c: {  	s6 =	simm.s32 $0x0;
	s20 =	sshll.u32 s4, $0x1;
	s4 =	sadd.s32 s21, s2  }
0x9d: {  	[timem:s6], [sflag:s22] =	dma.local [hbm:s4], s20  }
0x9e: {  	_ =	swait.ge [sflag:s22], s20  }
0x9f: {  	s3 =	ssub.s32 $0x0, s20;
	[sflag:s22] =	ssyncset.done $0x0  }
0xa0: {  	[sflag:s22] =	ssyncadd.s32 s3;
	_ =	sdelay $0x1  }
0xa1: {  	s23 =	simm.s32 $0x1B8B  }
0xa2: {  	_ =	swait.ge [sflag:s23], $0x1  }
0xa3: {  	[sflag:s23] =	ssyncset.done $0x0  }
0xa4: {  	s25 =	simm.s32 $0x1B8E;
	s24 =	sld [smem:$0x3FFE];
	[sflag:s23] =	ssyncadd.s32 $0xFFFFFFFF  }
0xa5: {  	s26 =	simm.s32 $execute0_lowered;
	[smem:$0x3FD2] =	sst s25  }
0xa6: {  	s4 =	sshll.u32 s26, $0x1;
	_ =	strace $0x80000046;
	[dreg:$0x1] =	wrdreg $0xFFFFFFFF  }
0xa7: {  	s28 =	simm.s32 $_size_execute0_lowered;
	s2 =	sadd.s32 s2, s4;
	[dreg:$0x0] =	wrdreg $0x0  }
0xa8: {  	s4 =	sshll.u32 s28, $0x1;
	[dreg:$0x2] =	wrdreg s2  }
0xa9: {  	[dreg:$0x3] =	wrdreg s4  }
0xaa: {  	[dreg:$0x4] =	wrdreg $0xC0  }
0xab: {  	_ =	task [dreg:s6], $0x5FFFF  }
0xac: {  	[dreg:$0x1] =	wrdreg $0xFFFFFFFF  }
0xad: {  	[dreg:$0x0] =	wrdreg $0x60  }
0xae: {  	[dreg:$0x2] =	wrdreg s24  }
0xaf: {  	[dreg:$0x3] =	wrdreg $0x68000  }
0xb0: {  	[dreg:$0x4] =	wrdreg $0x9  }
0xb1: {  	_ =	task.clear_ibuf [dreg:s6], $0x5FFFF;
	_ =	strace $0x90000046  }
0xb2: {  	s29 =	simm.s32 $0x9;
	_ =	strace $0x80000048  }
0xb3: {  	_ =	swait.ge [sflag:s29], $0x1  }
0xb4: {  	[sflag:s29] =	ssyncadd.s32 $0xFFFFFFFF  }
0xb5: {  	_ =	strace $0x90000048  }
0xb6: {  	_ =	sfence  }
0xb7: {  	s30 =	sld [smem:$0x0];
	_ =	sdelay $0x2  }
0xb8: {  	s31 =	sshll.u32 s1, $0xD;
	s1 =	sshrl.u32 s1, $0x2  }
0xb9: {  	s3 =	sand.u32 $0x4000, s31;
	s1 =	sadd.s32 s1, s30  }
0xba: {  	s0 =	sor.u32 s3, s0;
	s1 =	sshll.u32 s1, $0x11  }
0xbb: {  	s0 =	sor.u32 s1, s0  }
0xbc: {  	s0 =	sadd.s32 $0x8F2B, s0  }
0xbd: {  	[sflag:s0] =	ssyncadd.remote.s32 $0x1  }
0xbe: {  	_ =	sfence.sel $0xFFFF  }
0xbf: {  	[dreg:$0x0] =	wrdreg $0xFFFFFFFF;
	(pc) =	sbr.abs _section_cstart, $3  }
0xc0: {  	[dreg:$0x1] =	wrdreg $0xFFFFFFFF  }
0xc1: {  	_ =	task.clear_ibuf [dreg:s6], $0x2FFFF;
	_ =	strace $0x9FFFFFFF  }
0xc2: {  	(tm) =	ssettm $0x7FFFFFFF  }
0xc3: {  	_ =	shalt  }
tec
execute0_lowered:
.L_overlay_start_1:
0x0: {  	(tag) =	ssettag $0x1  }
0x1: {  	s7 =	rddreg [dreg:$0x0]  }
0x2: {  	s0 =	srdreg.scid;
	s2 =	rddreg [dreg:$0x1]  }
0x3: {  	s3 =	simm.s32 $0x0;
	s13 =	simm.s32 $0x80;
	s14 =	simm.s32 $0x0  }
0x4: {  	s6 =	sand.u32 $0x1, s0;
	s0 =	stileid.u32;
	[smem:$0x7FF] =	sst s3  }
0x5: {  	s1 =	sshll.u32 s6, $0x4;
	s10 =	smul.u32 $0x50000, s0;
	s6 =	ssub.s32 $0x2, s6  }
0x6: {  	s11 =	sshll.u32 s0, $0x6;
	s4 =	sor.u32 s0, s1;
	s1 =	rddreg [dreg:$0x2]  }
0x7: {  	_ =	strace $0x80000047;
	s31 =	sshrl.u32 s6, $0x1;
	s5 =	smul.u32 $0x500, s4  }
0x8: {  	s11 =	sor.u32 $0x1C01, s11;
	s8 =	smul.u32 $0x2800, s4;
	s10 =	sshrl.u32 s10, $0x2  }
0x9: {  	s4 =	sadd.s32 $0x11000, s7;
	s12 =	sadd.s32 s10, s2;
	s10 =	simm.s32 $0x2800  }
0xa: {  	s9 =	sadd.s32 s5, s7;
	s5 =	sadd.s32 $0xE800, s7;
	s7 =	sadd.s32 s8, s7  }
0xb: {  	s8 =	ssub.s32 s6, s31;
	s12 =	sshrl.u32 s12, $0x3;
	s6 =	sadd.s32 $0x4800, s9  }
0xc: {  	s7 =	sadd.s32 $0x11800, s7;
	s8 =	smax.u32 s8, $0x1;
	s9 =	simm.s32 $0x1  }
.LBB2_1:
0xd: {  	[tilespmem:s3], [sflag:$0x1] =	stream.linear.gather [hbm4b:s6+s3], $0x2800, $0x38;
	[tilespmem:$0x1A800] =	vst v63  }
0xe: {  	_ =	swait.ge [sflag:s9], $0x2800  }
0xf: {  	[sflag:s9] =	ssyncset.done $0x0  }
0x10: {  	[sflag:s9] =	ssyncadd.s32 $0xFFFFD800  }
0x11: {  	[tilespmem:s10], [sflag:$0x1] =	stream.linear.gather [hbm4b:s4+s3], $0x4000, $0x38;
	[tilespmem:$0x1A800] =	vst v63  }
0x12: {  	_ =	swait.ge [sflag:s9], $0x4000  }
0x13: {  	[sflag:s9] =	ssyncset.done $0x0  }
0x14: {  	[sflag:s9] =	ssyncadd.s32 $0xFFFFC000  }
0x15: {  	[spmem:s12], [sflag:s11] =	dma.local [hbm:s5], $0x2800  }
0x16: {  	_ =	swait.ge [sflag:s9], $0x2800  }
0x17: {  	[sflag:s9] =	ssyncset.done $0x0  }
0x18: {  	[sflag:s9] =	ssyncadd.s32 $0xFFFFD800  }
0x19: {  	s15 =	simm.s32 $0x0;
	[bflag:$0x0] =	sbarrier.arrive $0xFFFF  }
0x1a: {  	[spmem:s2] =	stream.indirect.scatter.add.f32 [tilespmem:s10], [sflag:$0x1], $0x80, s15, s13, $0xb8;
	[tilespmem:$0x1A800] =	vst v63  }
0x1b: {  	_ =	swait.ge [sflag:s9], $0x4000  }
0x1c: {  	s15 =	simm.s32 $0x200;
	[sflag:s9] =	ssyncset.done $0x0  }
.LBB2_2:
0x1d: {  	s16 =	sshra.s32 s15, $0x2;
	[sflag:s9] =	ssyncadd.s32 $0xFFFFC000;
	p0 =	sne.s32 s15, $0x9E00  }
0x1e: {  	[spmem:s2] =	stream.indirect.scatter.add.f32 [tilespmem:s10], [sflag:$0x1], $0x80, s16, s13, $0xb8;
	[tilespmem:$0x1A800] =	vst v63  }
.Ltmp0:
0x1f: {  	_ = 	snop;
	(pc) =	sbr.rel @p0 .LBB2_2-.Ltmp0, $4  }
0x20: {  	_ = 	snop  }
0x21: {  	s15 =	sadd.s32 $0x200, s15  }
0x22: {  	_ =	swait.ge [sflag:s9], $0x4000  }
0x23: {  	[sflag:s9] =	ssyncset.done $0x0  }
0x24: {  	s14 =	sadd.s32 $0x1, s14  }
0x25: {  	[sflag:s9] =	ssyncadd.s32 $0xFFFFC000;
	p0 =	sne.s32 s14, s8  }
.Ltmp1:
0x26: {  	[bflag:$0x0] =	sbarrier.arrive $0xFFFF;
	(pc) =	sbr.rel @p0 .LBB2_1-.Ltmp1, $4  }
0x27: {  	[hbm:s7], [sflag:s11] =	dma.local [spmem:s12], $0x2800  }
0x28: {  	_ =	swait.ge [sflag:s9], $0x2800  }
0x29: {  	[sflag:s9] =	ssyncset.done $0x0  }
0x2a: {  	[sflag:s9] =	ssyncadd.s32 $0xFFFFD800  }
0x2b: {  	_ =	sfence.sel $0x180000  }
0x2c: {  	[bflag:$0x0] =	sbarrier.arrive $0xFFFF  }
0x2d: {  	p0 =	sne.s32 s0, $0x0;
	_ =	strace $0x90000047  }
0x2e: {  	s0 =	sadd.s32 @!p0 $0x100000, s1;
	[bflag:$0x2] =	sbarrier.arrive $0xFFFF  }
0x2f: {  	[sflag:s0] =	ssyncadd.tile.s32 @!p0 $0x1;
	_ =	shalt  }
.Lfunc_end2:
_tile_overlayer_lowered:
.L_overlay_start_2:
0x30: {  	(tag) =	ssettag $0x2  }
0x31: {  	s0 =	rddreg [dreg:$0x0];
	s2 =	stileid.u32  }
0x32: {  	s1 =	rddreg [dreg:$0x1];
	p0 =	sne.s32 s2, $0x0  }
0x33: {  	s3 =	rddreg [dreg:$0x2];
	[bflag:$0x3] =	sbarrier.arrive $0xFFFF;
	s2 =	simm.s32 @!p0 $0x1C01  }
0x34: {  	[timem:s3], [sflag:s2] =	dma.local @!p0 [hbm:s0], s1  }
0x35: {  	s0 =	simm.s32 @!p0 $0x1  }
0x36: {  	_ =	swait.ge @!p0 [sflag:s0], s1  }
0x37: {  	s1 =	ssub.s32 @!p0 $0x0, s1;
	[sflag:s0] =	ssyncset.done @!p0 $0x0  }
0x38: {  	[sflag:s0] =	ssyncadd.s32 @!p0 s1  }
0x39: {  	[bflag:$0x3] =	sbarrier.arrive $0xFFFF  }
0x3a: {  	_ =	shalt  }

// kernel: kernel.16.cloned.1.call-start
scs
__scs_entry_jumppad:
0x0: {  	(pc) =	sbr.rel $0x88, $3  }
0x1: {  	(tag) =	ssettag $0x0;
	lr =	simm.s32 $0x1  }
0x2: {  	[smem:$0x3F95] =	sst lr;
	_ =	strace $0xD0000000  }
0x3: {  	_ = 	snop  }
0x4: {  	_ = 	snop  }
0x5: {  	_ = 	snop  }
0x6: {  	_ = 	snop  }
0x7: {  	_ = 	snop  }
__scs_overlays_trampoline_lowered:
0x8: {  	[smem:$0x3FA4] =	sst s0  }
0x9: {  	[smem:$0x3FA5] =	sst s1  }
0xa: {  	[smem:$0x3FA6] =	sst s2  }
0xb: {  	[smem:$0x3FA7] =	sst s3  }
0xc: {  	[smem:$0x3FA8] =	sst s4  }
0xd: {  	[smem:$0x3FA9] =	sst s5  }
0xe: {  	[smem:$0x3FAA] =	sst s6  }
0xf: {  	[smem:$0x3FAB] =	sst s7  }
0x10: {  	[smem:$0x3FAC] =	sst s8  }
0x11: {  	[smem:$0x3FAD] =	sst s9;
	s0 =	simm.s32 @!p0 $0x0  }
0x12: {  	s1 =	sld [smem:$0x3F93];
	s0 =	simm.s32 @p0 $0x1  }
0x13: {  	[smem:$0x3FAE] =	sst s0;
	s0 =	simm.s32 @!p1 $0x0  }
0x14: {  	s2 =	sld [smem:$0x3F92];
	s0 =	simm.s32 @p1 $0x1  }
0x15: {  	[smem:$0x3FAF] =	sst s0;
	s0 =	simm.s32 @!p2 $0x0  }
0x16: {  	s3 =	sld [smem:$0x3FDB];
	s0 =	simm.s32 @p2 $0x1  }
0x17: {  	s4 =	simm.s32 $0x1BF5;
	[smem:$0x3FB1] =	sst s0  }
0x18: {  	s0 =	sld [smem:$0x3F94];
	_ =	swait.ge [sflag:s4], $0x0  }
0x19: {  	s7 =	sld [smem:$0x3F95]  }
0x1a: {  	s8 =	sadd.s32 $0xFFFFE003, lr  }
0x1b: {  	s9 =	sadd.s32 $0xFFFFFEF7, lr;
	s5 =	simm.s32 $0xFFFFFFFF;
	p2 =	slt.u32 s8, $0xFFFFF086  }
0x1c: {  	p1 =	slt.u32 s9, $0xF7A;
	s5 =	simm.s32 @!p2 $0x0  }
0x1d: {  	s5 =	simm.s32 @p1 $0x1;
	p0 =	seq.s32 s7, s2  }
0x1e: {  	s7 =	smul.u32 @!p0 $0xF7A, s2;
	p2 =	seq.s32 @!p0 s5, $0x0  }
0x1f: {  	s9 =	smul.u32 $0xF7A, s1;
	s8 =	simm.s32 @!p0 $0x1BF5;
	p2 =	por !p2, p0  }
0x20: {  	[sflag:s8] =	ssyncset.s32 @!p0 $0xFFFFF086;
	s6 =	sadd.s32 @!p0 s3, s7;
	s7 =	simm.s32 @!p0 $0x108  }
0x21: {  	s3 =	sadd.s32 s3, s9;
	s6 =	sadd.s32 @!p0 $0x88, s6;
	s7 =	simm.s32 @p2 $0x1082  }
0x22: {  	[simem:s7], [sflag:s8] =	dma.local @!p0 [hbm:s6], $0xF7A  }
0x23: {  	s9 =	sor.u32 $0xD0000000, s2;
	s6 =	simm.s32 $0x108;
	_ =	swait.ge @!p0 [sflag:s8], $0x0  }
0x24: {  	s3 =	sadd.s32 $0x88, s3;
	s6 =	simm.s32 @!p1 $0x1082;
	[sflag:s4] =	ssyncset.s32 $0xFFFFF086  }
0x25: {  	[simem:s6], [sflag:s4] =	dma.local [hbm:s3], $0xF7A  }
0x26: {  	[smem:$0x3F95] =	sst s1;
	(tag) =	ssettag s2;
	_ =	strace s9  }
0x27: {  	s1 =	sld [smem:$0x3FA5]  }
0x28: {  	s2 =	sld [smem:$0x3FA6]  }
0x29: {  	s4 =	sld [smem:$0x3FA8]  }
0x2a: {  	p0 =	seq.s32 s5, $0x0;
	s5 =	sld [smem:$0x3FA9]  }
0x2b: {  	s6 =	sld [smem:$0x3FAA]  }
0x2c: {  	s7 =	sld [smem:$0x3FAB]  }
0x2d: {  	s3 =	simm.s32 $0x108;
	s8 =	sld [smem:$0x3FAC]  }
0x2e: {  	s3 =	simm.s32 @!p0 $0x1082;
	s9 =	sld [smem:$0x3FAD]  }
0x2f: {  	lr =	sadd.s32 s0, s3;
	s0 =	sld [smem:$0x3FA4]  }
0x30: {  	s3 =	sld [smem:$0x3FA7]  }
0x31: {  	[smem:$0x3FB0] =	sst s10  }
0x32: {  	s10 =	sld [smem:$0x3FAE];
	_ =	sdelay $0x3  }
0x33: {  	p0 =	seq.s32 s10, $0x1;
	s10 =	sld [smem:$0x3FB0];
	_ =	sdelay $0x3  }
0x34: {  	[smem:$0x3FB0] =	sst s10  }
0x35: {  	s10 =	sld [smem:$0x3FAF];
	_ =	sdelay $0x3  }
0x36: {  	p1 =	seq.s32 s10, $0x1;
	s10 =	sld [smem:$0x3FB0];
	_ =	sdelay $0x3  }
0x37: {  	[smem:$0x3FB0] =	sst s10  }
0x38: {  	s10 =	sld [smem:$0x3FB1]  }
0x39: {  	_ = 	snop;
	(pc) =	sbr.ind lr, $3  }
0x3a: {  	_ = 	snop  }
0x3b: {  	_ = 	snop  }
0x3c: {  	p2 =	seq.s32 s10, $0x1;
	s10 =	sld [smem:$0x3FB0]  }
0x3d: {  	_ =	shalt  }
0x3e: {  	_ =	shalt  }
0x3f: {  	_ =	shalt  }
0x40: {  	_ =	shalt  }
0x41: {  	_ =	shalt  }
0x42: {  	_ =	shalt  }
0x43: {  	_ =	shalt  }
0x44: {  	_ =	shalt  }
0x45: {  	_ =	shalt  }
0x46: {  	_ =	shalt  }
0x47: {  	_ =	shalt  }
0x48: {  	_ =	shalt  }
0x49: {  	_ =	shalt  }
0x4a: {  	_ =	shalt  }
0x4b: {  	_ =	shalt  }
0x4c: {  	_ =	shalt  }
0x4d: {  	_ =	shalt  }
0x4e: {  	_ =	shalt  }
0x4f: {  	_ =	shalt  }
0x50: {  	_ =	shalt  }
0x51: {  	_ =	shalt  }
0x52: {  	_ =	shalt  }
0x53: {  	_ =	shalt  }
0x54: {  	_ =	shalt  }
0x55: {  	_ =	shalt  }
0x56: {  	_ =	shalt  }
0x57: {  	_ =	shalt  }
0x58: {  	_ =	shalt  }
0x59: {  	_ =	shalt  }
0x5a: {  	_ =	shalt  }
0x5b: {  	_ =	shalt  }
0x5c: {  	_ =	shalt  }
0x5d: {  	_ =	shalt  }
0x5e: {  	_ =	shalt  }
0x5f: {  	_ =	shalt  }
0x60: {  	_ =	shalt  }
0x61: {  	_ =	shalt  }
0x62: {  	_ =	shalt  }
0x63: {  	_ =	shalt  }
0x64: {  	_ =	shalt  }
0x65: {  	_ =	shalt  }
0x66: {  	_ =	shalt  }
0x67: {  	_ =	shalt  }
0x68: {  	_ =	shalt  }
0x69: {  	_ =	shalt  }
0x6a: {  	_ =	shalt  }
0x6b: {  	_ =	shalt  }
0x6c: {  	_ =	shalt  }
0x6d: {  	_ =	shalt  }
0x6e: {  	_ =	shalt  }
0x6f: {  	_ =	shalt  }
0x70: {  	_ =	shalt  }
0x71: {  	_ =	shalt  }
0x72: {  	_ =	shalt  }
0x73: {  	_ =	shalt  }
0x74: {  	_ =	shalt  }
0x75: {  	_ =	shalt  }
0x76: {  	_ =	shalt  }
0x77: {  	_ =	shalt  }
0x78: {  	_ =	shalt  }
0x79: {  	_ =	shalt  }
0x7a: {  	_ =	shalt  }
0x7b: {  	_ =	shalt  }
0x7c: {  	_ =	shalt  }
0x7d: {  	_ =	shalt  }
0x7e: {  	_ =	shalt  }
0x7f: {  	_ =	shalt  }
0x80: {  	_ =	shalt  }
0x81: {  	_ =	shalt  }
0x82: {  	_ =	shalt  }
0x83: {  	_ =	shalt  }
0x84: {  	_ =	shalt  }
0x85: {  	_ =	shalt  }
0x86: {  	_ =	shalt  }
0x87: {  	_ =	shalt  }
.Lfunc_end0:
.L_simem_size_0:
called_computation.1_lowered:
.L_overlay_start_0:
0x88: {  	s2 =	sld [smem:$0x3FD9]  }
0x89: {  	s3 =	sld [smem:$0x3FFE];
	_ =	sdelay $0x1  }
0x8a: {  	s1 =	srdreg.scid  }
0x8b: {  	s0 =	sand.u32 $0x1, s1  }
0x8c: {  	s16 =	sshll.u32 s0, $0xA;
	s2 =	sadd.s32 s3, s2  }
0x8d: {  	s2 =	sadd.s32 s2, s16  }
0x8e: {  	[smem:$0x3FBC] =	sst s2  }
0x8f: {  	_ = 	snop  }
0x90: {  	(tm) =	ssettm $0x1  }
0x91: {  	s17 =	sld [smem:$0x3FFB];
	_ =	sdelay $0x3  }
0x92: {  	_ =	strace s17  }
0x93: {  	s2 =	sld [smem:$0x3FFC];
	_ =	sdelay $0x3  }
0x94: {  	_ =	strace s2  }
0x95: {  	s2 =	sld [smem:$0x3FFD];
	_ =	sdelay $0x3  }
0x96: {  	_ =	strace s2  }
0x97: {  	_ =	strace $0x8FFFFFFF  }
0x98: {  	s18 =	sld [smem:$0x3FDB];
	_ =	sdelay $0x1  }
0x99: {  	s19 =	simm.s32 $_scs_section_size  }
0x9a: {  	s4 =	simm.s32 $_size__tile_overlayer_lowered;
	s5 =	simm.s32 $_tile_overlayer_lowered  }
0x9b: {  	s22 =	simm.s32 $0x1BFF;
	s21 =	sshll.u32 s5, $0x1;
	s2 =	sadd.s32 s19, s18  }
0x9c: {  	s6 =	simm.s32 $0x0;
	s20 =	sshll.u32 s4, $0x1;
	s4 =	sadd.s32 s21, s2  }
0x9d: {  	[timem:s6], [sflag:s22] =	dma.local [hbm:s4], s20  }
0x9e: {  	_ =	swait.ge [sflag:s22], s20  }
0x9f: {  	s3 =	ssub.s32 $0x0, s20;
	[sflag:s22] =	ssyncset.done $0x0  }
0xa0: {  	[sflag:s22] =	ssyncadd.s32 s3;
	_ =	sdelay $0x1  }
0xa1: {  	s23 =	simm.s32 $0x1B8B  }
0xa2: {  	_ =	swait.ge [sflag:s23], $0x1  }
0xa3: {  	[sflag:s23] =	ssyncset.done $0x0  }
0xa4: {  	s25 =	simm.s32 $0x1B8E;
	s24 =	sld [smem:$0x3FFE];
	[sflag:s23] =	ssyncadd.s32 $0xFFFFFFFF  }
0xa5: {  	s26 =	simm.s32 $execute0_lowered;
	[smem:$0x3FD2] =	sst s25  }
0xa6: {  	s4 =	sshll.u32 s26, $0x1;
	_ =	strace $0x80000049;
	[dreg:$0x1] =	wrdreg $0xFFFFFFFF  }
0xa7: {  	s28 =	simm.s32 $_size_execute0_lowered;
	s2 =	sadd.s32 s2, s4;
	[dreg:$0x0] =	wrdreg $0x0  }
0xa8: {  	s4 =	sshll.u32 s28, $0x1;
	[dreg:$0x2] =	wrdreg s2  }
0xa9: {  	[dreg:$0x3] =	wrdreg s4  }
0xaa: {  	[dreg:$0x4] =	wrdreg $0xC0  }
0xab: {  	_ =	task [dreg:s6], $0x5FFFF  }
0xac: {  	[dreg:$0x1] =	wrdreg $0xFFFFFFFF  }
0xad: {  	[dreg:$0x0] =	wrdreg $0x60  }
0xae: {  	[dreg:$0x2] =	wrdreg s24  }
0xaf: {  	[dreg:$0x3] =	wrdreg $0xB0000  }
0xb0: {  	[dreg:$0x4] =	wrdreg $0x9  }
0xb1: {  	_ =	task.clear_ibuf [dreg:s6], $0x5FFFF;
	_ =	strace $0x90000049  }
0xb2: {  	s29 =	simm.s32 $0x9;
	_ =	strace $0x8000004B  }
0xb3: {  	_ =	swait.ge [sflag:s29], $0x1  }
0xb4: {  	[sflag:s29] =	ssyncadd.s32 $0xFFFFFFFF  }
0xb5: {  	_ =	strace $0x9000004B  }
0xb6: {  	_ =	sfence  }
0xb7: {  	s30 =	sld [smem:$0x0];
	_ =	sdelay $0x2  }
0xb8: {  	s31 =	sshll.u32 s1, $0xD;
	s1 =	sshrl.u32 s1, $0x2  }
0xb9: {  	s3 =	sand.u32 $0x4000, s31;
	s1 =	sadd.s32 s1, s30  }
0xba: {  	s0 =	sor.u32 s3, s0;
	s1 =	sshll.u32 s1, $0x11  }
0xbb: {  	s0 =	sor.u32 s1, s0  }
0xbc: {  	s0 =	sadd.s32 $0x8F2B, s0  }
0xbd: {  	[sflag:s0] =	ssyncadd.remote.s32 $0x1  }
0xbe: {  	_ =	sfence.sel $0xFFFF  }
0xbf: {  	[dreg:$0x0] =	wrdreg $0xFFFFFFFF;
	(pc) =	sbr.abs _section_cstart, $3  }
0xc0: {  	[dreg:$0x1] =	wrdreg $0xFFFFFFFF  }
0xc1: {  	_ =	task.clear_ibuf [dreg:s6], $0x2FFFF;
	_ =	strace $0x9FFFFFFF  }
0xc2: {  	(tm) =	ssettm $0x7FFFFFFF  }
0xc3: {  	_ =	shalt  }
tec
execute0_lowered:
.L_overlay_start_1:
0x0: {  	(tag) =	ssettag $0x1  }
0x1: {  	s6 =	rddreg [dreg:$0x0]  }
0x2: {  	s1 =	rddreg [dreg:$0x1]  }
0x3: {  	s2 =	srdreg.scid;
	s0 =	rddreg [dreg:$0x2]  }
0x4: {  	s3 =	simm.s32 $0x0;
	s18 =	simm.s32 $0x3;
	s19 =	simm.s32 $0x1800  }
0x5: {  	s20 =	simm.s32 $0x80;
	s21 =	simm.s32 $0x3000;
	s22 =	simm.s32 $0x7000  }
0x6: {  	s23 =	simm.s32 $0x1;
	s24 =	simm.s32 $0x2;
	s7 =	sand.u32 $0x1, s2  }
0x7: {  	s2 =	stileid.u32;
	[smem:$0x7FF] =	sst s3;
	s11 =	sadd.s32 $0x6D800, s6  }
0x8: {  	s12 =	sadd.s32 $0x61800, s6;
	s5 =	sadd.s32 $0xE800, s6;
	s10 =	smul.u32 $0x50000, s2  }
0x9: {  	s4 =	sshll.u32 s7, $0x4;
	_ =	strace $0x8000004A;
	s26 =	smul.u32 $0xC00, s2  }
0xa: {  	s7 =	ssub.s32 $0x2, s7;
	s14 =	smul.u32 $0x6000, s2;
	s8 =	sor.u32 s2, s4  }
0xb: {  	s30 =	sshll.u32 s2, $0x6;
	s25 =	sshrl.u32 s7, $0x1;
	s9 =	smul.u32 $0x2800, s8  }
0xc: {  	s4 =	sadd.s32 $0x11000, s6;
	s13 =	smul.u32 $0xC00, s8;
	s16 =	ssub.s32 s7, s25  }
0xd: {  	s28 =	sshrl.u32 s10, $0x2;
	s29 =	smul.u32 $0x6000, s8;
	s8 =	sadd.s32 s12, s26  }
0xe: {  	s14 =	sshrl.u32 s14, $0x3;
	s25 =	simm.s32 $0x0;
	s17 =	sadd.s32 s28, s1  }
0xf: {  	s10 =	sadd.s32 $0x300, s8;
	s14 =	sadd.s32 s12, s14;
	s16 =	smax.u32 s16, $0x1  }
0x10: {  	s15 =	sadd.s32 s9, s6;
	s6 =	sor.u32 $0x1C03, s30;
	s7 =	sadd.s32 s11, s13  }
0x11: {  	s31 =	sshrl.u32 s29, $0x3;
	s12 =	sadd.s32 $0x600, s14;
	s14 =	sadd.s32 $0x900, s14  }
0x12: {  	s17 =	sshrl.u32 s17, $0x3;
	s9 =	sadd.s32 $0x300, s7;
	s13 =	sadd.s32 s11, s31  }
0x13: {  	s15 =	sadd.s32 $0xD5800, s15;
	s11 =	sadd.s32 $0x600, s13;
	s13 =	sadd.s32 $0x900, s13  }
.LBB2_1:
0x14: {  	[spmem:s17], [sflag:s6] =	dma.local [hbm:s5], $0x2800  }
0x15: {  	_ =	swait.ge [sflag:s18], $0x2800  }
0x16: {  	[sflag:s18] =	ssyncset.done $0x0  }
0x17: {  	[sflag:s18] =	ssyncadd.s32 $0xFFFFD800  }
0x18: {  	[bflag:$0x0] =	sbarrier.arrive $0xFFFF  }
0x19: {  	[tilespmem:s3], [sflag:$0x3] =	stream.linear.gather [hbm4b:s7+s3], $0x1500, $0x38;
	[tilespmem:$0x1F000] =	vst v63  }
0x1a: {  	_ =	swait.ge [sflag:s18], $0x1500  }
0x1b: {  	[sflag:s18] =	ssyncset.done $0x0  }
0x1c: {  	[sflag:s18] =	ssyncadd.s32 $0xFFFFEB00  }
0x1d: {  	[tilespmem:s19], [sflag:$0x3] =	stream.linear.gather [hbm4b:s8+s3], $0x1500, $0x38;
	[tilespmem:$0x1F000] =	vst v63  }
0x1e: {  	_ =	swait.ge [sflag:s18], $0x1500  }
0x1f: {  	[sflag:s18] =	ssyncset.done $0x0  }
0x20: {  	[sflag:s18] =	ssyncadd.s32 $0xFFFFEB00  }
0x21: {  	[tilespmem:s21], [sflag:$0x1] =	stream.indirect.gather [hbm4b:s4+s20], $0x80, s3, s20, $0xb8;
	[tilespmem:$0x1F000] =	vst v63  }
0x22: {  	_ = 	snop  }
0x23: {  	[tilespmem:s22], [sflag:$0x2] =	stream.indirect.gather [hbm4b:s4+s20], $0x80, s20, s20, $0xb8;
	[tilespmem:$0x1F000] =	vst v63  }
0x24: {  	_ =	swait.ge [sflag:s23], $0x4000  }
0x25: {  	[sflag:s23] =	ssyncset.done $0x0  }
0x26: {  	s26 =	simm.s32 $0x1800;
	[sflag:s23] =	ssyncadd.s32 $0xFFFFC000  }
0x27: {  	[spmem:s1] =	stream.indirect.scatter.add.f32 [tilespmem:s21], [sflag:$0x3], $0x80, s26, s20, $0xb8;
	[tilespmem:$0x1F000] =	vst v63  }
0x28: {  	_ =	swait.ge [sflag:s18], $0x4000  }
0x29: {  	[sflag:s18] =	ssyncset.done $0x0  }
0x2a: {  	s30 =	simm.s32 $0x100;
	[sflag:s18] =	ssyncadd.s32 $0xFFFFC000  }
0x2b: {  	[tilespmem:s21], [sflag:$0x1] =	stream.indirect.gather [hbm4b:s4+s20], $0x80, s30, s20, $0xb8;
	[tilespmem:$0x1F000] =	vst v63  }
0x2c: {  	_ =	swait.ge [sflag:s24], $0x4000  }
0x2d: {  	[sflag:s24] =	ssyncset.done $0x0  }
0x2e: {  	s31 =	simm.s32 $0x1880;
	[sflag:s24] =	ssyncadd.s32 $0xFFFFC000  }
0x2f: {  	[spmem:s1] =	stream.indirect.scatter.add.f32 [tilespmem:s22], [sflag:$0x3], $0x80, s31, s20, $0xb8;
	[tilespmem:$0x1F000] =	vst v63  }
0x30: {  	_ =	swait.ge [sflag:s18], $0x4000  }
0x31: {  	[sflag:s18] =	ssyncset.done $0x0  }
0x32: {  	s28 =	simm.s32 $0x180;
	s26 =	simm.s32 $0x400;
	[sflag:s18] =	ssyncadd.s32 $0xFFFFC000  }
.LBB2_2:
0x33: {  	[tilespmem:s22], [sflag:$0x2] =	stream.indirect.gather [hbm4b:s4+s20], $0x80, s28, s20, $0xb8;
	[tilespmem:$0x1F000] =	vst v63  }
0x34: {  	s28 =	smov.u32 s26  }
0x35: {  	p0 =	sne.s32 s26, $0x4C00;
	s26 =	sadd.s32 $0x400, s26;
	_ =	swait.ge [sflag:s23], $0x4000  }
0x36: {  	s28 =	sshra.s32 s28, $0x2;
	[sflag:s23] =	ssyncset.done $0x0  }
0x37: {  	s29 =	sadd.s32 $0x1800, s28;
	[sflag:s23] =	ssyncadd.s32 $0xFFFFC000  }
0x38: {  	[spmem:s1] =	stream.indirect.scatter.add.f32 [tilespmem:s21], [sflag:$0x3], $0x80, s29, s20, $0xb8;
	[tilespmem:$0x1F000] =	vst v63  }
0x39: {  	_ =	swait.ge [sflag:s18], $0x4000  }
0x3a: {  	[sflag:s18] =	ssyncset.done $0x0  }
0x3b: {  	s29 =	sadd.s32 $0x100, s28;
	[sflag:s18] =	ssyncadd.s32 $0xFFFFC000  }
0x3c: {  	[tilespmem:s21], [sflag:$0x1] =	stream.indirect.gather [hbm4b:s4+s20], $0x80, s29, s20, $0xb8;
	[tilespmem:$0x1F000] =	vst v63  }
0x3d: {  	_ =	swait.ge [sflag:s24], $0x4000  }
0x3e: {  	[sflag:s24] =	ssyncset.done $0x0  }
.Ltmp0:
0x3f: {  	s29 =	sadd.s32 $0x1880, s28;
	[sflag:s24] =	ssyncadd.s32 $0xFFFFC000;
	(pc) =	sbr.rel @p0 .LBB2_2-.Ltmp0, $4  }
0x40: {  	[spmem:s1] =	stream.indirect.scatter.add.f32 [tilespmem:s22], [sflag:$0x3], $0x80, s29, s20, $0xb8;
	[tilespmem:$0x1F000] =	vst v63  }
0x41: {  	_ =	swait.ge [sflag:s18], $0x4000  }
0x42: {  	[sflag:s18] =	ssyncset.done $0x0  }
0x43: {  	s28 =	sadd.s32 $0x180, s28;
	[sflag:s18] =	ssyncadd.s32 $0xFFFFC000  }
0x44: {  	[tilespmem:s22], [sflag:$0x2] =	stream.indirect.gather [hbm4b:s4+s20], $0x80, s28, s20, $0xb8;
	[tilespmem:$0x1F000] =	vst v63  }
0x45: {  	_ =	swait.ge [sflag:s23], $0x4000  }
0x46: {  	[sflag:s23] =	ssyncset.done $0x0  }
0x47: {  	[sflag:s23] =	ssyncadd.s32 $0xFFFFC000  }
0x48: {  	_ =	swait.ge [sflag:s24], $0x4000  }
0x49: {  	[sflag:s24] =	ssyncset.done $0x0  }
0x4a: {  	s26 =	simm.s32 $0x0;
	[sflag:s24] =	ssyncadd.s32 $0xFFFFC000  }
0x4b: {  	[tilespmem:s26], [sflag:$0x3] =	stream.linear.gather [hbm4b:s9+s26], $0x1500, $0x38;
	[tilespmem:$0x1F000] =	vst v63  }
0x4c: {  	_ =	swait.ge [sflag:s18], $0x1500  }
0x4d: {  	[sflag:s18] =	ssyncset.done $0x0  }
0x4e: {  	[sflag:s18] =	ssyncadd.s32 $0xFFFFEB00  }
0x4f: {  	[tilespmem:s19], [sflag:$0x3] =	stream.linear.gather [hbm4b:s10+s26], $0x1500, $0x38;
	[tilespmem:$0x1F000] =	vst v63  }
0x50: {  	_ =	swait.ge [sflag:s18], $0x1500  }
0x51: {  	[sflag:s18] =	ssyncset.done $0x0  }
0x52: {  	[sflag:s18] =	ssyncadd.s32 $0xFFFFEB00  }
0x53: {  	[tilespmem:s21], [sflag:$0x1] =	stream.indirect.gather [hbm4b:s4+s20], $0x80, s26, s20, $0xb8;
	[tilespmem:$0x1F000] =	vst v63  }
0x54: {  	_ = 	snop  }
0x55: {  	[tilespmem:s22], [sflag:$0x2] =	stream.indirect.gather [hbm4b:s4+s20], $0x80, s20, s20, $0xb8;
	[tilespmem:$0x1F000] =	vst v63  }
0x56: {  	_ =	swait.ge [sflag:s23], $0x4000  }
0x57: {  	[sflag:s23] =	ssyncset.done $0x0  }
0x58: {  	s29 =	simm.s32 $0x1800;
	[sflag:s23] =	ssyncadd.s32 $0xFFFFC000  }
0x59: {  	[spmem:s1] =	stream.indirect.scatter.add.f32 [tilespmem:s21], [sflag:$0x3], $0x80, s29, s20, $0xb8;
	[tilespmem:$0x1F000] =	vst v63  }
0x5a: {  	_ =	swait.ge [sflag:s18], $0x4000  }
0x5b: {  	[sflag:s18] =	ssyncset.done $0x0  }
0x5c: {  	s30 =	simm.s32 $0x100;
	[sflag:s18] =	ssyncadd.s32 $0xFFFFC000  }
0x5d: {  	[tilespmem:s21], [sflag:$0x1] =	stream.indirect.gather [hbm4b:s4+s20], $0x80, s30, s20, $0xb8;
	[tilespmem:$0x1F000] =	vst v63  }
0x5e: {  	_ =	swait.ge [sflag:s24], $0x4000  }
0x5f: {  	[sflag:s24] =	ssyncset.done $0x0  }
0x60: {  	s31 =	simm.s32 $0x1880;
	[sflag:s24] =	ssyncadd.s32 $0xFFFFC000  }
0x61: {  	[spmem:s1] =	stream.indirect.scatter.add.f32 [tilespmem:s22], [sflag:$0x3], $0x80, s31, s20, $0xb8;
	[tilespmem:$0x1F000] =	vst v63  }
0x62: {  	_ =	swait.ge [sflag:s18], $0x4000  }
0x63: {  	[sflag:s18] =	ssyncset.done $0x0  }
0x64: {  	s28 =	simm.s32 $0x180;
	s26 =	simm.s32 $0x400;
	[sflag:s18] =	ssyncadd.s32 $0xFFFFC000  }
.LBB2_4:
0x65: {  	[tilespmem:s22], [sflag:$0x2] =	stream.indirect.gather [hbm4b:s4+s20], $0x80, s28, s20, $0xb8;
	[tilespmem:$0x1F000] =	vst v63  }
0x66: {  	s28 =	smov.u32 s26  }
0x67: {  	p0 =	sne.s32 s26, $0x4C00;
	s26 =	sadd.s32 $0x400, s26;
	_ =	swait.ge [sflag:s23], $0x4000  }
0x68: {  	s28 =	sshra.s32 s28, $0x2;
	[sflag:s23] =	ssyncset.done $0x0  }
0x69: {  	s29 =	sadd.s32 $0x1800, s28;
	[sflag:s23] =	ssyncadd.s32 $0xFFFFC000  }
0x6a: {  	[spmem:s1] =	stream.indirect.scatter.add.f32 [tilespmem:s21], [sflag:$0x3], $0x80, s29, s20, $0xb8;
	[tilespmem:$0x1F000] =	vst v63  }
0x6b: {  	_ =	swait.ge [sflag:s18], $0x4000  }
0x6c: {  	[sflag:s18] =	ssyncset.done $0x0  }
0x6d: {  	s29 =	sadd.s32 $0x100, s28;
	[sflag:s18] =	ssyncadd.s32 $0xFFFFC000  }
0x6e: {  	[tilespmem:s21], [sflag:$0x1] =	stream.indirect.gather [hbm4b:s4+s20], $0x80, s29, s20, $0xb8;
	[tilespmem:$0x1F000] =	vst v63  }
0x6f: {  	_ =	swait.ge [sflag:s24], $0x4000  }
0x70: {  	[sflag:s24] =	ssyncset.done $0x0  }
.Ltmp1:
0x71: {  	s29 =	sadd.s32 $0x1880, s28;
	[sflag:s24] =	ssyncadd.s32 $0xFFFFC000;
	(pc) =	sbr.rel @p0 .LBB2_4-.Ltmp1, $4  }
0x72: {  	[spmem:s1] =	stream.indirect.scatter.add.f32 [tilespmem:s22], [sflag:$0x3], $0x80, s29, s20, $0xb8;
	[tilespmem:$0x1F000] =	vst v63  }
0x73: {  	_ =	swait.ge [sflag:s18], $0x4000  }
0x74: {  	[sflag:s18] =	ssyncset.done $0x0  }
0x75: {  	s28 =	sadd.s32 $0x180, s28;
	[sflag:s18] =	ssyncadd.s32 $0xFFFFC000  }
0x76: {  	[tilespmem:s22], [sflag:$0x2] =	stream.indirect.gather [hbm4b:s4+s20], $0x80, s28, s20, $0xb8;
	[tilespmem:$0x1F000] =	vst v63  }
0x77: {  	_ =	swait.ge [sflag:s23], $0x4000  }
0x78: {  	[sflag:s23] =	ssyncset.done $0x0  }
0x79: {  	[sflag:s23] =	ssyncadd.s32 $0xFFFFC000  }
0x7a: {  	_ =	swait.ge [sflag:s24], $0x4000  }
0x7b: {  	[sflag:s24] =	ssyncset.done $0x0  }
0x7c: {  	s26 =	simm.s32 $0x0;
	[sflag:s24] =	ssyncadd.s32 $0xFFFFC000  }
0x7d: {  	[tilespmem:s26], [sflag:$0x3] =	stream.linear.gather [hbm4b:s11+s26], $0x1500, $0x38;
	[tilespmem:$0x1F000] =	vst v63  }
0x7e: {  	_ =	swait.ge [sflag:s18], $0x1500  }
0x7f: {  	[sflag:s18] =	ssyncset.done $0x0  }
0x80: {  	[sflag:s18] =	ssyncadd.s32 $0xFFFFEB00  }
0x81: {  	[tilespmem:s19], [sflag:$0x3] =	stream.linear.gather [hbm4b:s12+s26], $0x1500, $0x38;
	[tilespmem:$0x1F000] =	vst v63  }
0x82: {  	_ =	swait.ge [sflag:s18], $0x1500  }
0x83: {  	[sflag:s18] =	ssyncset.done $0x0  }
0x84: {  	[sflag:s18] =	ssyncadd.s32 $0xFFFFEB00  }
0x85: {  	[tilespmem:s21], [sflag:$0x1] =	stream.indirect.gather [hbm4b:s4+s20], $0x80, s26, s20, $0xb8;
	[tilespmem:$0x1F000] =	vst v63  }
0x86: {  	_ = 	snop  }
0x87: {  	[tilespmem:s22], [sflag:$0x2] =	stream.indirect.gather [hbm4b:s4+s20], $0x80, s20, s20, $0xb8;
	[tilespmem:$0x1F000] =	vst v63  }
0x88: {  	_ =	swait.ge [sflag:s23], $0x4000  }
0x89: {  	[sflag:s23] =	ssyncset.done $0x0  }
0x8a: {  	s29 =	simm.s32 $0x1800;
	[sflag:s23] =	ssyncadd.s32 $0xFFFFC000  }
0x8b: {  	[spmem:s1] =	stream.indirect.scatter.add.f32 [tilespmem:s21], [sflag:$0x3], $0x80, s29, s20, $0xb8;
	[tilespmem:$0x1F000] =	vst v63  }
0x8c: {  	_ =	swait.ge [sflag:s18], $0x4000  }
0x8d: {  	[sflag:s18] =	ssyncset.done $0x0  }
0x8e: {  	s30 =	simm.s32 $0x100;
	[sflag:s18] =	ssyncadd.s32 $0xFFFFC000  }
0x8f: {  	[tilespmem:s21], [sflag:$0x1] =	stream.indirect.gather [hbm4b:s4+s20], $0x80, s30, s20, $0xb8;
	[tilespmem:$0x1F000] =	vst v63  }
0x90: {  	_ =	swait.ge [sflag:s24], $0x4000  }
0x91: {  	[sflag:s24] =	ssyncset.done $0x0  }
0x92: {  	s31 =	simm.s32 $0x1880;
	[sflag:s24] =	ssyncadd.s32 $0xFFFFC000  }
0x93: {  	[spmem:s1] =	stream.indirect.scatter.add.f32 [tilespmem:s22], [sflag:$0x3], $0x80, s31, s20, $0xb8;
	[tilespmem:$0x1F000] =	vst v63  }
0x94: {  	_ =	swait.ge [sflag:s18], $0x4000  }
0x95: {  	[sflag:s18] =	ssyncset.done $0x0  }
0x96: {  	s28 =	simm.s32 $0x180;
	s26 =	simm.s32 $0x400;
	[sflag:s18] =	ssyncadd.s32 $0xFFFFC000  }
.LBB2_6:
0x97: {  	[tilespmem:s22], [sflag:$0x2] =	stream.indirect.gather [hbm4b:s4+s20], $0x80, s28, s20, $0xb8;
	[tilespmem:$0x1F000] =	vst v63  }
0x98: {  	s28 =	smov.u32 s26  }
0x99: {  	p0 =	sne.s32 s26, $0x4C00;
	s26 =	sadd.s32 $0x400, s26;
	_ =	swait.ge [sflag:s23], $0x4000  }
0x9a: {  	s28 =	sshra.s32 s28, $0x2;
	[sflag:s23] =	ssyncset.done $0x0  }
0x9b: {  	s29 =	sadd.s32 $0x1800, s28;
	[sflag:s23] =	ssyncadd.s32 $0xFFFFC000  }
0x9c: {  	[spmem:s1] =	stream.indirect.scatter.add.f32 [tilespmem:s21], [sflag:$0x3], $0x80, s29, s20, $0xb8;
	[tilespmem:$0x1F000] =	vst v63  }
0x9d: {  	_ =	swait.ge [sflag:s18], $0x4000  }
0x9e: {  	[sflag:s18] =	ssyncset.done $0x0  }
0x9f: {  	s29 =	sadd.s32 $0x100, s28;
	[sflag:s18] =	ssyncadd.s32 $0xFFFFC000  }
0xa0: {  	[tilespmem:s21], [sflag:$0x1] =	stream.indirect.gather [hbm4b:s4+s20], $0x80, s29, s20, $0xb8;
	[tilespmem:$0x1F000] =	vst v63  }
0xa1: {  	_ =	swait.ge [sflag:s24], $0x4000  }
0xa2: {  	[sflag:s24] =	ssyncset.done $0x0  }
.Ltmp2:
0xa3: {  	s29 =	sadd.s32 $0x1880, s28;
	[sflag:s24] =	ssyncadd.s32 $0xFFFFC000;
	(pc) =	sbr.rel @p0 .LBB2_6-.Ltmp2, $4  }
0xa4: {  	[spmem:s1] =	stream.indirect.scatter.add.f32 [tilespmem:s22], [sflag:$0x3], $0x80, s29, s20, $0xb8;
	[tilespmem:$0x1F000] =	vst v63  }
0xa5: {  	_ =	swait.ge [sflag:s18], $0x4000  }
0xa6: {  	[sflag:s18] =	ssyncset.done $0x0  }
0xa7: {  	s28 =	sadd.s32 $0x180, s28;
	[sflag:s18] =	ssyncadd.s32 $0xFFFFC000  }
0xa8: {  	[tilespmem:s22], [sflag:$0x2] =	stream.indirect.gather [hbm4b:s4+s20], $0x80, s28, s20, $0xb8;
	[tilespmem:$0x1F000] =	vst v63  }
0xa9: {  	_ =	swait.ge [sflag:s23], $0x4000  }
0xaa: {  	[sflag:s23] =	ssyncset.done $0x0  }
0xab: {  	[sflag:s23] =	ssyncadd.s32 $0xFFFFC000  }
0xac: {  	_ =	swait.ge [sflag:s24], $0x4000  }
0xad: {  	[sflag:s24] =	ssyncset.done $0x0  }
0xae: {  	s26 =	simm.s32 $0x0;
	[sflag:s24] =	ssyncadd.s32 $0xFFFFC000  }
0xaf: {  	[tilespmem:s26], [sflag:$0x3] =	stream.linear.gather [hbm4b:s13+s26], $0x1500, $0x38;
	[tilespmem:$0x1F000] =	vst v63  }
0xb0: {  	_ =	swait.ge [sflag:s18], $0x1500  }
0xb1: {  	[sflag:s18] =	ssyncset.done $0x0  }
0xb2: {  	[sflag:s18] =	ssyncadd.s32 $0xFFFFEB00  }
0xb3: {  	[tilespmem:s19], [sflag:$0x3] =	stream.linear.gather [hbm4b:s14+s26], $0x1500, $0x38;
	[tilespmem:$0x1F000] =	vst v63  }
0xb4: {  	_ =	swait.ge [sflag:s18], $0x1500  }
0xb5: {  	[sflag:s18] =	ssyncset.done $0x0  }
0xb6: {  	[sflag:s18] =	ssyncadd.s32 $0xFFFFEB00  }
0xb7: {  	[tilespmem:s21], [sflag:$0x1] =	stream.indirect.gather [hbm4b:s4+s20], $0x80, s26, s20, $0xb8;
	[tilespmem:$0x1F000] =	vst v63  }
0xb8: {  	_ = 	snop  }
0xb9: {  	[tilespmem:s22], [sflag:$0x2] =	stream.indirect.gather [hbm4b:s4+s20], $0x80, s20, s20, $0xb8;
	[tilespmem:$0x1F000] =	vst v63  }
0xba: {  	_ =	swait.ge [sflag:s23], $0x4000  }
0xbb: {  	[sflag:s23] =	ssyncset.done $0x0  }
0xbc: {  	s29 =	simm.s32 $0x1800;
	[sflag:s23] =	ssyncadd.s32 $0xFFFFC000  }
0xbd: {  	[spmem:s1] =	stream.indirect.scatter.add.f32 [tilespmem:s21], [sflag:$0x3], $0x80, s29, s20, $0xb8;
	[tilespmem:$0x1F000] =	vst v63  }
0xbe: {  	_ =	swait.ge [sflag:s18], $0x4000  }
0xbf: {  	[sflag:s18] =	ssyncset.done $0x0  }
0xc0: {  	s30 =	simm.s32 $0x100;
	[sflag:s18] =	ssyncadd.s32 $0xFFFFC000  }
0xc1: {  	[tilespmem:s21], [sflag:$0x1] =	stream.indirect.gather [hbm4b:s4+s20], $0x80, s30, s20, $0xb8;
	[tilespmem:$0x1F000] =	vst v63  }
0xc2: {  	_ =	swait.ge [sflag:s24], $0x4000  }
0xc3: {  	[sflag:s24] =	ssyncset.done $0x0  }
0xc4: {  	s31 =	simm.s32 $0x1880;
	[sflag:s24] =	ssyncadd.s32 $0xFFFFC000  }
0xc5: {  	[spmem:s1] =	stream.indirect.scatter.add.f32 [tilespmem:s22], [sflag:$0x3], $0x80, s31, s20, $0xb8;
	[tilespmem:$0x1F000] =	vst v63  }
0xc6: {  	_ =	swait.ge [sflag:s18], $0x4000  }
0xc7: {  	[sflag:s18] =	ssyncset.done $0x0  }
0xc8: {  	s28 =	simm.s32 $0x180;
	s26 =	simm.s32 $0x400;
	[sflag:s18] =	ssyncadd.s32 $0xFFFFC000  }
.LBB2_8:
0xc9: {  	[tilespmem:s22], [sflag:$0x2] =	stream.indirect.gather [hbm4b:s4+s20], $0x80, s28, s20, $0xb8;
	[tilespmem:$0x1F000] =	vst v63  }
0xca: {  	s28 =	smov.u32 s26  }
0xcb: {  	p0 =	sne.s32 s26, $0x4C00;
	s26 =	sadd.s32 $0x400, s26;
	_ =	swait.ge [sflag:s23], $0x4000  }
0xcc: {  	s28 =	sshra.s32 s28, $0x2;
	[sflag:s23] =	ssyncset.done $0x0  }
0xcd: {  	s29 =	sadd.s32 $0x1800, s28;
	[sflag:s23] =	ssyncadd.s32 $0xFFFFC000  }
0xce: {  	[spmem:s1] =	stream.indirect.scatter.add.f32 [tilespmem:s21], [sflag:$0x3], $0x80, s29, s20, $0xb8;
	[tilespmem:$0x1F000] =	vst v63  }
0xcf: {  	_ =	swait.ge [sflag:s18], $0x4000  }
0xd0: {  	[sflag:s18] =	ssyncset.done $0x0  }
0xd1: {  	s29 =	sadd.s32 $0x100, s28;
	[sflag:s18] =	ssyncadd.s32 $0xFFFFC000  }
0xd2: {  	[tilespmem:s21], [sflag:$0x1] =	stream.indirect.gather [hbm4b:s4+s20], $0x80, s29, s20, $0xb8;
	[tilespmem:$0x1F000] =	vst v63  }
0xd3: {  	_ =	swait.ge [sflag:s24], $0x4000  }
0xd4: {  	[sflag:s24] =	ssyncset.done $0x0  }
.Ltmp3:
0xd5: {  	s29 =	sadd.s32 $0x1880, s28;
	[sflag:s24] =	ssyncadd.s32 $0xFFFFC000;
	(pc) =	sbr.rel @p0 .LBB2_8-.Ltmp3, $4  }
0xd6: {  	[spmem:s1] =	stream.indirect.scatter.add.f32 [tilespmem:s22], [sflag:$0x3], $0x80, s29, s20, $0xb8;
	[tilespmem:$0x1F000] =	vst v63  }
0xd7: {  	_ =	swait.ge [sflag:s18], $0x4000  }
0xd8: {  	[sflag:s18] =	ssyncset.done $0x0  }
0xd9: {  	s28 =	sadd.s32 $0x180, s28;
	[sflag:s18] =	ssyncadd.s32 $0xFFFFC000  }
0xda: {  	[tilespmem:s22], [sflag:$0x2] =	stream.indirect.gather [hbm4b:s4+s20], $0x80, s28, s20, $0xb8;
	[tilespmem:$0x1F000] =	vst v63  }
0xdb: {  	_ =	swait.ge [sflag:s23], $0x4000  }
0xdc: {  	[sflag:s23] =	ssyncset.done $0x0  }
0xdd: {  	[sflag:s23] =	ssyncadd.s32 $0xFFFFC000  }
0xde: {  	_ =	swait.ge [sflag:s24], $0x4000  }
0xdf: {  	s25 =	sadd.s32 $0x1, s25;
	[sflag:s24] =	ssyncset.done $0x0  }
0xe0: {  	p0 =	sne.s32 s25, s16;
	[sflag:s24] =	ssyncadd.s32 $0xFFFFC000  }
.Ltmp4:
0xe1: {  	[bflag:$0x0] =	sbarrier.arrive $0xFFFF;
	(pc) =	sbr.rel @p0 .LBB2_1-.Ltmp4, $4  }
0xe2: {  	[hbm:s15], [sflag:s6] =	dma.local [spmem:s17], $0x2800  }
0xe3: {  	_ =	swait.ge [sflag:s18], $0x2800  }
0xe4: {  	[sflag:s18] =	ssyncset.done $0x0  }
0xe5: {  	[sflag:s18] =	ssyncadd.s32 $0xFFFFD800  }
0xe6: {  	_ =	sfence.sel $0x180000  }
0xe7: {  	[bflag:$0x0] =	sbarrier.arrive $0xFFFF  }
0xe8: {  	p0 =	sne.s32 s2, $0x0;
	_ =	strace $0x9000004A  }
0xe9: {  	s0 =	sadd.s32 @!p0 $0x100000, s0;
	[bflag:$0x2] =	sbarrier.arrive $0xFFFF  }
0xea: {  	[sflag:s0] =	ssyncadd.tile.s32 @!p0 $0x1;
	_ =	shalt  }
.Lfunc_end2:
_tile_overlayer_lowered:
.L_overlay_start_2:
0xeb: {  	(tag) =	ssettag $0x2  }
0xec: {  	s0 =	rddreg [dreg:$0x0];
	s2 =	stileid.u32  }
0xed: {  	s1 =	rddreg [dreg:$0x1];
	p0 =	sne.s32 s2, $0x0  }
0xee: {  	s3 =	rddreg [dreg:$0x2];
	[bflag:$0x3] =	sbarrier.arrive $0xFFFF;
	s2 =	simm.s32 @!p0 $0x1C03  }
0xef: {  	[timem:s3], [sflag:s2] =	dma.local @!p0 [hbm:s0], s1  }
0xf0: {  	s0 =	simm.s32 @!p0 $0x3  }
0xf1: {  	_ =	swait.ge @!p0 [sflag:s0], s1  }
0xf2: {  	s1 =	ssub.s32 @!p0 $0x0, s1;
	[sflag:s0] =	ssyncset.done @!p0 $0x0  }
0xf3: {  	[sflag:s0] =	ssyncadd.s32 @!p0 s1  }
0xf4: {  	[bflag:$0x3] =	sbarrier.arrive $0xFFFF  }
0xf5: {  	_ =	shalt  }

// kernel: kernel.19.cloned.1.call-start
scs
__scs_entry_jumppad:
0x0: {  	(pc) =	sbr.rel $0x88, $3  }
0x1: {  	(tag) =	ssettag $0x0;
	lr =	simm.s32 $0x1  }
0x2: {  	[smem:$0x3F95] =	sst lr;
	_ =	strace $0xD0000000  }
0x3: {  	_ = 	snop  }
0x4: {  	_ = 	snop  }
0x5: {  	_ = 	snop  }
0x6: {  	_ = 	snop  }
0x7: {  	_ = 	snop  }
__scs_overlays_trampoline_lowered:
0x8: {  	[smem:$0x3FA4] =	sst s0  }
0x9: {  	[smem:$0x3FA5] =	sst s1  }
0xa: {  	[smem:$0x3FA6] =	sst s2  }
0xb: {  	[smem:$0x3FA7] =	sst s3  }
0xc: {  	[smem:$0x3FA8] =	sst s4  }
0xd: {  	[smem:$0x3FA9] =	sst s5  }
0xe: {  	[smem:$0x3FAA] =	sst s6  }
0xf: {  	[smem:$0x3FAB] =	sst s7  }
0x10: {  	[smem:$0x3FAC] =	sst s8  }
0x11: {  	[smem:$0x3FAD] =	sst s9;
	s0 =	simm.s32 @!p0 $0x0  }
0x12: {  	s1 =	sld [smem:$0x3F93];
	s0 =	simm.s32 @p0 $0x1  }
0x13: {  	[smem:$0x3FAE] =	sst s0;
	s0 =	simm.s32 @!p1 $0x0  }
0x14: {  	s2 =	sld [smem:$0x3F92];
	s0 =	simm.s32 @p1 $0x1  }
0x15: {  	[smem:$0x3FAF] =	sst s0;
	s0 =	simm.s32 @!p2 $0x0  }
0x16: {  	s3 =	sld [smem:$0x3FDB];
	s0 =	simm.s32 @p2 $0x1  }
0x17: {  	s4 =	simm.s32 $0x1BF5;
	[smem:$0x3FB1] =	sst s0  }
0x18: {  	s0 =	sld [smem:$0x3F94];
	_ =	swait.ge [sflag:s4], $0x0  }
0x19: {  	s7 =	sld [smem:$0x3F95]  }
0x1a: {  	s8 =	sadd.s32 $0xFFFFE003, lr  }
0x1b: {  	s9 =	sadd.s32 $0xFFFFFEF7, lr;
	s5 =	simm.s32 $0xFFFFFFFF;
	p2 =	slt.u32 s8, $0xFFFFF086  }
0x1c: {  	p1 =	slt.u32 s9, $0xF7A;
	s5 =	simm.s32 @!p2 $0x0  }
0x1d: {  	s5 =	simm.s32 @p1 $0x1;
	p0 =	seq.s32 s7, s2  }
0x1e: {  	s7 =	smul.u32 @!p0 $0xF7A, s2;
	p2 =	seq.s32 @!p0 s5, $0x0  }
0x1f: {  	s9 =	smul.u32 $0xF7A, s1;
	s8 =	simm.s32 @!p0 $0x1BF5;
	p2 =	por !p2, p0  }
0x20: {  	[sflag:s8] =	ssyncset.s32 @!p0 $0xFFFFF086;
	s6 =	sadd.s32 @!p0 s3, s7;
	s7 =	simm.s32 @!p0 $0x108  }
0x21: {  	s3 =	sadd.s32 s3, s9;
	s6 =	sadd.s32 @!p0 $0x88, s6;
	s7 =	simm.s32 @p2 $0x1082  }
0x22: {  	[simem:s7], [sflag:s8] =	dma.local @!p0 [hbm:s6], $0xF7A  }
0x23: {  	s9 =	sor.u32 $0xD0000000, s2;
	s6 =	simm.s32 $0x108;
	_ =	swait.ge @!p0 [sflag:s8], $0x0  }
0x24: {  	s3 =	sadd.s32 $0x88, s3;
	s6 =	simm.s32 @!p1 $0x1082;
	[sflag:s4] =	ssyncset.s32 $0xFFFFF086  }
0x25: {  	[simem:s6], [sflag:s4] =	dma.local [hbm:s3], $0xF7A  }
0x26: {  	[smem:$0x3F95] =	sst s1;
	(tag) =	ssettag s2;
	_ =	strace s9  }
0x27: {  	s1 =	sld [smem:$0x3FA5]  }
0x28: {  	s2 =	sld [smem:$0x3FA6]  }
0x29: {  	s4 =	sld [smem:$0x3FA8]  }
0x2a: {  	p0 =	seq.s32 s5, $0x0;
	s5 =	sld [smem:$0x3FA9]  }
0x2b: {  	s6 =	sld [smem:$0x3FAA]  }
0x2c: {  	s7 =	sld [smem:$0x3FAB]  }
0x2d: {  	s3 =	simm.s32 $0x108;
	s8 =	sld [smem:$0x3FAC]  }
0x2e: {  	s3 =	simm.s32 @!p0 $0x1082;
	s9 =	sld [smem:$0x3FAD]  }
0x2f: {  	lr =	sadd.s32 s0, s3;
	s0 =	sld [smem:$0x3FA4]  }
0x30: {  	s3 =	sld [smem:$0x3FA7]  }
0x31: {  	[smem:$0x3FB0] =	sst s10  }
0x32: {  	s10 =	sld [smem:$0x3FAE];
	_ =	sdelay $0x3  }
0x33: {  	p0 =	seq.s32 s10, $0x1;
	s10 =	sld [smem:$0x3FB0];
	_ =	sdelay $0x3  }
0x34: {  	[smem:$0x3FB0] =	sst s10  }
0x35: {  	s10 =	sld [smem:$0x3FAF];
	_ =	sdelay $0x3  }
0x36: {  	p1 =	seq.s32 s10, $0x1;
	s10 =	sld [smem:$0x3FB0];
	_ =	sdelay $0x3  }
0x37: {  	[smem:$0x3FB0] =	sst s10  }
0x38: {  	s10 =	sld [smem:$0x3FB1]  }
0x39: {  	_ = 	snop;
	(pc) =	sbr.ind lr, $3  }
0x3a: {  	_ = 	snop  }
0x3b: {  	_ = 	snop  }
0x3c: {  	p2 =	seq.s32 s10, $0x1;
	s10 =	sld [smem:$0x3FB0]  }
0x3d: {  	_ =	shalt  }
0x3e: {  	_ =	shalt  }
0x3f: {  	_ =	shalt  }
0x40: {  	_ =	shalt  }
0x41: {  	_ =	shalt  }
0x42: {  	_ =	shalt  }
0x43: {  	_ =	shalt  }
0x44: {  	_ =	shalt  }
0x45: {  	_ =	shalt  }
0x46: {  	_ =	shalt  }
0x47: {  	_ =	shalt  }
0x48: {  	_ =	shalt  }
0x49: {  	_ =	shalt  }
0x4a: {  	_ =	shalt  }
0x4b: {  	_ =	shalt  }
0x4c: {  	_ =	shalt  }
0x4d: {  	_ =	shalt  }
0x4e: {  	_ =	shalt  }
0x4f: {  	_ =	shalt  }
0x50: {  	_ =	shalt  }
0x51: {  	_ =	shalt  }
0x52: {  	_ =	shalt  }
0x53: {  	_ =	shalt  }
0x54: {  	_ =	shalt  }
0x55: {  	_ =	shalt  }
0x56: {  	_ =	shalt  }
0x57: {  	_ =	shalt  }
0x58: {  	_ =	shalt  }
0x59: {  	_ =	shalt  }
0x5a: {  	_ =	shalt  }
0x5b: {  	_ =	shalt  }
0x5c: {  	_ =	shalt  }
0x5d: {  	_ =	shalt  }
0x5e: {  	_ =	shalt  }
0x5f: {  	_ =	shalt  }
0x60: {  	_ =	shalt  }
0x61: {  	_ =	shalt  }
0x62: {  	_ =	shalt  }
0x63: {  	_ =	shalt  }
0x64: {  	_ =	shalt  }
0x65: {  	_ =	shalt  }
0x66: {  	_ =	shalt  }
0x67: {  	_ =	shalt  }
0x68: {  	_ =	shalt  }
0x69: {  	_ =	shalt  }
0x6a: {  	_ =	shalt  }
0x6b: {  	_ =	shalt  }
0x6c: {  	_ =	shalt  }
0x6d: {  	_ =	shalt  }
0x6e: {  	_ =	shalt  }
0x6f: {  	_ =	shalt  }
0x70: {  	_ =	shalt  }
0x71: {  	_ =	shalt  }
0x72: {  	_ =	shalt  }
0x73: {  	_ =	shalt  }
0x74: {  	_ =	shalt  }
0x75: {  	_ =	shalt  }
0x76: {  	_ =	shalt  }
0x77: {  	_ =	shalt  }
0x78: {  	_ =	shalt  }
0x79: {  	_ =	shalt  }
0x7a: {  	_ =	shalt  }
0x7b: {  	_ =	shalt  }
0x7c: {  	_ =	shalt  }
0x7d: {  	_ =	shalt  }
0x7e: {  	_ =	shalt  }
0x7f: {  	_ =	shalt  }
0x80: {  	_ =	shalt  }
0x81: {  	_ =	shalt  }
0x82: {  	_ =	shalt  }
0x83: {  	_ =	shalt  }
0x84: {  	_ =	shalt  }
0x85: {  	_ =	shalt  }
0x86: {  	_ =	shalt  }
0x87: {  	_ =	shalt  }
.Lfunc_end0:
.L_simem_size_0:
called_computation.2_lowered:
.L_overlay_start_0:
0x88: {  	s2 =	sld [smem:$0x3FD9]  }
0x89: {  	s3 =	sld [smem:$0x3FFE];
	_ =	sdelay $0x1  }
0x8a: {  	s1 =	srdreg.scid  }
0x8b: {  	s0 =	sand.u32 $0x1, s1  }
0x8c: {  	s16 =	sshll.u32 s0, $0xA;
	s2 =	sadd.s32 s3, s2  }
0x8d: {  	s2 =	sadd.s32 s2, s16  }
0x8e: {  	[smem:$0x3FBC] =	sst s2  }
0x8f: {  	_ = 	snop  }
0x90: {  	(tm) =	ssettm $0x1  }
0x91: {  	s17 =	sld [smem:$0x3FFB];
	_ =	sdelay $0x3  }
0x92: {  	_ =	strace s17  }
0x93: {  	s2 =	sld [smem:$0x3FFC];
	_ =	sdelay $0x3  }
0x94: {  	_ =	strace s2  }
0x95: {  	s2 =	sld [smem:$0x3FFD];
	_ =	sdelay $0x3  }
0x96: {  	_ =	strace s2  }
0x97: {  	_ =	strace $0x8FFFFFFF  }
0x98: {  	s18 =	sld [smem:$0x3FDB];
	_ =	sdelay $0x1  }
0x99: {  	s19 =	simm.s32 $_scs_section_size  }
0x9a: {  	s4 =	simm.s32 $_size__tile_overlayer_lowered;
	s5 =	simm.s32 $_tile_overlayer_lowered  }
0x9b: {  	s22 =	simm.s32 $0x1BFF;
	s21 =	sshll.u32 s5, $0x1;
	s2 =	sadd.s32 s19, s18  }
0x9c: {  	s6 =	simm.s32 $0x0;
	s20 =	sshll.u32 s4, $0x1;
	s4 =	sadd.s32 s21, s2  }
0x9d: {  	[timem:s6], [sflag:s22] =	dma.local [hbm:s4], s20  }
0x9e: {  	_ =	swait.ge [sflag:s22], s20  }
0x9f: {  	s3 =	ssub.s32 $0x0, s20;
	[sflag:s22] =	ssyncset.done $0x0  }
0xa0: {  	[sflag:s22] =	ssyncadd.s32 s3;
	_ =	sdelay $0x1  }
0xa1: {  	s23 =	simm.s32 $0x1B8B  }
0xa2: {  	_ =	swait.ge [sflag:s23], $0x1  }
0xa3: {  	[sflag:s23] =	ssyncset.done $0x0  }
0xa4: {  	s25 =	simm.s32 $0x1B8E;
	s24 =	sld [smem:$0x3FFE];
	[sflag:s23] =	ssyncadd.s32 $0xFFFFFFFF  }
0xa5: {  	s26 =	simm.s32 $execute0_lowered;
	[smem:$0x3FD2] =	sst s25  }
0xa6: {  	s4 =	sshll.u32 s26, $0x1;
	_ =	strace $0x8000004C;
	[dreg:$0x1] =	wrdreg $0xFFFFFFFF  }
0xa7: {  	s28 =	simm.s32 $_size_execute0_lowered;
	s2 =	sadd.s32 s2, s4;
	[dreg:$0x0] =	wrdreg $0x0  }
0xa8: {  	s4 =	sshll.u32 s28, $0x1;
	[dreg:$0x2] =	wrdreg s2  }
0xa9: {  	[dreg:$0x3] =	wrdreg s4  }
0xaa: {  	[dreg:$0x4] =	wrdreg $0xC0  }
0xab: {  	_ =	task [dreg:s6], $0x5FFFF  }
0xac: {  	[dreg:$0x1] =	wrdreg $0xFFFFFFFF  }
0xad: {  	[dreg:$0x0] =	wrdreg $0x60  }
0xae: {  	[dreg:$0x2] =	wrdreg s24  }
0xaf: {  	[dreg:$0x3] =	wrdreg $0xB0000  }
0xb0: {  	[dreg:$0x4] =	wrdreg $0x9  }
0xb1: {  	_ =	task.clear_ibuf [dreg:s6], $0x5FFFF;
	_ =	strace $0x9000004C  }
0xb2: {  	s29 =	simm.s32 $0x9;
	_ =	strace $0x8000004E  }
0xb3: {  	_ =	swait.ge [sflag:s29], $0x1  }
0xb4: {  	[sflag:s29] =	ssyncadd.s32 $0xFFFFFFFF  }
0xb5: {  	_ =	strace $0x9000004E  }
0xb6: {  	_ =	sfence  }
0xb7: {  	s30 =	sld [smem:$0x0];
	_ =	sdelay $0x2  }
0xb8: {  	s31 =	sshll.u32 s1, $0xD;
	s1 =	sshrl.u32 s1, $0x2  }
0xb9: {  	s3 =	sand.u32 $0x4000, s31;
	s1 =	sadd.s32 s1, s30  }
0xba: {  	s0 =	sor.u32 s3, s0;
	s1 =	sshll.u32 s1, $0x11  }
0xbb: {  	s0 =	sor.u32 s1, s0  }
0xbc: {  	s0 =	sadd.s32 $0x8F2B, s0  }
0xbd: {  	[sflag:s0] =	ssyncadd.remote.s32 $0x1  }
0xbe: {  	_ =	sfence.sel $0xFFFF  }
0xbf: {  	[dreg:$0x0] =	wrdreg $0xFFFFFFFF;
	(pc) =	sbr.abs _section_cstart, $3  }
0xc0: {  	[dreg:$0x1] =	wrdreg $0xFFFFFFFF  }
0xc1: {  	_ =	task.clear_ibuf [dreg:s6], $0x2FFFF;
	_ =	strace $0x9FFFFFFF  }
0xc2: {  	(tm) =	ssettm $0x7FFFFFFF  }
0xc3: {  	_ =	shalt  }
tec
execute0_lowered:
.L_overlay_start_1:
0x0: {  	(tag) =	ssettag $0x1  }
0x1: {  	s6 =	rddreg [dreg:$0x0]  }
0x2: {  	s1 =	rddreg [dreg:$0x1]  }
0x3: {  	s2 =	srdreg.scid;
	s0 =	rddreg [dreg:$0x2]  }
0x4: {  	s3 =	simm.s32 $0x0;
	s18 =	simm.s32 $0x3;
	s19 =	simm.s32 $0x1800  }
0x5: {  	s20 =	simm.s32 $0x80;
	s21 =	simm.s32 $0x3000;
	s22 =	simm.s32 $0x7000  }
0x6: {  	s23 =	simm.s32 $0x1;
	s24 =	simm.s32 $0x2;
	s7 =	sand.u32 $0x1, s2  }
0x7: {  	s2 =	stileid.u32;
	[smem:$0x7FF] =	sst s3;
	s11 =	sadd.s32 $0x6D800, s6  }
0x8: {  	s12 =	sadd.s32 $0x61800, s6;
	s5 =	sadd.s32 $0xE800, s6;
	s10 =	smul.u32 $0x50000, s2  }
0x9: {  	s4 =	sshll.u32 s7, $0x4;
	_ =	strace $0x8000004D;
	s26 =	smul.u32 $0xC00, s2  }
0xa: {  	s7 =	ssub.s32 $0x2, s7;
	s14 =	smul.u32 $0x6000, s2;
	s8 =	sor.u32 s2, s4  }
0xb: {  	s30 =	sshll.u32 s2, $0x6;
	s25 =	sshrl.u32 s7, $0x1;
	s9 =	smul.u32 $0x2800, s8  }
0xc: {  	s4 =	sadd.s32 $0xD5800, s6;
	s13 =	smul.u32 $0xC00, s8;
	s16 =	ssub.s32 s7, s25  }
0xd: {  	s28 =	sshrl.u32 s10, $0x2;
	s29 =	smul.u32 $0x6000, s8;
	s8 =	sadd.s32 s12, s26  }
0xe: {  	s14 =	sshrl.u32 s14, $0x3;
	s25 =	simm.s32 $0x0;
	s17 =	sadd.s32 s28, s1  }
0xf: {  	s10 =	sadd.s32 $0x300, s8;
	s14 =	sadd.s32 s12, s14;
	s16 =	smax.u32 s16, $0x1  }
0x10: {  	s15 =	sadd.s32 s9, s6;
	s6 =	sor.u32 $0x1C03, s30;
	s7 =	sadd.s32 s11, s13  }
0x11: {  	s31 =	sshrl.u32 s29, $0x3;
	s12 =	sadd.s32 $0x600, s14;
	s14 =	sadd.s32 $0x900, s14  }
0x12: {  	s17 =	sshrl.u32 s17, $0x3;
	s9 =	sadd.s32 $0x300, s7;
	s13 =	sadd.s32 s11, s31  }
0x13: {  	s15 =	sadd.s32 $0x11000, s15;
	s11 =	sadd.s32 $0x600, s13;
	s13 =	sadd.s32 $0x900, s13  }
.LBB2_1:
0x14: {  	[spmem:s17], [sflag:s6] =	dma.local [hbm:s5], $0x2800  }
0x15: {  	_ =	swait.ge [sflag:s18], $0x2800  }
0x16: {  	[sflag:s18] =	ssyncset.done $0x0  }
0x17: {  	[sflag:s18] =	ssyncadd.s32 $0xFFFFD800  }
0x18: {  	[bflag:$0x0] =	sbarrier.arrive $0xFFFF  }
0x19: {  	[tilespmem:s3], [sflag:$0x3] =	stream.linear.gather [hbm4b:s7+s3], $0x1500, $0x38;
	[tilespmem:$0x1F000] =	vst v63  }
0x1a: {  	_ =	swait.ge [sflag:s18], $0x1500  }
0x1b: {  	[sflag:s18] =	ssyncset.done $0x0  }
0x1c: {  	[sflag:s18] =	ssyncadd.s32 $0xFFFFEB00  }
0x1d: {  	[tilespmem:s19], [sflag:$0x3] =	stream.linear.gather [hbm4b:s8+s3], $0x1500, $0x38;
	[tilespmem:$0x1F000] =	vst v63  }
0x1e: {  	_ =	swait.ge [sflag:s18], $0x1500  }
0x1f: {  	[sflag:s18] =	ssyncset.done $0x0  }
0x20: {  	[sflag:s18] =	ssyncadd.s32 $0xFFFFEB00  }
0x21: {  	[tilespmem:s21], [sflag:$0x1] =	stream.indirect.gather [hbm4b:s4+s20], $0x80, s3, s20, $0xb8;
	[tilespmem:$0x1F000] =	vst v63  }
0x22: {  	_ = 	snop  }
0x23: {  	[tilespmem:s22], [sflag:$0x2] =	stream.indirect.gather [hbm4b:s4+s20], $0x80, s20, s20, $0xb8;
	[tilespmem:$0x1F000] =	vst v63  }
0x24: {  	_ =	swait.ge [sflag:s23], $0x4000  }
0x25: {  	[sflag:s23] =	ssyncset.done $0x0  }
0x26: {  	s26 =	simm.s32 $0x1800;
	[sflag:s23] =	ssyncadd.s32 $0xFFFFC000  }
0x27: {  	[spmem:s1] =	stream.indirect.scatter.add.f32 [tilespmem:s21], [sflag:$0x3], $0x80, s26, s20, $0xb8;
	[tilespmem:$0x1F000] =	vst v63  }
0x28: {  	_ =	swait.ge [sflag:s18], $0x4000  }
0x29: {  	[sflag:s18] =	ssyncset.done $0x0  }
0x2a: {  	s30 =	simm.s32 $0x100;
	[sflag:s18] =	ssyncadd.s32 $0xFFFFC000  }
0x2b: {  	[tilespmem:s21], [sflag:$0x1] =	stream.indirect.gather [hbm4b:s4+s20], $0x80, s30, s20, $0xb8;
	[tilespmem:$0x1F000] =	vst v63  }
0x2c: {  	_ =	swait.ge [sflag:s24], $0x4000  }
0x2d: {  	[sflag:s24] =	ssyncset.done $0x0  }
0x2e: {  	s31 =	simm.s32 $0x1880;
	[sflag:s24] =	ssyncadd.s32 $0xFFFFC000  }
0x2f: {  	[spmem:s1] =	stream.indirect.scatter.add.f32 [tilespmem:s22], [sflag:$0x3], $0x80, s31, s20, $0xb8;
	[tilespmem:$0x1F000] =	vst v63  }
0x30: {  	_ =	swait.ge [sflag:s18], $0x4000  }
0x31: {  	[sflag:s18] =	ssyncset.done $0x0  }
0x32: {  	s28 =	simm.s32 $0x180;
	s26 =	simm.s32 $0x400;
	[sflag:s18] =	ssyncadd.s32 $0xFFFFC000  }
.LBB2_2:
0x33: {  	[tilespmem:s22], [sflag:$0x2] =	stream.indirect.gather [hbm4b:s4+s20], $0x80, s28, s20, $0xb8;
	[tilespmem:$0x1F000] =	vst v63  }
0x34: {  	s28 =	smov.u32 s26  }
0x35: {  	p0 =	sne.s32 s26, $0x4C00;
	s26 =	sadd.s32 $0x400, s26;
	_ =	swait.ge [sflag:s23], $0x4000  }
0x36: {  	s28 =	sshra.s32 s28, $0x2;
	[sflag:s23] =	ssyncset.done $0x0  }
0x37: {  	s29 =	sadd.s32 $0x1800, s28;
	[sflag:s23] =	ssyncadd.s32 $0xFFFFC000  }
0x38: {  	[spmem:s1] =	stream.indirect.scatter.add.f32 [tilespmem:s21], [sflag:$0x3], $0x80, s29, s20, $0xb8;
	[tilespmem:$0x1F000] =	vst v63  }
0x39: {  	_ =	swait.ge [sflag:s18], $0x4000  }
0x3a: {  	[sflag:s18] =	ssyncset.done $0x0  }
0x3b: {  	s29 =	sadd.s32 $0x100, s28;
	[sflag:s18] =	ssyncadd.s32 $0xFFFFC000  }
0x3c: {  	[tilespmem:s21], [sflag:$0x1] =	stream.indirect.gather [hbm4b:s4+s20], $0x80, s29, s20, $0xb8;
	[tilespmem:$0x1F000] =	vst v63  }
0x3d: {  	_ =	swait.ge [sflag:s24], $0x4000  }
0x3e: {  	[sflag:s24] =	ssyncset.done $0x0  }
.Ltmp0:
0x3f: {  	s29 =	sadd.s32 $0x1880, s28;
	[sflag:s24] =	ssyncadd.s32 $0xFFFFC000;
	(pc) =	sbr.rel @p0 .LBB2_2-.Ltmp0, $4  }
0x40: {  	[spmem:s1] =	stream.indirect.scatter.add.f32 [tilespmem:s22], [sflag:$0x3], $0x80, s29, s20, $0xb8;
	[tilespmem:$0x1F000] =	vst v63  }
0x41: {  	_ =	swait.ge [sflag:s18], $0x4000  }
0x42: {  	[sflag:s18] =	ssyncset.done $0x0  }
0x43: {  	s28 =	sadd.s32 $0x180, s28;
	[sflag:s18] =	ssyncadd.s32 $0xFFFFC000  }
0x44: {  	[tilespmem:s22], [sflag:$0x2] =	stream.indirect.gather [hbm4b:s4+s20], $0x80, s28, s20, $0xb8;
	[tilespmem:$0x1F000] =	vst v63  }
0x45: {  	_ =	swait.ge [sflag:s23], $0x4000  }
0x46: {  	[sflag:s23] =	ssyncset.done $0x0  }
0x47: {  	[sflag:s23] =	ssyncadd.s32 $0xFFFFC000  }
0x48: {  	_ =	swait.ge [sflag:s24], $0x4000  }
0x49: {  	[sflag:s24] =	ssyncset.done $0x0  }
0x4a: {  	s26 =	simm.s32 $0x0;
	[sflag:s24] =	ssyncadd.s32 $0xFFFFC000  }
0x4b: {  	[tilespmem:s26], [sflag:$0x3] =	stream.linear.gather [hbm4b:s9+s26], $0x1500, $0x38;
	[tilespmem:$0x1F000] =	vst v63  }
0x4c: {  	_ =	swait.ge [sflag:s18], $0x1500  }
0x4d: {  	[sflag:s18] =	ssyncset.done $0x0  }
0x4e: {  	[sflag:s18] =	ssyncadd.s32 $0xFFFFEB00  }
0x4f: {  	[tilespmem:s19], [sflag:$0x3] =	stream.linear.gather [hbm4b:s10+s26], $0x1500, $0x38;
	[tilespmem:$0x1F000] =	vst v63  }
0x50: {  	_ =	swait.ge [sflag:s18], $0x1500  }
0x51: {  	[sflag:s18] =	ssyncset.done $0x0  }
0x52: {  	[sflag:s18] =	ssyncadd.s32 $0xFFFFEB00  }
0x53: {  	[tilespmem:s21], [sflag:$0x1] =	stream.indirect.gather [hbm4b:s4+s20], $0x80, s26, s20, $0xb8;
	[tilespmem:$0x1F000] =	vst v63  }
0x54: {  	_ = 	snop  }
0x55: {  	[tilespmem:s22], [sflag:$0x2] =	stream.indirect.gather [hbm4b:s4+s20], $0x80, s20, s20, $0xb8;
	[tilespmem:$0x1F000] =	vst v63  }
0x56: {  	_ =	swait.ge [sflag:s23], $0x4000  }
0x57: {  	[sflag:s23] =	ssyncset.done $0x0  }
0x58: {  	s29 =	simm.s32 $0x1800;
	[sflag:s23] =	ssyncadd.s32 $0xFFFFC000  }
0x59: {  	[spmem:s1] =	stream.indirect.scatter.add.f32 [tilespmem:s21], [sflag:$0x3], $0x80, s29, s20, $0xb8;
	[tilespmem:$0x1F000] =	vst v63  }
0x5a: {  	_ =	swait.ge [sflag:s18], $0x4000  }
0x5b: {  	[sflag:s18] =	ssyncset.done $0x0  }
0x5c: {  	s30 =	simm.s32 $0x100;
	[sflag:s18] =	ssyncadd.s32 $0xFFFFC000  }
0x5d: {  	[tilespmem:s21], [sflag:$0x1] =	stream.indirect.gather [hbm4b:s4+s20], $0x80, s30, s20, $0xb8;
	[tilespmem:$0x1F000] =	vst v63  }
0x5e: {  	_ =	swait.ge [sflag:s24], $0x4000  }
0x5f: {  	[sflag:s24] =	ssyncset.done $0x0  }
0x60: {  	s31 =	simm.s32 $0x1880;
	[sflag:s24] =	ssyncadd.s32 $0xFFFFC000  }
0x61: {  	[spmem:s1] =	stream.indirect.scatter.add.f32 [tilespmem:s22], [sflag:$0x3], $0x80, s31, s20, $0xb8;
	[tilespmem:$0x1F000] =	vst v63  }
0x62: {  	_ =	swait.ge [sflag:s18], $0x4000  }
0x63: {  	[sflag:s18] =	ssyncset.done $0x0  }
0x64: {  	s28 =	simm.s32 $0x180;
	s26 =	simm.s32 $0x400;
	[sflag:s18] =	ssyncadd.s32 $0xFFFFC000  }
.LBB2_4:
0x65: {  	[tilespmem:s22], [sflag:$0x2] =	stream.indirect.gather [hbm4b:s4+s20], $0x80, s28, s20, $0xb8;
	[tilespmem:$0x1F000] =	vst v63  }
0x66: {  	s28 =	smov.u32 s26  }
0x67: {  	p0 =	sne.s32 s26, $0x4C00;
	s26 =	sadd.s32 $0x400, s26;
	_ =	swait.ge [sflag:s23], $0x4000  }
0x68: {  	s28 =	sshra.s32 s28, $0x2;
	[sflag:s23] =	ssyncset.done $0x0  }
0x69: {  	s29 =	sadd.s32 $0x1800, s28;
	[sflag:s23] =	ssyncadd.s32 $0xFFFFC000  }
0x6a: {  	[spmem:s1] =	stream.indirect.scatter.add.f32 [tilespmem:s21], [sflag:$0x3], $0x80, s29, s20, $0xb8;
	[tilespmem:$0x1F000] =	vst v63  }
0x6b: {  	_ =	swait.ge [sflag:s18], $0x4000  }
0x6c: {  	[sflag:s18] =	ssyncset.done $0x0  }
0x6d: {  	s29 =	sadd.s32 $0x100, s28;
	[sflag:s18] =	ssyncadd.s32 $0xFFFFC000  }
0x6e: {  	[tilespmem:s21], [sflag:$0x1] =	stream.indirect.gather [hbm4b:s4+s20], $0x80, s29, s20, $0xb8;
	[tilespmem:$0x1F000] =	vst v63  }
0x6f: {  	_ =	swait.ge [sflag:s24], $0x4000  }
0x70: {  	[sflag:s24] =	ssyncset.done $0x0  }
.Ltmp1:
0x71: {  	s29 =	sadd.s32 $0x1880, s28;
	[sflag:s24] =	ssyncadd.s32 $0xFFFFC000;
	(pc) =	sbr.rel @p0 .LBB2_4-.Ltmp1, $4  }
0x72: {  	[spmem:s1] =	stream.indirect.scatter.add.f32 [tilespmem:s22], [sflag:$0x3], $0x80, s29, s20, $0xb8;
	[tilespmem:$0x1F000] =	vst v63  }
0x73: {  	_ =	swait.ge [sflag:s18], $0x4000  }
0x74: {  	[sflag:s18] =	ssyncset.done $0x0  }
0x75: {  	s28 =	sadd.s32 $0x180, s28;
	[sflag:s18] =	ssyncadd.s32 $0xFFFFC000  }
0x76: {  	[tilespmem:s22], [sflag:$0x2] =	stream.indirect.gather [hbm4b:s4+s20], $0x80, s28, s20, $0xb8;
	[tilespmem:$0x1F000] =	vst v63  }
0x77: {  	_ =	swait.ge [sflag:s23], $0x4000  }
0x78: {  	[sflag:s23] =	ssyncset.done $0x0  }
0x79: {  	[sflag:s23] =	ssyncadd.s32 $0xFFFFC000  }
0x7a: {  	_ =	swait.ge [sflag:s24], $0x4000  }
0x7b: {  	[sflag:s24] =	ssyncset.done $0x0  }
0x7c: {  	s26 =	simm.s32 $0x0;
	[sflag:s24] =	ssyncadd.s32 $0xFFFFC000  }
0x7d: {  	[tilespmem:s26], [sflag:$0x3] =	stream.linear.gather [hbm4b:s11+s26], $0x1500, $0x38;
	[tilespmem:$0x1F000] =	vst v63  }
0x7e: {  	_ =	swait.ge [sflag:s18], $0x1500  }
0x7f: {  	[sflag:s18] =	ssyncset.done $0x0  }
0x80: {  	[sflag:s18] =	ssyncadd.s32 $0xFFFFEB00  }
0x81: {  	[tilespmem:s19], [sflag:$0x3] =	stream.linear.gather [hbm4b:s12+s26], $0x1500, $0x38;
	[tilespmem:$0x1F000] =	vst v63  }
0x82: {  	_ =	swait.ge [sflag:s18], $0x1500  }
0x83: {  	[sflag:s18] =	ssyncset.done $0x0  }
0x84: {  	[sflag:s18] =	ssyncadd.s32 $0xFFFFEB00  }
0x85: {  	[tilespmem:s21], [sflag:$0x1] =	stream.indirect.gather [hbm4b:s4+s20], $0x80, s26, s20, $0xb8;
	[tilespmem:$0x1F000] =	vst v63  }
0x86: {  	_ = 	snop  }
0x87: {  	[tilespmem:s22], [sflag:$0x2] =	stream.indirect.gather [hbm4b:s4+s20], $0x80, s20, s20, $0xb8;
	[tilespmem:$0x1F000] =	vst v63  }
0x88: {  	_ =	swait.ge [sflag:s23], $0x4000  }
0x89: {  	[sflag:s23] =	ssyncset.done $0x0  }
0x8a: {  	s29 =	simm.s32 $0x1800;
	[sflag:s23] =	ssyncadd.s32 $0xFFFFC000  }
0x8b: {  	[spmem:s1] =	stream.indirect.scatter.add.f32 [tilespmem:s21], [sflag:$0x3], $0x80, s29, s20, $0xb8;
	[tilespmem:$0x1F000] =	vst v63  }
0x8c: {  	_ =	swait.ge [sflag:s18], $0x4000  }
0x8d: {  	[sflag:s18] =	ssyncset.done $0x0  }
0x8e: {  	s30 =	simm.s32 $0x100;
	[sflag:s18] =	ssyncadd.s32 $0xFFFFC000  }
0x8f: {  	[tilespmem:s21], [sflag:$0x1] =	stream.indirect.gather [hbm4b:s4+s20], $0x80, s30, s20, $0xb8;
	[tilespmem:$0x1F000] =	vst v63  }
0x90: {  	_ =	swait.ge [sflag:s24], $0x4000  }
0x91: {  	[sflag:s24] =	ssyncset.done $0x0  }
0x92: {  	s31 =	simm.s32 $0x1880;
	[sflag:s24] =	ssyncadd.s32 $0xFFFFC000  }
0x93: {  	[spmem:s1] =	stream.indirect.scatter.add.f32 [tilespmem:s22], [sflag:$0x3], $0x80, s31, s20, $0xb8;
	[tilespmem:$0x1F000] =	vst v63  }
0x94: {  	_ =	swait.ge [sflag:s18], $0x4000  }
0x95: {  	[sflag:s18] =	ssyncset.done $0x0  }
0x96: {  	s28 =	simm.s32 $0x180;
	s26 =	simm.s32 $0x400;
	[sflag:s18] =	ssyncadd.s32 $0xFFFFC000  }
.LBB2_6:
0x97: {  	[tilespmem:s22], [sflag:$0x2] =	stream.indirect.gather [hbm4b:s4+s20], $0x80, s28, s20, $0xb8;
	[tilespmem:$0x1F000] =	vst v63  }
0x98: {  	s28 =	smov.u32 s26  }
0x99: {  	p0 =	sne.s32 s26, $0x4C00;
	s26 =	sadd.s32 $0x400, s26;
	_ =	swait.ge [sflag:s23], $0x4000  }
0x9a: {  	s28 =	sshra.s32 s28, $0x2;
	[sflag:s23] =	ssyncset.done $0x0  }
0x9b: {  	s29 =	sadd.s32 $0x1800, s28;
	[sflag:s23] =	ssyncadd.s32 $0xFFFFC000  }
0x9c: {  	[spmem:s1] =	stream.indirect.scatter.add.f32 [tilespmem:s21], [sflag:$0x3], $0x80, s29, s20, $0xb8;
	[tilespmem:$0x1F000] =	vst v63  }
0x9d: {  	_ =	swait.ge [sflag:s18], $0x4000  }
0x9e: {  	[sflag:s18] =	ssyncset.done $0x0  }
0x9f: {  	s29 =	sadd.s32 $0x100, s28;
	[sflag:s18] =	ssyncadd.s32 $0xFFFFC000  }
0xa0: {  	[tilespmem:s21], [sflag:$0x1] =	stream.indirect.gather [hbm4b:s4+s20], $0x80, s29, s20, $0xb8;
	[tilespmem:$0x1F000] =	vst v63  }
0xa1: {  	_ =	swait.ge [sflag:s24], $0x4000  }
0xa2: {  	[sflag:s24] =	ssyncset.done $0x0  }
.Ltmp2:
0xa3: {  	s29 =	sadd.s32 $0x1880, s28;
	[sflag:s24] =	ssyncadd.s32 $0xFFFFC000;
	(pc) =	sbr.rel @p0 .LBB2_6-.Ltmp2, $4  }
0xa4: {  	[spmem:s1] =	stream.indirect.scatter.add.f32 [tilespmem:s22], [sflag:$0x3], $0x80, s29, s20, $0xb8;
	[tilespmem:$0x1F000] =	vst v63  }
0xa5: {  	_ =	swait.ge [sflag:s18], $0x4000  }
0xa6: {  	[sflag:s18] =	ssyncset.done $0x0  }
0xa7: {  	s28 =	sadd.s32 $0x180, s28;
	[sflag:s18] =	ssyncadd.s32 $0xFFFFC000  }
0xa8: {  	[tilespmem:s22], [sflag:$0x2] =	stream.indirect.gather [hbm4b:s4+s20], $0x80, s28, s20, $0xb8;
	[tilespmem:$0x1F000] =	vst v63  }
0xa9: {  	_ =	swait.ge [sflag:s23], $0x4000  }
0xaa: {  	[sflag:s23] =	ssyncset.done $0x0  }
0xab: {  	[sflag:s23] =	ssyncadd.s32 $0xFFFFC000  }
0xac: {  	_ =	swait.ge [sflag:s24], $0x4000  }
0xad: {  	[sflag:s24] =	ssyncset.done $0x0  }
0xae: {  	s26 =	simm.s32 $0x0;
	[sflag:s24] =	ssyncadd.s32 $0xFFFFC000  }
0xaf: {  	[tilespmem:s26], [sflag:$0x3] =	stream.linear.gather [hbm4b:s13+s26], $0x1500, $0x38;
	[tilespmem:$0x1F000] =	vst v63  }
0xb0: {  	_ =	swait.ge [sflag:s18], $0x1500  }
0xb1: {  	[sflag:s18] =	ssyncset.done $0x0  }
0xb2: {  	[sflag:s18] =	ssyncadd.s32 $0xFFFFEB00  }
0xb3: {  	[tilespmem:s19], [sflag:$0x3] =	stream.linear.gather [hbm4b:s14+s26], $0x1500, $0x38;
	[tilespmem:$0x1F000] =	vst v63  }
0xb4: {  	_ =	swait.ge [sflag:s18], $0x1500  }
0xb5: {  	[sflag:s18] =	ssyncset.done $0x0  }
0xb6: {  	[sflag:s18] =	ssyncadd.s32 $0xFFFFEB00  }
0xb7: {  	[tilespmem:s21], [sflag:$0x1] =	stream.indirect.gather [hbm4b:s4+s20], $0x80, s26, s20, $0xb8;
	[tilespmem:$0x1F000] =	vst v63  }
0xb8: {  	_ = 	snop  }
0xb9: {  	[tilespmem:s22], [sflag:$0x2] =	stream.indirect.gather [hbm4b:s4+s20], $0x80, s20, s20, $0xb8;
	[tilespmem:$0x1F000] =	vst v63  }
0xba: {  	_ =	swait.ge [sflag:s23], $0x4000  }
0xbb: {  	[sflag:s23] =	ssyncset.done $0x0  }
0xbc: {  	s29 =	simm.s32 $0x1800;
	[sflag:s23] =	ssyncadd.s32 $0xFFFFC000  }
0xbd: {  	[spmem:s1] =	stream.indirect.scatter.add.f32 [tilespmem:s21], [sflag:$0x3], $0x80, s29, s20, $0xb8;
	[tilespmem:$0x1F000] =	vst v63  }
0xbe: {  	_ =	swait.ge [sflag:s18], $0x4000  }
0xbf: {  	[sflag:s18] =	ssyncset.done $0x0  }
0xc0: {  	s30 =	simm.s32 $0x100;
	[sflag:s18] =	ssyncadd.s32 $0xFFFFC000  }
0xc1: {  	[tilespmem:s21], [sflag:$0x1] =	stream.indirect.gather [hbm4b:s4+s20], $0x80, s30, s20, $0xb8;
	[tilespmem:$0x1F000] =	vst v63  }
0xc2: {  	_ =	swait.ge [sflag:s24], $0x4000  }
0xc3: {  	[sflag:s24] =	ssyncset.done $0x0  }
0xc4: {  	s31 =	simm.s32 $0x1880;
	[sflag:s24] =	ssyncadd.s32 $0xFFFFC000  }
0xc5: {  	[spmem:s1] =	stream.indirect.scatter.add.f32 [tilespmem:s22], [sflag:$0x3], $0x80, s31, s20, $0xb8;
	[tilespmem:$0x1F000] =	vst v63  }
0xc6: {  	_ =	swait.ge [sflag:s18], $0x4000  }
0xc7: {  	[sflag:s18] =	ssyncset.done $0x0  }
0xc8: {  	s28 =	simm.s32 $0x180;
	s26 =	simm.s32 $0x400;
	[sflag:s18] =	ssyncadd.s32 $0xFFFFC000  }
.LBB2_8:
0xc9: {  	[tilespmem:s22], [sflag:$0x2] =	stream.indirect.gather [hbm4b:s4+s20], $0x80, s28, s20, $0xb8;
	[tilespmem:$0x1F000] =	vst v63  }
0xca: {  	s28 =	smov.u32 s26  }
0xcb: {  	p0 =	sne.s32 s26, $0x4C00;
	s26 =	sadd.s32 $0x400, s26;
	_ =	swait.ge [sflag:s23], $0x4000  }
0xcc: {  	s28 =	sshra.s32 s28, $0x2;
	[sflag:s23] =	ssyncset.done $0x0  }
0xcd: {  	s29 =	sadd.s32 $0x1800, s28;
	[sflag:s23] =	ssyncadd.s32 $0xFFFFC000  }
0xce: {  	[spmem:s1] =	stream.indirect.scatter.add.f32 [tilespmem:s21], [sflag:$0x3], $0x80, s29, s20, $0xb8;
	[tilespmem:$0x1F000] =	vst v63  }
0xcf: {  	_ =	swait.ge [sflag:s18], $0x4000  }
0xd0: {  	[sflag:s18] =	ssyncset.done $0x0  }
0xd1: {  	s29 =	sadd.s32 $0x100, s28;
	[sflag:s18] =	ssyncadd.s32 $0xFFFFC000  }
0xd2: {  	[tilespmem:s21], [sflag:$0x1] =	stream.indirect.gather [hbm4b:s4+s20], $0x80, s29, s20, $0xb8;
	[tilespmem:$0x1F000] =	vst v63  }
0xd3: {  	_ =	swait.ge [sflag:s24], $0x4000  }
0xd4: {  	[sflag:s24] =	ssyncset.done $0x0  }
.Ltmp3:
0xd5: {  	s29 =	sadd.s32 $0x1880, s28;
	[sflag:s24] =	ssyncadd.s32 $0xFFFFC000;
	(pc) =	sbr.rel @p0 .LBB2_8-.Ltmp3, $4  }
0xd6: {  	[spmem:s1] =	stream.indirect.scatter.add.f32 [tilespmem:s22], [sflag:$0x3], $0x80, s29, s20, $0xb8;
	[tilespmem:$0x1F000] =	vst v63  }
0xd7: {  	_ =	swait.ge [sflag:s18], $0x4000  }
0xd8: {  	[sflag:s18] =	ssyncset.done $0x0  }
0xd9: {  	s28 =	sadd.s32 $0x180, s28;
	[sflag:s18] =	ssyncadd.s32 $0xFFFFC000  }
0xda: {  	[tilespmem:s22], [sflag:$0x2] =	stream.indirect.gather [hbm4b:s4+s20], $0x80, s28, s20, $0xb8;
	[tilespmem:$0x1F000] =	vst v63  }
0xdb: {  	_ =	swait.ge [sflag:s23], $0x4000  }
0xdc: {  	[sflag:s23] =	ssyncset.done $0x0  }
0xdd: {  	[sflag:s23] =	ssyncadd.s32 $0xFFFFC000  }
0xde: {  	_ =	swait.ge [sflag:s24], $0x4000  }
0xdf: {  	s25 =	sadd.s32 $0x1, s25;
	[sflag:s24] =	ssyncset.done $0x0  }
0xe0: {  	p0 =	sne.s32 s25, s16;
	[sflag:s24] =	ssyncadd.s32 $0xFFFFC000  }
.Ltmp4:
0xe1: {  	[bflag:$0x0] =	sbarrier.arrive $0xFFFF;
	(pc) =	sbr.rel @p0 .LBB2_1-.Ltmp4, $4  }
0xe2: {  	[hbm:s15], [sflag:s6] =	dma.local [spmem:s17], $0x2800  }
0xe3: {  	_ =	swait.ge [sflag:s18], $0x2800  }
0xe4: {  	[sflag:s18] =	ssyncset.done $0x0  }
0xe5: {  	[sflag:s18] =	ssyncadd.s32 $0xFFFFD800  }
0xe6: {  	_ =	sfence.sel $0x180000  }
0xe7: {  	[bflag:$0x0] =	sbarrier.arrive $0xFFFF  }
0xe8: {  	p0 =	sne.s32 s2, $0x0;
	_ =	strace $0x9000004D  }
0xe9: {  	s0 =	sadd.s32 @!p0 $0x100000, s0;
	[bflag:$0x2] =	sbarrier.arrive $0xFFFF  }
0xea: {  	[sflag:s0] =	ssyncadd.tile.s32 @!p0 $0x1;
	_ =	shalt  }
.Lfunc_end2:
_tile_overlayer_lowered:
.L_overlay_start_2:
0xeb: {  	(tag) =	ssettag $0x2  }
0xec: {  	s0 =	rddreg [dreg:$0x0];
	s2 =	stileid.u32  }
0xed: {  	s1 =	rddreg [dreg:$0x1];
	p0 =	sne.s32 s2, $0x0  }
0xee: {  	s3 =	rddreg [dreg:$0x2];
	[bflag:$0x3] =	sbarrier.arrive $0xFFFF;
	s2 =	simm.s32 @!p0 $0x1C03  }
0xef: {  	[timem:s3], [sflag:s2] =	dma.local @!p0 [hbm:s0], s1  }
0xf0: {  	s0 =	simm.s32 @!p0 $0x3  }
0xf1: {  	_ =	swait.ge @!p0 [sflag:s0], s1  }
0xf2: {  	s1 =	ssub.s32 @!p0 $0x0, s1;
	[sflag:s0] =	ssyncset.done @!p0 $0x0  }
0xf3: {  	[sflag:s0] =	ssyncadd.s32 @!p0 s1  }
0xf4: {  	[bflag:$0x3] =	sbarrier.arrive $0xFFFF  }
0xf5: {  	_ =	shalt  }

</sc_bundles>
